<compile_context>
chip_gen: v7x
topology: tpu7x:2x2x1
jax: 0.10.2.dev20260603
libtpu: 0.0.44.dev20260713+nightly
codegen_flags: <defaults>
</compile_context>

<pallas_src>
import functools

import jax
import jax.numpy as jnp
from jax import lax
from jax.experimental import pallas as pl
from jax.experimental.pallas import tpu as pltpu
from jax.experimental.pallas import tpu_sc as plsc

N_NODES = 100000
N_EDGES = 3200000
EDGE_DIM = 16
HIDDEN = 8
TOPK = 16

NW = 32
SEG_PER_TILE = 3136
SEG_PAD = NW * SEG_PER_TILE

EDGE_BLK = 25600
ROWS_BLK = EDGE_BLK // 128

C_A = 8192
EPT = N_EDGES // NW
C_B = 4000
GW = 80

_I32MAX = 2147483647


def _mlp_body(feats_ref, aux_ref, p_ref):
    x = feats_ref[...]
    aux = aux_ref[...]
    w1t = aux[0:16, 0:8]
    b1 = aux[16, 0:8]
    w2 = aux[17, 0:8]
    b2 = aux[17, 8]
    h = jax.lax.dot(x, w1t, preferred_element_type=jnp.float32)
    h = jnp.maximum(h + b1[None, :], 0.0)
    s = jax.lax.dot(h, w2[:, None], preferred_element_type=jnp.float32)
    s = s[:, 0] + b2
    p_ref[...] = jnp.exp(s).reshape(ROWS_BLK, 128)


def _stage1(e_feats, aux):
    return pl.pallas_call(
        _mlp_body,
        grid=(N_EDGES // EDGE_BLK,),
        in_specs=[
            pl.BlockSpec((EDGE_BLK, EDGE_DIM), lambda i: (i, 0)),
            pl.BlockSpec((24, 128), lambda i: (0, 0)),
        ],
        out_specs=pl.BlockSpec((ROWS_BLK, 128), lambda i: (i, 0)),
        out_shape=jax.ShapeDtypeStruct((N_EDGES // 128, 128), jnp.float32),
    )(e_feats, aux)


def _seg_stats_body(p_hbm, ids_hbm, pair_hbm,
                    pbuf, ibuf, probe, ptab):
    wid = lax.axis_index("s") * 2 + lax.axis_index("c")
    s0 = wid * SEG_PER_TILE
    lane = lax.iota(jnp.int32, 16)
    zeros16 = jnp.zeros((16,), jnp.float32)

    def lower_bound(target):
        def body(_, st):
            l, h = st
            upd = h - l > 1
            mid = jnp.clip((l + h) // 2, 0, N_EDGES - 1)
            mid16 = pl.multiple_of((mid // 16) * 16, 16)
            pltpu.sync_copy(ids_hbm.at[pl.ds(mid16, 16)], probe)
            v16 = probe[...]
            v = jnp.sum(jnp.where(lane == mid - mid16, v16, 0))
            lt = v < target
            return (jnp.where(upd & lt, mid, l),
                    jnp.where(upd & (~lt), mid, h))

        _, h = lax.fori_loop(0, 24, body,
                             (jnp.int32(-1), jnp.int32(N_EDGES)))
        return h

    lo = lower_bound(s0)
    hi = lower_bound(s0 + SEG_PER_TILE)

    def zinit(i, _):
        ptab[pl.ds(i * 16, 16)] = zeros16
        return 0

    lax.fori_loop(0, 2 * SEG_PER_TILE // 16, zinit, 0)

    def close_seg(scur, sacc, top):
        idx = 2 * (scur - s0) + lane
        m01 = (lane < 2) & (scur >= s0)
        thr16 = jnp.full((16,), jnp.min(top), jnp.float32)
        rv = 1.0 / jnp.full((16,), jnp.sum(sacc), jnp.float32)
        vals = jnp.where(lane == 0, thr16, rv)
        plsc.store_scatter(ptab, [idx], vals, mask=m01)

    cbase0 = (lo // 16) * 16

    def chunk_step(k, st):
        cbase = pl.multiple_of(cbase0 + k * C_A, 16)

        def active(st):
            scur, sacc, top = st
            start = pl.multiple_of(
                jnp.minimum(cbase, jnp.int32(N_EDGES - C_A)), 16)
            off0 = cbase - start
            pltpu.sync_copy(p_hbm.at[pl.ds(start, C_A)],
                            pbuf.at[pl.ds(0, C_A)])
            pltpu.sync_copy(ids_hbm.at[pl.ds(start, C_A)],
                            ibuf.at[pl.ds(0, C_A)])

            def win_body(j, wst):
                scur, sacc, top = wst
                woff = off0 + j * 16
                ids_v = ibuf[pl.ds(woff, 16)]
                p_v = pbuf[pl.ds(woff, 16)]
                gidx = cbase + j * 16 + lane
                valid = (gidx >= lo) & (gidx < hi)

                def acc(scur, sacc, top):
                    pm = jnp.where(valid & (ids_v == scur), p_v, 0.0)
                    snew = lax.sort(pm)
                    top2 = lax.sort(jnp.maximum(top, lax.rev(snew, (0,))))
                    return sacc + pm, top2

                sacc, top = acc(scur, sacc, top)

                def seg_cond(st2):
                    return jnp.any(valid & (ids_v > st2[0]))

                def seg_body(st2):
                    scur, sacc, top = st2
                    close_seg(scur, sacc, top)
                    scur = jnp.min(jnp.where(valid & (ids_v > scur), ids_v,
                                             _I32MAX))
                    sacc, top = acc(scur, zeros16, zeros16)
                    return scur, sacc, top

                return lax.while_loop(seg_cond, seg_body, (scur, sacc, top))

            return lax.fori_loop(0, C_A // 16, win_body, (scur, sacc, top))

        return lax.cond(cbase < hi, active, lambda s: s, st)

    max_chunks = (N_EDGES + C_A - 1) // C_A + 1
    scur, sacc, top = lax.fori_loop(
        0, max_chunks, chunk_step,
        (jnp.int32(-1), zeros16, zeros16))
    close_seg(scur, sacc, top)

    s0a = pl.multiple_of(2 * s0, 64)
    pltpu.sync_copy(ptab, pair_hbm.at[pl.ds(s0a, 2 * SEG_PER_TILE)])


def _stage2(p_flat, segment_ids):
    f = pl.kernel(
        _seg_stats_body,
        out_type=jax.ShapeDtypeStruct((2 * SEG_PAD,), jnp.float32),
        mesh=plsc.VectorSubcoreMesh(core_axis_name="c", subcore_axis_name="s"),
        scratch_types=[
            pltpu.VMEM((2 * C_A,), jnp.float32),
            pltpu.VMEM((2 * C_A,), jnp.int32),
            pltpu.VMEM((16,), jnp.int32),
            pltpu.VMEM((2 * SEG_PER_TILE,), jnp.float32),
        ],
        compiler_params=pltpu.CompilerParams(needs_layout_passes=False),
    )
    return f(p_flat, segment_ids)


BUF_B = 8192


def _apply_body(p_hbm, ids_hbm, thr_hbm, rden_hbm, out_hbm,
                pbuf, ibuf, tbuf, rbuf, tsl, rsl, obuf, sem, sem2):
    wid = lax.axis_index("s") * 2 + lax.axis_index("c")
    base = wid * EPT
    lane = lax.iota(jnp.int32, 16)

    def chunk(kc, _):
        cb = pl.multiple_of(base + kc * C_B, 16)
        cp_p = pltpu.async_copy(p_hbm.at[pl.ds(cb, C_B)], pbuf, sem2)
        pltpu.sync_copy(ids_hbm.at[pl.ds(cb, C_B)], ibuf)
        first = jnp.sum(jnp.where(lane == 0, ibuf[pl.ds(0, 16)], 0))
        last = jnp.sum(jnp.where(lane == 15, ibuf[pl.ds(C_B - 16, 16)], 0))
        base8 = pl.multiple_of((first // 8) * 8, 8)
        span = last - base8 + 1

        def narrow(_):
            cp_t = pltpu.async_copy(thr_hbm.at[pl.ds(base8, BUF_B)], tsl, sem)
            pltpu.sync_copy(rden_hbm.at[pl.ds(base8, BUF_B)], rsl)
            cp_t.wait()

            def win(j, _):
                sl = pl.ds(j * 16, 16)
                pv = pbuf[sl]
                lidx = ibuf[sl] - base8
                tv = plsc.load_gather(tsl, [lidx])
                rv = plsc.load_gather(rsl, [lidx])
                obuf[sl] = jnp.where(pv >= tv, pv * rv, 0.0)
                return 0

            lax.fori_loop(0, C_B // 16, win, 0)
            return 0

        def wide(_):
            ngrp = C_B // GW
            for g0 in range(0, ngrp, 8):
                cps = []
                for g in range(g0, min(g0 + 8, ngrp)):
                    sl = pl.ds(g * GW, GW)
                    cps.append(pltpu.async_copy(thr_hbm.at[ibuf.at[sl]],
                                                tbuf.at[sl], sem))
                    cps.append(pltpu.async_copy(rden_hbm.at[ibuf.at[sl]],
                                                rbuf.at[sl], sem))
                for cp in cps:
                    cp.wait()

            def win(j, _):
                sl = pl.ds(j * 16, 16)
                pv = pbuf[sl]
                obuf[sl] = jnp.where(pv >= tbuf[sl], pv * rbuf[sl], 0.0)
                return 0

            lax.fori_loop(0, C_B // 16, win, 0)
            return 0

        cp_p.wait()
        lax.cond(span <= BUF_B, narrow, wide, 0)
        pltpu.sync_copy(obuf, out_hbm.at[pl.ds(cb, C_B)])
        return 0

    lax.fori_loop(0, EPT // C_B, chunk, 0)


def _stage3(p_flat, segment_ids, thr, rden):
    f = pl.kernel(
        _apply_body,
        out_type=jax.ShapeDtypeStruct((N_EDGES,), jnp.float32),
        mesh=plsc.VectorSubcoreMesh(core_axis_name="c", subcore_axis_name="s"),
        scratch_types=[
            pltpu.VMEM((C_B,), jnp.float32),
            pltpu.VMEM((C_B,), jnp.int32),
            pltpu.VMEM((C_B,), jnp.float32),
            pltpu.VMEM((C_B,), jnp.float32),
            pltpu.VMEM((BUF_B,), jnp.float32),
            pltpu.VMEM((BUF_B,), jnp.float32),
            pltpu.VMEM((C_B,), jnp.float32),
            pltpu.SemaphoreType.DMA,
            pltpu.SemaphoreType.DMA,
        ],
        compiler_params=pltpu.CompilerParams(needs_layout_passes=False),
    )
    return f(p_flat, segment_ids, thr, rden)


def kernel(e_feats, segment_ids, v1, g1, b1, v2, g2, b2):
    w1 = g1[:, None] * v1 / jnp.linalg.norm(v1, axis=1, keepdims=True)
    w2 = (g2[:, None] * v2 / jnp.linalg.norm(v2, axis=1, keepdims=True))[0]
    aux = jnp.zeros((24, 128), jnp.float32)
    aux = aux.at[0:16, 0:8].set(w1.T)
    aux = aux.at[16, 0:8].set(b1)
    aux = aux.at[17, 0:8].set(w2)
    aux = aux.at[17, 8].set(b2[0])

    p = _stage1(e_feats, aux).reshape(N_EDGES)
    ids = segment_ids.astype(jnp.int32)
    pair = _stage2(p, ids).reshape(SEG_PAD, 2)
    zpad = jnp.zeros((BUF_B,), jnp.float32)
    thr = jnp.concatenate([pair[:, 0], zpad])
    rden = jnp.concatenate([pair[:, 1], zpad])
    return _stage3(p, ids, thr, rden)

# --- scband reference (transcript-rebuilt; emitter-appended) ---
"""Pipeline reference for scband-edge-weight-42691974922541 (READ-ONLY COPY).

The authoritative reference and input builder live on the scoring server;
editing this copy changes nothing except your own understanding.
"""

import jax, jax.numpy as jnp
import numpy as np

N_NODES = 100000
N_EDGES = 3200000
EDGE_DIM = 16
HIDDEN = 8  # edge_dim // 2
TOPK = 16   # reduce_size parsed from method 'linear_softmax_16'


def setup_inputs(seed: int = 0) -> dict:
    key = jax.random.key(seed)
    k1, k2, k3, k4, k5, k6 = jax.random.split(key, 6)
    e_feats = jax.random.normal(k1, (N_EDGES, EDGE_DIM), dtype=jnp.float32)
    segment_ids = jnp.sort(jax.random.randint(k2, (N_EDGES,), 0, N_NODES))
    # weight_norm params: W = g * v / ||v||_row
    v1 = jax.random.normal(k3, (HIDDEN, EDGE_DIM), dtype=jnp.float32) * 0.25
    g1 = jnp.ones((HIDDEN,), dtype=jnp.float32)
    b1 = jax.random.normal(k4, (HIDDEN,), dtype=jnp.float32) * 0.01
    v2 = jax.random.normal(k5, (1, HIDDEN), dtype=jnp.float32) * 0.25
    g2 = jnp.ones((1,), dtype=jnp.float32)
    b2 = jax.random.normal(k6, (1,), dtype=jnp.float32) * 0.01
    return {"e_feats": e_feats, "segment_ids": segment_ids, "v1": v1, "g1": g1, "b1": b1, "v2": v2, "g2": g2, "b2": b2}


def reference(e_feats, segment_ids, v1, g1, b1, v2, g2, b2):
    # score_l: Dropout(0.0) -> weight_norm Linear(16->8) -> ReLU -> weight_norm Linear(8->1)
    W1 = g1[:, None] * v1 / jnp.linalg.norm(v1, axis=1, keepdims=True)
    h = jnp.maximum(e_feats @ W1.T + b1, 0.0)
    W2 = g2[:, None] * v2 / jnp.linalg.norm(v2, axis=1, keepdims=True)
    scores = (h @ W2.T + b2)[:, 0]
    # norm_attr 'softmax': per-dst-node segment softmax over incoming edges
    smax = jax.ops.segment_max(scores, segment_ids, num_segments=N_NODES)
    ex = jnp.exp(scores - smax[segment_ids])
    denom = jax.ops.segment_sum(ex, segment_ids, num_segments=N_NODES)
    w = ex / denom[segment_ids]
    # topk_op: keep top-TOPK weights per segment, zero out the rest
    key_w = jax.lax.stop_gradient(w)
    order = jnp.lexsort((-key_w, segment_ids))
    counts = jnp.bincount(segment_ids, length=N_NODES)
    starts = jnp.cumsum(counts) - counts
    seg_sorted = segment_ids[order]
    rank = jnp.arange(N_EDGES) - starts[seg_sorted]
    keep_sorted = rank < TOPK
    mask = jnp.zeros((N_EDGES,), dtype=bool).at[order].set(keep_sorted)
    topk_weights = jnp.where(mask, w, 0.0)
    return topk_weights

if __name__ == "__main__":
    import jax
    _d = setup_inputs()
    print(jax.jit(kernel)(*tuple(_d.values())))

</pallas_src>

<mosaic_0001>
#map = affine_map<(d0, d1) -> (0)>
module attributes {stable_mosaic.version = 14 : i64} {
  func.func @_seg_stats_body(%arg0: i32, %arg1: i32, %arg2: memref<3200000xf32, #tpu.memory_space<hbm>>, %arg3: memref<3200000xi32, #tpu.memory_space<hbm>>, %arg4: memref<200704xf32, #tpu.memory_space<hbm>>, %arg5: memref<16384xf32, #tpu.memory_space<vmem>>, %arg6: memref<16384xi32, #tpu.memory_space<vmem>>, %arg7: memref<16xi32, #tpu.memory_space<vmem>>, %arg8: memref<6272xf32, #tpu.memory_space<vmem>>) attributes {dimension_semantics = [#tpu.dimension_semantics<core_parallel>, #tpu.dimension_semantics<subcore_parallel>], iteration_bounds = array<i64: 2, 16>, scalar_prefetch = 0 : i64, scratch_operands = 4 : i64, tpu.core_type = #tpu.core_type<sc_vector_subcore>, window_params = [{transform_indices = #map}, {transform_indices = #map}, {transform_indices = #map}]} {
    %mul3A = arith.constant 2 : i32
    %mul3A_0 = arith.muli %arg1, %mul3A : i32
    %add3A = arith.addi %mul3A_0, %arg0 : i32
    %mul3A_1 = arith.constant 3136 : i32
    %mul3A_2 = arith.muli %add3A, %mul3A_1 : i32
    %iota3A = tpu.iota {dimensions = array<i32: 0>} : vector<16xi32>
    %broadcast_in_dim3A = arith.constant 0.000000e+00 : f32
    %broadcast_in_dim3A_3 = vector.broadcast %broadcast_in_dim3A : f32 to vector<16xf32>
    %scan3A = arith.constant -1 : i32
    %scan3A_4 = arith.constant 3200000 : i32
    %scan3A_5 = arith.constant 0 : i32
    %scan3A_6 = arith.constant 24 : i32
    %scan3A_7 = arith.addi %scan3A_5, %scan3A_6 : i32
    %scan3A_8 = arith.constant 1 : i32
    %scan3A_9:2 = scf.for %scan3A_78 = %scan3A_5 to %scan3A_7 step %scan3A_8 iter_args(%scan3A_79 = %scan3A, %scan3A_80 = %scan3A_4) -> (i32, i32)  : i32 {
      %sub3A_81 = arith.subi %scan3A_80, %scan3A_79 : i32
      %gt3A = arith.constant 1 : i32
      %gt3A_82 = arith.cmpi sgt, %sub3A_81, %gt3A : i32
      %add3A_83 = arith.addi %scan3A_79, %scan3A_80 : i32
      %jit3A_84 = arith.constant 2 : i32
      %div3A_85 = arith.divsi %add3A_83, %jit3A_84 : i32
      %sign3A_86 = arith.constant 0 : i32
      %sign3A_87 = arith.cmpi sgt, %add3A_83, %sign3A_86 : i32
      %sign3A_88 = arith.extui %sign3A_87 : i1 to i32
      %sign3A_89 = arith.constant 0 : i32
      %sign3A_90 = arith.cmpi slt, %add3A_83, %sign3A_89 : i32
      %sign3A_91 = arith.extui %sign3A_90 : i1 to i32
      %sign3A_92 = arith.subi %sign3A_88, %sign3A_91 : i32
      %sign3A_93 = arith.constant 0 : i32
      %sign3A_94 = arith.cmpi sgt, %jit3A_84, %sign3A_93 : i32
      %sign3A_95 = arith.extui %sign3A_94 : i1 to i32
      %sign3A_96 = arith.constant 0 : i32
      %sign3A_97 = arith.cmpi slt, %jit3A_84, %sign3A_96 : i32
      %sign3A_98 = arith.extui %sign3A_97 : i1 to i32
      %sign3A_99 = arith.subi %sign3A_95, %sign3A_98 : i32
      %ne3A_100 = arith.cmpi ne, %sign3A_92, %sign3A_99 : i32
      %rem3A_101 = arith.remsi %add3A_83, %jit3A_84 : i32
      %ne3A_102 = arith.constant 0 : i32
      %ne3A_103 = arith.cmpi ne, %rem3A_101, %ne3A_102 : i32
      %and3A_104 = arith.andi %ne3A_100, %ne3A_103 : i1
      %sub3A_105 = arith.constant 1 : i32
      %sub3A_106 = arith.subi %div3A_85, %sub3A_105 : i32
      %select_n3A_107 = arith.select %and3A_104, %sub3A_106, %div3A_85 : i32
      %jit3A_108 = arith.constant 0 : i32
      %jit3A_109 = arith.constant 3199999 : i32
      %max3A = arith.maxsi %jit3A_108, %select_n3A_107 : i32
      %min3A = arith.minsi %jit3A_109, %max3A : i32
      %jit3A_110 = arith.constant 16 : i32
      %div3A_111 = arith.divsi %min3A, %jit3A_110 : i32
      %sign3A_112 = arith.constant 0 : i32
      %sign3A_113 = arith.cmpi sgt, %min3A, %sign3A_112 : i32
      %sign3A_114 = arith.extui %sign3A_113 : i1 to i32
      %sign3A_115 = arith.constant 0 : i32
      %sign3A_116 = arith.cmpi slt, %min3A, %sign3A_115 : i32
      %sign3A_117 = arith.extui %sign3A_116 : i1 to i32
      %sign3A_118 = arith.subi %sign3A_114, %sign3A_117 : i32
      %sign3A_119 = arith.constant 0 : i32
      %sign3A_120 = arith.cmpi sgt, %jit3A_110, %sign3A_119 : i32
      %sign3A_121 = arith.extui %sign3A_120 : i1 to i32
      %sign3A_122 = arith.constant 0 : i32
      %sign3A_123 = arith.cmpi slt, %jit3A_110, %sign3A_122 : i32
      %sign3A_124 = arith.extui %sign3A_123 : i1 to i32
      %sign3A_125 = arith.subi %sign3A_121, %sign3A_124 : i32
      %ne3A_126 = arith.cmpi ne, %sign3A_118, %sign3A_125 : i32
      %rem3A_127 = arith.remsi %min3A, %jit3A_110 : i32
      %ne3A_128 = arith.constant 0 : i32
      %ne3A_129 = arith.cmpi ne, %rem3A_127, %ne3A_128 : i32
      %and3A_130 = arith.andi %ne3A_126, %ne3A_129 : i1
      %sub3A_131 = arith.constant 1 : i32
      %sub3A_132 = arith.subi %div3A_111, %sub3A_131 : i32
      %select_n3A_133 = arith.select %and3A_130, %sub3A_132, %div3A_111 : i32
      %mul3A_134 = arith.constant 16 : i32
      %mul3A_135 = arith.muli %select_n3A_133, %mul3A_134 : i32
      %multiple_of3A_136 = tpu.assume_multiple %mul3A_135, 16 : i32
      "tpu.region"() ({
        %run_scoped3A = tpu.sem_alloc : memref<!tpu.dma_semaphore, #tpu.memory_space<semaphore_mem>>
        %dma_start3A = tpu.memref_slice %arg3[%multiple_of3A_136] : memref<3200000xi32, #tpu.memory_space<hbm>> -> memref<16xi32, #tpu.memory_space<hbm>>
        %dma_start3A_154 = tpu.memref_slice %arg3[%multiple_of3A_136] : memref<3200000xi32, #tpu.memory_space<hbm>> -> memref<16xi32, #tpu.memory_space<hbm>>
        tpu.enqueue_dma source(%dma_start3A_154 : memref<16xi32, #tpu.memory_space<hbm>>) target(%arg7 : memref<16xi32, #tpu.memory_space<vmem>>) target_semaphore(%run_scoped3A : memref<!tpu.dma_semaphore, #tpu.memory_space<semaphore_mem>>)
        %dma_wait3A = tpu.memref_slice %arg3[%multiple_of3A_136] : memref<3200000xi32, #tpu.memory_space<hbm>> -> memref<16xi32, #tpu.memory_space<hbm>>
        %dma_wait3A_155 = tpu.memref_slice %arg3[%multiple_of3A_136] : memref<3200000xi32, #tpu.memory_space<hbm>> -> memref<16xi32, #tpu.memory_space<hbm>>
        tpu.wait_dma2 semaphore(%run_scoped3A : memref<!tpu.dma_semaphore, #tpu.memory_space<semaphore_mem>>) src(%dma_wait3A_155 : memref<16xi32, #tpu.memory_space<hbm>>) dst(%arg7 : memref<16xi32, #tpu.memory_space<vmem>>)
        tpu.yield
      }) : () -> ()
      %get3A = arith.constant 0 : index
      %get3A_137 = tpu.vector_load %arg7[%get3A] {strides = array<i32>} : memref<16xi32, #tpu.memory_space<vmem>>, vector<16xi32>,
      %sub3A_138 = arith.subi %min3A, %multiple_of3A_136 : i32
      %eq3A_139 = vector.broadcast %sub3A_138 : i32 to vector<16xi32>
      %eq3A_140 = arith.cmpi eq, %iota3A, %eq3A_139 : vector<16xi32>
      %jit3A_141 = arith.constant 0 : i32
      %broadcast_in_dim3A_142 = vector.broadcast %jit3A_141 : i32 to vector<16xi32>
      %select_n3A_143 = arith.select %eq3A_140, %get3A_137, %broadcast_in_dim3A_142 : vector<16xi1>, vector<16xi32>
      %reduce_sum3A_144 = arith.constant true
      %reduce_sum3A_145 = vector.broadcast %reduce_sum3A_144 : i1 to vector<16xi1>
      %reduce_sum3A_146 = tpu.scan <sum>, %select_n3A_143 masked %reduce_sum3A_145 : vector<16xi32>, vector<16xi1> -> vector<16xi32>
      %reduce_sum3A_147 = vector.extract %reduce_sum3A_146[15] : i32 from vector<16xi32>
      %lt3A_148 = arith.cmpi slt, %reduce_sum3A_147, %mul3A_2 : i32
      %and3A_149 = arith.andi %gt3A_82, %lt3A_148 : i1
      %select_n3A_150 = arith.select %and3A_149, %min3A, %scan3A_79 : i32
      %not3A = arith.constant true
      %not3A_151 = arith.xori %lt3A_148, %not3A : i1
      %and3A_152 = arith.andi %gt3A_82, %not3A_151 : i1
      %select_n3A_153 = arith.select %and3A_152, %min3A, %scan3A_80 : i32
      scf.yield %select_n3A_150, %select_n3A_153 : i32, i32
    }
    %scan3A_10 = arith.constant 24 : i32
    %add3A_11 = arith.constant 3136 : i32
    %add3A_12 = arith.addi %mul3A_2, %add3A_11 : i32
    %scan3A_13 = arith.constant -1 : i32
    %scan3A_14 = arith.constant 3200000 : i32
    %scan3A_15 = arith.constant 0 : i32
    %scan3A_16 = arith.constant 24 : i32
    %scan3A_17 = arith.addi %scan3A_15, %scan3A_16 : i32
    %scan3A_18 = arith.constant 1 : i32
    %scan3A_19:2 = scf.for %scan3A_78 = %scan3A_15 to %scan3A_17 step %scan3A_18 iter_args(%scan3A_79 = %scan3A_13, %scan3A_80 = %scan3A_14) -> (i32, i32)  : i32 {
      %sub3A_81 = arith.subi %scan3A_80, %scan3A_79 : i32
      %gt3A = arith.constant 1 : i32
      %gt3A_82 = arith.cmpi sgt, %sub3A_81, %gt3A : i32
      %add3A_83 = arith.addi %scan3A_79, %scan3A_80 : i32
      %jit3A_84 = arith.constant 2 : i32
      %div3A_85 = arith.divsi %add3A_83, %jit3A_84 : i32
      %sign3A_86 = arith.constant 0 : i32
      %sign3A_87 = arith.cmpi sgt, %add3A_83, %sign3A_86 : i32
      %sign3A_88 = arith.extui %sign3A_87 : i1 to i32
      %sign3A_89 = arith.constant 0 : i32
      %sign3A_90 = arith.cmpi slt, %add3A_83, %sign3A_89 : i32
      %sign3A_91 = arith.extui %sign3A_90 : i1 to i32
      %sign3A_92 = arith.subi %sign3A_88, %sign3A_91 : i32
      %sign3A_93 = arith.constant 0 : i32
      %sign3A_94 = arith.cmpi sgt, %jit3A_84, %sign3A_93 : i32
      %sign3A_95 = arith.extui %sign3A_94 : i1 to i32
      %sign3A_96 = arith.constant 0 : i32
      %sign3A_97 = arith.cmpi slt, %jit3A_84, %sign3A_96 : i32
      %sign3A_98 = arith.extui %sign3A_97 : i1 to i32
      %sign3A_99 = arith.subi %sign3A_95, %sign3A_98 : i32
      %ne3A_100 = arith.cmpi ne, %sign3A_92, %sign3A_99 : i32
      %rem3A_101 = arith.remsi %add3A_83, %jit3A_84 : i32
      %ne3A_102 = arith.constant 0 : i32
      %ne3A_103 = arith.cmpi ne, %rem3A_101, %ne3A_102 : i32
      %and3A_104 = arith.andi %ne3A_100, %ne3A_103 : i1
      %sub3A_105 = arith.constant 1 : i32
      %sub3A_106 = arith.subi %div3A_85, %sub3A_105 : i32
      %select_n3A_107 = arith.select %and3A_104, %sub3A_106, %div3A_85 : i32
      %jit3A_108 = arith.constant 0 : i32
      %jit3A_109 = arith.constant 3199999 : i32
      %max3A = arith.maxsi %jit3A_108, %select_n3A_107 : i32
      %min3A = arith.minsi %jit3A_109, %max3A : i32
      %jit3A_110 = arith.constant 16 : i32
      %div3A_111 = arith.divsi %min3A, %jit3A_110 : i32
      %sign3A_112 = arith.constant 0 : i32
      %sign3A_113 = arith.cmpi sgt, %min3A, %sign3A_112 : i32
      %sign3A_114 = arith.extui %sign3A_113 : i1 to i32
      %sign3A_115 = arith.constant 0 : i32
      %sign3A_116 = arith.cmpi slt, %min3A, %sign3A_115 : i32
      %sign3A_117 = arith.extui %sign3A_116 : i1 to i32
      %sign3A_118 = arith.subi %sign3A_114, %sign3A_117 : i32
      %sign3A_119 = arith.constant 0 : i32
      %sign3A_120 = arith.cmpi sgt, %jit3A_110, %sign3A_119 : i32
      %sign3A_121 = arith.extui %sign3A_120 : i1 to i32
      %sign3A_122 = arith.constant 0 : i32
      %sign3A_123 = arith.cmpi slt, %jit3A_110, %sign3A_122 : i32
      %sign3A_124 = arith.extui %sign3A_123 : i1 to i32
      %sign3A_125 = arith.subi %sign3A_121, %sign3A_124 : i32
      %ne3A_126 = arith.cmpi ne, %sign3A_118, %sign3A_125 : i32
      %rem3A_127 = arith.remsi %min3A, %jit3A_110 : i32
      %ne3A_128 = arith.constant 0 : i32
      %ne3A_129 = arith.cmpi ne, %rem3A_127, %ne3A_128 : i32
      %and3A_130 = arith.andi %ne3A_126, %ne3A_129 : i1
      %sub3A_131 = arith.constant 1 : i32
      %sub3A_132 = arith.subi %div3A_111, %sub3A_131 : i32
      %select_n3A_133 = arith.select %and3A_130, %sub3A_132, %div3A_111 : i32
      %mul3A_134 = arith.constant 16 : i32
      %mul3A_135 = arith.muli %select_n3A_133, %mul3A_134 : i32
      %multiple_of3A_136 = tpu.assume_multiple %mul3A_135, 16 : i32
      "tpu.region"() ({
        %run_scoped3A = tpu.sem_alloc : memref<!tpu.dma_semaphore, #tpu.memory_space<semaphore_mem>>
        %dma_start3A = tpu.memref_slice %arg3[%multiple_of3A_136] : memref<3200000xi32, #tpu.memory_space<hbm>> -> memref<16xi32, #tpu.memory_space<hbm>>
        %dma_start3A_154 = tpu.memref_slice %arg3[%multiple_of3A_136] : memref<3200000xi32, #tpu.memory_space<hbm>> -> memref<16xi32, #tpu.memory_space<hbm>>
        tpu.enqueue_dma source(%dma_start3A_154 : memref<16xi32, #tpu.memory_space<hbm>>) target(%arg7 : memref<16xi32, #tpu.memory_space<vmem>>) target_semaphore(%run_scoped3A : memref<!tpu.dma_semaphore, #tpu.memory_space<semaphore_mem>>)
        %dma_wait3A = tpu.memref_slice %arg3[%multiple_of3A_136] : memref<3200000xi32, #tpu.memory_space<hbm>> -> memref<16xi32, #tpu.memory_space<hbm>>
        %dma_wait3A_155 = tpu.memref_slice %arg3[%multiple_of3A_136] : memref<3200000xi32, #tpu.memory_space<hbm>> -> memref<16xi32, #tpu.memory_space<hbm>>
        tpu.wait_dma2 semaphore(%run_scoped3A : memref<!tpu.dma_semaphore, #tpu.memory_space<semaphore_mem>>) src(%dma_wait3A_155 : memref<16xi32, #tpu.memory_space<hbm>>) dst(%arg7 : memref<16xi32, #tpu.memory_space<vmem>>)
        tpu.yield
      }) : () -> ()
      %get3A = arith.constant 0 : index
      %get3A_137 = tpu.vector_load %arg7[%get3A] {strides = array<i32>} : memref<16xi32, #tpu.memory_space<vmem>>, vector<16xi32>,
      %sub3A_138 = arith.subi %min3A, %multiple_of3A_136 : i32
      %eq3A_139 = vector.broadcast %sub3A_138 : i32 to vector<16xi32>
      %eq3A_140 = arith.cmpi eq, %iota3A, %eq3A_139 : vector<16xi32>
      %jit3A_141 = arith.constant 0 : i32
      %broadcast_in_dim3A_142 = vector.broadcast %jit3A_141 : i32 to vector<16xi32>
      %select_n3A_143 = arith.select %eq3A_140, %get3A_137, %broadcast_in_dim3A_142 : vector<16xi1>, vector<16xi32>
      %reduce_sum3A_144 = arith.constant true
      %reduce_sum3A_145 = vector.broadcast %reduce_sum3A_144 : i1 to vector<16xi1>
      %reduce_sum3A_146 = tpu.scan <sum>, %select_n3A_143 masked %reduce_sum3A_145 : vector<16xi32>, vector<16xi1> -> vector<16xi32>
      %reduce_sum3A_147 = vector.extract %reduce_sum3A_146[15] : i32 from vector<16xi32>
      %lt3A_148 = arith.cmpi slt, %reduce_sum3A_147, %add3A_12 : i32
      %and3A_149 = arith.andi %gt3A_82, %lt3A_148 : i1
      %select_n3A_150 = arith.select %and3A_149, %min3A, %scan3A_79 : i32
      %not3A = arith.constant true
      %not3A_151 = arith.xori %lt3A_148, %not3A : i1
      %and3A_152 = arith.andi %gt3A_82, %not3A_151 : i1
      %select_n3A_153 = arith.select %and3A_152, %min3A, %scan3A_80 : i32
      scf.yield %select_n3A_150, %select_n3A_153 : i32, i32
    }
    %scan3A_20 = arith.constant 24 : i32
    %scan3A_21 = arith.constant 0 : i32
    %scan3A_22 = arith.constant 0 : i32
    %scan3A_23 = arith.constant 392 : i32
    %scan3A_24 = arith.addi %scan3A_22, %scan3A_23 : i32
    %scan3A_25 = arith.constant 1 : i32
    %scan3A_26 = scf.for %scan3A_78 = %scan3A_22 to %scan3A_24 step %scan3A_25 iter_args(%scan3A_79 = %scan3A_21) -> (i32)  : i32 {
      %mul3A_80 = arith.constant 16 : i32
      %mul3A_81 = arith.muli %scan3A_78, %mul3A_80 : i32
      %swap3A = arith.index_cast %mul3A_81 : i32 to index
      %swap3A_82 = tpu.vector_load %arg8[%swap3A] {strides = array<i32>} : memref<6272xf32, #tpu.memory_space<vmem>>, vector<16xf32>,
      tpu.vector_store %arg8[%swap3A], %broadcast_in_dim3A_3 {strides = array<i32>} : memref<6272xf32, #tpu.memory_space<vmem>>, vector<16xf32>,
      %scan3A_83 = arith.constant 0 : i32
      scf.yield %scan3A_83 : i32
    }
    %scan3A_27 = arith.constant 392 : i32
    %jit3A = arith.constant 16 : i32
    %div3A = arith.divsi %scan3A_9#1, %jit3A : i32
    %sign3A = arith.constant 0 : i32
    %sign3A_28 = arith.cmpi sgt, %scan3A_9#1, %sign3A : i32
    %sign3A_29 = arith.extui %sign3A_28 : i1 to i32
    %sign3A_30 = arith.constant 0 : i32
    %sign3A_31 = arith.cmpi slt, %scan3A_9#1, %sign3A_30 : i32
    %sign3A_32 = arith.extui %sign3A_31 : i1 to i32
    %sign3A_33 = arith.subi %sign3A_29, %sign3A_32 : i32
    %sign3A_34 = arith.constant 0 : i32
    %sign3A_35 = arith.cmpi sgt, %jit3A, %sign3A_34 : i32
    %sign3A_36 = arith.extui %sign3A_35 : i1 to i32
    %sign3A_37 = arith.constant 0 : i32
    %sign3A_38 = arith.cmpi slt, %jit3A, %sign3A_37 : i32
    %sign3A_39 = arith.extui %sign3A_38 : i1 to i32
    %sign3A_40 = arith.subi %sign3A_36, %sign3A_39 : i32
    %ne3A = arith.cmpi ne, %sign3A_33, %sign3A_40 : i32
    %rem3A = arith.remsi %scan3A_9#1, %jit3A : i32
    %ne3A_41 = arith.constant 0 : i32
    %ne3A_42 = arith.cmpi ne, %rem3A, %ne3A_41 : i32
    %and3A = arith.andi %ne3A, %ne3A_42 : i1
    %sub3A = arith.constant 1 : i32
    %sub3A_43 = arith.subi %div3A, %sub3A : i32
    %select_n3A = arith.select %and3A, %sub3A_43, %div3A : i32
    %mul3A_44 = arith.constant 16 : i32
    %mul3A_45 = arith.muli %select_n3A, %mul3A_44 : i32
    %scan3A_46 = arith.constant -1 : i32
    %scan3A_47 = arith.constant 0 : i32
    %scan3A_48 = arith.constant 392 : i32
    %scan3A_49 = arith.addi %scan3A_47, %scan3A_48 : i32
    %scan3A_50 = arith.constant 1 : i32
    %scan3A_51:3 = scf.for %scan3A_78 = %scan3A_47 to %scan3A_49 step %scan3A_50 iter_args(%scan3A_79 = %scan3A_46, %scan3A_80 = %broadcast_in_dim3A_3, %scan3A_81 = %broadcast_in_dim3A_3) -> (i32, vector<16xf32>, vector<16xf32>)  : i32 {
      %mul3A_82 = arith.constant 8192 : i32
      %mul3A_83 = arith.muli %scan3A_78, %mul3A_82 : i32
      %add3A_84 = arith.addi %mul3A_45, %mul3A_83 : i32
      %multiple_of3A_85 = tpu.assume_multiple %add3A_84, 16 : i32
      %lt3A_86 = arith.cmpi slt, %multiple_of3A_85, %scan3A_19#1 : i32
      %convert_element_type3A = arith.extui %lt3A_86 : i1 to i32
      %cond3A = arith.constant 0 : i32
      %cond3A_87 = arith.cmpi ne, %convert_element_type3A, %cond3A : i32
      %cond3A_88:3 = scf.if %cond3A_87 -> (i32, vector<16xf32>, vector<16xf32>) {
        %min3A = arith.constant 3191808 : i32
        %min3A_89 = arith.minsi %multiple_of3A_85, %min3A : i32
        %multiple_of3A_90 = tpu.assume_multiple %min3A_89, 16 : i32
        %sub3A_91 = arith.subi %multiple_of3A_85, %multiple_of3A_90 : i32
        "tpu.region"() ({
          %run_scoped3A = tpu.sem_alloc : memref<!tpu.dma_semaphore, #tpu.memory_space<semaphore_mem>>
          %dma_start3A = arith.constant 0 : i32
          %dma_start3A_98 = tpu.memref_slice %arg5[%dma_start3A] : memref<16384xf32, #tpu.memory_space<vmem>> -> memref<8192xf32, #tpu.memory_space<vmem>>
          %dma_start3A_99 = tpu.memref_slice %arg2[%multiple_of3A_90] : memref<3200000xf32, #tpu.memory_space<hbm>> -> memref<8192xf32, #tpu.memory_space<hbm>>
          %dma_start3A_100 = arith.constant 0 : i32
          %dma_start3A_101 = tpu.memref_slice %arg5[%dma_start3A_100] : memref<16384xf32, #tpu.memory_space<vmem>> -> memref<8192xf32, #tpu.memory_space<vmem>>
          %dma_start3A_102 = tpu.memref_slice %arg2[%multiple_of3A_90] : memref<3200000xf32, #tpu.memory_space<hbm>> -> memref<8192xf32, #tpu.memory_space<hbm>>
          tpu.enqueue_dma source(%dma_start3A_102 : memref<8192xf32, #tpu.memory_space<hbm>>) target(%dma_start3A_101 : memref<8192xf32, #tpu.memory_space<vmem>>) target_semaphore(%run_scoped3A : memref<!tpu.dma_semaphore, #tpu.memory_space<semaphore_mem>>)
          %dma_wait3A = arith.constant 0 : i32
          %dma_wait3A_103 = tpu.memref_slice %arg5[%dma_wait3A] : memref<16384xf32, #tpu.memory_space<vmem>> -> memref<8192xf32, #tpu.memory_space<vmem>>
          %dma_wait3A_104 = tpu.memref_slice %arg2[%multiple_of3A_90] : memref<3200000xf32, #tpu.memory_space<hbm>> -> memref<8192xf32, #tpu.memory_space<hbm>>
          %dma_wait3A_105 = arith.constant 0 : i32
          %dma_wait3A_106 = tpu.memref_slice %arg5[%dma_wait3A_105] : memref<16384xf32, #tpu.memory_space<vmem>> -> memref<8192xf32, #tpu.memory_space<vmem>>
          %dma_wait3A_107 = tpu.memref_slice %arg2[%multiple_of3A_90] : memref<3200000xf32, #tpu.memory_space<hbm>> -> memref<8192xf32, #tpu.memory_space<hbm>>
          tpu.wait_dma2 semaphore(%run_scoped3A : memref<!tpu.dma_semaphore, #tpu.memory_space<semaphore_mem>>) src(%dma_wait3A_107 : memref<8192xf32, #tpu.memory_space<hbm>>) dst(%dma_wait3A_106 : memref<8192xf32, #tpu.memory_space<vmem>>)
          tpu.yield
        }) : () -> ()
        "tpu.region"() ({
          %run_scoped3A = tpu.sem_alloc : memref<!tpu.dma_semaphore, #tpu.memory_space<semaphore_mem>>
          %dma_start3A = arith.constant 0 : i32
          %dma_start3A_98 = tpu.memref_slice %arg6[%dma_start3A] : memref<16384xi32, #tpu.memory_space<vmem>> -> memref<8192xi32, #tpu.memory_space<vmem>>
          %dma_start3A_99 = tpu.memref_slice %arg3[%multiple_of3A_90] : memref<3200000xi32, #tpu.memory_space<hbm>> -> memref<8192xi32, #tpu.memory_space<hbm>>
          %dma_start3A_100 = arith.constant 0 : i32
          %dma_start3A_101 = tpu.memref_slice %arg6[%dma_start3A_100] : memref<16384xi32, #tpu.memory_space<vmem>> -> memref<8192xi32, #tpu.memory_space<vmem>>
          %dma_start3A_102 = tpu.memref_slice %arg3[%multiple_of3A_90] : memref<3200000xi32, #tpu.memory_space<hbm>> -> memref<8192xi32, #tpu.memory_space<hbm>>
          tpu.enqueue_dma source(%dma_start3A_102 : memref<8192xi32, #tpu.memory_space<hbm>>) target(%dma_start3A_101 : memref<8192xi32, #tpu.memory_space<vmem>>) target_semaphore(%run_scoped3A : memref<!tpu.dma_semaphore, #tpu.memory_space<semaphore_mem>>)
          %dma_wait3A = arith.constant 0 : i32
          %dma_wait3A_103 = tpu.memref_slice %arg6[%dma_wait3A] : memref<16384xi32, #tpu.memory_space<vmem>> -> memref<8192xi32, #tpu.memory_space<vmem>>
          %dma_wait3A_104 = tpu.memref_slice %arg3[%multiple_of3A_90] : memref<3200000xi32, #tpu.memory_space<hbm>> -> memref<8192xi32, #tpu.memory_space<hbm>>
          %dma_wait3A_105 = arith.constant 0 : i32
          %dma_wait3A_106 = tpu.memref_slice %arg6[%dma_wait3A_105] : memref<16384xi32, #tpu.memory_space<vmem>> -> memref<8192xi32, #tpu.memory_space<vmem>>
          %dma_wait3A_107 = tpu.memref_slice %arg3[%multiple_of3A_90] : memref<3200000xi32, #tpu.memory_space<hbm>> -> memref<8192xi32, #tpu.memory_space<hbm>>
          tpu.wait_dma2 semaphore(%run_scoped3A : memref<!tpu.dma_semaphore, #tpu.memory_space<semaphore_mem>>) src(%dma_wait3A_107 : memref<8192xi32, #tpu.memory_space<hbm>>) dst(%dma_wait3A_106 : memref<8192xi32, #tpu.memory_space<vmem>>)
          tpu.yield
        }) : () -> ()
        %scan3A_92 = arith.constant 0 : i32
        %scan3A_93 = arith.constant 512 : i32
        %scan3A_94 = arith.addi %scan3A_92, %scan3A_93 : i32
        %scan3A_95 = arith.constant 1 : i32
        %scan3A_96:3 = scf.for %scan3A_98 = %scan3A_92 to %scan3A_94 step %scan3A_95 iter_args(%scan3A_99 = %scan3A_79, %scan3A_100 = %scan3A_80, %scan3A_101 = %scan3A_81) -> (i32, vector<16xf32>, vector<16xf32>)  : i32 {
          %mul3A_102 = arith.constant 16 : i32
          %mul3A_103 = arith.muli %scan3A_98, %mul3A_102 : i32
          %add3A_104 = arith.addi %sub3A_91, %mul3A_103 : i32
          %get3A = arith.index_cast %add3A_104 : i32 to index
          %get3A_105 = tpu.vector_load %arg6[%get3A] {strides = array<i32>} : memref<16384xi32, #tpu.memory_space<vmem>>, vector<16xi32>,
          %get3A_106 = arith.index_cast %add3A_104 : i32 to index
          %get3A_107 = tpu.vector_load %arg5[%get3A_106] {strides = array<i32>} : memref<16384xf32, #tpu.memory_space<vmem>>, vector<16xf32>,
          %mul3A_108 = arith.constant 16 : i32
          %mul3A_109 = arith.muli %scan3A_98, %mul3A_108 : i32
          %add3A_110 = arith.addi %multiple_of3A_85, %mul3A_109 : i32
          %add3A_111 = vector.broadcast %add3A_110 : i32 to vector<16xi32>
          %add3A_112 = arith.addi %add3A_111, %iota3A : vector<16xi32>
          %ge3A_113 = vector.broadcast %scan3A_9#1 : i32 to vector<16xi32>
          %ge3A_114 = arith.cmpi sge, %add3A_112, %ge3A_113 : vector<16xi32>
          %lt3A_115 = vector.broadcast %scan3A_19#1 : i32 to vector<16xi32>
          %lt3A_116 = arith.cmpi slt, %add3A_112, %lt3A_115 : vector<16xi32>
          %and3A_117 = arith.andi %ge3A_114, %lt3A_116 : vector<16xi1>
          %eq3A_118 = vector.broadcast %scan3A_99 : i32 to vector<16xi32>
          %eq3A_119 = arith.cmpi eq, %get3A_105, %eq3A_118 : vector<16xi32>
          %and3A_120 = arith.andi %and3A_117, %eq3A_119 : vector<16xi1>
          %jit3A_121 = arith.constant 0.000000e+00 : f32
          %broadcast_in_dim3A_122 = vector.broadcast %jit3A_121 : f32 to vector<16xf32>
          %select_n3A_123 = arith.select %and3A_120, %get3A_107, %broadcast_in_dim3A_122 : vector<16xi1>, vector<16xf32>
          %sort3A = arith.constant dense<true> : vector<16xi1>
          %sort3A_124, %sort3A_125, %sort3A_126 = tpu.sort %select_n3A_123, %select_n3A_123 masked %sort3A : (vector<16xf32>, vector<16xf32>, vector<16xi1>) -> (vector<16xi1>, vector<16xf32>, vector<16xf32>)
          %rev3A = arith.constant 15 : i32
          %rev3A_127 = vector.broadcast %rev3A : i32 to vector<16xi32>
          %rev3A_128 = tpu.iota {dimensions = array<i32: 0>} : vector<16xi32>
          %rev3A_129 = arith.subi %rev3A_127, %rev3A_128 : vector<16xi32>
          %rev3A_130 = tpu.dynamic_gather %sort3A_125[%rev3A_129] in [0] : vector<16xf32>, vector<16xi32> -> vector<16xf32>
          %max3A = arith.maximumf %scan3A_101, %rev3A_130 : vector<16xf32>
          %sort3A_131 = arith.constant dense<true> : vector<16xi1>
          %sort3A_132, %sort3A_133, %sort3A_134 = tpu.sort %max3A, %max3A masked %sort3A_131 : (vector<16xf32>, vector<16xf32>, vector<16xi1>) -> (vector<16xi1>, vector<16xf32>, vector<16xf32>)
          %add3A_135 = arith.addf %scan3A_100, %select_n3A_123 : vector<16xf32>
          %while3A:3 = scf.while (%while3A_136 = %scan3A_99, %while3A_137 = %add3A_135, %while3A_138 = %sort3A_133) : (i32, vector<16xf32>, vector<16xf32>) -> (i32, vector<16xf32>, vector<16xf32>) {
            %gt3A = vector.broadcast %while3A_136 : i32 to vector<16xi32>
            %gt3A_139 = arith.cmpi sgt, %get3A_105, %gt3A : vector<16xi32>
            %and3A_140 = arith.andi %and3A_117, %gt3A_139 : vector<16xi1>
            %reduce_or3A = arith.constant 1.000000e+00 : f32
            %reduce_or3A_141 = arith.constant 0.000000e+00 : f32
            %reduce_or3A_142 = vector.broadcast %reduce_or3A : f32 to vector<16xf32>
            %reduce_or3A_143 = vector.broadcast %reduce_or3A_141 : f32 to vector<16xf32>
            %reduce_or3A_144 = arith.select %and3A_140, %reduce_or3A_142, %reduce_or3A_143 : vector<16xi1>, vector<16xf32>
            %reduce_or3A_145 = arith.constant true
            %reduce_or3A_146 = vector.broadcast %reduce_or3A_145 : i1 to vector<16xi1>
            %reduce_or3A_147 = tpu.scan <max>, %reduce_or3A_144 masked %reduce_or3A_146 : vector<16xf32>, vector<16xi1> -> vector<16xf32>
            %reduce_or3A_148 = vector.extract %reduce_or3A_147[15] : f32 from vector<16xf32>
            %reduce_or3A_149 = arith.constant 0.000000e+00 : f32
            %reduce_or3A_150 = arith.cmpf ogt, %reduce_or3A_148, %reduce_or3A_149 : f32
            scf.condition(%reduce_or3A_150) %while3A_136, %while3A_137, %while3A_138 : i32, vector<16xf32>, vector<16xf32>
          } do {
          ^bb0(%while3A_136: i32, %while3A_137: vector<16xf32>, %while3A_138: vector<16xf32>):
            %sub3A_139 = arith.subi %while3A_136, %mul3A_2 : i32
            %mul3A_140 = arith.constant 2 : i32
            %mul3A_141 = arith.muli %mul3A_140, %sub3A_139 : i32
            %add3A_142 = vector.broadcast %mul3A_141 : i32 to vector<16xi32>
            %add3A_143 = arith.addi %add3A_142, %iota3A : vector<16xi32>
            %lt3A_144 = arith.constant 2 : i32
            %lt3A_145 = vector.broadcast %lt3A_144 : i32 to vector<16xi32>
            %lt3A_146 = arith.cmpi slt, %iota3A, %lt3A_145 : vector<16xi32>
            %ge3A_147 = arith.cmpi sge, %while3A_136, %mul3A_2 : i32
            %and3A_148 = vector.broadcast %ge3A_147 : i1 to vector<16xi1>
            %and3A_149 = arith.andi %lt3A_146, %and3A_148 : vector<16xi1>
            %reduce_min3A_150 = arith.constant true
            %reduce_min3A_151 = vector.broadcast %reduce_min3A_150 : i1 to vector<16xi1>
            %reduce_min3A_152 = tpu.scan <min>, %while3A_138 masked %reduce_min3A_151 : vector<16xf32>, vector<16xi1> -> vector<16xf32>
            %reduce_min3A_153 = vector.extract %reduce_min3A_152[15] : f32 from vector<16xf32>
            %broadcast_in_dim3A_154 = vector.broadcast %reduce_min3A_153 : f32 to vector<16xf32>
            %reduce_sum3A_155 = arith.constant true
            %reduce_sum3A_156 = vector.broadcast %reduce_sum3A_155 : i1 to vector<16xi1>
            %reduce_sum3A_157 = tpu.scan <sum>, %while3A_137 masked %reduce_sum3A_156 : vector<16xf32>, vector<16xi1> -> vector<16xf32>
            %reduce_sum3A_158 = vector.extract %reduce_sum3A_157[15] : f32 from vector<16xf32>
            %broadcast_in_dim3A_159 = vector.broadcast %reduce_sum3A_158 : f32 to vector<16xf32>
            %div3A_160 = arith.constant 1.000000e+00 : f32
            %div3A_161 = vector.broadcast %div3A_160 : f32 to vector<16xf32>
            %div3A_162 = arith.divf %div3A_161, %broadcast_in_dim3A_159 : vector<16xf32>
            %eq3A_163 = arith.constant 0 : i32
            %eq3A_164 = vector.broadcast %eq3A_163 : i32 to vector<16xi32>
            %eq3A_165 = arith.cmpi eq, %iota3A, %eq3A_164 : vector<16xi32>
            %select_n3A_166 = arith.select %eq3A_165, %broadcast_in_dim3A_154, %div3A_162 : vector<16xi1>, vector<16xf32>
            tpu.vector_store_idx %arg8[%add3A_143], %select_n3A_166 masked %and3A_149 : memref<6272xf32, #tpu.memory_space<vmem>>[vector<16xi32>], vector<16xf32>, vector<16xi1>
            %gt3A = vector.broadcast %while3A_136 : i32 to vector<16xi32>
            %gt3A_167 = arith.cmpi sgt, %get3A_105, %gt3A : vector<16xi32>
            %and3A_168 = arith.andi %and3A_117, %gt3A_167 : vector<16xi1>
            %jit3A_169 = arith.constant 2147483647 : i32
            %broadcast_in_dim3A_170 = vector.broadcast %jit3A_169 : i32 to vector<16xi32>
            %select_n3A_171 = arith.select %and3A_168, %get3A_105, %broadcast_in_dim3A_170 : vector<16xi1>, vector<16xi32>
            %reduce_min3A_172 = arith.constant true
            %reduce_min3A_173 = vector.broadcast %reduce_min3A_172 : i1 to vector<16xi1>
            %reduce_min3A_174 = arith.constant -2147483648 : i32
            %reduce_min3A_175 = vector.broadcast %reduce_min3A_174 : i32 to vector<16xi32>
            %reduce_min3A_176 = arith.xori %select_n3A_171, %reduce_min3A_175 : vector<16xi32>
            %reduce_min3A_177 = tpu.scan <min>, %reduce_min3A_176 masked %reduce_min3A_173 : vector<16xi32>, vector<16xi1> -> vector<16xi32>
            %reduce_min3A_178 = arith.xori %reduce_min3A_177, %reduce_min3A_175 : vector<16xi32>
            %reduce_min3A_179 = vector.extract %reduce_min3A_178[15] : i32 from vector<16xi32>
            %eq3A_180 = vector.broadcast %reduce_min3A_179 : i32 to vector<16xi32>
            %eq3A_181 = arith.cmpi eq, %get3A_105, %eq3A_180 : vector<16xi32>
            %and3A_182 = arith.andi %and3A_117, %eq3A_181 : vector<16xi1>
            %jit3A_183 = arith.constant 0.000000e+00 : f32
            %broadcast_in_dim3A_184 = vector.broadcast %jit3A_183 : f32 to vector<16xf32>
            %select_n3A_185 = arith.select %and3A_182, %get3A_107, %broadcast_in_dim3A_184 : vector<16xi1>, vector<16xf32>
            %sort3A_186 = arith.constant dense<true> : vector<16xi1>
            %sort3A_187, %sort3A_188, %sort3A_189 = tpu.sort %select_n3A_185, %select_n3A_185 masked %sort3A_186 : (vector<16xf32>, vector<16xf32>, vector<16xi1>) -> (vector<16xi1>, vector<16xf32>, vector<16xf32>)
            %rev3A_190 = arith.constant 15 : i32
            %rev3A_191 = vector.broadcast %rev3A_190 : i32 to vector<16xi32>
            %rev3A_192 = tpu.iota {dimensions = array<i32: 0>} : vector<16xi32>
            %rev3A_193 = arith.subi %rev3A_191, %rev3A_192 : vector<16xi32>
            %rev3A_194 = tpu.dynamic_gather %sort3A_188[%rev3A_193] in [0] : vector<16xf32>, vector<16xi32> -> vector<16xf32>
            %max3A_195 = arith.maximumf %broadcast_in_dim3A_3, %rev3A_194 : vector<16xf32>
            %sort3A_196 = arith.constant dense<true> : vector<16xi1>
            %sort3A_197, %sort3A_198, %sort3A_199 = tpu.sort %max3A_195, %max3A_195 masked %sort3A_196 : (vector<16xf32>, vector<16xf32>, vector<16xi1>) -> (vector<16xi1>, vector<16xf32>, vector<16xf32>)
            %add3A_200 = arith.addf %broadcast_in_dim3A_3, %select_n3A_185 : vector<16xf32>
            scf.yield %reduce_min3A_179, %add3A_200, %sort3A_198 : i32, vector<16xf32>, vector<16xf32>
          }
          scf.yield %while3A#0, %while3A#1, %while3A#2 : i32, vector<16xf32>, vector<16xf32>
        }
        %scan3A_97 = arith.constant 512 : i32
        scf.yield %scan3A_96#0, %scan3A_96#1, %scan3A_96#2 : i32, vector<16xf32>, vector<16xf32>
      } else {
        scf.yield %scan3A_79, %scan3A_80, %scan3A_81 : i32, vector<16xf32>, vector<16xf32>
      }
      scf.yield %cond3A_88#0, %cond3A_88#1, %cond3A_88#2 : i32, vector<16xf32>, vector<16xf32>
    }
    %scan3A_52 = arith.constant 392 : i32
    %sub3A_53 = arith.subi %scan3A_51#0, %mul3A_2 : i32
    %mul3A_54 = arith.constant 2 : i32
    %mul3A_55 = arith.muli %mul3A_54, %sub3A_53 : i32
    %add3A_56 = vector.broadcast %mul3A_55 : i32 to vector<16xi32>
    %add3A_57 = arith.addi %add3A_56, %iota3A : vector<16xi32>
    %lt3A = arith.constant 2 : i32
    %lt3A_58 = vector.broadcast %lt3A : i32 to vector<16xi32>
    %lt3A_59 = arith.cmpi slt, %iota3A, %lt3A_58 : vector<16xi32>
    %ge3A = arith.cmpi sge, %scan3A_51#0, %mul3A_2 : i32
    %and3A_60 = vector.broadcast %ge3A : i1 to vector<16xi1>
    %and3A_61 = arith.andi %lt3A_59, %and3A_60 : vector<16xi1>
    %reduce_min3A = arith.constant true
    %reduce_min3A_62 = vector.broadcast %reduce_min3A : i1 to vector<16xi1>
    %reduce_min3A_63 = tpu.scan <min>, %scan3A_51#2 masked %reduce_min3A_62 : vector<16xf32>, vector<16xi1> -> vector<16xf32>
    %reduce_min3A_64 = vector.extract %reduce_min3A_63[15] : f32 from vector<16xf32>
    %broadcast_in_dim3A_65 = vector.broadcast %reduce_min3A_64 : f32 to vector<16xf32>
    %reduce_sum3A = arith.constant true
    %reduce_sum3A_66 = vector.broadcast %reduce_sum3A : i1 to vector<16xi1>
    %reduce_sum3A_67 = tpu.scan <sum>, %scan3A_51#1 masked %reduce_sum3A_66 : vector<16xf32>, vector<16xi1> -> vector<16xf32>
    %reduce_sum3A_68 = vector.extract %reduce_sum3A_67[15] : f32 from vector<16xf32>
    %broadcast_in_dim3A_69 = vector.broadcast %reduce_sum3A_68 : f32 to vector<16xf32>
    %div3A_70 = arith.constant 1.000000e+00 : f32
    %div3A_71 = vector.broadcast %div3A_70 : f32 to vector<16xf32>
    %div3A_72 = arith.divf %div3A_71, %broadcast_in_dim3A_69 : vector<16xf32>
    %eq3A = arith.constant 0 : i32
    %eq3A_73 = vector.broadcast %eq3A : i32 to vector<16xi32>
    %eq3A_74 = arith.cmpi eq, %iota3A, %eq3A_73 : vector<16xi32>
    %select_n3A_75 = arith.select %eq3A_74, %broadcast_in_dim3A_65, %div3A_72 : vector<16xi1>, vector<16xf32>
    tpu.vector_store_idx %arg8[%add3A_57], %select_n3A_75 masked %and3A_61 : memref<6272xf32, #tpu.memory_space<vmem>>[vector<16xi32>], vector<16xf32>, vector<16xi1>
    %mul3A_76 = arith.constant 2 : i32
    %mul3A_77 = arith.muli %mul3A_76, %mul3A_2 : i32
    %multiple_of3A = tpu.assume_multiple %mul3A_77, 64 : i32
    "tpu.region"() ({
      %run_scoped3A = tpu.sem_alloc : memref<!tpu.dma_semaphore, #tpu.memory_space<semaphore_mem>>
      %dma_start3A = tpu.memref_slice %arg4[%multiple_of3A] : memref<200704xf32, #tpu.memory_space<hbm>> -> memref<6272xf32, #tpu.memory_space<hbm>>
      %dma_start3A_78 = tpu.memref_slice %arg4[%multiple_of3A] : memref<200704xf32, #tpu.memory_space<hbm>> -> memref<6272xf32, #tpu.memory_space<hbm>>
      tpu.enqueue_dma source(%arg8 : memref<6272xf32, #tpu.memory_space<vmem>>) target(%dma_start3A_78 : memref<6272xf32, #tpu.memory_space<hbm>>) target_semaphore(%run_scoped3A : memref<!tpu.dma_semaphore, #tpu.memory_space<semaphore_mem>>)
      %dma_wait3A = tpu.memref_slice %arg4[%multiple_of3A] : memref<200704xf32, #tpu.memory_space<hbm>> -> memref<6272xf32, #tpu.memory_space<hbm>>
      %dma_wait3A_79 = tpu.memref_slice %arg4[%multiple_of3A] : memref<200704xf32, #tpu.memory_space<hbm>> -> memref<6272xf32, #tpu.memory_space<hbm>>
      tpu.wait_dma2 semaphore(%run_scoped3A : memref<!tpu.dma_semaphore, #tpu.memory_space<semaphore_mem>>) src(%arg8 : memref<6272xf32, #tpu.memory_space<vmem>>) dst(%dma_wait3A_79 : memref<6272xf32, #tpu.memory_space<hbm>>)
      tpu.yield
    }) : () -> ()
    return
  }
}

#map = affine_map<(d0, d1) -> (0)>
module attributes {stable_mosaic.version = 14 : i64} {
  func.func @_apply_body(%arg0: i32, %arg1: i32, %arg2: memref<3200000xf32, #tpu.memory_space<hbm>>, %arg3: memref<3200000xi32, #tpu.memory_space<hbm>>, %arg4: memref<108544xf32, #tpu.memory_space<hbm>>, %arg5: memref<108544xf32, #tpu.memory_space<hbm>>, %arg6: memref<3200000xf32, #tpu.memory_space<hbm>>, %arg7: memref<4000xf32, #tpu.memory_space<vmem>>, %arg8: memref<4000xi32, #tpu.memory_space<vmem>>, %arg9: memref<4000xf32, #tpu.memory_space<vmem>>, %arg10: memref<4000xf32, #tpu.memory_space<vmem>>, %arg11: memref<8192xf32, #tpu.memory_space<vmem>>, %arg12: memref<8192xf32, #tpu.memory_space<vmem>>, %arg13: memref<4000xf32, #tpu.memory_space<vmem>>, %arg14: memref<!tpu.dma_semaphore, #tpu.memory_space<semaphore_mem>>, %arg15: memref<!tpu.dma_semaphore, #tpu.memory_space<semaphore_mem>>) attributes {dimension_semantics = [#tpu.dimension_semantics<core_parallel>, #tpu.dimension_semantics<subcore_parallel>], iteration_bounds = array<i64: 2, 16>, scalar_prefetch = 0 : i64, scratch_operands = 9 : i64, tpu.core_type = #tpu.core_type<sc_vector_subcore>, window_params = [{transform_indices = #map}, {transform_indices = #map}, {transform_indices = #map}, {transform_indices = #map}, {transform_indices = #map}]} {
    %mul3A = arith.constant 2 : i32
    %mul3A_0 = arith.muli %arg1, %mul3A : i32
    %add3A = arith.addi %mul3A_0, %arg0 : i32
    %mul3A_1 = arith.constant 100000 : i32
    %mul3A_2 = arith.muli %add3A, %mul3A_1 : i32
    %iota3A = tpu.iota {dimensions = array<i32: 0>} : vector<16xi32>
    %scan3A = arith.constant 0 : i32
    %scan3A_3 = arith.constant 0 : i32
    %scan3A_4 = arith.constant 25 : i32
    %scan3A_5 = arith.addi %scan3A_3, %scan3A_4 : i32
    %scan3A_6 = arith.constant 1 : i32
    %scan3A_7 = scf.for %scan3A_9 = %scan3A_3 to %scan3A_5 step %scan3A_6 iter_args(%scan3A_10 = %scan3A) -> (i32)  : i32 {
      %mul3A_11 = arith.constant 4000 : i32
      %mul3A_12 = arith.muli %scan3A_9, %mul3A_11 : i32
      %add3A_13 = arith.addi %mul3A_2, %mul3A_12 : i32
      %multiple_of3A = tpu.assume_multiple %add3A_13, 16 : i32
      %dma_start3A = tpu.memref_slice %arg2[%multiple_of3A] : memref<3200000xf32, #tpu.memory_space<hbm>> -> memref<4000xf32, #tpu.memory_space<hbm>>
      %dma_start3A_14 = tpu.memref_slice %arg2[%multiple_of3A] : memref<3200000xf32, #tpu.memory_space<hbm>> -> memref<4000xf32, #tpu.memory_space<hbm>>
      tpu.enqueue_dma source(%dma_start3A_14 : memref<4000xf32, #tpu.memory_space<hbm>>) target(%arg7 : memref<4000xf32, #tpu.memory_space<vmem>>) target_semaphore(%arg15 : memref<!tpu.dma_semaphore, #tpu.memory_space<semaphore_mem>>)
      "tpu.region"() ({
        %run_scoped3A = tpu.sem_alloc : memref<!tpu.dma_semaphore, #tpu.memory_space<semaphore_mem>>
        %dma_start3A_63 = tpu.memref_slice %arg3[%multiple_of3A] : memref<3200000xi32, #tpu.memory_space<hbm>> -> memref<4000xi32, #tpu.memory_space<hbm>>
        %dma_start3A_64 = tpu.memref_slice %arg3[%multiple_of3A] : memref<3200000xi32, #tpu.memory_space<hbm>> -> memref<4000xi32, #tpu.memory_space<hbm>>
        tpu.enqueue_dma source(%dma_start3A_64 : memref<4000xi32, #tpu.memory_space<hbm>>) target(%arg8 : memref<4000xi32, #tpu.memory_space<vmem>>) target_semaphore(%run_scoped3A : memref<!tpu.dma_semaphore, #tpu.memory_space<semaphore_mem>>)
        %dma_wait3A_65 = tpu.memref_slice %arg3[%multiple_of3A] : memref<3200000xi32, #tpu.memory_space<hbm>> -> memref<4000xi32, #tpu.memory_space<hbm>>
        %dma_wait3A_66 = tpu.memref_slice %arg3[%multiple_of3A] : memref<3200000xi32, #tpu.memory_space<hbm>> -> memref<4000xi32, #tpu.memory_space<hbm>>
        tpu.wait_dma2 semaphore(%run_scoped3A : memref<!tpu.dma_semaphore, #tpu.memory_space<semaphore_mem>>) src(%dma_wait3A_66 : memref<4000xi32, #tpu.memory_space<hbm>>) dst(%arg8 : memref<4000xi32, #tpu.memory_space<vmem>>)
        tpu.yield
      }) : () -> ()
      %eq3A = arith.constant 0 : i32
      %eq3A_15 = vector.broadcast %eq3A : i32 to vector<16xi32>
      %eq3A_16 = arith.cmpi eq, %iota3A, %eq3A_15 : vector<16xi32>
      %get3A = arith.constant 0 : index
      %get3A_17 = tpu.vector_load %arg8[%get3A] {strides = array<i32>} : memref<4000xi32, #tpu.memory_space<vmem>>, vector<16xi32>,
      %jit3A = arith.constant 0 : i32
      %broadcast_in_dim3A = vector.broadcast %jit3A : i32 to vector<16xi32>
      %select_n3A = arith.select %eq3A_16, %get3A_17, %broadcast_in_dim3A : vector<16xi1>, vector<16xi32>
      %reduce_sum3A = arith.constant true
      %reduce_sum3A_18 = vector.broadcast %reduce_sum3A : i1 to vector<16xi1>
      %reduce_sum3A_19 = tpu.scan <sum>, %select_n3A masked %reduce_sum3A_18 : vector<16xi32>, vector<16xi1> -> vector<16xi32>
      %reduce_sum3A_20 = vector.extract %reduce_sum3A_19[15] : i32 from vector<16xi32>
      %eq3A_21 = arith.constant 15 : i32
      %eq3A_22 = vector.broadcast %eq3A_21 : i32 to vector<16xi32>
      %eq3A_23 = arith.cmpi eq, %iota3A, %eq3A_22 : vector<16xi32>
      %get3A_24 = arith.constant 3984 : index
      %get3A_25 = tpu.vector_load %arg8[%get3A_24] {strides = array<i32>} : memref<4000xi32, #tpu.memory_space<vmem>>, vector<16xi32>,
      %jit3A_26 = arith.constant 0 : i32
      %broadcast_in_dim3A_27 = vector.broadcast %jit3A_26 : i32 to vector<16xi32>
      %select_n3A_28 = arith.select %eq3A_23, %get3A_25, %broadcast_in_dim3A_27 : vector<16xi1>, vector<16xi32>
      %reduce_sum3A_29 = arith.constant true
      %reduce_sum3A_30 = vector.broadcast %reduce_sum3A_29 : i1 to vector<16xi1>
      %reduce_sum3A_31 = tpu.scan <sum>, %select_n3A_28 masked %reduce_sum3A_30 : vector<16xi32>, vector<16xi1> -> vector<16xi32>
      %reduce_sum3A_32 = vector.extract %reduce_sum3A_31[15] : i32 from vector<16xi32>
      %jit3A_33 = arith.constant 8 : i32
      %div3A = arith.divsi %reduce_sum3A_20, %jit3A_33 : i32
      %sign3A = arith.constant 0 : i32
      %sign3A_34 = arith.cmpi sgt, %reduce_sum3A_20, %sign3A : i32
      %sign3A_35 = arith.extui %sign3A_34 : i1 to i32
      %sign3A_36 = arith.constant 0 : i32
      %sign3A_37 = arith.cmpi slt, %reduce_sum3A_20, %sign3A_36 : i32
      %sign3A_38 = arith.extui %sign3A_37 : i1 to i32
      %sign3A_39 = arith.subi %sign3A_35, %sign3A_38 : i32
      %sign3A_40 = arith.constant 0 : i32
      %sign3A_41 = arith.cmpi sgt, %jit3A_33, %sign3A_40 : i32
      %sign3A_42 = arith.extui %sign3A_41 : i1 to i32
      %sign3A_43 = arith.constant 0 : i32
      %sign3A_44 = arith.cmpi slt, %jit3A_33, %sign3A_43 : i32
      %sign3A_45 = arith.extui %sign3A_44 : i1 to i32
      %sign3A_46 = arith.subi %sign3A_42, %sign3A_45 : i32
      %ne3A = arith.cmpi ne, %sign3A_39, %sign3A_46 : i32
      %rem3A = arith.remsi %reduce_sum3A_20, %jit3A_33 : i32
      %ne3A_47 = arith.constant 0 : i32
      %ne3A_48 = arith.cmpi ne, %rem3A, %ne3A_47 : i32
      %and3A = arith.andi %ne3A, %ne3A_48 : i1
      %sub3A = arith.constant 1 : i32
      %sub3A_49 = arith.subi %div3A, %sub3A : i32
      %select_n3A_50 = arith.select %and3A, %sub3A_49, %div3A : i32
      %mul3A_51 = arith.constant 8 : i32
      %mul3A_52 = arith.muli %select_n3A_50, %mul3A_51 : i32
      %multiple_of3A_53 = tpu.assume_multiple %mul3A_52, 8 : i32
      %sub3A_54 = arith.subi %reduce_sum3A_32, %multiple_of3A_53 : i32
      %add3A_55 = arith.constant 1 : i32
      %add3A_56 = arith.addi %sub3A_54, %add3A_55 : i32
      %dma_wait3A = tpu.memref_slice %arg2[%multiple_of3A] : memref<3200000xf32, #tpu.memory_space<hbm>> -> memref<4000xf32, #tpu.memory_space<hbm>>
      %dma_wait3A_57 = tpu.memref_slice %arg2[%multiple_of3A] : memref<3200000xf32, #tpu.memory_space<hbm>> -> memref<4000xf32, #tpu.memory_space<hbm>>
      tpu.wait_dma2 semaphore(%arg15 : memref<!tpu.dma_semaphore, #tpu.memory_space<semaphore_mem>>) src(%dma_wait3A_57 : memref<4000xf32, #tpu.memory_space<hbm>>) dst(%arg7 : memref<4000xf32, #tpu.memory_space<vmem>>)
      %le3A = arith.constant 8192 : i32
      %le3A_58 = arith.cmpi sle, %add3A_56, %le3A : i32
      %convert_element_type3A = arith.extui %le3A_58 : i1 to i32
      %cond3A = arith.constant 0 : i32
      %cond3A_59 = arith.constant 0 : i32
      %cond3A_60 = arith.cmpi ne, %convert_element_type3A, %cond3A_59 : i32
      %cond3A_61 = scf.if %cond3A_60 -> (i32) {
        %dma_start3A_63 = tpu.memref_slice %arg4[%multiple_of3A_53] : memref<108544xf32, #tpu.memory_space<hbm>> -> memref<8192xf32, #tpu.memory_space<hbm>>
        %dma_start3A_64 = tpu.memref_slice %arg4[%multiple_of3A_53] : memref<108544xf32, #tpu.memory_space<hbm>> -> memref<8192xf32, #tpu.memory_space<hbm>>
        tpu.enqueue_dma source(%dma_start3A_64 : memref<8192xf32, #tpu.memory_space<hbm>>) target(%arg11 : memref<8192xf32, #tpu.memory_space<vmem>>) target_semaphore(%arg14 : memref<!tpu.dma_semaphore, #tpu.memory_space<semaphore_mem>>)
        "tpu.region"() ({
          %run_scoped3A = tpu.sem_alloc : memref<!tpu.dma_semaphore, #tpu.memory_space<semaphore_mem>>
          %dma_start3A_75 = tpu.memref_slice %arg5[%multiple_of3A_53] : memref<108544xf32, #tpu.memory_space<hbm>> -> memref<8192xf32, #tpu.memory_space<hbm>>
          %dma_start3A_76 = tpu.memref_slice %arg5[%multiple_of3A_53] : memref<108544xf32, #tpu.memory_space<hbm>> -> memref<8192xf32, #tpu.memory_space<hbm>>
          tpu.enqueue_dma source(%dma_start3A_76 : memref<8192xf32, #tpu.memory_space<hbm>>) target(%arg12 : memref<8192xf32, #tpu.memory_space<vmem>>) target_semaphore(%run_scoped3A : memref<!tpu.dma_semaphore, #tpu.memory_space<semaphore_mem>>)
          %dma_wait3A_77 = tpu.memref_slice %arg5[%multiple_of3A_53] : memref<108544xf32, #tpu.memory_space<hbm>> -> memref<8192xf32, #tpu.memory_space<hbm>>
          %dma_wait3A_78 = tpu.memref_slice %arg5[%multiple_of3A_53] : memref<108544xf32, #tpu.memory_space<hbm>> -> memref<8192xf32, #tpu.memory_space<hbm>>
          tpu.wait_dma2 semaphore(%run_scoped3A : memref<!tpu.dma_semaphore, #tpu.memory_space<semaphore_mem>>) src(%dma_wait3A_78 : memref<8192xf32, #tpu.memory_space<hbm>>) dst(%arg12 : memref<8192xf32, #tpu.memory_space<vmem>>)
          tpu.yield
        }) : () -> ()
        %dma_wait3A_65 = tpu.memref_slice %arg4[%multiple_of3A_53] : memref<108544xf32, #tpu.memory_space<hbm>> -> memref<8192xf32, #tpu.memory_space<hbm>>
        %dma_wait3A_66 = tpu.memref_slice %arg4[%multiple_of3A_53] : memref<108544xf32, #tpu.memory_space<hbm>> -> memref<8192xf32, #tpu.memory_space<hbm>>
        tpu.wait_dma2 semaphore(%arg14 : memref<!tpu.dma_semaphore, #tpu.memory_space<semaphore_mem>>) src(%dma_wait3A_66 : memref<8192xf32, #tpu.memory_space<hbm>>) dst(%arg11 : memref<8192xf32, #tpu.memory_space<vmem>>)
        %scan3A_67 = arith.constant 0 : i32
        %scan3A_68 = arith.constant 0 : i32
        %scan3A_69 = arith.constant 250 : i32
        %scan3A_70 = arith.addi %scan3A_68, %scan3A_69 : i32
        %scan3A_71 = arith.constant 1 : i32
        %scan3A_72 = scf.for %scan3A_75 = %scan3A_68 to %scan3A_70 step %scan3A_71 iter_args(%scan3A_76 = %scan3A_67) -> (i32)  : i32 {
          %mul3A_77 = arith.constant 16 : i32
          %mul3A_78 = arith.muli %scan3A_75, %mul3A_77 : i32
          %get3A_79 = arith.index_cast %mul3A_78 : i32 to index
          %get3A_80 = tpu.vector_load %arg7[%get3A_79] {strides = array<i32>} : memref<4000xf32, #tpu.memory_space<vmem>>, vector<16xf32>,
          %get3A_81 = arith.index_cast %mul3A_78 : i32 to index
          %get3A_82 = tpu.vector_load %arg8[%get3A_81] {strides = array<i32>} : memref<4000xi32, #tpu.memory_space<vmem>>, vector<16xi32>,
          %sub3A_83 = vector.broadcast %multiple_of3A_53 : i32 to vector<16xi32>
          %sub3A_84 = arith.subi %get3A_82, %sub3A_83 : vector<16xi32>
          %gather3A = tpu.vector_load_idx %arg11[%sub3A_84] : memref<8192xf32, #tpu.memory_space<vmem>>[vector<16xi32>], vector<16xf32>,
          %gather3A_85 = tpu.vector_load_idx %arg12[%sub3A_84] : memref<8192xf32, #tpu.memory_space<vmem>>[vector<16xi32>], vector<16xf32>,
          %ge3A = arith.cmpf oge, %get3A_80, %gather3A : vector<16xf32>
          %mul3A_86 = arith.mulf %get3A_80, %gather3A_85 : vector<16xf32>
          %jit3A_87 = arith.constant 0.000000e+00 : f32
          %broadcast_in_dim3A_88 = vector.broadcast %jit3A_87 : f32 to vector<16xf32>
          %select_n3A_89 = arith.select %ge3A, %mul3A_86, %broadcast_in_dim3A_88 : vector<16xi1>, vector<16xf32>
          %swap3A = arith.index_cast %mul3A_78 : i32 to index
          %swap3A_90 = tpu.vector_load %arg13[%swap3A] {strides = array<i32>} : memref<4000xf32, #tpu.memory_space<vmem>>, vector<16xf32>,
          tpu.vector_store %arg13[%swap3A], %select_n3A_89 {strides = array<i32>} : memref<4000xf32, #tpu.memory_space<vmem>>, vector<16xf32>,
          %scan3A_91 = arith.constant 0 : i32
          scf.yield %scan3A_91 : i32
        }
        %scan3A_73 = arith.constant 250 : i32
        %cond3A_74 = arith.constant 0 : i32
        scf.yield %cond3A_74 : i32
      } else {
        %dma_start3A_63 = arith.constant 0 : i32
        %dma_start3A_64 = tpu.memref_slice %arg9[%dma_start3A_63] : memref<4000xf32, #tpu.memory_space<vmem>> -> memref<80xf32, #tpu.memory_space<vmem>>
        %dma_start3A_65 = arith.constant 0 : i32
        %dma_start3A_66 = tpu.memref_slice %arg8[%dma_start3A_65] : memref<4000xi32, #tpu.memory_space<vmem>> -> memref<80xi32, #tpu.memory_space<vmem>>
        %dma_start3A_67 = arith.constant 0 : i32
        %dma_start3A_68 = tpu.memref_slice %arg4[%dma_start3A_67] : memref<108544xf32, #tpu.memory_space<hbm>> -> memref<108544xf32, #tpu.memory_space<hbm>>
        tpu.enqueue_indirect_dma source(%dma_start3A_68 : memref<108544xf32, #tpu.memory_space<hbm>>) target(%dma_start3A_64 : memref<80xf32, #tpu.memory_space<vmem>>) offsets(%dma_start3A_66 : memref<80xi32, #tpu.memory_space<vmem>>) semaphore(%arg14 : memref<!tpu.dma_semaphore, #tpu.memory_space<semaphore_mem>>)
        %dma_start3A_69 = arith.constant 0 : i32
        %dma_start3A_70 = tpu.memref_slice %arg10[%dma_start3A_69] : memref<4000xf32, #tpu.memory_space<vmem>> -> memref<80xf32, #tpu.memory_space<vmem>>
        %dma_start3A_71 = arith.constant 0 : i32
        %dma_start3A_72 = tpu.memref_slice %arg8[%dma_start3A_71] : memref<4000xi32, #tpu.memory_space<vmem>> -> memref<80xi32, #tpu.memory_space<vmem>>
        %dma_start3A_73 = arith.constant 0 : i32
        %dma_start3A_74 = tpu.memref_slice %arg5[%dma_start3A_73] : memref<108544xf32, #tpu.memory_space<hbm>> -> memref<108544xf32, #tpu.memory_space<hbm>>
        tpu.enqueue_indirect_dma source(%dma_start3A_74 : memref<108544xf32, #tpu.memory_space<hbm>>) target(%dma_start3A_70 : memref<80xf32, #tpu.memory_space<vmem>>) offsets(%dma_start3A_72 : memref<80xi32, #tpu.memory_space<vmem>>) semaphore(%arg14 : memref<!tpu.dma_semaphore, #tpu.memory_space<semaphore_mem>>)
        %dma_start3A_75 = arith.constant 80 : i32
        %dma_start3A_76 = tpu.memref_slice %arg9[%dma_start3A_75] : memref<4000xf32, #tpu.memory_space<vmem>> -> memref<80xf32, #tpu.memory_space<vmem>>
        %dma_start3A_77 = arith.constant 80 : i32
        %dma_start3A_78 = tpu.memref_slice %arg8[%dma_start3A_77] : memref<4000xi32, #tpu.memory_space<vmem>> -> memref<80xi32, #tpu.memory_space<vmem>>
        %dma_start3A_79 = arith.constant 0 : i32
        %dma_start3A_80 = tpu.memref_slice %arg4[%dma_start3A_79] : memref<108544xf32, #tpu.memory_space<hbm>> -> memref<108544xf32, #tpu.memory_space<hbm>>
        tpu.enqueue_indirect_dma source(%dma_start3A_80 : memref<108544xf32, #tpu.memory_space<hbm>>) target(%dma_start3A_76 : memref<80xf32, #tpu.memory_space<vmem>>) offsets(%dma_start3A_78 : memref<80xi32, #tpu.memory_space<vmem>>) semaphore(%arg14 : memref<!tpu.dma_semaphore, #tpu.memory_space<semaphore_mem>>)
        %dma_start3A_81 = arith.constant 80 : i32
        %dma_start3A_82 = tpu.memref_slice %arg10[%dma_start3A_81] : memref<4000xf32, #tpu.memory_space<vmem>> -> memref<80xf32, #tpu.memory_space<vmem>>
        %dma_start3A_83 = arith.constant 80 : i32
        %dma_start3A_84 = tpu.memref_slice %arg8[%dma_start3A_83] : memref<4000xi32, #tpu.memory_space<vmem>> -> memref<80xi32, #tpu.memory_space<vmem>>
        %dma_start3A_85 = arith.constant 0 : i32
        %dma_start3A_86 = tpu.memref_slice %arg5[%dma_start3A_85] : memref<108544xf32, #tpu.memory_space<hbm>> -> memref<108544xf32, #tpu.memory_space<hbm>>
        tpu.enqueue_indirect_dma source(%dma_start3A_86 : memref<108544xf32, #tpu.memory_space<hbm>>) target(%dma_start3A_82 : memref<80xf32, #tpu.memory_space<vmem>>) offsets(%dma_start3A_84 : memref<80xi32, #tpu.memory_space<vmem>>) semaphore(%arg14 : memref<!tpu.dma_semaphore, #tpu.memory_space<semaphore_mem>>)
        %dma_start3A_87 = arith.constant 160 : i32
        %dma_start3A_88 = tpu.memref_slice %arg9[%dma_start3A_87] : memref<4000xf32, #tpu.memory_space<vmem>> -> memref<80xf32, #tpu.memory_space<vmem>>
        %dma_start3A_89 = arith.constant 160 : i32
        %dma_start3A_90 = tpu.memref_slice %arg8[%dma_start3A_89] : memref<4000xi32, #tpu.memory_space<vmem>> -> memref<80xi32, #tpu.memory_space<vmem>>
        %dma_start3A_91 = arith.constant 0 : i32
        %dma_start3A_92 = tpu.memref_slice %arg4[%dma_start3A_91] : memref<108544xf32, #tpu.memory_space<hbm>> -> memref<108544xf32, #tpu.memory_space<hbm>>
        tpu.enqueue_indirect_dma source(%dma_start3A_92 : memref<108544xf32, #tpu.memory_space<hbm>>) target(%dma_start3A_88 : memref<80xf32, #tpu.memory_space<vmem>>) offsets(%dma_start3A_90 : memref<80xi32, #tpu.memory_space<vmem>>) semaphore(%arg14 : memref<!tpu.dma_semaphore, #tpu.memory_space<semaphore_mem>>)
        %dma_start3A_93 = arith.constant 160 : i32
        %dma_start3A_94 = tpu.memref_slice %arg10[%dma_start3A_93] : memref<4000xf32, #tpu.memory_space<vmem>> -> memref<80xf32, #tpu.memory_space<vmem>>
        %dma_start3A_95 = arith.constant 160 : i32
        %dma_start3A_96 = tpu.memref_slice %arg8[%dma_start3A_95] : memref<4000xi32, #tpu.memory_space<vmem>> -> memref<80xi32, #tpu.memory_space<vmem>>
        %dma_start3A_97 = arith.constant 0 : i32
        %dma_start3A_98 = tpu.memref_slice %arg5[%dma_start3A_97] : memref<108544xf32, #tpu.memory_space<hbm>> -> memref<108544xf32, #tpu.memory_space<hbm>>
        tpu.enqueue_indirect_dma source(%dma_start3A_98 : memref<108544xf32, #tpu.memory_space<hbm>>) target(%dma_start3A_94 : memref<80xf32, #tpu.memory_space<vmem>>) offsets(%dma_start3A_96 : memref<80xi32, #tpu.memory_space<vmem>>) semaphore(%arg14 : memref<!tpu.dma_semaphore, #tpu.memory_space<semaphore_mem>>)
        %dma_start3A_99 = arith.constant 240 : i32
        %dma_start3A_100 = tpu.memref_slice %arg9[%dma_start3A_99] : memref<4000xf32, #tpu.memory_space<vmem>> -> memref<80xf32, #tpu.memory_space<vmem>>
        %dma_start3A_101 = arith.constant 240 : i32
        %dma_start3A_102 = tpu.memref_slice %arg8[%dma_start3A_101] : memref<4000xi32, #tpu.memory_space<vmem>> -> memref<80xi32, #tpu.memory_space<vmem>>
        %dma_start3A_103 = arith.constant 0 : i32
        %dma_start3A_104 = tpu.memref_slice %arg4[%dma_start3A_103] : memref<108544xf32, #tpu.memory_space<hbm>> -> memref<108544xf32, #tpu.memory_space<hbm>>
        tpu.enqueue_indirect_dma source(%dma_start3A_104 : memref<108544xf32, #tpu.memory_space<hbm>>) target(%dma_start3A_100 : memref<80xf32, #tpu.memory_space<vmem>>) offsets(%dma_start3A_102 : memref<80xi32, #tpu.memory_space<vmem>>) semaphore(%arg14 : memref<!tpu.dma_semaphore, #tpu.memory_space<semaphore_mem>>)
        %dma_start3A_105 = arith.constant 240 : i32
        %dma_start3A_106 = tpu.memref_slice %arg10[%dma_start3A_105] : memref<4000xf32, #tpu.memory_space<vmem>> -> memref<80xf32, #tpu.memory_space<vmem>>
        %dma_start3A_107 = arith.constant 240 : i32
        %dma_start3A_108 = tpu.memref_slice %arg8[%dma_start3A_107] : memref<4000xi32, #tpu.memory_space<vmem>> -> memref<80xi32, #tpu.memory_space<vmem>>
        %dma_start3A_109 = arith.constant 0 : i32
        %dma_start3A_110 = tpu.memref_slice %arg5[%dma_start3A_109] : memref<108544xf32, #tpu.memory_space<hbm>> -> memref<108544xf32, #tpu.memory_space<hbm>>
        tpu.enqueue_indirect_dma source(%dma_start3A_110 : memref<108544xf32, #tpu.memory_space<hbm>>) target(%dma_start3A_106 : memref<80xf32, #tpu.memory_space<vmem>>) offsets(%dma_start3A_108 : memref<80xi32, #tpu.memory_space<vmem>>) semaphore(%arg14 : memref<!tpu.dma_semaphore, #tpu.memory_space<semaphore_mem>>)
        %dma_start3A_111 = arith.constant 320 : i32
        %dma_start3A_112 = tpu.memref_slice %arg9[%dma_start3A_111] : memref<4000xf32, #tpu.memory_space<vmem>> -> memref<80xf32, #tpu.memory_space<vmem>>
        %dma_start3A_113 = arith.constant 320 : i32
        %dma_start3A_114 = tpu.memref_slice %arg8[%dma_start3A_113] : memref<4000xi32, #tpu.memory_space<vmem>> -> memref<80xi32, #tpu.memory_space<vmem>>
        %dma_start3A_115 = arith.constant 0 : i32
        %dma_start3A_116 = tpu.memref_slice %arg4[%dma_start3A_115] : memref<108544xf32, #tpu.memory_space<hbm>> -> memref<108544xf32, #tpu.memory_space<hbm>>
        tpu.enqueue_indirect_dma source(%dma_start3A_116 : memref<108544xf32, #tpu.memory_space<hbm>>) target(%dma_start3A_112 : memref<80xf32, #tpu.memory_space<vmem>>) offsets(%dma_start3A_114 : memref<80xi32, #tpu.memory_space<vmem>>) semaphore(%arg14 : memref<!tpu.dma_semaphore, #tpu.memory_space<semaphore_mem>>)
        %dma_start3A_117 = arith.constant 320 : i32
        %dma_start3A_118 = tpu.memref_slice %arg10[%dma_start3A_117] : memref<4000xf32, #tpu.memory_space<vmem>> -> memref<80xf32, #tpu.memory_space<vmem>>
        %dma_start3A_119 = arith.constant 320 : i32
        %dma_start3A_120 = tpu.memref_slice %arg8[%dma_start3A_119] : memref<4000xi32, #tpu.memory_space<vmem>> -> memref<80xi32, #tpu.memory_space<vmem>>
        %dma_start3A_121 = arith.constant 0 : i32
        %dma_start3A_122 = tpu.memref_slice %arg5[%dma_start3A_121] : memref<108544xf32, #tpu.memory_space<hbm>> -> memref<108544xf32, #tpu.memory_space<hbm>>
        tpu.enqueue_indirect_dma source(%dma_start3A_122 : memref<108544xf32, #tpu.memory_space<hbm>>) target(%dma_start3A_118 : memref<80xf32, #tpu.memory_space<vmem>>) offsets(%dma_start3A_120 : memref<80xi32, #tpu.memory_space<vmem>>) semaphore(%arg14 : memref<!tpu.dma_semaphore, #tpu.memory_space<semaphore_mem>>)
        %dma_start3A_123 = arith.constant 400 : i32
        %dma_start3A_124 = tpu.memref_slice %arg9[%dma_start3A_123] : memref<4000xf32, #tpu.memory_space<vmem>> -> memref<80xf32, #tpu.memory_space<vmem>>
        %dma_start3A_125 = arith.constant 400 : i32
        %dma_start3A_126 = tpu.memref_slice %arg8[%dma_start3A_125] : memref<4000xi32, #tpu.memory_space<vmem>> -> memref<80xi32, #tpu.memory_space<vmem>>
        %dma_start3A_127 = arith.constant 0 : i32
        %dma_start3A_128 = tpu.memref_slice %arg4[%dma_start3A_127] : memref<108544xf32, #tpu.memory_space<hbm>> -> memref<108544xf32, #tpu.memory_space<hbm>>
        tpu.enqueue_indirect_dma source(%dma_start3A_128 : memref<108544xf32, #tpu.memory_space<hbm>>) target(%dma_start3A_124 : memref<80xf32, #tpu.memory_space<vmem>>) offsets(%dma_start3A_126 : memref<80xi32, #tpu.memory_space<vmem>>) semaphore(%arg14 : memref<!tpu.dma_semaphore, #tpu.memory_space<semaphore_mem>>)
        %dma_start3A_129 = arith.constant 400 : i32
        %dma_start3A_130 = tpu.memref_slice %arg10[%dma_start3A_129] : memref<4000xf32, #tpu.memory_space<vmem>> -> memref<80xf32, #tpu.memory_space<vmem>>
        %dma_start3A_131 = arith.constant 400 : i32
        %dma_start3A_132 = tpu.memref_slice %arg8[%dma_start3A_131] : memref<4000xi32, #tpu.memory_space<vmem>> -> memref<80xi32, #tpu.memory_space<vmem>>
        %dma_start3A_133 = arith.constant 0 : i32
        %dma_start3A_134 = tpu.memref_slice %arg5[%dma_start3A_133] : memref<108544xf32, #tpu.memory_space<hbm>> -> memref<108544xf32, #tpu.memory_space<hbm>>
        tpu.enqueue_indirect_dma source(%dma_start3A_134 : memref<108544xf32, #tpu.memory_space<hbm>>) target(%dma_start3A_130 : memref<80xf32, #tpu.memory_space<vmem>>) offsets(%dma_start3A_132 : memref<80xi32, #tpu.memory_space<vmem>>) semaphore(%arg14 : memref<!tpu.dma_semaphore, #tpu.memory_space<semaphore_mem>>)
        %dma_start3A_135 = arith.constant 480 : i32
        %dma_start3A_136 = tpu.memref_slice %arg9[%dma_start3A_135] : memref<4000xf32, #tpu.memory_space<vmem>> -> memref<80xf32, #tpu.memory_space<vmem>>
        %dma_start3A_137 = arith.constant 480 : i32
        %dma_start3A_138 = tpu.memref_slice %arg8[%dma_start3A_137] : memref<4000xi32, #tpu.memory_space<vmem>> -> memref<80xi32, #tpu.memory_space<vmem>>
        %dma_start3A_139 = arith.constant 0 : i32
        %dma_start3A_140 = tpu.memref_slice %arg4[%dma_start3A_139] : memref<108544xf32, #tpu.memory_space<hbm>> -> memref<108544xf32, #tpu.memory_space<hbm>>
        tpu.enqueue_indirect_dma source(%dma_start3A_140 : memref<108544xf32, #tpu.memory_space<hbm>>) target(%dma_start3A_136 : memref<80xf32, #tpu.memory_space<vmem>>) offsets(%dma_start3A_138 : memref<80xi32, #tpu.memory_space<vmem>>) semaphore(%arg14 : memref<!tpu.dma_semaphore, #tpu.memory_space<semaphore_mem>>)
        %dma_start3A_141 = arith.constant 480 : i32
        %dma_start3A_142 = tpu.memref_slice %arg10[%dma_start3A_141] : memref<4000xf32, #tpu.memory_space<vmem>> -> memref<80xf32, #tpu.memory_space<vmem>>
        %dma_start3A_143 = arith.constant 480 : i32
        %dma_start3A_144 = tpu.memref_slice %arg8[%dma_start3A_143] : memref<4000xi32, #tpu.memory_space<vmem>> -> memref<80xi32, #tpu.memory_space<vmem>>
        %dma_start3A_145 = arith.constant 0 : i32
        %dma_start3A_146 = tpu.memref_slice %arg5[%dma_start3A_145] : memref<108544xf32, #tpu.memory_space<hbm>> -> memref<108544xf32, #tpu.memory_space<hbm>>
        tpu.enqueue_indirect_dma source(%dma_start3A_146 : memref<108544xf32, #tpu.memory_space<hbm>>) target(%dma_start3A_142 : memref<80xf32, #tpu.memory_space<vmem>>) offsets(%dma_start3A_144 : memref<80xi32, #tpu.memory_space<vmem>>) semaphore(%arg14 : memref<!tpu.dma_semaphore, #tpu.memory_space<semaphore_mem>>)
        %dma_start3A_147 = arith.constant 560 : i32
        %dma_start3A_148 = tpu.memref_slice %arg9[%dma_start3A_147] : memref<4000xf32, #tpu.memory_space<vmem>> -> memref<80xf32, #tpu.memory_space<vmem>>
        %dma_start3A_149 = arith.constant 560 : i32
        %dma_start3A_150 = tpu.memref_slice %arg8[%dma_start3A_149] : memref<4000xi32, #tpu.memory_space<vmem>> -> memref<80xi32, #tpu.memory_space<vmem>>
        %dma_start3A_151 = arith.constant 0 : i32
        %dma_start3A_152 = tpu.memref_slice %arg4[%dma_start3A_151] : memref<108544xf32, #tpu.memory_space<hbm>> -> memref<108544xf32, #tpu.memory_space<hbm>>
        tpu.enqueue_indirect_dma source(%dma_start3A_152 : memref<108544xf32, #tpu.memory_space<hbm>>) target(%dma_start3A_148 : memref<80xf32, #tpu.memory_space<vmem>>) offsets(%dma_start3A_150 : memref<80xi32, #tpu.memory_space<vmem>>) semaphore(%arg14 : memref<!tpu.dma_semaphore, #tpu.memory_space<semaphore_mem>>)
        %dma_start3A_153 = arith.constant 560 : i32
        %dma_start3A_154 = tpu.memref_slice %arg10[%dma_start3A_153] : memref<4000xf32, #tpu.memory_space<vmem>> -> memref<80xf32, #tpu.memory_space<vmem>>
        %dma_start3A_155 = arith.constant 560 : i32
        %dma_start3A_156 = tpu.memref_slice %arg8[%dma_start3A_155] : memref<4000xi32, #tpu.memory_space<vmem>> -> memref<80xi32, #tpu.memory_space<vmem>>
        %dma_start3A_157 = arith.constant 0 : i32
        %dma_start3A_158 = tpu.memref_slice %arg5[%dma_start3A_157] : memref<108544xf32, #tpu.memory_space<hbm>> -> memref<108544xf32, #tpu.memory_space<hbm>>
        tpu.enqueue_indirect_dma source(%dma_start3A_158 : memref<108544xf32, #tpu.memory_space<hbm>>) target(%dma_start3A_154 : memref<80xf32, #tpu.memory_space<vmem>>) offsets(%dma_start3A_156 : memref<80xi32, #tpu.memory_space<vmem>>) semaphore(%arg14 : memref<!tpu.dma_semaphore, #tpu.memory_space<semaphore_mem>>)
        %dma_wait3A_159 = arith.constant 0 : i32
        %dma_wait3A_160 = tpu.memref_slice %arg9[%dma_wait3A_159] : memref<4000xf32, #tpu.memory_space<vmem>> -> memref<80xf32, #tpu.memory_space<vmem>>
        %dma_wait3A_161 = arith.constant 0 : i32
        %dma_wait3A_162 = tpu.memref_slice %arg8[%dma_wait3A_161] : memref<4000xi32, #tpu.memory_space<vmem>> -> memref<80xi32, #tpu.memory_space<vmem>>
        %dma_wait3A_163 = arith.constant 0 : i32
        %dma_wait3A_164 = tpu.memref_slice %arg4[%dma_wait3A_163] : memref<108544xf32, #tpu.memory_space<hbm>> -> memref<108544xf32, #tpu.memory_space<hbm>>
        tpu.wait_indirect_dma semaphore(%arg14 : memref<!tpu.dma_semaphore, #tpu.memory_space<semaphore_mem>>) src(%dma_wait3A_164 : memref<108544xf32, #tpu.memory_space<hbm>>) dst(%dma_wait3A_160 : memref<80xf32, #tpu.memory_space<vmem>>)
        %dma_wait3A_165 = arith.constant 0 : i32
        %dma_wait3A_166 = tpu.memref_slice %arg10[%dma_wait3A_165] : memref<4000xf32, #tpu.memory_space<vmem>> -> memref<80xf32, #tpu.memory_space<vmem>>
        %dma_wait3A_167 = arith.constant 0 : i32
        %dma_wait3A_168 = tpu.memref_slice %arg8[%dma_wait3A_167] : memref<4000xi32, #tpu.memory_space<vmem>> -> memref<80xi32, #tpu.memory_space<vmem>>
        %dma_wait3A_169 = arith.constant 0 : i32
        %dma_wait3A_170 = tpu.memref_slice %arg5[%dma_wait3A_169] : memref<108544xf32, #tpu.memory_space<hbm>> -> memref<108544xf32, #tpu.memory_space<hbm>>
        tpu.wait_indirect_dma semaphore(%arg14 : memref<!tpu.dma_semaphore, #tpu.memory_space<semaphore_mem>>) src(%dma_wait3A_170 : memref<108544xf32, #tpu.memory_space<hbm>>) dst(%dma_wait3A_166 : memref<80xf32, #tpu.memory_space<vmem>>)
        %dma_wait3A_171 = arith.constant 80 : i32
        %dma_wait3A_172 = tpu.memref_slice %arg9[%dma_wait3A_171] : memref<4000xf32, #tpu.memory_space<vmem>> -> memref<80xf32, #tpu.memory_space<vmem>>
        %dma_wait3A_173 = arith.constant 80 : i32
        %dma_wait3A_174 = tpu.memref_slice %arg8[%dma_wait3A_173] : memref<4000xi32, #tpu.memory_space<vmem>> -> memref<80xi32, #tpu.memory_space<vmem>>
        %dma_wait3A_175 = arith.constant 0 : i32
        %dma_wait3A_176 = tpu.memref_slice %arg4[%dma_wait3A_175] : memref<108544xf32, #tpu.memory_space<hbm>> -> memref<108544xf32, #tpu.memory_space<hbm>>
        tpu.wait_indirect_dma semaphore(%arg14 : memref<!tpu.dma_semaphore, #tpu.memory_space<semaphore_mem>>) src(%dma_wait3A_176 : memref<108544xf32, #tpu.memory_space<hbm>>) dst(%dma_wait3A_172 : memref<80xf32, #tpu.memory_space<vmem>>)
        %dma_wait3A_177 = arith.constant 80 : i32
        %dma_wait3A_178 = tpu.memref_slice %arg10[%dma_wait3A_177] : memref<4000xf32, #tpu.memory_space<vmem>> -> memref<80xf32, #tpu.memory_space<vmem>>
        %dma_wait3A_179 = arith.constant 80 : i32
        %dma_wait3A_180 = tpu.memref_slice %arg8[%dma_wait3A_179] : memref<4000xi32, #tpu.memory_space<vmem>> -> memref<80xi32, #tpu.memory_space<vmem>>
        %dma_wait3A_181 = arith.constant 0 : i32
        %dma_wait3A_182 = tpu.memref_slice %arg5[%dma_wait3A_181] : memref<108544xf32, #tpu.memory_space<hbm>> -> memref<108544xf32, #tpu.memory_space<hbm>>
        tpu.wait_indirect_dma semaphore(%arg14 : memref<!tpu.dma_semaphore, #tpu.memory_space<semaphore_mem>>) src(%dma_wait3A_182 : memref<108544xf32, #tpu.memory_space<hbm>>) dst(%dma_wait3A_178 : memref<80xf32, #tpu.memory_space<vmem>>)
        %dma_wait3A_183 = arith.constant 160 : i32
        %dma_wait3A_184 = tpu.memref_slice %arg9[%dma_wait3A_183] : memref<4000xf32, #tpu.memory_space<vmem>> -> memref<80xf32, #tpu.memory_space<vmem>>
        %dma_wait3A_185 = arith.constant 160 : i32
        %dma_wait3A_186 = tpu.memref_slice %arg8[%dma_wait3A_185] : memref<4000xi32, #tpu.memory_space<vmem>> -> memref<80xi32, #tpu.memory_space<vmem>>
        %dma_wait3A_187 = arith.constant 0 : i32
        %dma_wait3A_188 = tpu.memref_slice %arg4[%dma_wait3A_187] : memref<108544xf32, #tpu.memory_space<hbm>> -> memref<108544xf32, #tpu.memory_space<hbm>>
        tpu.wait_indirect_dma semaphore(%arg14 : memref<!tpu.dma_semaphore, #tpu.memory_space<semaphore_mem>>) src(%dma_wait3A_188 : memref<108544xf32, #tpu.memory_space<hbm>>) dst(%dma_wait3A_184 : memref<80xf32, #tpu.memory_space<vmem>>)
        %dma_wait3A_189 = arith.constant 160 : i32
        %dma_wait3A_190 = tpu.memref_slice %arg10[%dma_wait3A_189] : memref<4000xf32, #tpu.memory_space<vmem>> -> memref<80xf32, #tpu.memory_space<vmem>>
        %dma_wait3A_191 = arith.constant 160 : i32
        %dma_wait3A_192 = tpu.memref_slice %arg8[%dma_wait3A_191] : memref<4000xi32, #tpu.memory_space<vmem>> -> memref<80xi32, #tpu.memory_space<vmem>>
        %dma_wait3A_193 = arith.constant 0 : i32
        %dma_wait3A_194 = tpu.memref_slice %arg5[%dma_wait3A_193] : memref<108544xf32, #tpu.memory_space<hbm>> -> memref<108544xf32, #tpu.memory_space<hbm>>
        tpu.wait_indirect_dma semaphore(%arg14 : memref<!tpu.dma_semaphore, #tpu.memory_space<semaphore_mem>>) src(%dma_wait3A_194 : memref<108544xf32, #tpu.memory_space<hbm>>) dst(%dma_wait3A_190 : memref<80xf32, #tpu.memory_space<vmem>>)
        %dma_wait3A_195 = arith.constant 240 : i32
        %dma_wait3A_196 = tpu.memref_slice %arg9[%dma_wait3A_195] : memref<4000xf32, #tpu.memory_space<vmem>> -> memref<80xf32, #tpu.memory_space<vmem>>
        %dma_wait3A_197 = arith.constant 240 : i32
        %dma_wait3A_198 = tpu.memref_slice %arg8[%dma_wait3A_197] : memref<4000xi32, #tpu.memory_space<vmem>> -> memref<80xi32, #tpu.memory_space<vmem>>
        %dma_wait3A_199 = arith.constant 0 : i32
        %dma_wait3A_200 = tpu.memref_slice %arg4[%dma_wait3A_199] : memref<108544xf32, #tpu.memory_space<hbm>> -> memref<108544xf32, #tpu.memory_space<hbm>>
        tpu.wait_indirect_dma semaphore(%arg14 : memref<!tpu.dma_semaphore, #tpu.memory_space<semaphore_mem>>) src(%dma_wait3A_200 : memref<108544xf32, #tpu.memory_space<hbm>>) dst(%dma_wait3A_196 : memref<80xf32, #tpu.memory_space<vmem>>)
        %dma_wait3A_201 = arith.constant 240 : i32
        %dma_wait3A_202 = tpu.memref_slice %arg10[%dma_wait3A_201] : memref<4000xf32, #tpu.memory_space<vmem>> -> memref<80xf32, #tpu.memory_space<vmem>>
        %dma_wait3A_203 = arith.constant 240 : i32
        %dma_wait3A_204 = tpu.memref_slice %arg8[%dma_wait3A_203] : memref<4000xi32, #tpu.memory_space<vmem>> -> memref<80xi32, #tpu.memory_space<vmem>>
        %dma_wait3A_205 = arith.constant 0 : i32
        %dma_wait3A_206 = tpu.memref_slice %arg5[%dma_wait3A_205] : memref<108544xf32, #tpu.memory_space<hbm>> -> memref<108544xf32, #tpu.memory_space<hbm>>
        tpu.wait_indirect_dma semaphore(%arg14 : memref<!tpu.dma_semaphore, #tpu.memory_space<semaphore_mem>>) src(%dma_wait3A_206 : memref<108544xf32, #tpu.memory_space<hbm>>) dst(%dma_wait3A_202 : memref<80xf32, #tpu.memory_space<vmem>>)
        %dma_wait3A_207 = arith.constant 320 : i32
        %dma_wait3A_208 = tpu.memref_slice %arg9[%dma_wait3A_207] : memref<4000xf32, #tpu.memory_space<vmem>> -> memref<80xf32, #tpu.memory_space<vmem>>
        %dma_wait3A_209 = arith.constant 320 : i32
        %dma_wait3A_210 = tpu.memref_slice %arg8[%dma_wait3A_209] : memref<4000xi32, #tpu.memory_space<vmem>> -> memref<80xi32, #tpu.memory_space<vmem>>
        %dma_wait3A_211 = arith.constant 0 : i32
        %dma_wait3A_212 = tpu.memref_slice %arg4[%dma_wait3A_211] : memref<108544xf32, #tpu.memory_space<hbm>> -> memref<108544xf32, #tpu.memory_space<hbm>>
        tpu.wait_indirect_dma semaphore(%arg14 : memref<!tpu.dma_semaphore, #tpu.memory_space<semaphore_mem>>) src(%dma_wait3A_212 : memref<108544xf32, #tpu.memory_space<hbm>>) dst(%dma_wait3A_208 : memref<80xf32, #tpu.memory_space<vmem>>)
        %dma_wait3A_213 = arith.constant 320 : i32
        %dma_wait3A_214 = tpu.memref_slice %arg10[%dma_wait3A_213] : memref<4000xf32, #tpu.memory_space<vmem>> -> memref<80xf32, #tpu.memory_space<vmem>>
        %dma_wait3A_215 = arith.constant 320 : i32
        %dma_wait3A_216 = tpu.memref_slice %arg8[%dma_wait3A_215] : memref<4000xi32, #tpu.memory_space<vmem>> -> memref<80xi32, #tpu.memory_space<vmem>>
        %dma_wait3A_217 = arith.constant 0 : i32
        %dma_wait3A_218 = tpu.memref_slice %arg5[%dma_wait3A_217] : memref<108544xf32, #tpu.memory_space<hbm>> -> memref<108544xf32, #tpu.memory_space<hbm>>
        tpu.wait_indirect_dma semaphore(%arg14 : memref<!tpu.dma_semaphore, #tpu.memory_space<semaphore_mem>>) src(%dma_wait3A_218 : memref<108544xf32, #tpu.memory_space<hbm>>) dst(%dma_wait3A_214 : memref<80xf32, #tpu.memory_space<vmem>>)
        %dma_wait3A_219 = arith.constant 400 : i32
        %dma_wait3A_220 = tpu.memref_slice %arg9[%dma_wait3A_219] : memref<4000xf32, #tpu.memory_space<vmem>> -> memref<80xf32, #tpu.memory_space<vmem>>
        %dma_wait3A_221 = arith.constant 400 : i32
        %dma_wait3A_222 = tpu.memref_slice %arg8[%dma_wait3A_221] : memref<4000xi32, #tpu.memory_space<vmem>> -> memref<80xi32, #tpu.memory_space<vmem>>
        %dma_wait3A_223 = arith.constant 0 : i32
        %dma_wait3A_224 = tpu.memref_slice %arg4[%dma_wait3A_223] : memref<108544xf32, #tpu.memory_space<hbm>> -> memref<108544xf32, #tpu.memory_space<hbm>>
        tpu.wait_indirect_dma semaphore(%arg14 : memref<!tpu.dma_semaphore, #tpu.memory_space<semaphore_mem>>) src(%dma_wait3A_224 : memref<108544xf32, #tpu.memory_space<hbm>>) dst(%dma_wait3A_220 : memref<80xf32, #tpu.memory_space<vmem>>)
        %dma_wait3A_225 = arith.constant 400 : i32
        %dma_wait3A_226 = tpu.memref_slice %arg10[%dma_wait3A_225] : memref<4000xf32, #tpu.memory_space<vmem>> -> memref<80xf32, #tpu.memory_space<vmem>>
        %dma_wait3A_227 = arith.constant 400 : i32
        %dma_wait3A_228 = tpu.memref_slice %arg8[%dma_wait3A_227] : memref<4000xi32, #tpu.memory_space<vmem>> -> memref<80xi32, #tpu.memory_space<vmem>>
        %dma_wait3A_229 = arith.constant 0 : i32
        %dma_wait3A_230 = tpu.memref_slice %arg5[%dma_wait3A_229] : memref<108544xf32, #tpu.memory_space<hbm>> -> memref<108544xf32, #tpu.memory_space<hbm>>
        tpu.wait_indirect_dma semaphore(%arg14 : memref<!tpu.dma_semaphore, #tpu.memory_space<semaphore_mem>>) src(%dma_wait3A_230 : memref<108544xf32, #tpu.memory_space<hbm>>) dst(%dma_wait3A_226 : memref<80xf32, #tpu.memory_space<vmem>>)
        %dma_wait3A_231 = arith.constant 480 : i32
        %dma_wait3A_232 = tpu.memref_slice %arg9[%dma_wait3A_231] : memref<4000xf32, #tpu.memory_space<vmem>> -> memref<80xf32, #tpu.memory_space<vmem>>
        %dma_wait3A_233 = arith.constant 480 : i32
        %dma_wait3A_234 = tpu.memref_slice %arg8[%dma_wait3A_233] : memref<4000xi32, #tpu.memory_space<vmem>> -> memref<80xi32, #tpu.memory_space<vmem>>
        %dma_wait3A_235 = arith.constant 0 : i32
        %dma_wait3A_236 = tpu.memref_slice %arg4[%dma_wait3A_235] : memref<108544xf32, #tpu.memory_space<hbm>> -> memref<108544xf32, #tpu.memory_space<hbm>>
        tpu.wait_indirect_dma semaphore(%arg14 : memref<!tpu.dma_semaphore, #tpu.memory_space<semaphore_mem>>) src(%dma_wait3A_236 : memref<108544xf32, #tpu.memory_space<hbm>>) dst(%dma_wait3A_232 : memref<80xf32, #tpu.memory_space<vmem>>)
        %dma_wait3A_237 = arith.constant 480 : i32
        %dma_wait3A_238 = tpu.memref_slice %arg10[%dma_wait3A_237] : memref<4000xf32, #tpu.memory_space<vmem>> -> memref<80xf32, #tpu.memory_space<vmem>>
        %dma_wait3A_239 = arith.constant 480 : i32
        %dma_wait3A_240 = tpu.memref_slice %arg8[%dma_wait3A_239] : memref<4000xi32, #tpu.memory_space<vmem>> -> memref<80xi32, #tpu.memory_space<vmem>>
        %dma_wait3A_241 = arith.constant 0 : i32
        %dma_wait3A_242 = tpu.memref_slice %arg5[%dma_wait3A_241] : memref<108544xf32, #tpu.memory_space<hbm>> -> memref<108544xf32, #tpu.memory_space<hbm>>
        tpu.wait_indirect_dma semaphore(%arg14 : memref<!tpu.dma_semaphore, #tpu.memory_space<semaphore_mem>>) src(%dma_wait3A_242 : memref<108544xf32, #tpu.memory_space<hbm>>) dst(%dma_wait3A_238 : memref<80xf32, #tpu.memory_space<vmem>>)
        %dma_wait3A_243 = arith.constant 560 : i32
        %dma_wait3A_244 = tpu.memref_slice %arg9[%dma_wait3A_243] : memref<4000xf32, #tpu.memory_space<vmem>> -> memref<80xf32, #tpu.memory_space<vmem>>
        %dma_wait3A_245 = arith.constant 560 : i32
        %dma_wait3A_246 = tpu.memref_slice %arg8[%dma_wait3A_245] : memref<4000xi32, #tpu.memory_space<vmem>> -> memref<80xi32, #tpu.memory_space<vmem>>
        %dma_wait3A_247 = arith.constant 0 : i32
        %dma_wait3A_248 = tpu.memref_slice %arg4[%dma_wait3A_247] : memref<108544xf32, #tpu.memory_space<hbm>> -> memref<108544xf32, #tpu.memory_space<hbm>>
        tpu.wait_indirect_dma semaphore(%arg14 : memref<!tpu.dma_semaphore, #tpu.memory_space<semaphore_mem>>) src(%dma_wait3A_248 : memref<108544xf32, #tpu.memory_space<hbm>>) dst(%dma_wait3A_244 : memref<80xf32, #tpu.memory_space<vmem>>)
        %dma_wait3A_249 = arith.constant 560 : i32
        %dma_wait3A_250 = tpu.memref_slice %arg10[%dma_wait3A_249] : memref<4000xf32, #tpu.memory_space<vmem>> -> memref<80xf32, #tpu.memory_space<vmem>>
        %dma_wait3A_251 = arith.constant 560 : i32
        %dma_wait3A_252 = tpu.memref_slice %arg8[%dma_wait3A_251] : memref<4000xi32, #tpu.memory_space<vmem>> -> memref<80xi32, #tpu.memory_space<vmem>>
        %dma_wait3A_253 = arith.constant 0 : i32
        %dma_wait3A_254 = tpu.memref_slice %arg5[%dma_wait3A_253] : memref<108544xf32, #tpu.memory_space<hbm>> -> memref<108544xf32, #tpu.memory_space<hbm>>
        tpu.wait_indirect_dma semaphore(%arg14 : memref<!tpu.dma_semaphore, #tpu.memory_space<semaphore_mem>>) src(%dma_wait3A_254 : memref<108544xf32, #tpu.memory_space<hbm>>) dst(%dma_wait3A_250 : memref<80xf32, #tpu.memory_space<vmem>>)
        %dma_start3A_255 = arith.constant 640 : i32
        %dma_start3A_256 = tpu.memref_slice %arg9[%dma_start3A_255] : memref<4000xf32, #tpu.memory_space<vmem>> -> memref<80xf32, #tpu.memory_space<vmem>>
        %dma_start3A_257 = arith.constant 640 : i32
        %dma_start3A_258 = tpu.memref_slice %arg8[%dma_start3A_257] : memref<4000xi32, #tpu.memory_space<vmem>> -> memref<80xi32, #tpu.memory_space<vmem>>
        %dma_start3A_259 = arith.constant 0 : i32
        %dma_start3A_260 = tpu.memref_slice %arg4[%dma_start3A_259] : memref<108544xf32, #tpu.memory_space<hbm>> -> memref<108544xf32, #tpu.memory_space<hbm>>
        tpu.enqueue_indirect_dma source(%dma_start3A_260 : memref<108544xf32, #tpu.memory_space<hbm>>) target(%dma_start3A_256 : memref<80xf32, #tpu.memory_space<vmem>>) offsets(%dma_start3A_258 : memref<80xi32, #tpu.memory_space<vmem>>) semaphore(%arg14 : memref<!tpu.dma_semaphore, #tpu.memory_space<semaphore_mem>>)
        %dma_start3A_261 = arith.constant 640 : i32
        %dma_start3A_262 = tpu.memref_slice %arg10[%dma_start3A_261] : memref<4000xf32, #tpu.memory_space<vmem>> -> memref<80xf32, #tpu.memory_space<vmem>>
        %dma_start3A_263 = arith.constant 640 : i32
        %dma_start3A_264 = tpu.memref_slice %arg8[%dma_start3A_263] : memref<4000xi32, #tpu.memory_space<vmem>> -> memref<80xi32, #tpu.memory_space<vmem>>
        %dma_start3A_265 = arith.constant 0 : i32
        %dma_start3A_266 = tpu.memref_slice %arg5[%dma_start3A_265] : memref<108544xf32, #tpu.memory_space<hbm>> -> memref<108544xf32, #tpu.memory_space<hbm>>
        tpu.enqueue_indirect_dma source(%dma_start3A_266 : memref<108544xf32, #tpu.memory_space<hbm>>) target(%dma_start3A_262 : memref<80xf32, #tpu.memory_space<vmem>>) offsets(%dma_start3A_264 : memref<80xi32, #tpu.memory_space<vmem>>) semaphore(%arg14 : memref<!tpu.dma_semaphore, #tpu.memory_space<semaphore_mem>>)
        %dma_start3A_267 = arith.constant 720 : i32
        %dma_start3A_268 = tpu.memref_slice %arg9[%dma_start3A_267] : memref<4000xf32, #tpu.memory_space<vmem>> -> memref<80xf32, #tpu.memory_space<vmem>>
        %dma_start3A_269 = arith.constant 720 : i32
        %dma_start3A_270 = tpu.memref_slice %arg8[%dma_start3A_269] : memref<4000xi32, #tpu.memory_space<vmem>> -> memref<80xi32, #tpu.memory_space<vmem>>
        %dma_start3A_271 = arith.constant 0 : i32
        %dma_start3A_272 = tpu.memref_slice %arg4[%dma_start3A_271] : memref<108544xf32, #tpu.memory_space<hbm>> -> memref<108544xf32, #tpu.memory_space<hbm>>
        tpu.enqueue_indirect_dma source(%dma_start3A_272 : memref<108544xf32, #tpu.memory_space<hbm>>) target(%dma_start3A_268 : memref<80xf32, #tpu.memory_space<vmem>>) offsets(%dma_start3A_270 : memref<80xi32, #tpu.memory_space<vmem>>) semaphore(%arg14 : memref<!tpu.dma_semaphore, #tpu.memory_space<semaphore_mem>>)
        %dma_start3A_273 = arith.constant 720 : i32
        %dma_start3A_274 = tpu.memref_slice %arg10[%dma_start3A_273] : memref<4000xf32, #tpu.memory_space<vmem>> -> memref<80xf32, #tpu.memory_space<vmem>>
        %dma_start3A_275 = arith.constant 720 : i32
        %dma_start3A_276 = tpu.memref_slice %arg8[%dma_start3A_275] : memref<4000xi32, #tpu.memory_space<vmem>> -> memref<80xi32, #tpu.memory_space<vmem>>
        %dma_start3A_277 = arith.constant 0 : i32
        %dma_start3A_278 = tpu.memref_slice %arg5[%dma_start3A_277] : memref<108544xf32, #tpu.memory_space<hbm>> -> memref<108544xf32, #tpu.memory_space<hbm>>
        tpu.enqueue_indirect_dma source(%dma_start3A_278 : memref<108544xf32, #tpu.memory_space<hbm>>) target(%dma_start3A_274 : memref<80xf32, #tpu.memory_space<vmem>>) offsets(%dma_start3A_276 : memref<80xi32, #tpu.memory_space<vmem>>) semaphore(%arg14 : memref<!tpu.dma_semaphore, #tpu.memory_space<semaphore_mem>>)
        %dma_start3A_279 = arith.constant 800 : i32
        %dma_start3A_280 = tpu.memref_slice %arg9[%dma_start3A_279] : memref<4000xf32, #tpu.memory_space<vmem>> -> memref<80xf32, #tpu.memory_space<vmem>>
        %dma_start3A_281 = arith.constant 800 : i32
        %dma_start3A_282 = tpu.memref_slice %arg8[%dma_start3A_281] : memref<4000xi32, #tpu.memory_space<vmem>> -> memref<80xi32, #tpu.memory_space<vmem>>
        %dma_start3A_283 = arith.constant 0 : i32
        %dma_start3A_284 = tpu.memref_slice %arg4[%dma_start3A_283] : memref<108544xf32, #tpu.memory_space<hbm>> -> memref<108544xf32, #tpu.memory_space<hbm>>
        tpu.enqueue_indirect_dma source(%dma_start3A_284 : memref<108544xf32, #tpu.memory_space<hbm>>) target(%dma_start3A_280 : memref<80xf32, #tpu.memory_space<vmem>>) offsets(%dma_start3A_282 : memref<80xi32, #tpu.memory_space<vmem>>) semaphore(%arg14 : memref<!tpu.dma_semaphore, #tpu.memory_space<semaphore_mem>>)
        %dma_start3A_285 = arith.constant 800 : i32
        %dma_start3A_286 = tpu.memref_slice %arg10[%dma_start3A_285] : memref<4000xf32, #tpu.memory_space<vmem>> -> memref<80xf32, #tpu.memory_space<vmem>>
        %dma_start3A_287 = arith.constant 800 : i32
        %dma_start3A_288 = tpu.memref_slice %arg8[%dma_start3A_287] : memref<4000xi32, #tpu.memory_space<vmem>> -> memref<80xi32, #tpu.memory_space<vmem>>
        %dma_start3A_289 = arith.constant 0 : i32
        %dma_start3A_290 = tpu.memref_slice %arg5[%dma_start3A_289] : memref<108544xf32, #tpu.memory_space<hbm>> -> memref<108544xf32, #tpu.memory_space<hbm>>
        tpu.enqueue_indirect_dma source(%dma_start3A_290 : memref<108544xf32, #tpu.memory_space<hbm>>) target(%dma_start3A_286 : memref<80xf32, #tpu.memory_space<vmem>>) offsets(%dma_start3A_288 : memref<80xi32, #tpu.memory_space<vmem>>) semaphore(%arg14 : memref<!tpu.dma_semaphore, #tpu.memory_space<semaphore_mem>>)
        %dma_start3A_291 = arith.constant 880 : i32
        %dma_start3A_292 = tpu.memref_slice %arg9[%dma_start3A_291] : memref<4000xf32, #tpu.memory_space<vmem>> -> memref<80xf32, #tpu.memory_space<vmem>>
        %dma_start3A_293 = arith.constant 880 : i32
        %dma_start3A_294 = tpu.memref_slice %arg8[%dma_start3A_293] : memref<4000xi32, #tpu.memory_space<vmem>> -> memref<80xi32, #tpu.memory_space<vmem>>
        %dma_start3A_295 = arith.constant 0 : i32
        %dma_start3A_296 = tpu.memref_slice %arg4[%dma_start3A_295] : memref<108544xf32, #tpu.memory_space<hbm>> -> memref<108544xf32, #tpu.memory_space<hbm>>
        tpu.enqueue_indirect_dma source(%dma_start3A_296 : memref<108544xf32, #tpu.memory_space<hbm>>) target(%dma_start3A_292 : memref<80xf32, #tpu.memory_space<vmem>>) offsets(%dma_start3A_294 : memref<80xi32, #tpu.memory_space<vmem>>) semaphore(%arg14 : memref<!tpu.dma_semaphore, #tpu.memory_space<semaphore_mem>>)
        %dma_start3A_297 = arith.constant 880 : i32
        %dma_start3A_298 = tpu.memref_slice %arg10[%dma_start3A_297] : memref<4000xf32, #tpu.memory_space<vmem>> -> memref<80xf32, #tpu.memory_space<vmem>>
        %dma_start3A_299 = arith.constant 880 : i32
        %dma_start3A_300 = tpu.memref_slice %arg8[%dma_start3A_299] : memref<4000xi32, #tpu.memory_space<vmem>> -> memref<80xi32, #tpu.memory_space<vmem>>
        %dma_start3A_301 = arith.constant 0 : i32
        %dma_start3A_302 = tpu.memref_slice %arg5[%dma_start3A_301] : memref<108544xf32, #tpu.memory_space<hbm>> -> memref<108544xf32, #tpu.memory_space<hbm>>
        tpu.enqueue_indirect_dma source(%dma_start3A_302 : memref<108544xf32, #tpu.memory_space<hbm>>) target(%dma_start3A_298 : memref<80xf32, #tpu.memory_space<vmem>>) offsets(%dma_start3A_300 : memref<80xi32, #tpu.memory_space<vmem>>) semaphore(%arg14 : memref<!tpu.dma_semaphore, #tpu.memory_space<semaphore_mem>>)
        %dma_start3A_303 = arith.constant 960 : i32
        %dma_start3A_304 = tpu.memref_slice %arg9[%dma_start3A_303] : memref<4000xf32, #tpu.memory_space<vmem>> -> memref<80xf32, #tpu.memory_space<vmem>>
        %dma_start3A_305 = arith.constant 960 : i32
        %dma_start3A_306 = tpu.memref_slice %arg8[%dma_start3A_305] : memref<4000xi32, #tpu.memory_space<vmem>> -> memref<80xi32, #tpu.memory_space<vmem>>
        %dma_start3A_307 = arith.constant 0 : i32
        %dma_start3A_308 = tpu.memref_slice %arg4[%dma_start3A_307] : memref<108544xf32, #tpu.memory_space<hbm>> -> memref<108544xf32, #tpu.memory_space<hbm>>
        tpu.enqueue_indirect_dma source(%dma_start3A_308 : memref<108544xf32, #tpu.memory_space<hbm>>) target(%dma_start3A_304 : memref<80xf32, #tpu.memory_space<vmem>>) offsets(%dma_start3A_306 : memref<80xi32, #tpu.memory_space<vmem>>) semaphore(%arg14 : memref<!tpu.dma_semaphore, #tpu.memory_space<semaphore_mem>>)
        %dma_start3A_309 = arith.constant 960 : i32
        %dma_start3A_310 = tpu.memref_slice %arg10[%dma_start3A_309] : memref<4000xf32, #tpu.memory_space<vmem>> -> memref<80xf32, #tpu.memory_space<vmem>>
        %dma_start3A_311 = arith.constant 960 : i32
        %dma_start3A_312 = tpu.memref_slice %arg8[%dma_start3A_311] : memref<4000xi32, #tpu.memory_space<vmem>> -> memref<80xi32, #tpu.memory_space<vmem>>
        %dma_start3A_313 = arith.constant 0 : i32
        %dma_start3A_314 = tpu.memref_slice %arg5[%dma_start3A_313] : memref<108544xf32, #tpu.memory_space<hbm>> -> memref<108544xf32, #tpu.memory_space<hbm>>
        tpu.enqueue_indirect_dma source(%dma_start3A_314 : memref<108544xf32, #tpu.memory_space<hbm>>) target(%dma_start3A_310 : memref<80xf32, #tpu.memory_space<vmem>>) offsets(%dma_start3A_312 : memref<80xi32, #tpu.memory_space<vmem>>) semaphore(%arg14 : memref<!tpu.dma_semaphore, #tpu.memory_space<semaphore_mem>>)
        %dma_start3A_315 = arith.constant 1040 : i32
        %dma_start3A_316 = tpu.memref_slice %arg9[%dma_start3A_315] : memref<4000xf32, #tpu.memory_space<vmem>> -> memref<80xf32, #tpu.memory_space<vmem>>
        %dma_start3A_317 = arith.constant 1040 : i32
        %dma_start3A_318 = tpu.memref_slice %arg8[%dma_start3A_317] : memref<4000xi32, #tpu.memory_space<vmem>> -> memref<80xi32, #tpu.memory_space<vmem>>
        %dma_start3A_319 = arith.constant 0 : i32
        %dma_start3A_320 = tpu.memref_slice %arg4[%dma_start3A_319] : memref<108544xf32, #tpu.memory_space<hbm>> -> memref<108544xf32, #tpu.memory_space<hbm>>
        tpu.enqueue_indirect_dma source(%dma_start3A_320 : memref<108544xf32, #tpu.memory_space<hbm>>) target(%dma_start3A_316 : memref<80xf32, #tpu.memory_space<vmem>>) offsets(%dma_start3A_318 : memref<80xi32, #tpu.memory_space<vmem>>) semaphore(%arg14 : memref<!tpu.dma_semaphore, #tpu.memory_space<semaphore_mem>>)
        %dma_start3A_321 = arith.constant 1040 : i32
        %dma_start3A_322 = tpu.memref_slice %arg10[%dma_start3A_321] : memref<4000xf32, #tpu.memory_space<vmem>> -> memref<80xf32, #tpu.memory_space<vmem>>
        %dma_start3A_323 = arith.constant 1040 : i32
        %dma_start3A_324 = tpu.memref_slice %arg8[%dma_start3A_323] : memref<4000xi32, #tpu.memory_space<vmem>> -> memref<80xi32, #tpu.memory_space<vmem>>
        %dma_start3A_325 = arith.constant 0 : i32
        %dma_start3A_326 = tpu.memref_slice %arg5[%dma_start3A_325] : memref<108544xf32, #tpu.memory_space<hbm>> -> memref<108544xf32, #tpu.memory_space<hbm>>
        tpu.enqueue_indirect_dma source(%dma_start3A_326 : memref<108544xf32, #tpu.memory_space<hbm>>) target(%dma_start3A_322 : memref<80xf32, #tpu.memory_space<vmem>>) offsets(%dma_start3A_324 : memref<80xi32, #tpu.memory_space<vmem>>) semaphore(%arg14 : memref<!tpu.dma_semaphore, #tpu.memory_space<semaphore_mem>>)
        %dma_start3A_327 = arith.constant 1120 : i32
        %dma_start3A_328 = tpu.memref_slice %arg9[%dma_start3A_327] : memref<4000xf32, #tpu.memory_space<vmem>> -> memref<80xf32, #tpu.memory_space<vmem>>
        %dma_start3A_329 = arith.constant 1120 : i32
        %dma_start3A_330 = tpu.memref_slice %arg8[%dma_start3A_329] : memref<4000xi32, #tpu.memory_space<vmem>> -> memref<80xi32, #tpu.memory_space<vmem>>
        %dma_start3A_331 = arith.constant 0 : i32
        %dma_start3A_332 = tpu.memref_slice %arg4[%dma_start3A_331] : memref<108544xf32, #tpu.memory_space<hbm>> -> memref<108544xf32, #tpu.memory_space<hbm>>
        tpu.enqueue_indirect_dma source(%dma_start3A_332 : memref<108544xf32, #tpu.memory_space<hbm>>) target(%dma_start3A_328 : memref<80xf32, #tpu.memory_space<vmem>>) offsets(%dma_start3A_330 : memref<80xi32, #tpu.memory_space<vmem>>) semaphore(%arg14 : memref<!tpu.dma_semaphore, #tpu.memory_space<semaphore_mem>>)
        %dma_start3A_333 = arith.constant 1120 : i32
        %dma_start3A_334 = tpu.memref_slice %arg10[%dma_start3A_333] : memref<4000xf32, #tpu.memory_space<vmem>> -> memref<80xf32, #tpu.memory_space<vmem>>
        %dma_start3A_335 = arith.constant 1120 : i32
        %dma_start3A_336 = tpu.memref_slice %arg8[%dma_start3A_335] : memref<4000xi32, #tpu.memory_space<vmem>> -> memref<80xi32, #tpu.memory_space<vmem>>
        %dma_start3A_337 = arith.constant 0 : i32
        %dma_start3A_338 = tpu.memref_slice %arg5[%dma_start3A_337] : memref<108544xf32, #tpu.memory_space<hbm>> -> memref<108544xf32, #tpu.memory_space<hbm>>
        tpu.enqueue_indirect_dma source(%dma_start3A_338 : memref<108544xf32, #tpu.memory_space<hbm>>) target(%dma_start3A_334 : memref<80xf32, #tpu.memory_space<vmem>>) offsets(%dma_start3A_336 : memref<80xi32, #tpu.memory_space<vmem>>) semaphore(%arg14 : memref<!tpu.dma_semaphore, #tpu.memory_space<semaphore_mem>>)
        %dma_start3A_339 = arith.constant 1200 : i32
        %dma_start3A_340 = tpu.memref_slice %arg9[%dma_start3A_339] : memref<4000xf32, #tpu.memory_space<vmem>> -> memref<80xf32, #tpu.memory_space<vmem>>
        %dma_start3A_341 = arith.constant 1200 : i32
        %dma_start3A_342 = tpu.memref_slice %arg8[%dma_start3A_341] : memref<4000xi32, #tpu.memory_space<vmem>> -> memref<80xi32, #tpu.memory_space<vmem>>
        %dma_start3A_343 = arith.constant 0 : i32
        %dma_start3A_344 = tpu.memref_slice %arg4[%dma_start3A_343] : memref<108544xf32, #tpu.memory_space<hbm>> -> memref<108544xf32, #tpu.memory_space<hbm>>
        tpu.enqueue_indirect_dma source(%dma_start3A_344 : memref<108544xf32, #tpu.memory_space<hbm>>) target(%dma_start3A_340 : memref<80xf32, #tpu.memory_space<vmem>>) offsets(%dma_start3A_342 : memref<80xi32, #tpu.memory_space<vmem>>) semaphore(%arg14 : memref<!tpu.dma_semaphore, #tpu.memory_space<semaphore_mem>>)
        %dma_start3A_345 = arith.constant 1200 : i32
        %dma_start3A_346 = tpu.memref_slice %arg10[%dma_start3A_345] : memref<4000xf32, #tpu.memory_space<vmem>> -> memref<80xf32, #tpu.memory_space<vmem>>
        %dma_start3A_347 = arith.constant 1200 : i32
        %dma_start3A_348 = tpu.memref_slice %arg8[%dma_start3A_347] : memref<4000xi32, #tpu.memory_space<vmem>> -> memref<80xi32, #tpu.memory_space<vmem>>
        %dma_start3A_349 = arith.constant 0 : i32
        %dma_start3A_350 = tpu.memref_slice %arg5[%dma_start3A_349] : memref<108544xf32, #tpu.memory_space<hbm>> -> memref<108544xf32, #tpu.memory_space<hbm>>
        tpu.enqueue_indirect_dma source(%dma_start3A_350 : memref<108544xf32, #tpu.memory_space<hbm>>) target(%dma_start3A_346 : memref<80xf32, #tpu.memory_space<vmem>>) offsets(%dma_start3A_348 : memref<80xi32, #tpu.memory_space<vmem>>) semaphore(%arg14 : memref<!tpu.dma_semaphore, #tpu.memory_space<semaphore_mem>>)
        %dma_wait3A_351 = arith.constant 640 : i32
        %dma_wait3A_352 = tpu.memref_slice %arg9[%dma_wait3A_351] : memref<4000xf32, #tpu.memory_space<vmem>> -> memref<80xf32, #tpu.memory_space<vmem>>
        %dma_wait3A_353 = arith.constant 640 : i32
        %dma_wait3A_354 = tpu.memref_slice %arg8[%dma_wait3A_353] : memref<4000xi32, #tpu.memory_space<vmem>> -> memref<80xi32, #tpu.memory_space<vmem>>
        %dma_wait3A_355 = arith.constant 0 : i32
        %dma_wait3A_356 = tpu.memref_slice %arg4[%dma_wait3A_355] : memref<108544xf32, #tpu.memory_space<hbm>> -> memref<108544xf32, #tpu.memory_space<hbm>>
        tpu.wait_indirect_dma semaphore(%arg14 : memref<!tpu.dma_semaphore, #tpu.memory_space<semaphore_mem>>) src(%dma_wait3A_356 : memref<108544xf32, #tpu.memory_space<hbm>>) dst(%dma_wait3A_352 : memref<80xf32, #tpu.memory_space<vmem>>)
        %dma_wait3A_357 = arith.constant 640 : i32
        %dma_wait3A_358 = tpu.memref_slice %arg10[%dma_wait3A_357] : memref<4000xf32, #tpu.memory_space<vmem>> -> memref<80xf32, #tpu.memory_space<vmem>>
        %dma_wait3A_359 = arith.constant 640 : i32
        %dma_wait3A_360 = tpu.memref_slice %arg8[%dma_wait3A_359] : memref<4000xi32, #tpu.memory_space<vmem>> -> memref<80xi32, #tpu.memory_space<vmem>>
        %dma_wait3A_361 = arith.constant 0 : i32
        %dma_wait3A_362 = tpu.memref_slice %arg5[%dma_wait3A_361] : memref<108544xf32, #tpu.memory_space<hbm>> -> memref<108544xf32, #tpu.memory_space<hbm>>
        tpu.wait_indirect_dma semaphore(%arg14 : memref<!tpu.dma_semaphore, #tpu.memory_space<semaphore_mem>>) src(%dma_wait3A_362 : memref<108544xf32, #tpu.memory_space<hbm>>) dst(%dma_wait3A_358 : memref<80xf32, #tpu.memory_space<vmem>>)
        %dma_wait3A_363 = arith.constant 720 : i32
        %dma_wait3A_364 = tpu.memref_slice %arg9[%dma_wait3A_363] : memref<4000xf32, #tpu.memory_space<vmem>> -> memref<80xf32, #tpu.memory_space<vmem>>
        %dma_wait3A_365 = arith.constant 720 : i32
        %dma_wait3A_366 = tpu.memref_slice %arg8[%dma_wait3A_365] : memref<4000xi32, #tpu.memory_space<vmem>> -> memref<80xi32, #tpu.memory_space<vmem>>
        %dma_wait3A_367 = arith.constant 0 : i32
        %dma_wait3A_368 = tpu.memref_slice %arg4[%dma_wait3A_367] : memref<108544xf32, #tpu.memory_space<hbm>> -> memref<108544xf32, #tpu.memory_space<hbm>>
        tpu.wait_indirect_dma semaphore(%arg14 : memref<!tpu.dma_semaphore, #tpu.memory_space<semaphore_mem>>) src(%dma_wait3A_368 : memref<108544xf32, #tpu.memory_space<hbm>>) dst(%dma_wait3A_364 : memref<80xf32, #tpu.memory_space<vmem>>)
        %dma_wait3A_369 = arith.constant 720 : i32
        %dma_wait3A_370 = tpu.memref_slice %arg10[%dma_wait3A_369] : memref<4000xf32, #tpu.memory_space<vmem>> -> memref<80xf32, #tpu.memory_space<vmem>>
        %dma_wait3A_371 = arith.constant 720 : i32
        %dma_wait3A_372 = tpu.memref_slice %arg8[%dma_wait3A_371] : memref<4000xi32, #tpu.memory_space<vmem>> -> memref<80xi32, #tpu.memory_space<vmem>>
        %dma_wait3A_373 = arith.constant 0 : i32
        %dma_wait3A_374 = tpu.memref_slice %arg5[%dma_wait3A_373] : memref<108544xf32, #tpu.memory_space<hbm>> -> memref<108544xf32, #tpu.memory_space<hbm>>
        tpu.wait_indirect_dma semaphore(%arg14 : memref<!tpu.dma_semaphore, #tpu.memory_space<semaphore_mem>>) src(%dma_wait3A_374 : memref<108544xf32, #tpu.memory_space<hbm>>) dst(%dma_wait3A_370 : memref<80xf32, #tpu.memory_space<vmem>>)
        %dma_wait3A_375 = arith.constant 800 : i32
        %dma_wait3A_376 = tpu.memref_slice %arg9[%dma_wait3A_375] : memref<4000xf32, #tpu.memory_space<vmem>> -> memref<80xf32, #tpu.memory_space<vmem>>
        %dma_wait3A_377 = arith.constant 800 : i32
        %dma_wait3A_378 = tpu.memref_slice %arg8[%dma_wait3A_377] : memref<4000xi32, #tpu.memory_space<vmem>> -> memref<80xi32, #tpu.memory_space<vmem>>
        %dma_wait3A_379 = arith.constant 0 : i32
        %dma_wait3A_380 = tpu.memref_slice %arg4[%dma_wait3A_379] : memref<108544xf32, #tpu.memory_space<hbm>> -> memref<108544xf32, #tpu.memory_space<hbm>>
        tpu.wait_indirect_dma semaphore(%arg14 : memref<!tpu.dma_semaphore, #tpu.memory_space<semaphore_mem>>) src(%dma_wait3A_380 : memref<108544xf32, #tpu.memory_space<hbm>>) dst(%dma_wait3A_376 : memref<80xf32, #tpu.memory_space<vmem>>)
        %dma_wait3A_381 = arith.constant 800 : i32
        %dma_wait3A_382 = tpu.memref_slice %arg10[%dma_wait3A_381] : memref<4000xf32, #tpu.memory_space<vmem>> -> memref<80xf32, #tpu.memory_space<vmem>>
        %dma_wait3A_383 = arith.constant 800 : i32
        %dma_wait3A_384 = tpu.memref_slice %arg8[%dma_wait3A_383] : memref<4000xi32, #tpu.memory_space<vmem>> -> memref<80xi32, #tpu.memory_space<vmem>>
        %dma_wait3A_385 = arith.constant 0 : i32
        %dma_wait3A_386 = tpu.memref_slice %arg5[%dma_wait3A_385] : memref<108544xf32, #tpu.memory_space<hbm>> -> memref<108544xf32, #tpu.memory_space<hbm>>
        tpu.wait_indirect_dma semaphore(%arg14 : memref<!tpu.dma_semaphore, #tpu.memory_space<semaphore_mem>>) src(%dma_wait3A_386 : memref<108544xf32, #tpu.memory_space<hbm>>) dst(%dma_wait3A_382 : memref<80xf32, #tpu.memory_space<vmem>>)
        %dma_wait3A_387 = arith.constant 880 : i32
        %dma_wait3A_388 = tpu.memref_slice %arg9[%dma_wait3A_387] : memref<4000xf32, #tpu.memory_space<vmem>> -> memref<80xf32, #tpu.memory_space<vmem>>
        %dma_wait3A_389 = arith.constant 880 : i32
        %dma_wait3A_390 = tpu.memref_slice %arg8[%dma_wait3A_389] : memref<4000xi32, #tpu.memory_space<vmem>> -> memref<80xi32, #tpu.memory_space<vmem>>
        %dma_wait3A_391 = arith.constant 0 : i32
        %dma_wait3A_392 = tpu.memref_slice %arg4[%dma_wait3A_391] : memref<108544xf32, #tpu.memory_space<hbm>> -> memref<108544xf32, #tpu.memory_space<hbm>>
        tpu.wait_indirect_dma semaphore(%arg14 : memref<!tpu.dma_semaphore, #tpu.memory_space<semaphore_mem>>) src(%dma_wait3A_392 : memref<108544xf32, #tpu.memory_space<hbm>>) dst(%dma_wait3A_388 : memref<80xf32, #tpu.memory_space<vmem>>)
        %dma_wait3A_393 = arith.constant 880 : i32
        %dma_wait3A_394 = tpu.memref_slice %arg10[%dma_wait3A_393] : memref<4000xf32, #tpu.memory_space<vmem>> -> memref<80xf32, #tpu.memory_space<vmem>>
        %dma_wait3A_395 = arith.constant 880 : i32
        %dma_wait3A_396 = tpu.memref_slice %arg8[%dma_wait3A_395] : memref<4000xi32, #tpu.memory_space<vmem>> -> memref<80xi32, #tpu.memory_space<vmem>>
        %dma_wait3A_397 = arith.constant 0 : i32
        %dma_wait3A_398 = tpu.memref_slice %arg5[%dma_wait3A_397] : memref<108544xf32, #tpu.memory_space<hbm>> -> memref<108544xf32, #tpu.memory_space<hbm>>
        tpu.wait_indirect_dma semaphore(%arg14 : memref<!tpu.dma_semaphore, #tpu.memory_space<semaphore_mem>>) src(%dma_wait3A_398 : memref<108544xf32, #tpu.memory_space<hbm>>) dst(%dma_wait3A_394 : memref<80xf32, #tpu.memory_space<vmem>>)
        %dma_wait3A_399 = arith.constant 960 : i32
        %dma_wait3A_400 = tpu.memref_slice %arg9[%dma_wait3A_399] : memref<4000xf32, #tpu.memory_space<vmem>> -> memref<80xf32, #tpu.memory_space<vmem>>
        %dma_wait3A_401 = arith.constant 960 : i32
        %dma_wait3A_402 = tpu.memref_slice %arg8[%dma_wait3A_401] : memref<4000xi32, #tpu.memory_space<vmem>> -> memref<80xi32, #tpu.memory_space<vmem>>
        %dma_wait3A_403 = arith.constant 0 : i32
        %dma_wait3A_404 = tpu.memref_slice %arg4[%dma_wait3A_403] : memref<108544xf32, #tpu.memory_space<hbm>> -> memref<108544xf32, #tpu.memory_space<hbm>>
        tpu.wait_indirect_dma semaphore(%arg14 : memref<!tpu.dma_semaphore, #tpu.memory_space<semaphore_mem>>) src(%dma_wait3A_404 : memref<108544xf32, #tpu.memory_space<hbm>>) dst(%dma_wait3A_400 : memref<80xf32, #tpu.memory_space<vmem>>)
        %dma_wait3A_405 = arith.constant 960 : i32
        %dma_wait3A_406 = tpu.memref_slice %arg10[%dma_wait3A_405] : memref<4000xf32, #tpu.memory_space<vmem>> -> memref<80xf32, #tpu.memory_space<vmem>>
        %dma_wait3A_407 = arith.constant 960 : i32
        %dma_wait3A_408 = tpu.memref_slice %arg8[%dma_wait3A_407] : memref<4000xi32, #tpu.memory_space<vmem>> -> memref<80xi32, #tpu.memory_space<vmem>>
        %dma_wait3A_409 = arith.constant 0 : i32
        %dma_wait3A_410 = tpu.memref_slice %arg5[%dma_wait3A_409] : memref<108544xf32, #tpu.memory_space<hbm>> -> memref<108544xf32, #tpu.memory_space<hbm>>
        tpu.wait_indirect_dma semaphore(%arg14 : memref<!tpu.dma_semaphore, #tpu.memory_space<semaphore_mem>>) src(%dma_wait3A_410 : memref<108544xf32, #tpu.memory_space<hbm>>) dst(%dma_wait3A_406 : memref<80xf32, #tpu.memory_space<vmem>>)
        %dma_wait3A_411 = arith.constant 1040 : i32
        %dma_wait3A_412 = tpu.memref_slice %arg9[%dma_wait3A_411] : memref<4000xf32, #tpu.memory_space<vmem>> -> memref<80xf32, #tpu.memory_space<vmem>>
        %dma_wait3A_413 = arith.constant 1040 : i32
        %dma_wait3A_414 = tpu.memref_slice %arg8[%dma_wait3A_413] : memref<4000xi32, #tpu.memory_space<vmem>> -> memref<80xi32, #tpu.memory_space<vmem>>
        %dma_wait3A_415 = arith.constant 0 : i32
        %dma_wait3A_416 = tpu.memref_slice %arg4[%dma_wait3A_415] : memref<108544xf32, #tpu.memory_space<hbm>> -> memref<108544xf32, #tpu.memory_space<hbm>>
        tpu.wait_indirect_dma semaphore(%arg14 : memref<!tpu.dma_semaphore, #tpu.memory_space<semaphore_mem>>) src(%dma_wait3A_416 : memref<108544xf32, #tpu.memory_space<hbm>>) dst(%dma_wait3A_412 : memref<80xf32, #tpu.memory_space<vmem>>)
        %dma_wait3A_417 = arith.constant 1040 : i32
        %dma_wait3A_418 = tpu.memref_slice %arg10[%dma_wait3A_417] : memref<4000xf32, #tpu.memory_space<vmem>> -> memref<80xf32, #tpu.memory_space<vmem>>
        %dma_wait3A_419 = arith.constant 1040 : i32
        %dma_wait3A_420 = tpu.memref_slice %arg8[%dma_wait3A_419] : memref<4000xi32, #tpu.memory_space<vmem>> -> memref<80xi32, #tpu.memory_space<vmem>>
        %dma_wait3A_421 = arith.constant 0 : i32
        %dma_wait3A_422 = tpu.memref_slice %arg5[%dma_wait3A_421] : memref<108544xf32, #tpu.memory_space<hbm>> -> memref<108544xf32, #tpu.memory_space<hbm>>
        tpu.wait_indirect_dma semaphore(%arg14 : memref<!tpu.dma_semaphore, #tpu.memory_space<semaphore_mem>>) src(%dma_wait3A_422 : memref<108544xf32, #tpu.memory_space<hbm>>) dst(%dma_wait3A_418 : memref<80xf32, #tpu.memory_space<vmem>>)
        %dma_wait3A_423 = arith.constant 1120 : i32
        %dma_wait3A_424 = tpu.memref_slice %arg9[%dma_wait3A_423] : memref<4000xf32, #tpu.memory_space<vmem>> -> memref<80xf32, #tpu.memory_space<vmem>>
        %dma_wait3A_425 = arith.constant 1120 : i32
        %dma_wait3A_426 = tpu.memref_slice %arg8[%dma_wait3A_425] : memref<4000xi32, #tpu.memory_space<vmem>> -> memref<80xi32, #tpu.memory_space<vmem>>
        %dma_wait3A_427 = arith.constant 0 : i32
        %dma_wait3A_428 = tpu.memref_slice %arg4[%dma_wait3A_427] : memref<108544xf32, #tpu.memory_space<hbm>> -> memref<108544xf32, #tpu.memory_space<hbm>>
        tpu.wait_indirect_dma semaphore(%arg14 : memref<!tpu.dma_semaphore, #tpu.memory_space<semaphore_mem>>) src(%dma_wait3A_428 : memref<108544xf32, #tpu.memory_space<hbm>>) dst(%dma_wait3A_424 : memref<80xf32, #tpu.memory_space<vmem>>)
        %dma_wait3A_429 = arith.constant 1120 : i32
        %dma_wait3A_430 = tpu.memref_slice %arg10[%dma_wait3A_429] : memref<4000xf32, #tpu.memory_space<vmem>> -> memref<80xf32, #tpu.memory_space<vmem>>
        %dma_wait3A_431 = arith.constant 1120 : i32
        %dma_wait3A_432 = tpu.memref_slice %arg8[%dma_wait3A_431] : memref<4000xi32, #tpu.memory_space<vmem>> -> memref<80xi32, #tpu.memory_space<vmem>>
        %dma_wait3A_433 = arith.constant 0 : i32
        %dma_wait3A_434 = tpu.memref_slice %arg5[%dma_wait3A_433] : memref<108544xf32, #tpu.memory_space<hbm>> -> memref<108544xf32, #tpu.memory_space<hbm>>
        tpu.wait_indirect_dma semaphore(%arg14 : memref<!tpu.dma_semaphore, #tpu.memory_space<semaphore_mem>>) src(%dma_wait3A_434 : memref<108544xf32, #tpu.memory_space<hbm>>) dst(%dma_wait3A_430 : memref<80xf32, #tpu.memory_space<vmem>>)
        %dma_wait3A_435 = arith.constant 1200 : i32
        %dma_wait3A_436 = tpu.memref_slice %arg9[%dma_wait3A_435] : memref<4000xf32, #tpu.memory_space<vmem>> -> memref<80xf32, #tpu.memory_space<vmem>>
        %dma_wait3A_437 = arith.constant 1200 : i32
        %dma_wait3A_438 = tpu.memref_slice %arg8[%dma_wait3A_437] : memref<4000xi32, #tpu.memory_space<vmem>> -> memref<80xi32, #tpu.memory_space<vmem>>
        %dma_wait3A_439 = arith.constant 0 : i32
        %dma_wait3A_440 = tpu.memref_slice %arg4[%dma_wait3A_439] : memref<108544xf32, #tpu.memory_space<hbm>> -> memref<108544xf32, #tpu.memory_space<hbm>>
        tpu.wait_indirect_dma semaphore(%arg14 : memref<!tpu.dma_semaphore, #tpu.memory_space<semaphore_mem>>) src(%dma_wait3A_440 : memref<108544xf32, #tpu.memory_space<hbm>>) dst(%dma_wait3A_436 : memref<80xf32, #tpu.memory_space<vmem>>)
        %dma_wait3A_441 = arith.constant 1200 : i32
        %dma_wait3A_442 = tpu.memref_slice %arg10[%dma_wait3A_441] : memref<4000xf32, #tpu.memory_space<vmem>> -> memref<80xf32, #tpu.memory_space<vmem>>
        %dma_wait3A_443 = arith.constant 1200 : i32
        %dma_wait3A_444 = tpu.memref_slice %arg8[%dma_wait3A_443] : memref<4000xi32, #tpu.memory_space<vmem>> -> memref<80xi32, #tpu.memory_space<vmem>>
        %dma_wait3A_445 = arith.constant 0 : i32
        %dma_wait3A_446 = tpu.memref_slice %arg5[%dma_wait3A_445] : memref<108544xf32, #tpu.memory_space<hbm>> -> memref<108544xf32, #tpu.memory_space<hbm>>
        tpu.wait_indirect_dma semaphore(%arg14 : memref<!tpu.dma_semaphore, #tpu.memory_space<semaphore_mem>>) src(%dma_wait3A_446 : memref<108544xf32, #tpu.memory_space<hbm>>) dst(%dma_wait3A_442 : memref<80xf32, #tpu.memory_space<vmem>>)
        %dma_start3A_447 = arith.constant 1280 : i32
        %dma_start3A_448 = tpu.memref_slice %arg9[%dma_start3A_447] : memref<4000xf32, #tpu.memory_space<vmem>> -> memref<80xf32, #tpu.memory_space<vmem>>
        %dma_start3A_449 = arith.constant 1280 : i32
        %dma_start3A_450 = tpu.memref_slice %arg8[%dma_start3A_449] : memref<4000xi32, #tpu.memory_space<vmem>> -> memref<80xi32, #tpu.memory_space<vmem>>
        %dma_start3A_451 = arith.constant 0 : i32
        %dma_start3A_452 = tpu.memref_slice %arg4[%dma_start3A_451] : memref<108544xf32, #tpu.memory_space<hbm>> -> memref<108544xf32, #tpu.memory_space<hbm>>
        tpu.enqueue_indirect_dma source(%dma_start3A_452 : memref<108544xf32, #tpu.memory_space<hbm>>) target(%dma_start3A_448 : memref<80xf32, #tpu.memory_space<vmem>>) offsets(%dma_start3A_450 : memref<80xi32, #tpu.memory_space<vmem>>) semaphore(%arg14 : memref<!tpu.dma_semaphore, #tpu.memory_space<semaphore_mem>>)
        %dma_start3A_453 = arith.constant 1280 : i32
        %dma_start3A_454 = tpu.memref_slice %arg10[%dma_start3A_453] : memref<4000xf32, #tpu.memory_space<vmem>> -> memref<80xf32, #tpu.memory_space<vmem>>
        %dma_start3A_455 = arith.constant 1280 : i32
        %dma_start3A_456 = tpu.memref_slice %arg8[%dma_start3A_455] : memref<4000xi32, #tpu.memory_space<vmem>> -> memref<80xi32, #tpu.memory_space<vmem>>
        %dma_start3A_457 = arith.constant 0 : i32
        %dma_start3A_458 = tpu.memref_slice %arg5[%dma_start3A_457] : memref<108544xf32, #tpu.memory_space<hbm>> -> memref<108544xf32, #tpu.memory_space<hbm>>
        tpu.enqueue_indirect_dma source(%dma_start3A_458 : memref<108544xf32, #tpu.memory_space<hbm>>) target(%dma_start3A_454 : memref<80xf32, #tpu.memory_space<vmem>>) offsets(%dma_start3A_456 : memref<80xi32, #tpu.memory_space<vmem>>) semaphore(%arg14 : memref<!tpu.dma_semaphore, #tpu.memory_space<semaphore_mem>>)
        %dma_start3A_459 = arith.constant 1360 : i32
        %dma_start3A_460 = tpu.memref_slice %arg9[%dma_start3A_459] : memref<4000xf32, #tpu.memory_space<vmem>> -> memref<80xf32, #tpu.memory_space<vmem>>
        %dma_start3A_461 = arith.constant 1360 : i32
        %dma_start3A_462 = tpu.memref_slice %arg8[%dma_start3A_461] : memref<4000xi32, #tpu.memory_space<vmem>> -> memref<80xi32, #tpu.memory_space<vmem>>
        %dma_start3A_463 = arith.constant 0 : i32
        %dma_start3A_464 = tpu.memref_slice %arg4[%dma_start3A_463] : memref<108544xf32, #tpu.memory_space<hbm>> -> memref<108544xf32, #tpu.memory_space<hbm>>
        tpu.enqueue_indirect_dma source(%dma_start3A_464 : memref<108544xf32, #tpu.memory_space<hbm>>) target(%dma_start3A_460 : memref<80xf32, #tpu.memory_space<vmem>>) offsets(%dma_start3A_462 : memref<80xi32, #tpu.memory_space<vmem>>) semaphore(%arg14 : memref<!tpu.dma_semaphore, #tpu.memory_space<semaphore_mem>>)
        %dma_start3A_465 = arith.constant 1360 : i32
        %dma_start3A_466 = tpu.memref_slice %arg10[%dma_start3A_465] : memref<4000xf32, #tpu.memory_space<vmem>> -> memref<80xf32, #tpu.memory_space<vmem>>
        %dma_start3A_467 = arith.constant 1360 : i32
        %dma_start3A_468 = tpu.memref_slice %arg8[%dma_start3A_467] : memref<4000xi32, #tpu.memory_space<vmem>> -> memref<80xi32, #tpu.memory_space<vmem>>
        %dma_start3A_469 = arith.constant 0 : i32
        %dma_start3A_470 = tpu.memref_slice %arg5[%dma_start3A_469] : memref<108544xf32, #tpu.memory_space<hbm>> -> memref<108544xf32, #tpu.memory_space<hbm>>
        tpu.enqueue_indirect_dma source(%dma_start3A_470 : memref<108544xf32, #tpu.memory_space<hbm>>) target(%dma_start3A_466 : memref<80xf32, #tpu.memory_space<vmem>>) offsets(%dma_start3A_468 : memref<80xi32, #tpu.memory_space<vmem>>) semaphore(%arg14 : memref<!tpu.dma_semaphore, #tpu.memory_space<semaphore_mem>>)
        %dma_start3A_471 = arith.constant 1440 : i32
        %dma_start3A_472 = tpu.memref_slice %arg9[%dma_start3A_471] : memref<4000xf32, #tpu.memory_space<vmem>> -> memref<80xf32, #tpu.memory_space<vmem>>
        %dma_start3A_473 = arith.constant 1440 : i32
        %dma_start3A_474 = tpu.memref_slice %arg8[%dma_start3A_473] : memref<4000xi32, #tpu.memory_space<vmem>> -> memref<80xi32, #tpu.memory_space<vmem>>
        %dma_start3A_475 = arith.constant 0 : i32
        %dma_start3A_476 = tpu.memref_slice %arg4[%dma_start3A_475] : memref<108544xf32, #tpu.memory_space<hbm>> -> memref<108544xf32, #tpu.memory_space<hbm>>
        tpu.enqueue_indirect_dma source(%dma_start3A_476 : memref<108544xf32, #tpu.memory_space<hbm>>) target(%dma_start3A_472 : memref<80xf32, #tpu.memory_space<vmem>>) offsets(%dma_start3A_474 : memref<80xi32, #tpu.memory_space<vmem>>) semaphore(%arg14 : memref<!tpu.dma_semaphore, #tpu.memory_space<semaphore_mem>>)
        %dma_start3A_477 = arith.constant 1440 : i32
        %dma_start3A_478 = tpu.memref_slice %arg10[%dma_start3A_477] : memref<4000xf32, #tpu.memory_space<vmem>> -> memref<80xf32, #tpu.memory_space<vmem>>
        %dma_start3A_479 = arith.constant 1440 : i32
        %dma_start3A_480 = tpu.memref_slice %arg8[%dma_start3A_479] : memref<4000xi32, #tpu.memory_space<vmem>> -> memref<80xi32, #tpu.memory_space<vmem>>
        %dma_start3A_481 = arith.constant 0 : i32
        %dma_start3A_482 = tpu.memref_slice %arg5[%dma_start3A_481] : memref<108544xf32, #tpu.memory_space<hbm>> -> memref<108544xf32, #tpu.memory_space<hbm>>
        tpu.enqueue_indirect_dma source(%dma_start3A_482 : memref<108544xf32, #tpu.memory_space<hbm>>) target(%dma_start3A_478 : memref<80xf32, #tpu.memory_space<vmem>>) offsets(%dma_start3A_480 : memref<80xi32, #tpu.memory_space<vmem>>) semaphore(%arg14 : memref<!tpu.dma_semaphore, #tpu.memory_space<semaphore_mem>>)
        %dma_start3A_483 = arith.constant 1520 : i32
        %dma_start3A_484 = tpu.memref_slice %arg9[%dma_start3A_483] : memref<4000xf32, #tpu.memory_space<vmem>> -> memref<80xf32, #tpu.memory_space<vmem>>
        %dma_start3A_485 = arith.constant 1520 : i32
        %dma_start3A_486 = tpu.memref_slice %arg8[%dma_start3A_485] : memref<4000xi32, #tpu.memory_space<vmem>> -> memref<80xi32, #tpu.memory_space<vmem>>
        %dma_start3A_487 = arith.constant 0 : i32
        %dma_start3A_488 = tpu.memref_slice %arg4[%dma_start3A_487] : memref<108544xf32, #tpu.memory_space<hbm>> -> memref<108544xf32, #tpu.memory_space<hbm>>
        tpu.enqueue_indirect_dma source(%dma_start3A_488 : memref<108544xf32, #tpu.memory_space<hbm>>) target(%dma_start3A_484 : memref<80xf32, #tpu.memory_space<vmem>>) offsets(%dma_start3A_486 : memref<80xi32, #tpu.memory_space<vmem>>) semaphore(%arg14 : memref<!tpu.dma_semaphore, #tpu.memory_space<semaphore_mem>>)
        %dma_start3A_489 = arith.constant 1520 : i32
        %dma_start3A_490 = tpu.memref_slice %arg10[%dma_start3A_489] : memref<4000xf32, #tpu.memory_space<vmem>> -> memref<80xf32, #tpu.memory_space<vmem>>
        %dma_start3A_491 = arith.constant 1520 : i32
        %dma_start3A_492 = tpu.memref_slice %arg8[%dma_start3A_491] : memref<4000xi32, #tpu.memory_space<vmem>> -> memref<80xi32, #tpu.memory_space<vmem>>
        %dma_start3A_493 = arith.constant 0 : i32
        %dma_start3A_494 = tpu.memref_slice %arg5[%dma_start3A_493] : memref<108544xf32, #tpu.memory_space<hbm>> -> memref<108544xf32, #tpu.memory_space<hbm>>
        tpu.enqueue_indirect_dma source(%dma_start3A_494 : memref<108544xf32, #tpu.memory_space<hbm>>) target(%dma_start3A_490 : memref<80xf32, #tpu.memory_space<vmem>>) offsets(%dma_start3A_492 : memref<80xi32, #tpu.memory_space<vmem>>) semaphore(%arg14 : memref<!tpu.dma_semaphore, #tpu.memory_space<semaphore_mem>>)
        %dma_start3A_495 = arith.constant 1600 : i32
        %dma_start3A_496 = tpu.memref_slice %arg9[%dma_start3A_495] : memref<4000xf32, #tpu.memory_space<vmem>> -> memref<80xf32, #tpu.memory_space<vmem>>
        %dma_start3A_497 = arith.constant 1600 : i32
        %dma_start3A_498 = tpu.memref_slice %arg8[%dma_start3A_497] : memref<4000xi32, #tpu.memory_space<vmem>> -> memref<80xi32, #tpu.memory_space<vmem>>
        %dma_start3A_499 = arith.constant 0 : i32
        %dma_start3A_500 = tpu.memref_slice %arg4[%dma_start3A_499] : memref<108544xf32, #tpu.memory_space<hbm>> -> memref<108544xf32, #tpu.memory_space<hbm>>
        tpu.enqueue_indirect_dma source(%dma_start3A_500 : memref<108544xf32, #tpu.memory_space<hbm>>) target(%dma_start3A_496 : memref<80xf32, #tpu.memory_space<vmem>>) offsets(%dma_start3A_498 : memref<80xi32, #tpu.memory_space<vmem>>) semaphore(%arg14 : memref<!tpu.dma_semaphore, #tpu.memory_space<semaphore_mem>>)
        %dma_start3A_501 = arith.constant 1600 : i32
        %dma_start3A_502 = tpu.memref_slice %arg10[%dma_start3A_501] : memref<4000xf32, #tpu.memory_space<vmem>> -> memref<80xf32, #tpu.memory_space<vmem>>
        %dma_start3A_503 = arith.constant 1600 : i32
        %dma_start3A_504 = tpu.memref_slice %arg8[%dma_start3A_503] : memref<4000xi32, #tpu.memory_space<vmem>> -> memref<80xi32, #tpu.memory_space<vmem>>
        %dma_start3A_505 = arith.constant 0 : i32
        %dma_start3A_506 = tpu.memref_slice %arg5[%dma_start3A_505] : memref<108544xf32, #tpu.memory_space<hbm>> -> memref<108544xf32, #tpu.memory_space<hbm>>
        tpu.enqueue_indirect_dma source(%dma_start3A_506 : memref<108544xf32, #tpu.memory_space<hbm>>) target(%dma_start3A_502 : memref<80xf32, #tpu.memory_space<vmem>>) offsets(%dma_start3A_504 : memref<80xi32, #tpu.memory_space<vmem>>) semaphore(%arg14 : memref<!tpu.dma_semaphore, #tpu.memory_space<semaphore_mem>>)
        %dma_start3A_507 = arith.constant 1680 : i32
        %dma_start3A_508 = tpu.memref_slice %arg9[%dma_start3A_507] : memref<4000xf32, #tpu.memory_space<vmem>> -> memref<80xf32, #tpu.memory_space<vmem>>
        %dma_start3A_509 = arith.constant 1680 : i32
        %dma_start3A_510 = tpu.memref_slice %arg8[%dma_start3A_509] : memref<4000xi32, #tpu.memory_space<vmem>> -> memref<80xi32, #tpu.memory_space<vmem>>
        %dma_start3A_511 = arith.constant 0 : i32
        %dma_start3A_512 = tpu.memref_slice %arg4[%dma_start3A_511] : memref<108544xf32, #tpu.memory_space<hbm>> -> memref<108544xf32, #tpu.memory_space<hbm>>
        tpu.enqueue_indirect_dma source(%dma_start3A_512 : memref<108544xf32, #tpu.memory_space<hbm>>) target(%dma_start3A_508 : memref<80xf32, #tpu.memory_space<vmem>>) offsets(%dma_start3A_510 : memref<80xi32, #tpu.memory_space<vmem>>) semaphore(%arg14 : memref<!tpu.dma_semaphore, #tpu.memory_space<semaphore_mem>>)
        %dma_start3A_513 = arith.constant 1680 : i32
        %dma_start3A_514 = tpu.memref_slice %arg10[%dma_start3A_513] : memref<4000xf32, #tpu.memory_space<vmem>> -> memref<80xf32, #tpu.memory_space<vmem>>
        %dma_start3A_515 = arith.constant 1680 : i32
        %dma_start3A_516 = tpu.memref_slice %arg8[%dma_start3A_515] : memref<4000xi32, #tpu.memory_space<vmem>> -> memref<80xi32, #tpu.memory_space<vmem>>
        %dma_start3A_517 = arith.constant 0 : i32
        %dma_start3A_518 = tpu.memref_slice %arg5[%dma_start3A_517] : memref<108544xf32, #tpu.memory_space<hbm>> -> memref<108544xf32, #tpu.memory_space<hbm>>
        tpu.enqueue_indirect_dma source(%dma_start3A_518 : memref<108544xf32, #tpu.memory_space<hbm>>) target(%dma_start3A_514 : memref<80xf32, #tpu.memory_space<vmem>>) offsets(%dma_start3A_516 : memref<80xi32, #tpu.memory_space<vmem>>) semaphore(%arg14 : memref<!tpu.dma_semaphore, #tpu.memory_space<semaphore_mem>>)
        %dma_start3A_519 = arith.constant 1760 : i32
        %dma_start3A_520 = tpu.memref_slice %arg9[%dma_start3A_519] : memref<4000xf32, #tpu.memory_space<vmem>> -> memref<80xf32, #tpu.memory_space<vmem>>
        %dma_start3A_521 = arith.constant 1760 : i32
        %dma_start3A_522 = tpu.memref_slice %arg8[%dma_start3A_521] : memref<4000xi32, #tpu.memory_space<vmem>> -> memref<80xi32, #tpu.memory_space<vmem>>
        %dma_start3A_523 = arith.constant 0 : i32
        %dma_start3A_524 = tpu.memref_slice %arg4[%dma_start3A_523] : memref<108544xf32, #tpu.memory_space<hbm>> -> memref<108544xf32, #tpu.memory_space<hbm>>
        tpu.enqueue_indirect_dma source(%dma_start3A_524 : memref<108544xf32, #tpu.memory_space<hbm>>) target(%dma_start3A_520 : memref<80xf32, #tpu.memory_space<vmem>>) offsets(%dma_start3A_522 : memref<80xi32, #tpu.memory_space<vmem>>) semaphore(%arg14 : memref<!tpu.dma_semaphore, #tpu.memory_space<semaphore_mem>>)
        %dma_start3A_525 = arith.constant 1760 : i32
        %dma_start3A_526 = tpu.memref_slice %arg10[%dma_start3A_525] : memref<4000xf32, #tpu.memory_space<vmem>> -> memref<80xf32, #tpu.memory_space<vmem>>
        %dma_start3A_527 = arith.constant 1760 : i32
        %dma_start3A_528 = tpu.memref_slice %arg8[%dma_start3A_527] : memref<4000xi32, #tpu.memory_space<vmem>> -> memref<80xi32, #tpu.memory_space<vmem>>
        %dma_start3A_529 = arith.constant 0 : i32
        %dma_start3A_530 = tpu.memref_slice %arg5[%dma_start3A_529] : memref<108544xf32, #tpu.memory_space<hbm>> -> memref<108544xf32, #tpu.memory_space<hbm>>
        tpu.enqueue_indirect_dma source(%dma_start3A_530 : memref<108544xf32, #tpu.memory_space<hbm>>) target(%dma_start3A_526 : memref<80xf32, #tpu.memory_space<vmem>>) offsets(%dma_start3A_528 : memref<80xi32, #tpu.memory_space<vmem>>) semaphore(%arg14 : memref<!tpu.dma_semaphore, #tpu.memory_space<semaphore_mem>>)
        %dma_start3A_531 = arith.constant 1840 : i32
        %dma_start3A_532 = tpu.memref_slice %arg9[%dma_start3A_531] : memref<4000xf32, #tpu.memory_space<vmem>> -> memref<80xf32, #tpu.memory_space<vmem>>
        %dma_start3A_533 = arith.constant 1840 : i32
        %dma_start3A_534 = tpu.memref_slice %arg8[%dma_start3A_533] : memref<4000xi32, #tpu.memory_space<vmem>> -> memref<80xi32, #tpu.memory_space<vmem>>
        %dma_start3A_535 = arith.constant 0 : i32
        %dma_start3A_536 = tpu.memref_slice %arg4[%dma_start3A_535] : memref<108544xf32, #tpu.memory_space<hbm>> -> memref<108544xf32, #tpu.memory_space<hbm>>
        tpu.enqueue_indirect_dma source(%dma_start3A_536 : memref<108544xf32, #tpu.memory_space<hbm>>) target(%dma_start3A_532 : memref<80xf32, #tpu.memory_space<vmem>>) offsets(%dma_start3A_534 : memref<80xi32, #tpu.memory_space<vmem>>) semaphore(%arg14 : memref<!tpu.dma_semaphore, #tpu.memory_space<semaphore_mem>>)
        %dma_start3A_537 = arith.constant 1840 : i32
        %dma_start3A_538 = tpu.memref_slice %arg10[%dma_start3A_537] : memref<4000xf32, #tpu.memory_space<vmem>> -> memref<80xf32, #tpu.memory_space<vmem>>
        %dma_start3A_539 = arith.constant 1840 : i32
        %dma_start3A_540 = tpu.memref_slice %arg8[%dma_start3A_539] : memref<4000xi32, #tpu.memory_space<vmem>> -> memref<80xi32, #tpu.memory_space<vmem>>
        %dma_start3A_541 = arith.constant 0 : i32
        %dma_start3A_542 = tpu.memref_slice %arg5[%dma_start3A_541] : memref<108544xf32, #tpu.memory_space<hbm>> -> memref<108544xf32, #tpu.memory_space<hbm>>
        tpu.enqueue_indirect_dma source(%dma_start3A_542 : memref<108544xf32, #tpu.memory_space<hbm>>) target(%dma_start3A_538 : memref<80xf32, #tpu.memory_space<vmem>>) offsets(%dma_start3A_540 : memref<80xi32, #tpu.memory_space<vmem>>) semaphore(%arg14 : memref<!tpu.dma_semaphore, #tpu.memory_space<semaphore_mem>>)
        %dma_wait3A_543 = arith.constant 1280 : i32
        %dma_wait3A_544 = tpu.memref_slice %arg9[%dma_wait3A_543] : memref<4000xf32, #tpu.memory_space<vmem>> -> memref<80xf32, #tpu.memory_space<vmem>>
        %dma_wait3A_545 = arith.constant 1280 : i32
        %dma_wait3A_546 = tpu.memref_slice %arg8[%dma_wait3A_545] : memref<4000xi32, #tpu.memory_space<vmem>> -> memref<80xi32, #tpu.memory_space<vmem>>
        %dma_wait3A_547 = arith.constant 0 : i32
        %dma_wait3A_548 = tpu.memref_slice %arg4[%dma_wait3A_547] : memref<108544xf32, #tpu.memory_space<hbm>> -> memref<108544xf32, #tpu.memory_space<hbm>>
        tpu.wait_indirect_dma semaphore(%arg14 : memref<!tpu.dma_semaphore, #tpu.memory_space<semaphore_mem>>) src(%dma_wait3A_548 : memref<108544xf32, #tpu.memory_space<hbm>>) dst(%dma_wait3A_544 : memref<80xf32, #tpu.memory_space<vmem>>)
        %dma_wait3A_549 = arith.constant 1280 : i32
        %dma_wait3A_550 = tpu.memref_slice %arg10[%dma_wait3A_549] : memref<4000xf32, #tpu.memory_space<vmem>> -> memref<80xf32, #tpu.memory_space<vmem>>
        %dma_wait3A_551 = arith.constant 1280 : i32
        %dma_wait3A_552 = tpu.memref_slice %arg8[%dma_wait3A_551] : memref<4000xi32, #tpu.memory_space<vmem>> -> memref<80xi32, #tpu.memory_space<vmem>>
        %dma_wait3A_553 = arith.constant 0 : i32
        %dma_wait3A_554 = tpu.memref_slice %arg5[%dma_wait3A_553] : memref<108544xf32, #tpu.memory_space<hbm>> -> memref<108544xf32, #tpu.memory_space<hbm>>
        tpu.wait_indirect_dma semaphore(%arg14 : memref<!tpu.dma_semaphore, #tpu.memory_space<semaphore_mem>>) src(%dma_wait3A_554 : memref<108544xf32, #tpu.memory_space<hbm>>) dst(%dma_wait3A_550 : memref<80xf32, #tpu.memory_space<vmem>>)
        %dma_wait3A_555 = arith.constant 1360 : i32
        %dma_wait3A_556 = tpu.memref_slice %arg9[%dma_wait3A_555] : memref<4000xf32, #tpu.memory_space<vmem>> -> memref<80xf32, #tpu.memory_space<vmem>>
        %dma_wait3A_557 = arith.constant 1360 : i32
        %dma_wait3A_558 = tpu.memref_slice %arg8[%dma_wait3A_557] : memref<4000xi32, #tpu.memory_space<vmem>> -> memref<80xi32, #tpu.memory_space<vmem>>
        %dma_wait3A_559 = arith.constant 0 : i32
        %dma_wait3A_560 = tpu.memref_slice %arg4[%dma_wait3A_559] : memref<108544xf32, #tpu.memory_space<hbm>> -> memref<108544xf32, #tpu.memory_space<hbm>>
        tpu.wait_indirect_dma semaphore(%arg14 : memref<!tpu.dma_semaphore, #tpu.memory_space<semaphore_mem>>) src(%dma_wait3A_560 : memref<108544xf32, #tpu.memory_space<hbm>>) dst(%dma_wait3A_556 : memref<80xf32, #tpu.memory_space<vmem>>)
        %dma_wait3A_561 = arith.constant 1360 : i32
        %dma_wait3A_562 = tpu.memref_slice %arg10[%dma_wait3A_561] : memref<4000xf32, #tpu.memory_space<vmem>> -> memref<80xf32, #tpu.memory_space<vmem>>
        %dma_wait3A_563 = arith.constant 1360 : i32
        %dma_wait3A_564 = tpu.memref_slice %arg8[%dma_wait3A_563] : memref<4000xi32, #tpu.memory_space<vmem>> -> memref<80xi32, #tpu.memory_space<vmem>>
        %dma_wait3A_565 = arith.constant 0 : i32
        %dma_wait3A_566 = tpu.memref_slice %arg5[%dma_wait3A_565] : memref<108544xf32, #tpu.memory_space<hbm>> -> memref<108544xf32, #tpu.memory_space<hbm>>
        tpu.wait_indirect_dma semaphore(%arg14 : memref<!tpu.dma_semaphore, #tpu.memory_space<semaphore_mem>>) src(%dma_wait3A_566 : memref<108544xf32, #tpu.memory_space<hbm>>) dst(%dma_wait3A_562 : memref<80xf32, #tpu.memory_space<vmem>>)
        %dma_wait3A_567 = arith.constant 1440 : i32
        %dma_wait3A_568 = tpu.memref_slice %arg9[%dma_wait3A_567] : memref<4000xf32, #tpu.memory_space<vmem>> -> memref<80xf32, #tpu.memory_space<vmem>>
        %dma_wait3A_569 = arith.constant 1440 : i32
        %dma_wait3A_570 = tpu.memref_slice %arg8[%dma_wait3A_569] : memref<4000xi32, #tpu.memory_space<vmem>> -> memref<80xi32, #tpu.memory_space<vmem>>
        %dma_wait3A_571 = arith.constant 0 : i32
        %dma_wait3A_572 = tpu.memref_slice %arg4[%dma_wait3A_571] : memref<108544xf32, #tpu.memory_space<hbm>> -> memref<108544xf32, #tpu.memory_space<hbm>>
        tpu.wait_indirect_dma semaphore(%arg14 : memref<!tpu.dma_semaphore, #tpu.memory_space<semaphore_mem>>) src(%dma_wait3A_572 : memref<108544xf32, #tpu.memory_space<hbm>>) dst(%dma_wait3A_568 : memref<80xf32, #tpu.memory_space<vmem>>)
        %dma_wait3A_573 = arith.constant 1440 : i32
        %dma_wait3A_574 = tpu.memref_slice %arg10[%dma_wait3A_573] : memref<4000xf32, #tpu.memory_space<vmem>> -> memref<80xf32, #tpu.memory_space<vmem>>
        %dma_wait3A_575 = arith.constant 1440 : i32
        %dma_wait3A_576 = tpu.memref_slice %arg8[%dma_wait3A_575] : memref<4000xi32, #tpu.memory_space<vmem>> -> memref<80xi32, #tpu.memory_space<vmem>>
        %dma_wait3A_577 = arith.constant 0 : i32
        %dma_wait3A_578 = tpu.memref_slice %arg5[%dma_wait3A_577] : memref<108544xf32, #tpu.memory_space<hbm>> -> memref<108544xf32, #tpu.memory_space<hbm>>
        tpu.wait_indirect_dma semaphore(%arg14 : memref<!tpu.dma_semaphore, #tpu.memory_space<semaphore_mem>>) src(%dma_wait3A_578 : memref<108544xf32, #tpu.memory_space<hbm>>) dst(%dma_wait3A_574 : memref<80xf32, #tpu.memory_space<vmem>>)
        %dma_wait3A_579 = arith.constant 1520 : i32
        %dma_wait3A_580 = tpu.memref_slice %arg9[%dma_wait3A_579] : memref<4000xf32, #tpu.memory_space<vmem>> -> memref<80xf32, #tpu.memory_space<vmem>>
        %dma_wait3A_581 = arith.constant 1520 : i32
        %dma_wait3A_582 = tpu.memref_slice %arg8[%dma_wait3A_581] : memref<4000xi32, #tpu.memory_space<vmem>> -> memref<80xi32, #tpu.memory_space<vmem>>
        %dma_wait3A_583 = arith.constant 0 : i32
        %dma_wait3A_584 = tpu.memref_slice %arg4[%dma_wait3A_583] : memref<108544xf32, #tpu.memory_space<hbm>> -> memref<108544xf32, #tpu.memory_space<hbm>>
        tpu.wait_indirect_dma semaphore(%arg14 : memref<!tpu.dma_semaphore, #tpu.memory_space<semaphore_mem>>) src(%dma_wait3A_584 : memref<108544xf32, #tpu.memory_space<hbm>>) dst(%dma_wait3A_580 : memref<80xf32, #tpu.memory_space<vmem>>)
        %dma_wait3A_585 = arith.constant 1520 : i32
        %dma_wait3A_586 = tpu.memref_slice %arg10[%dma_wait3A_585] : memref<4000xf32, #tpu.memory_space<vmem>> -> memref<80xf32, #tpu.memory_space<vmem>>
        %dma_wait3A_587 = arith.constant 1520 : i32
        %dma_wait3A_588 = tpu.memref_slice %arg8[%dma_wait3A_587] : memref<4000xi32, #tpu.memory_space<vmem>> -> memref<80xi32, #tpu.memory_space<vmem>>
        %dma_wait3A_589 = arith.constant 0 : i32
        %dma_wait3A_590 = tpu.memref_slice %arg5[%dma_wait3A_589] : memref<108544xf32, #tpu.memory_space<hbm>> -> memref<108544xf32, #tpu.memory_space<hbm>>
        tpu.wait_indirect_dma semaphore(%arg14 : memref<!tpu.dma_semaphore, #tpu.memory_space<semaphore_mem>>) src(%dma_wait3A_590 : memref<108544xf32, #tpu.memory_space<hbm>>) dst(%dma_wait3A_586 : memref<80xf32, #tpu.memory_space<vmem>>)
        %dma_wait3A_591 = arith.constant 1600 : i32
        %dma_wait3A_592 = tpu.memref_slice %arg9[%dma_wait3A_591] : memref<4000xf32, #tpu.memory_space<vmem>> -> memref<80xf32, #tpu.memory_space<vmem>>
        %dma_wait3A_593 = arith.constant 1600 : i32
        %dma_wait3A_594 = tpu.memref_slice %arg8[%dma_wait3A_593] : memref<4000xi32, #tpu.memory_space<vmem>> -> memref<80xi32, #tpu.memory_space<vmem>>
        %dma_wait3A_595 = arith.constant 0 : i32
        %dma_wait3A_596 = tpu.memref_slice %arg4[%dma_wait3A_595] : memref<108544xf32, #tpu.memory_space<hbm>> -> memref<108544xf32, #tpu.memory_space<hbm>>
        tpu.wait_indirect_dma semaphore(%arg14 : memref<!tpu.dma_semaphore, #tpu.memory_space<semaphore_mem>>) src(%dma_wait3A_596 : memref<108544xf32, #tpu.memory_space<hbm>>) dst(%dma_wait3A_592 : memref<80xf32, #tpu.memory_space<vmem>>)
        %dma_wait3A_597 = arith.constant 1600 : i32
        %dma_wait3A_598 = tpu.memref_slice %arg10[%dma_wait3A_597] : memref<4000xf32, #tpu.memory_space<vmem>> -> memref<80xf32, #tpu.memory_space<vmem>>
        %dma_wait3A_599 = arith.constant 1600 : i32
        %dma_wait3A_600 = tpu.memref_slice %arg8[%dma_wait3A_599] : memref<4000xi32, #tpu.memory_space<vmem>> -> memref<80xi32, #tpu.memory_space<vmem>>
        %dma_wait3A_601 = arith.constant 0 : i32
        %dma_wait3A_602 = tpu.memref_slice %arg5[%dma_wait3A_601] : memref<108544xf32, #tpu.memory_space<hbm>> -> memref<108544xf32, #tpu.memory_space<hbm>>
        tpu.wait_indirect_dma semaphore(%arg14 : memref<!tpu.dma_semaphore, #tpu.memory_space<semaphore_mem>>) src(%dma_wait3A_602 : memref<108544xf32, #tpu.memory_space<hbm>>) dst(%dma_wait3A_598 : memref<80xf32, #tpu.memory_space<vmem>>)
        %dma_wait3A_603 = arith.constant 1680 : i32
        %dma_wait3A_604 = tpu.memref_slice %arg9[%dma_wait3A_603] : memref<4000xf32, #tpu.memory_space<vmem>> -> memref<80xf32, #tpu.memory_space<vmem>>
        %dma_wait3A_605 = arith.constant 1680 : i32
        %dma_wait3A_606 = tpu.memref_slice %arg8[%dma_wait3A_605] : memref<4000xi32, #tpu.memory_space<vmem>> -> memref<80xi32, #tpu.memory_space<vmem>>
        %dma_wait3A_607 = arith.constant 0 : i32
        %dma_wait3A_608 = tpu.memref_slice %arg4[%dma_wait3A_607] : memref<108544xf32, #tpu.memory_space<hbm>> -> memref<108544xf32, #tpu.memory_space<hbm>>
        tpu.wait_indirect_dma semaphore(%arg14 : memref<!tpu.dma_semaphore, #tpu.memory_space<semaphore_mem>>) src(%dma_wait3A_608 : memref<108544xf32, #tpu.memory_space<hbm>>) dst(%dma_wait3A_604 : memref<80xf32, #tpu.memory_space<vmem>>)
        %dma_wait3A_609 = arith.constant 1680 : i32
        %dma_wait3A_610 = tpu.memref_slice %arg10[%dma_wait3A_609] : memref<4000xf32, #tpu.memory_space<vmem>> -> memref<80xf32, #tpu.memory_space<vmem>>
        %dma_wait3A_611 = arith.constant 1680 : i32
        %dma_wait3A_612 = tpu.memref_slice %arg8[%dma_wait3A_611] : memref<4000xi32, #tpu.memory_space<vmem>> -> memref<80xi32, #tpu.memory_space<vmem>>
        %dma_wait3A_613 = arith.constant 0 : i32
        %dma_wait3A_614 = tpu.memref_slice %arg5[%dma_wait3A_613] : memref<108544xf32, #tpu.memory_space<hbm>> -> memref<108544xf32, #tpu.memory_space<hbm>>
        tpu.wait_indirect_dma semaphore(%arg14 : memref<!tpu.dma_semaphore, #tpu.memory_space<semaphore_mem>>) src(%dma_wait3A_614 : memref<108544xf32, #tpu.memory_space<hbm>>) dst(%dma_wait3A_610 : memref<80xf32, #tpu.memory_space<vmem>>)
        %dma_wait3A_615 = arith.constant 1760 : i32
        %dma_wait3A_616 = tpu.memref_slice %arg9[%dma_wait3A_615] : memref<4000xf32, #tpu.memory_space<vmem>> -> memref<80xf32, #tpu.memory_space<vmem>>
        %dma_wait3A_617 = arith.constant 1760 : i32
        %dma_wait3A_618 = tpu.memref_slice %arg8[%dma_wait3A_617] : memref<4000xi32, #tpu.memory_space<vmem>> -> memref<80xi32, #tpu.memory_space<vmem>>
        %dma_wait3A_619 = arith.constant 0 : i32
        %dma_wait3A_620 = tpu.memref_slice %arg4[%dma_wait3A_619] : memref<108544xf32, #tpu.memory_space<hbm>> -> memref<108544xf32, #tpu.memory_space<hbm>>
        tpu.wait_indirect_dma semaphore(%arg14 : memref<!tpu.dma_semaphore, #tpu.memory_space<semaphore_mem>>) src(%dma_wait3A_620 : memref<108544xf32, #tpu.memory_space<hbm>>) dst(%dma_wait3A_616 : memref<80xf32, #tpu.memory_space<vmem>>)
        %dma_wait3A_621 = arith.constant 1760 : i32
        %dma_wait3A_622 = tpu.memref_slice %arg10[%dma_wait3A_621] : memref<4000xf32, #tpu.memory_space<vmem>> -> memref<80xf32, #tpu.memory_space<vmem>>
        %dma_wait3A_623 = arith.constant 1760 : i32
        %dma_wait3A_624 = tpu.memref_slice %arg8[%dma_wait3A_623] : memref<4000xi32, #tpu.memory_space<vmem>> -> memref<80xi32, #tpu.memory_space<vmem>>
        %dma_wait3A_625 = arith.constant 0 : i32
        %dma_wait3A_626 = tpu.memref_slice %arg5[%dma_wait3A_625] : memref<108544xf32, #tpu.memory_space<hbm>> -> memref<108544xf32, #tpu.memory_space<hbm>>
        tpu.wait_indirect_dma semaphore(%arg14 : memref<!tpu.dma_semaphore, #tpu.memory_space<semaphore_mem>>) src(%dma_wait3A_626 : memref<108544xf32, #tpu.memory_space<hbm>>) dst(%dma_wait3A_622 : memref<80xf32, #tpu.memory_space<vmem>>)
        %dma_wait3A_627 = arith.constant 1840 : i32
        %dma_wait3A_628 = tpu.memref_slice %arg9[%dma_wait3A_627] : memref<4000xf32, #tpu.memory_space<vmem>> -> memref<80xf32, #tpu.memory_space<vmem>>
        %dma_wait3A_629 = arith.constant 1840 : i32
        %dma_wait3A_630 = tpu.memref_slice %arg8[%dma_wait3A_629] : memref<4000xi32, #tpu.memory_space<vmem>> -> memref<80xi32, #tpu.memory_space<vmem>>
        %dma_wait3A_631 = arith.constant 0 : i32
        %dma_wait3A_632 = tpu.memref_slice %arg4[%dma_wait3A_631] : memref<108544xf32, #tpu.memory_space<hbm>> -> memref<108544xf32, #tpu.memory_space<hbm>>
        tpu.wait_indirect_dma semaphore(%arg14 : memref<!tpu.dma_semaphore, #tpu.memory_space<semaphore_mem>>) src(%dma_wait3A_632 : memref<108544xf32, #tpu.memory_space<hbm>>) dst(%dma_wait3A_628 : memref<80xf32, #tpu.memory_space<vmem>>)
        %dma_wait3A_633 = arith.constant 1840 : i32
        %dma_wait3A_634 = tpu.memref_slice %arg10[%dma_wait3A_633] : memref<4000xf32, #tpu.memory_space<vmem>> -> memref<80xf32, #tpu.memory_space<vmem>>
        %dma_wait3A_635 = arith.constant 1840 : i32
        %dma_wait3A_636 = tpu.memref_slice %arg8[%dma_wait3A_635] : memref<4000xi32, #tpu.memory_space<vmem>> -> memref<80xi32, #tpu.memory_space<vmem>>
        %dma_wait3A_637 = arith.constant 0 : i32
        %dma_wait3A_638 = tpu.memref_slice %arg5[%dma_wait3A_637] : memref<108544xf32, #tpu.memory_space<hbm>> -> memref<108544xf32, #tpu.memory_space<hbm>>
        tpu.wait_indirect_dma semaphore(%arg14 : memref<!tpu.dma_semaphore, #tpu.memory_space<semaphore_mem>>) src(%dma_wait3A_638 : memref<108544xf32, #tpu.memory_space<hbm>>) dst(%dma_wait3A_634 : memref<80xf32, #tpu.memory_space<vmem>>)
        %dma_start3A_639 = arith.constant 1920 : i32
        %dma_start3A_640 = tpu.memref_slice %arg9[%dma_start3A_639] : memref<4000xf32, #tpu.memory_space<vmem>> -> memref<80xf32, #tpu.memory_space<vmem>>
        %dma_start3A_641 = arith.constant 1920 : i32
        %dma_start3A_642 = tpu.memref_slice %arg8[%dma_start3A_641] : memref<4000xi32, #tpu.memory_space<vmem>> -> memref<80xi32, #tpu.memory_space<vmem>>
        %dma_start3A_643 = arith.constant 0 : i32
        %dma_start3A_644 = tpu.memref_slice %arg4[%dma_start3A_643] : memref<108544xf32, #tpu.memory_space<hbm>> -> memref<108544xf32, #tpu.memory_space<hbm>>
        tpu.enqueue_indirect_dma source(%dma_start3A_644 : memref<108544xf32, #tpu.memory_space<hbm>>) target(%dma_start3A_640 : memref<80xf32, #tpu.memory_space<vmem>>) offsets(%dma_start3A_642 : memref<80xi32, #tpu.memory_space<vmem>>) semaphore(%arg14 : memref<!tpu.dma_semaphore, #tpu.memory_space<semaphore_mem>>)
        %dma_start3A_645 = arith.constant 1920 : i32
        %dma_start3A_646 = tpu.memref_slice %arg10[%dma_start3A_645] : memref<4000xf32, #tpu.memory_space<vmem>> -> memref<80xf32, #tpu.memory_space<vmem>>
        %dma_start3A_647 = arith.constant 1920 : i32
        %dma_start3A_648 = tpu.memref_slice %arg8[%dma_start3A_647] : memref<4000xi32, #tpu.memory_space<vmem>> -> memref<80xi32, #tpu.memory_space<vmem>>
        %dma_start3A_649 = arith.constant 0 : i32
        %dma_start3A_650 = tpu.memref_slice %arg5[%dma_start3A_649] : memref<108544xf32, #tpu.memory_space<hbm>> -> memref<108544xf32, #tpu.memory_space<hbm>>
        tpu.enqueue_indirect_dma source(%dma_start3A_650 : memref<108544xf32, #tpu.memory_space<hbm>>) target(%dma_start3A_646 : memref<80xf32, #tpu.memory_space<vmem>>) offsets(%dma_start3A_648 : memref<80xi32, #tpu.memory_space<vmem>>) semaphore(%arg14 : memref<!tpu.dma_semaphore, #tpu.memory_space<semaphore_mem>>)
        %dma_start3A_651 = arith.constant 2000 : i32
        %dma_start3A_652 = tpu.memref_slice %arg9[%dma_start3A_651] : memref<4000xf32, #tpu.memory_space<vmem>> -> memref<80xf32, #tpu.memory_space<vmem>>
        %dma_start3A_653 = arith.constant 2000 : i32
        %dma_start3A_654 = tpu.memref_slice %arg8[%dma_start3A_653] : memref<4000xi32, #tpu.memory_space<vmem>> -> memref<80xi32, #tpu.memory_space<vmem>>
        %dma_start3A_655 = arith.constant 0 : i32
        %dma_start3A_656 = tpu.memref_slice %arg4[%dma_start3A_655] : memref<108544xf32, #tpu.memory_space<hbm>> -> memref<108544xf32, #tpu.memory_space<hbm>>
        tpu.enqueue_indirect_dma source(%dma_start3A_656 : memref<108544xf32, #tpu.memory_space<hbm>>) target(%dma_start3A_652 : memref<80xf32, #tpu.memory_space<vmem>>) offsets(%dma_start3A_654 : memref<80xi32, #tpu.memory_space<vmem>>) semaphore(%arg14 : memref<!tpu.dma_semaphore, #tpu.memory_space<semaphore_mem>>)
        %dma_start3A_657 = arith.constant 2000 : i32
        %dma_start3A_658 = tpu.memref_slice %arg10[%dma_start3A_657] : memref<4000xf32, #tpu.memory_space<vmem>> -> memref<80xf32, #tpu.memory_space<vmem>>
        %dma_start3A_659 = arith.constant 2000 : i32
        %dma_start3A_660 = tpu.memref_slice %arg8[%dma_start3A_659] : memref<4000xi32, #tpu.memory_space<vmem>> -> memref<80xi32, #tpu.memory_space<vmem>>
        %dma_start3A_661 = arith.constant 0 : i32
        %dma_start3A_662 = tpu.memref_slice %arg5[%dma_start3A_661] : memref<108544xf32, #tpu.memory_space<hbm>> -> memref<108544xf32, #tpu.memory_space<hbm>>
        tpu.enqueue_indirect_dma source(%dma_start3A_662 : memref<108544xf32, #tpu.memory_space<hbm>>) target(%dma_start3A_658 : memref<80xf32, #tpu.memory_space<vmem>>) offsets(%dma_start3A_660 : memref<80xi32, #tpu.memory_space<vmem>>) semaphore(%arg14 : memref<!tpu.dma_semaphore, #tpu.memory_space<semaphore_mem>>)
        %dma_start3A_663 = arith.constant 2080 : i32
        %dma_start3A_664 = tpu.memref_slice %arg9[%dma_start3A_663] : memref<4000xf32, #tpu.memory_space<vmem>> -> memref<80xf32, #tpu.memory_space<vmem>>
        %dma_start3A_665 = arith.constant 2080 : i32
        %dma_start3A_666 = tpu.memref_slice %arg8[%dma_start3A_665] : memref<4000xi32, #tpu.memory_space<vmem>> -> memref<80xi32, #tpu.memory_space<vmem>>
        %dma_start3A_667 = arith.constant 0 : i32
        %dma_start3A_668 = tpu.memref_slice %arg4[%dma_start3A_667] : memref<108544xf32, #tpu.memory_space<hbm>> -> memref<108544xf32, #tpu.memory_space<hbm>>
        tpu.enqueue_indirect_dma source(%dma_start3A_668 : memref<108544xf32, #tpu.memory_space<hbm>>) target(%dma_start3A_664 : memref<80xf32, #tpu.memory_space<vmem>>) offsets(%dma_start3A_666 : memref<80xi32, #tpu.memory_space<vmem>>) semaphore(%arg14 : memref<!tpu.dma_semaphore, #tpu.memory_space<semaphore_mem>>)
        %dma_start3A_669 = arith.constant 2080 : i32
        %dma_start3A_670 = tpu.memref_slice %arg10[%dma_start3A_669] : memref<4000xf32, #tpu.memory_space<vmem>> -> memref<80xf32, #tpu.memory_space<vmem>>
        %dma_start3A_671 = arith.constant 2080 : i32
        %dma_start3A_672 = tpu.memref_slice %arg8[%dma_start3A_671] : memref<4000xi32, #tpu.memory_space<vmem>> -> memref<80xi32, #tpu.memory_space<vmem>>
        %dma_start3A_673 = arith.constant 0 : i32
        %dma_start3A_674 = tpu.memref_slice %arg5[%dma_start3A_673] : memref<108544xf32, #tpu.memory_space<hbm>> -> memref<108544xf32, #tpu.memory_space<hbm>>
        tpu.enqueue_indirect_dma source(%dma_start3A_674 : memref<108544xf32, #tpu.memory_space<hbm>>) target(%dma_start3A_670 : memref<80xf32, #tpu.memory_space<vmem>>) offsets(%dma_start3A_672 : memref<80xi32, #tpu.memory_space<vmem>>) semaphore(%arg14 : memref<!tpu.dma_semaphore, #tpu.memory_space<semaphore_mem>>)
        %dma_start3A_675 = arith.constant 2160 : i32
        %dma_start3A_676 = tpu.memref_slice %arg9[%dma_start3A_675] : memref<4000xf32, #tpu.memory_space<vmem>> -> memref<80xf32, #tpu.memory_space<vmem>>
        %dma_start3A_677 = arith.constant 2160 : i32
        %dma_start3A_678 = tpu.memref_slice %arg8[%dma_start3A_677] : memref<4000xi32, #tpu.memory_space<vmem>> -> memref<80xi32, #tpu.memory_space<vmem>>
        %dma_start3A_679 = arith.constant 0 : i32
        %dma_start3A_680 = tpu.memref_slice %arg4[%dma_start3A_679] : memref<108544xf32, #tpu.memory_space<hbm>> -> memref<108544xf32, #tpu.memory_space<hbm>>
        tpu.enqueue_indirect_dma source(%dma_start3A_680 : memref<108544xf32, #tpu.memory_space<hbm>>) target(%dma_start3A_676 : memref<80xf32, #tpu.memory_space<vmem>>) offsets(%dma_start3A_678 : memref<80xi32, #tpu.memory_space<vmem>>) semaphore(%arg14 : memref<!tpu.dma_semaphore, #tpu.memory_space<semaphore_mem>>)
        %dma_start3A_681 = arith.constant 2160 : i32
        %dma_start3A_682 = tpu.memref_slice %arg10[%dma_start3A_681] : memref<4000xf32, #tpu.memory_space<vmem>> -> memref<80xf32, #tpu.memory_space<vmem>>
        %dma_start3A_683 = arith.constant 2160 : i32
        %dma_start3A_684 = tpu.memref_slice %arg8[%dma_start3A_683] : memref<4000xi32, #tpu.memory_space<vmem>> -> memref<80xi32, #tpu.memory_space<vmem>>
        %dma_start3A_685 = arith.constant 0 : i32
        %dma_start3A_686 = tpu.memref_slice %arg5[%dma_start3A_685] : memref<108544xf32, #tpu.memory_space<hbm>> -> memref<108544xf32, #tpu.memory_space<hbm>>
        tpu.enqueue_indirect_dma source(%dma_start3A_686 : memref<108544xf32, #tpu.memory_space<hbm>>) target(%dma_start3A_682 : memref<80xf32, #tpu.memory_space<vmem>>) offsets(%dma_start3A_684 : memref<80xi32, #tpu.memory_space<vmem>>) semaphore(%arg14 : memref<!tpu.dma_semaphore, #tpu.memory_space<semaphore_mem>>)
        %dma_start3A_687 = arith.constant 2240 : i32
        %dma_start3A_688 = tpu.memref_slice %arg9[%dma_start3A_687] : memref<4000xf32, #tpu.memory_space<vmem>> -> memref<80xf32, #tpu.memory_space<vmem>>
        %dma_start3A_689 = arith.constant 2240 : i32
        %dma_start3A_690 = tpu.memref_slice %arg8[%dma_start3A_689] : memref<4000xi32, #tpu.memory_space<vmem>> -> memref<80xi32, #tpu.memory_space<vmem>>
        %dma_start3A_691 = arith.constant 0 : i32
        %dma_start3A_692 = tpu.memref_slice %arg4[%dma_start3A_691] : memref<108544xf32, #tpu.memory_space<hbm>> -> memref<108544xf32, #tpu.memory_space<hbm>>
        tpu.enqueue_indirect_dma source(%dma_start3A_692 : memref<108544xf32, #tpu.memory_space<hbm>>) target(%dma_start3A_688 : memref<80xf32, #tpu.memory_space<vmem>>) offsets(%dma_start3A_690 : memref<80xi32, #tpu.memory_space<vmem>>) semaphore(%arg14 : memref<!tpu.dma_semaphore, #tpu.memory_space<semaphore_mem>>)
        %dma_start3A_693 = arith.constant 2240 : i32
        %dma_start3A_694 = tpu.memref_slice %arg10[%dma_start3A_693] : memref<4000xf32, #tpu.memory_space<vmem>> -> memref<80xf32, #tpu.memory_space<vmem>>
        %dma_start3A_695 = arith.constant 2240 : i32
        %dma_start3A_696 = tpu.memref_slice %arg8[%dma_start3A_695] : memref<4000xi32, #tpu.memory_space<vmem>> -> memref<80xi32, #tpu.memory_space<vmem>>
        %dma_start3A_697 = arith.constant 0 : i32
        %dma_start3A_698 = tpu.memref_slice %arg5[%dma_start3A_697] : memref<108544xf32, #tpu.memory_space<hbm>> -> memref<108544xf32, #tpu.memory_space<hbm>>
        tpu.enqueue_indirect_dma source(%dma_start3A_698 : memref<108544xf32, #tpu.memory_space<hbm>>) target(%dma_start3A_694 : memref<80xf32, #tpu.memory_space<vmem>>) offsets(%dma_start3A_696 : memref<80xi32, #tpu.memory_space<vmem>>) semaphore(%arg14 : memref<!tpu.dma_semaphore, #tpu.memory_space<semaphore_mem>>)
        %dma_start3A_699 = arith.constant 2320 : i32
        %dma_start3A_700 = tpu.memref_slice %arg9[%dma_start3A_699] : memref<4000xf32, #tpu.memory_space<vmem>> -> memref<80xf32, #tpu.memory_space<vmem>>
        %dma_start3A_701 = arith.constant 2320 : i32
        %dma_start3A_702 = tpu.memref_slice %arg8[%dma_start3A_701] : memref<4000xi32, #tpu.memory_space<vmem>> -> memref<80xi32, #tpu.memory_space<vmem>>
        %dma_start3A_703 = arith.constant 0 : i32
        %dma_start3A_704 = tpu.memref_slice %arg4[%dma_start3A_703] : memref<108544xf32, #tpu.memory_space<hbm>> -> memref<108544xf32, #tpu.memory_space<hbm>>
        tpu.enqueue_indirect_dma source(%dma_start3A_704 : memref<108544xf32, #tpu.memory_space<hbm>>) target(%dma_start3A_700 : memref<80xf32, #tpu.memory_space<vmem>>) offsets(%dma_start3A_702 : memref<80xi32, #tpu.memory_space<vmem>>) semaphore(%arg14 : memref<!tpu.dma_semaphore, #tpu.memory_space<semaphore_mem>>)
        %dma_start3A_705 = arith.constant 2320 : i32
        %dma_start3A_706 = tpu.memref_slice %arg10[%dma_start3A_705] : memref<4000xf32, #tpu.memory_space<vmem>> -> memref<80xf32, #tpu.memory_space<vmem>>
        %dma_start3A_707 = arith.constant 2320 : i32
        %dma_start3A_708 = tpu.memref_slice %arg8[%dma_start3A_707] : memref<4000xi32, #tpu.memory_space<vmem>> -> memref<80xi32, #tpu.memory_space<vmem>>
        %dma_start3A_709 = arith.constant 0 : i32
        %dma_start3A_710 = tpu.memref_slice %arg5[%dma_start3A_709] : memref<108544xf32, #tpu.memory_space<hbm>> -> memref<108544xf32, #tpu.memory_space<hbm>>
        tpu.enqueue_indirect_dma source(%dma_start3A_710 : memref<108544xf32, #tpu.memory_space<hbm>>) target(%dma_start3A_706 : memref<80xf32, #tpu.memory_space<vmem>>) offsets(%dma_start3A_708 : memref<80xi32, #tpu.memory_space<vmem>>) semaphore(%arg14 : memref<!tpu.dma_semaphore, #tpu.memory_space<semaphore_mem>>)
        %dma_start3A_711 = arith.constant 2400 : i32
        %dma_start3A_712 = tpu.memref_slice %arg9[%dma_start3A_711] : memref<4000xf32, #tpu.memory_space<vmem>> -> memref<80xf32, #tpu.memory_space<vmem>>
        %dma_start3A_713 = arith.constant 2400 : i32
        %dma_start3A_714 = tpu.memref_slice %arg8[%dma_start3A_713] : memref<4000xi32, #tpu.memory_space<vmem>> -> memref<80xi32, #tpu.memory_space<vmem>>
        %dma_start3A_715 = arith.constant 0 : i32
        %dma_start3A_716 = tpu.memref_slice %arg4[%dma_start3A_715] : memref<108544xf32, #tpu.memory_space<hbm>> -> memref<108544xf32, #tpu.memory_space<hbm>>
        tpu.enqueue_indirect_dma source(%dma_start3A_716 : memref<108544xf32, #tpu.memory_space<hbm>>) target(%dma_start3A_712 : memref<80xf32, #tpu.memory_space<vmem>>) offsets(%dma_start3A_714 : memref<80xi32, #tpu.memory_space<vmem>>) semaphore(%arg14 : memref<!tpu.dma_semaphore, #tpu.memory_space<semaphore_mem>>)
        %dma_start3A_717 = arith.constant 2400 : i32
        %dma_start3A_718 = tpu.memref_slice %arg10[%dma_start3A_717] : memref<4000xf32, #tpu.memory_space<vmem>> -> memref<80xf32, #tpu.memory_space<vmem>>
        %dma_start3A_719 = arith.constant 2400 : i32
        %dma_start3A_720 = tpu.memref_slice %arg8[%dma_start3A_719] : memref<4000xi32, #tpu.memory_space<vmem>> -> memref<80xi32, #tpu.memory_space<vmem>>
        %dma_start3A_721 = arith.constant 0 : i32
        %dma_start3A_722 = tpu.memref_slice %arg5[%dma_start3A_721] : memref<108544xf32, #tpu.memory_space<hbm>> -> memref<108544xf32, #tpu.memory_space<hbm>>
        tpu.enqueue_indirect_dma source(%dma_start3A_722 : memref<108544xf32, #tpu.memory_space<hbm>>) target(%dma_start3A_718 : memref<80xf32, #tpu.memory_space<vmem>>) offsets(%dma_start3A_720 : memref<80xi32, #tpu.memory_space<vmem>>) semaphore(%arg14 : memref<!tpu.dma_semaphore, #tpu.memory_space<semaphore_mem>>)
        %dma_start3A_723 = arith.constant 2480 : i32
        %dma_start3A_724 = tpu.memref_slice %arg9[%dma_start3A_723] : memref<4000xf32, #tpu.memory_space<vmem>> -> memref<80xf32, #tpu.memory_space<vmem>>
        %dma_start3A_725 = arith.constant 2480 : i32
        %dma_start3A_726 = tpu.memref_slice %arg8[%dma_start3A_725] : memref<4000xi32, #tpu.memory_space<vmem>> -> memref<80xi32, #tpu.memory_space<vmem>>
        %dma_start3A_727 = arith.constant 0 : i32
        %dma_start3A_728 = tpu.memref_slice %arg4[%dma_start3A_727] : memref<108544xf32, #tpu.memory_space<hbm>> -> memref<108544xf32, #tpu.memory_space<hbm>>
        tpu.enqueue_indirect_dma source(%dma_start3A_728 : memref<108544xf32, #tpu.memory_space<hbm>>) target(%dma_start3A_724 : memref<80xf32, #tpu.memory_space<vmem>>) offsets(%dma_start3A_726 : memref<80xi32, #tpu.memory_space<vmem>>) semaphore(%arg14 : memref<!tpu.dma_semaphore, #tpu.memory_space<semaphore_mem>>)
        %dma_start3A_729 = arith.constant 2480 : i32
        %dma_start3A_730 = tpu.memref_slice %arg10[%dma_start3A_729] : memref<4000xf32, #tpu.memory_space<vmem>> -> memref<80xf32, #tpu.memory_space<vmem>>
        %dma_start3A_731 = arith.constant 2480 : i32
        %dma_start3A_732 = tpu.memref_slice %arg8[%dma_start3A_731] : memref<4000xi32, #tpu.memory_space<vmem>> -> memref<80xi32, #tpu.memory_space<vmem>>
        %dma_start3A_733 = arith.constant 0 : i32
        %dma_start3A_734 = tpu.memref_slice %arg5[%dma_start3A_733] : memref<108544xf32, #tpu.memory_space<hbm>> -> memref<108544xf32, #tpu.memory_space<hbm>>
        tpu.enqueue_indirect_dma source(%dma_start3A_734 : memref<108544xf32, #tpu.memory_space<hbm>>) target(%dma_start3A_730 : memref<80xf32, #tpu.memory_space<vmem>>) offsets(%dma_start3A_732 : memref<80xi32, #tpu.memory_space<vmem>>) semaphore(%arg14 : memref<!tpu.dma_semaphore, #tpu.memory_space<semaphore_mem>>)
        %dma_wait3A_735 = arith.constant 1920 : i32
        %dma_wait3A_736 = tpu.memref_slice %arg9[%dma_wait3A_735] : memref<4000xf32, #tpu.memory_space<vmem>> -> memref<80xf32, #tpu.memory_space<vmem>>
        %dma_wait3A_737 = arith.constant 1920 : i32
        %dma_wait3A_738 = tpu.memref_slice %arg8[%dma_wait3A_737] : memref<4000xi32, #tpu.memory_space<vmem>> -> memref<80xi32, #tpu.memory_space<vmem>>
        %dma_wait3A_739 = arith.constant 0 : i32
        %dma_wait3A_740 = tpu.memref_slice %arg4[%dma_wait3A_739] : memref<108544xf32, #tpu.memory_space<hbm>> -> memref<108544xf32, #tpu.memory_space<hbm>>
        tpu.wait_indirect_dma semaphore(%arg14 : memref<!tpu.dma_semaphore, #tpu.memory_space<semaphore_mem>>) src(%dma_wait3A_740 : memref<108544xf32, #tpu.memory_space<hbm>>) dst(%dma_wait3A_736 : memref<80xf32, #tpu.memory_space<vmem>>)
        %dma_wait3A_741 = arith.constant 1920 : i32
        %dma_wait3A_742 = tpu.memref_slice %arg10[%dma_wait3A_741] : memref<4000xf32, #tpu.memory_space<vmem>> -> memref<80xf32, #tpu.memory_space<vmem>>
        %dma_wait3A_743 = arith.constant 1920 : i32
        %dma_wait3A_744 = tpu.memref_slice %arg8[%dma_wait3A_743] : memref<4000xi32, #tpu.memory_space<vmem>> -> memref<80xi32, #tpu.memory_space<vmem>>
        %dma_wait3A_745 = arith.constant 0 : i32
        %dma_wait3A_746 = tpu.memref_slice %arg5[%dma_wait3A_745] : memref<108544xf32, #tpu.memory_space<hbm>> -> memref<108544xf32, #tpu.memory_space<hbm>>
        tpu.wait_indirect_dma semaphore(%arg14 : memref<!tpu.dma_semaphore, #tpu.memory_space<semaphore_mem>>) src(%dma_wait3A_746 : memref<108544xf32, #tpu.memory_space<hbm>>) dst(%dma_wait3A_742 : memref<80xf32, #tpu.memory_space<vmem>>)
        %dma_wait3A_747 = arith.constant 2000 : i32
        %dma_wait3A_748 = tpu.memref_slice %arg9[%dma_wait3A_747] : memref<4000xf32, #tpu.memory_space<vmem>> -> memref<80xf32, #tpu.memory_space<vmem>>
        %dma_wait3A_749 = arith.constant 2000 : i32
        %dma_wait3A_750 = tpu.memref_slice %arg8[%dma_wait3A_749] : memref<4000xi32, #tpu.memory_space<vmem>> -> memref<80xi32, #tpu.memory_space<vmem>>
        %dma_wait3A_751 = arith.constant 0 : i32
        %dma_wait3A_752 = tpu.memref_slice %arg4[%dma_wait3A_751] : memref<108544xf32, #tpu.memory_space<hbm>> -> memref<108544xf32, #tpu.memory_space<hbm>>
        tpu.wait_indirect_dma semaphore(%arg14 : memref<!tpu.dma_semaphore, #tpu.memory_space<semaphore_mem>>) src(%dma_wait3A_752 : memref<108544xf32, #tpu.memory_space<hbm>>) dst(%dma_wait3A_748 : memref<80xf32, #tpu.memory_space<vmem>>)
        %dma_wait3A_753 = arith.constant 2000 : i32
        %dma_wait3A_754 = tpu.memref_slice %arg10[%dma_wait3A_753] : memref<4000xf32, #tpu.memory_space<vmem>> -> memref<80xf32, #tpu.memory_space<vmem>>
        %dma_wait3A_755 = arith.constant 2000 : i32
        %dma_wait3A_756 = tpu.memref_slice %arg8[%dma_wait3A_755] : memref<4000xi32, #tpu.memory_space<vmem>> -> memref<80xi32, #tpu.memory_space<vmem>>
        %dma_wait3A_757 = arith.constant 0 : i32
        %dma_wait3A_758 = tpu.memref_slice %arg5[%dma_wait3A_757] : memref<108544xf32, #tpu.memory_space<hbm>> -> memref<108544xf32, #tpu.memory_space<hbm>>
        tpu.wait_indirect_dma semaphore(%arg14 : memref<!tpu.dma_semaphore, #tpu.memory_space<semaphore_mem>>) src(%dma_wait3A_758 : memref<108544xf32, #tpu.memory_space<hbm>>) dst(%dma_wait3A_754 : memref<80xf32, #tpu.memory_space<vmem>>)
        %dma_wait3A_759 = arith.constant 2080 : i32
        %dma_wait3A_760 = tpu.memref_slice %arg9[%dma_wait3A_759] : memref<4000xf32, #tpu.memory_space<vmem>> -> memref<80xf32, #tpu.memory_space<vmem>>
        %dma_wait3A_761 = arith.constant 2080 : i32
        %dma_wait3A_762 = tpu.memref_slice %arg8[%dma_wait3A_761] : memref<4000xi32, #tpu.memory_space<vmem>> -> memref<80xi32, #tpu.memory_space<vmem>>
        %dma_wait3A_763 = arith.constant 0 : i32
        %dma_wait3A_764 = tpu.memref_slice %arg4[%dma_wait3A_763] : memref<108544xf32, #tpu.memory_space<hbm>> -> memref<108544xf32, #tpu.memory_space<hbm>>
        tpu.wait_indirect_dma semaphore(%arg14 : memref<!tpu.dma_semaphore, #tpu.memory_space<semaphore_mem>>) src(%dma_wait3A_764 : memref<108544xf32, #tpu.memory_space<hbm>>) dst(%dma_wait3A_760 : memref<80xf32, #tpu.memory_space<vmem>>)
        %dma_wait3A_765 = arith.constant 2080 : i32
        %dma_wait3A_766 = tpu.memref_slice %arg10[%dma_wait3A_765] : memref<4000xf32, #tpu.memory_space<vmem>> -> memref<80xf32, #tpu.memory_space<vmem>>
        %dma_wait3A_767 = arith.constant 2080 : i32
        %dma_wait3A_768 = tpu.memref_slice %arg8[%dma_wait3A_767] : memref<4000xi32, #tpu.memory_space<vmem>> -> memref<80xi32, #tpu.memory_space<vmem>>
        %dma_wait3A_769 = arith.constant 0 : i32
        %dma_wait3A_770 = tpu.memref_slice %arg5[%dma_wait3A_769] : memref<108544xf32, #tpu.memory_space<hbm>> -> memref<108544xf32, #tpu.memory_space<hbm>>
        tpu.wait_indirect_dma semaphore(%arg14 : memref<!tpu.dma_semaphore, #tpu.memory_space<semaphore_mem>>) src(%dma_wait3A_770 : memref<108544xf32, #tpu.memory_space<hbm>>) dst(%dma_wait3A_766 : memref<80xf32, #tpu.memory_space<vmem>>)
        %dma_wait3A_771 = arith.constant 2160 : i32
        %dma_wait3A_772 = tpu.memref_slice %arg9[%dma_wait3A_771] : memref<4000xf32, #tpu.memory_space<vmem>> -> memref<80xf32, #tpu.memory_space<vmem>>
        %dma_wait3A_773 = arith.constant 2160 : i32
        %dma_wait3A_774 = tpu.memref_slice %arg8[%dma_wait3A_773] : memref<4000xi32, #tpu.memory_space<vmem>> -> memref<80xi32, #tpu.memory_space<vmem>>
        %dma_wait3A_775 = arith.constant 0 : i32
        %dma_wait3A_776 = tpu.memref_slice %arg4[%dma_wait3A_775] : memref<108544xf32, #tpu.memory_space<hbm>> -> memref<108544xf32, #tpu.memory_space<hbm>>
        tpu.wait_indirect_dma semaphore(%arg14 : memref<!tpu.dma_semaphore, #tpu.memory_space<semaphore_mem>>) src(%dma_wait3A_776 : memref<108544xf32, #tpu.memory_space<hbm>>) dst(%dma_wait3A_772 : memref<80xf32, #tpu.memory_space<vmem>>)
        %dma_wait3A_777 = arith.constant 2160 : i32
        %dma_wait3A_778 = tpu.memref_slice %arg10[%dma_wait3A_777] : memref<4000xf32, #tpu.memory_space<vmem>> -> memref<80xf32, #tpu.memory_space<vmem>>
        %dma_wait3A_779 = arith.constant 2160 : i32
        %dma_wait3A_780 = tpu.memref_slice %arg8[%dma_wait3A_779] : memref<4000xi32, #tpu.memory_space<vmem>> -> memref<80xi32, #tpu.memory_space<vmem>>
        %dma_wait3A_781 = arith.constant 0 : i32
        %dma_wait3A_782 = tpu.memref_slice %arg5[%dma_wait3A_781] : memref<108544xf32, #tpu.memory_space<hbm>> -> memref<108544xf32, #tpu.memory_space<hbm>>
        tpu.wait_indirect_dma semaphore(%arg14 : memref<!tpu.dma_semaphore, #tpu.memory_space<semaphore_mem>>) src(%dma_wait3A_782 : memref<108544xf32, #tpu.memory_space<hbm>>) dst(%dma_wait3A_778 : memref<80xf32, #tpu.memory_space<vmem>>)
        %dma_wait3A_783 = arith.constant 2240 : i32
        %dma_wait3A_784 = tpu.memref_slice %arg9[%dma_wait3A_783] : memref<4000xf32, #tpu.memory_space<vmem>> -> memref<80xf32, #tpu.memory_space<vmem>>
        %dma_wait3A_785 = arith.constant 2240 : i32
        %dma_wait3A_786 = tpu.memref_slice %arg8[%dma_wait3A_785] : memref<4000xi32, #tpu.memory_space<vmem>> -> memref<80xi32, #tpu.memory_space<vmem>>
        %dma_wait3A_787 = arith.constant 0 : i32
        %dma_wait3A_788 = tpu.memref_slice %arg4[%dma_wait3A_787] : memref<108544xf32, #tpu.memory_space<hbm>> -> memref<108544xf32, #tpu.memory_space<hbm>>
        tpu.wait_indirect_dma semaphore(%arg14 : memref<!tpu.dma_semaphore, #tpu.memory_space<semaphore_mem>>) src(%dma_wait3A_788 : memref<108544xf32, #tpu.memory_space<hbm>>) dst(%dma_wait3A_784 : memref<80xf32, #tpu.memory_space<vmem>>)
        %dma_wait3A_789 = arith.constant 2240 : i32
        %dma_wait3A_790 = tpu.memref_slice %arg10[%dma_wait3A_789] : memref<4000xf32, #tpu.memory_space<vmem>> -> memref<80xf32, #tpu.memory_space<vmem>>
        %dma_wait3A_791 = arith.constant 2240 : i32
        %dma_wait3A_792 = tpu.memref_slice %arg8[%dma_wait3A_791] : memref<4000xi32, #tpu.memory_space<vmem>> -> memref<80xi32, #tpu.memory_space<vmem>>
        %dma_wait3A_793 = arith.constant 0 : i32
        %dma_wait3A_794 = tpu.memref_slice %arg5[%dma_wait3A_793] : memref<108544xf32, #tpu.memory_space<hbm>> -> memref<108544xf32, #tpu.memory_space<hbm>>
        tpu.wait_indirect_dma semaphore(%arg14 : memref<!tpu.dma_semaphore, #tpu.memory_space<semaphore_mem>>) src(%dma_wait3A_794 : memref<108544xf32, #tpu.memory_space<hbm>>) dst(%dma_wait3A_790 : memref<80xf32, #tpu.memory_space<vmem>>)
        %dma_wait3A_795 = arith.constant 2320 : i32
        %dma_wait3A_796 = tpu.memref_slice %arg9[%dma_wait3A_795] : memref<4000xf32, #tpu.memory_space<vmem>> -> memref<80xf32, #tpu.memory_space<vmem>>
        %dma_wait3A_797 = arith.constant 2320 : i32
        %dma_wait3A_798 = tpu.memref_slice %arg8[%dma_wait3A_797] : memref<4000xi32, #tpu.memory_space<vmem>> -> memref<80xi32, #tpu.memory_space<vmem>>
        %dma_wait3A_799 = arith.constant 0 : i32
        %dma_wait3A_800 = tpu.memref_slice %arg4[%dma_wait3A_799] : memref<108544xf32, #tpu.memory_space<hbm>> -> memref<108544xf32, #tpu.memory_space<hbm>>
        tpu.wait_indirect_dma semaphore(%arg14 : memref<!tpu.dma_semaphore, #tpu.memory_space<semaphore_mem>>) src(%dma_wait3A_800 : memref<108544xf32, #tpu.memory_space<hbm>>) dst(%dma_wait3A_796 : memref<80xf32, #tpu.memory_space<vmem>>)
        %dma_wait3A_801 = arith.constant 2320 : i32
        %dma_wait3A_802 = tpu.memref_slice %arg10[%dma_wait3A_801] : memref<4000xf32, #tpu.memory_space<vmem>> -> memref<80xf32, #tpu.memory_space<vmem>>
        %dma_wait3A_803 = arith.constant 2320 : i32
        %dma_wait3A_804 = tpu.memref_slice %arg8[%dma_wait3A_803] : memref<4000xi32, #tpu.memory_space<vmem>> -> memref<80xi32, #tpu.memory_space<vmem>>
        %dma_wait3A_805 = arith.constant 0 : i32
        %dma_wait3A_806 = tpu.memref_slice %arg5[%dma_wait3A_805] : memref<108544xf32, #tpu.memory_space<hbm>> -> memref<108544xf32, #tpu.memory_space<hbm>>
        tpu.wait_indirect_dma semaphore(%arg14 : memref<!tpu.dma_semaphore, #tpu.memory_space<semaphore_mem>>) src(%dma_wait3A_806 : memref<108544xf32, #tpu.memory_space<hbm>>) dst(%dma_wait3A_802 : memref<80xf32, #tpu.memory_space<vmem>>)
        %dma_wait3A_807 = arith.constant 2400 : i32
        %dma_wait3A_808 = tpu.memref_slice %arg9[%dma_wait3A_807] : memref<4000xf32, #tpu.memory_space<vmem>> -> memref<80xf32, #tpu.memory_space<vmem>>
        %dma_wait3A_809 = arith.constant 2400 : i32
        %dma_wait3A_810 = tpu.memref_slice %arg8[%dma_wait3A_809] : memref<4000xi32, #tpu.memory_space<vmem>> -> memref<80xi32, #tpu.memory_space<vmem>>
        %dma_wait3A_811 = arith.constant 0 : i32
        %dma_wait3A_812 = tpu.memref_slice %arg4[%dma_wait3A_811] : memref<108544xf32, #tpu.memory_space<hbm>> -> memref<108544xf32, #tpu.memory_space<hbm>>
        tpu.wait_indirect_dma semaphore(%arg14 : memref<!tpu.dma_semaphore, #tpu.memory_space<semaphore_mem>>) src(%dma_wait3A_812 : memref<108544xf32, #tpu.memory_space<hbm>>) dst(%dma_wait3A_808 : memref<80xf32, #tpu.memory_space<vmem>>)
        %dma_wait3A_813 = arith.constant 2400 : i32
        %dma_wait3A_814 = tpu.memref_slice %arg10[%dma_wait3A_813] : memref<4000xf32, #tpu.memory_space<vmem>> -> memref<80xf32, #tpu.memory_space<vmem>>
        %dma_wait3A_815 = arith.constant 2400 : i32
        %dma_wait3A_816 = tpu.memref_slice %arg8[%dma_wait3A_815] : memref<4000xi32, #tpu.memory_space<vmem>> -> memref<80xi32, #tpu.memory_space<vmem>>
        %dma_wait3A_817 = arith.constant 0 : i32
        %dma_wait3A_818 = tpu.memref_slice %arg5[%dma_wait3A_817] : memref<108544xf32, #tpu.memory_space<hbm>> -> memref<108544xf32, #tpu.memory_space<hbm>>
        tpu.wait_indirect_dma semaphore(%arg14 : memref<!tpu.dma_semaphore, #tpu.memory_space<semaphore_mem>>) src(%dma_wait3A_818 : memref<108544xf32, #tpu.memory_space<hbm>>) dst(%dma_wait3A_814 : memref<80xf32, #tpu.memory_space<vmem>>)
        %dma_wait3A_819 = arith.constant 2480 : i32
        %dma_wait3A_820 = tpu.memref_slice %arg9[%dma_wait3A_819] : memref<4000xf32, #tpu.memory_space<vmem>> -> memref<80xf32, #tpu.memory_space<vmem>>
        %dma_wait3A_821 = arith.constant 2480 : i32
        %dma_wait3A_822 = tpu.memref_slice %arg8[%dma_wait3A_821] : memref<4000xi32, #tpu.memory_space<vmem>> -> memref<80xi32, #tpu.memory_space<vmem>>
        %dma_wait3A_823 = arith.constant 0 : i32
        %dma_wait3A_824 = tpu.memref_slice %arg4[%dma_wait3A_823] : memref<108544xf32, #tpu.memory_space<hbm>> -> memref<108544xf32, #tpu.memory_space<hbm>>
        tpu.wait_indirect_dma semaphore(%arg14 : memref<!tpu.dma_semaphore, #tpu.memory_space<semaphore_mem>>) src(%dma_wait3A_824 : memref<108544xf32, #tpu.memory_space<hbm>>) dst(%dma_wait3A_820 : memref<80xf32, #tpu.memory_space<vmem>>)
        %dma_wait3A_825 = arith.constant 2480 : i32
        %dma_wait3A_826 = tpu.memref_slice %arg10[%dma_wait3A_825] : memref<4000xf32, #tpu.memory_space<vmem>> -> memref<80xf32, #tpu.memory_space<vmem>>
        %dma_wait3A_827 = arith.constant 2480 : i32
        %dma_wait3A_828 = tpu.memref_slice %arg8[%dma_wait3A_827] : memref<4000xi32, #tpu.memory_space<vmem>> -> memref<80xi32, #tpu.memory_space<vmem>>
        %dma_wait3A_829 = arith.constant 0 : i32
        %dma_wait3A_830 = tpu.memref_slice %arg5[%dma_wait3A_829] : memref<108544xf32, #tpu.memory_space<hbm>> -> memref<108544xf32, #tpu.memory_space<hbm>>
        tpu.wait_indirect_dma semaphore(%arg14 : memref<!tpu.dma_semaphore, #tpu.memory_space<semaphore_mem>>) src(%dma_wait3A_830 : memref<108544xf32, #tpu.memory_space<hbm>>) dst(%dma_wait3A_826 : memref<80xf32, #tpu.memory_space<vmem>>)
        %dma_start3A_831 = arith.constant 2560 : i32
        %dma_start3A_832 = tpu.memref_slice %arg9[%dma_start3A_831] : memref<4000xf32, #tpu.memory_space<vmem>> -> memref<80xf32, #tpu.memory_space<vmem>>
        %dma_start3A_833 = arith.constant 2560 : i32
        %dma_start3A_834 = tpu.memref_slice %arg8[%dma_start3A_833] : memref<4000xi32, #tpu.memory_space<vmem>> -> memref<80xi32, #tpu.memory_space<vmem>>
        %dma_start3A_835 = arith.constant 0 : i32
        %dma_start3A_836 = tpu.memref_slice %arg4[%dma_start3A_835] : memref<108544xf32, #tpu.memory_space<hbm>> -> memref<108544xf32, #tpu.memory_space<hbm>>
        tpu.enqueue_indirect_dma source(%dma_start3A_836 : memref<108544xf32, #tpu.memory_space<hbm>>) target(%dma_start3A_832 : memref<80xf32, #tpu.memory_space<vmem>>) offsets(%dma_start3A_834 : memref<80xi32, #tpu.memory_space<vmem>>) semaphore(%arg14 : memref<!tpu.dma_semaphore, #tpu.memory_space<semaphore_mem>>)
        %dma_start3A_837 = arith.constant 2560 : i32
        %dma_start3A_838 = tpu.memref_slice %arg10[%dma_start3A_837] : memref<4000xf32, #tpu.memory_space<vmem>> -> memref<80xf32, #tpu.memory_space<vmem>>
        %dma_start3A_839 = arith.constant 2560 : i32
        %dma_start3A_840 = tpu.memref_slice %arg8[%dma_start3A_839] : memref<4000xi32, #tpu.memory_space<vmem>> -> memref<80xi32, #tpu.memory_space<vmem>>
        %dma_start3A_841 = arith.constant 0 : i32
        %dma_start3A_842 = tpu.memref_slice %arg5[%dma_start3A_841] : memref<108544xf32, #tpu.memory_space<hbm>> -> memref<108544xf32, #tpu.memory_space<hbm>>
        tpu.enqueue_indirect_dma source(%dma_start3A_842 : memref<108544xf32, #tpu.memory_space<hbm>>) target(%dma_start3A_838 : memref<80xf32, #tpu.memory_space<vmem>>) offsets(%dma_start3A_840 : memref<80xi32, #tpu.memory_space<vmem>>) semaphore(%arg14 : memref<!tpu.dma_semaphore, #tpu.memory_space<semaphore_mem>>)
        %dma_start3A_843 = arith.constant 2640 : i32
        %dma_start3A_844 = tpu.memref_slice %arg9[%dma_start3A_843] : memref<4000xf32, #tpu.memory_space<vmem>> -> memref<80xf32, #tpu.memory_space<vmem>>
        %dma_start3A_845 = arith.constant 2640 : i32
        %dma_start3A_846 = tpu.memref_slice %arg8[%dma_start3A_845] : memref<4000xi32, #tpu.memory_space<vmem>> -> memref<80xi32, #tpu.memory_space<vmem>>
        %dma_start3A_847 = arith.constant 0 : i32
        %dma_start3A_848 = tpu.memref_slice %arg4[%dma_start3A_847] : memref<108544xf32, #tpu.memory_space<hbm>> -> memref<108544xf32, #tpu.memory_space<hbm>>
        tpu.enqueue_indirect_dma source(%dma_start3A_848 : memref<108544xf32, #tpu.memory_space<hbm>>) target(%dma_start3A_844 : memref<80xf32, #tpu.memory_space<vmem>>) offsets(%dma_start3A_846 : memref<80xi32, #tpu.memory_space<vmem>>) semaphore(%arg14 : memref<!tpu.dma_semaphore, #tpu.memory_space<semaphore_mem>>)
        %dma_start3A_849 = arith.constant 2640 : i32
        %dma_start3A_850 = tpu.memref_slice %arg10[%dma_start3A_849] : memref<4000xf32, #tpu.memory_space<vmem>> -> memref<80xf32, #tpu.memory_space<vmem>>
        %dma_start3A_851 = arith.constant 2640 : i32
        %dma_start3A_852 = tpu.memref_slice %arg8[%dma_start3A_851] : memref<4000xi32, #tpu.memory_space<vmem>> -> memref<80xi32, #tpu.memory_space<vmem>>
        %dma_start3A_853 = arith.constant 0 : i32
        %dma_start3A_854 = tpu.memref_slice %arg5[%dma_start3A_853] : memref<108544xf32, #tpu.memory_space<hbm>> -> memref<108544xf32, #tpu.memory_space<hbm>>
        tpu.enqueue_indirect_dma source(%dma_start3A_854 : memref<108544xf32, #tpu.memory_space<hbm>>) target(%dma_start3A_850 : memref<80xf32, #tpu.memory_space<vmem>>) offsets(%dma_start3A_852 : memref<80xi32, #tpu.memory_space<vmem>>) semaphore(%arg14 : memref<!tpu.dma_semaphore, #tpu.memory_space<semaphore_mem>>)
        %dma_start3A_855 = arith.constant 2720 : i32
        %dma_start3A_856 = tpu.memref_slice %arg9[%dma_start3A_855] : memref<4000xf32, #tpu.memory_space<vmem>> -> memref<80xf32, #tpu.memory_space<vmem>>
        %dma_start3A_857 = arith.constant 2720 : i32
        %dma_start3A_858 = tpu.memref_slice %arg8[%dma_start3A_857] : memref<4000xi32, #tpu.memory_space<vmem>> -> memref<80xi32, #tpu.memory_space<vmem>>
        %dma_start3A_859 = arith.constant 0 : i32
        %dma_start3A_860 = tpu.memref_slice %arg4[%dma_start3A_859] : memref<108544xf32, #tpu.memory_space<hbm>> -> memref<108544xf32, #tpu.memory_space<hbm>>
        tpu.enqueue_indirect_dma source(%dma_start3A_860 : memref<108544xf32, #tpu.memory_space<hbm>>) target(%dma_start3A_856 : memref<80xf32, #tpu.memory_space<vmem>>) offsets(%dma_start3A_858 : memref<80xi32, #tpu.memory_space<vmem>>) semaphore(%arg14 : memref<!tpu.dma_semaphore, #tpu.memory_space<semaphore_mem>>)
        %dma_start3A_861 = arith.constant 2720 : i32
        %dma_start3A_862 = tpu.memref_slice %arg10[%dma_start3A_861] : memref<4000xf32, #tpu.memory_space<vmem>> -> memref<80xf32, #tpu.memory_space<vmem>>
        %dma_start3A_863 = arith.constant 2720 : i32
        %dma_start3A_864 = tpu.memref_slice %arg8[%dma_start3A_863] : memref<4000xi32, #tpu.memory_space<vmem>> -> memref<80xi32, #tpu.memory_space<vmem>>
        %dma_start3A_865 = arith.constant 0 : i32
        %dma_start3A_866 = tpu.memref_slice %arg5[%dma_start3A_865] : memref<108544xf32, #tpu.memory_space<hbm>> -> memref<108544xf32, #tpu.memory_space<hbm>>
        tpu.enqueue_indirect_dma source(%dma_start3A_866 : memref<108544xf32, #tpu.memory_space<hbm>>) target(%dma_start3A_862 : memref<80xf32, #tpu.memory_space<vmem>>) offsets(%dma_start3A_864 : memref<80xi32, #tpu.memory_space<vmem>>) semaphore(%arg14 : memref<!tpu.dma_semaphore, #tpu.memory_space<semaphore_mem>>)
        %dma_start3A_867 = arith.constant 2800 : i32
        %dma_start3A_868 = tpu.memref_slice %arg9[%dma_start3A_867] : memref<4000xf32, #tpu.memory_space<vmem>> -> memref<80xf32, #tpu.memory_space<vmem>>
        %dma_start3A_869 = arith.constant 2800 : i32
        %dma_start3A_870 = tpu.memref_slice %arg8[%dma_start3A_869] : memref<4000xi32, #tpu.memory_space<vmem>> -> memref<80xi32, #tpu.memory_space<vmem>>
        %dma_start3A_871 = arith.constant 0 : i32
        %dma_start3A_872 = tpu.memref_slice %arg4[%dma_start3A_871] : memref<108544xf32, #tpu.memory_space<hbm>> -> memref<108544xf32, #tpu.memory_space<hbm>>
        tpu.enqueue_indirect_dma source(%dma_start3A_872 : memref<108544xf32, #tpu.memory_space<hbm>>) target(%dma_start3A_868 : memref<80xf32, #tpu.memory_space<vmem>>) offsets(%dma_start3A_870 : memref<80xi32, #tpu.memory_space<vmem>>) semaphore(%arg14 : memref<!tpu.dma_semaphore, #tpu.memory_space<semaphore_mem>>)
        %dma_start3A_873 = arith.constant 2800 : i32
        %dma_start3A_874 = tpu.memref_slice %arg10[%dma_start3A_873] : memref<4000xf32, #tpu.memory_space<vmem>> -> memref<80xf32, #tpu.memory_space<vmem>>
        %dma_start3A_875 = arith.constant 2800 : i32
        %dma_start3A_876 = tpu.memref_slice %arg8[%dma_start3A_875] : memref<4000xi32, #tpu.memory_space<vmem>> -> memref<80xi32, #tpu.memory_space<vmem>>
        %dma_start3A_877 = arith.constant 0 : i32
        %dma_start3A_878 = tpu.memref_slice %arg5[%dma_start3A_877] : memref<108544xf32, #tpu.memory_space<hbm>> -> memref<108544xf32, #tpu.memory_space<hbm>>
        tpu.enqueue_indirect_dma source(%dma_start3A_878 : memref<108544xf32, #tpu.memory_space<hbm>>) target(%dma_start3A_874 : memref<80xf32, #tpu.memory_space<vmem>>) offsets(%dma_start3A_876 : memref<80xi32, #tpu.memory_space<vmem>>) semaphore(%arg14 : memref<!tpu.dma_semaphore, #tpu.memory_space<semaphore_mem>>)
        %dma_start3A_879 = arith.constant 2880 : i32
        %dma_start3A_880 = tpu.memref_slice %arg9[%dma_start3A_879] : memref<4000xf32, #tpu.memory_space<vmem>> -> memref<80xf32, #tpu.memory_space<vmem>>
        %dma_start3A_881 = arith.constant 2880 : i32
        %dma_start3A_882 = tpu.memref_slice %arg8[%dma_start3A_881] : memref<4000xi32, #tpu.memory_space<vmem>> -> memref<80xi32, #tpu.memory_space<vmem>>
        %dma_start3A_883 = arith.constant 0 : i32
        %dma_start3A_884 = tpu.memref_slice %arg4[%dma_start3A_883] : memref<108544xf32, #tpu.memory_space<hbm>> -> memref<108544xf32, #tpu.memory_space<hbm>>
        tpu.enqueue_indirect_dma source(%dma_start3A_884 : memref<108544xf32, #tpu.memory_space<hbm>>) target(%dma_start3A_880 : memref<80xf32, #tpu.memory_space<vmem>>) offsets(%dma_start3A_882 : memref<80xi32, #tpu.memory_space<vmem>>) semaphore(%arg14 : memref<!tpu.dma_semaphore, #tpu.memory_space<semaphore_mem>>)
        %dma_start3A_885 = arith.constant 2880 : i32
        %dma_start3A_886 = tpu.memref_slice %arg10[%dma_start3A_885] : memref<4000xf32, #tpu.memory_space<vmem>> -> memref<80xf32, #tpu.memory_space<vmem>>
        %dma_start3A_887 = arith.constant 2880 : i32
        %dma_start3A_888 = tpu.memref_slice %arg8[%dma_start3A_887] : memref<4000xi32, #tpu.memory_space<vmem>> -> memref<80xi32, #tpu.memory_space<vmem>>
        %dma_start3A_889 = arith.constant 0 : i32
        %dma_start3A_890 = tpu.memref_slice %arg5[%dma_start3A_889] : memref<108544xf32, #tpu.memory_space<hbm>> -> memref<108544xf32, #tpu.memory_space<hbm>>
        tpu.enqueue_indirect_dma source(%dma_start3A_890 : memref<108544xf32, #tpu.memory_space<hbm>>) target(%dma_start3A_886 : memref<80xf32, #tpu.memory_space<vmem>>) offsets(%dma_start3A_888 : memref<80xi32, #tpu.memory_space<vmem>>) semaphore(%arg14 : memref<!tpu.dma_semaphore, #tpu.memory_space<semaphore_mem>>)
        %dma_start3A_891 = arith.constant 2960 : i32
        %dma_start3A_892 = tpu.memref_slice %arg9[%dma_start3A_891] : memref<4000xf32, #tpu.memory_space<vmem>> -> memref<80xf32, #tpu.memory_space<vmem>>
        %dma_start3A_893 = arith.constant 2960 : i32
        %dma_start3A_894 = tpu.memref_slice %arg8[%dma_start3A_893] : memref<4000xi32, #tpu.memory_space<vmem>> -> memref<80xi32, #tpu.memory_space<vmem>>
        %dma_start3A_895 = arith.constant 0 : i32
        %dma_start3A_896 = tpu.memref_slice %arg4[%dma_start3A_895] : memref<108544xf32, #tpu.memory_space<hbm>> -> memref<108544xf32, #tpu.memory_space<hbm>>
        tpu.enqueue_indirect_dma source(%dma_start3A_896 : memref<108544xf32, #tpu.memory_space<hbm>>) target(%dma_start3A_892 : memref<80xf32, #tpu.memory_space<vmem>>) offsets(%dma_start3A_894 : memref<80xi32, #tpu.memory_space<vmem>>) semaphore(%arg14 : memref<!tpu.dma_semaphore, #tpu.memory_space<semaphore_mem>>)
        %dma_start3A_897 = arith.constant 2960 : i32
        %dma_start3A_898 = tpu.memref_slice %arg10[%dma_start3A_897] : memref<4000xf32, #tpu.memory_space<vmem>> -> memref<80xf32, #tpu.memory_space<vmem>>
        %dma_start3A_899 = arith.constant 2960 : i32
        %dma_start3A_900 = tpu.memref_slice %arg8[%dma_start3A_899] : memref<4000xi32, #tpu.memory_space<vmem>> -> memref<80xi32, #tpu.memory_space<vmem>>
        %dma_start3A_901 = arith.constant 0 : i32
        %dma_start3A_902 = tpu.memref_slice %arg5[%dma_start3A_901] : memref<108544xf32, #tpu.memory_space<hbm>> -> memref<108544xf32, #tpu.memory_space<hbm>>
        tpu.enqueue_indirect_dma source(%dma_start3A_902 : memref<108544xf32, #tpu.memory_space<hbm>>) target(%dma_start3A_898 : memref<80xf32, #tpu.memory_space<vmem>>) offsets(%dma_start3A_900 : memref<80xi32, #tpu.memory_space<vmem>>) semaphore(%arg14 : memref<!tpu.dma_semaphore, #tpu.memory_space<semaphore_mem>>)
        %dma_start3A_903 = arith.constant 3040 : i32
        %dma_start3A_904 = tpu.memref_slice %arg9[%dma_start3A_903] : memref<4000xf32, #tpu.memory_space<vmem>> -> memref<80xf32, #tpu.memory_space<vmem>>
        %dma_start3A_905 = arith.constant 3040 : i32
        %dma_start3A_906 = tpu.memref_slice %arg8[%dma_start3A_905] : memref<4000xi32, #tpu.memory_space<vmem>> -> memref<80xi32, #tpu.memory_space<vmem>>
        %dma_start3A_907 = arith.constant 0 : i32
        %dma_start3A_908 = tpu.memref_slice %arg4[%dma_start3A_907] : memref<108544xf32, #tpu.memory_space<hbm>> -> memref<108544xf32, #tpu.memory_space<hbm>>
        tpu.enqueue_indirect_dma source(%dma_start3A_908 : memref<108544xf32, #tpu.memory_space<hbm>>) target(%dma_start3A_904 : memref<80xf32, #tpu.memory_space<vmem>>) offsets(%dma_start3A_906 : memref<80xi32, #tpu.memory_space<vmem>>) semaphore(%arg14 : memref<!tpu.dma_semaphore, #tpu.memory_space<semaphore_mem>>)
        %dma_start3A_909 = arith.constant 3040 : i32
        %dma_start3A_910 = tpu.memref_slice %arg10[%dma_start3A_909] : memref<4000xf32, #tpu.memory_space<vmem>> -> memref<80xf32, #tpu.memory_space<vmem>>
        %dma_start3A_911 = arith.constant 3040 : i32
        %dma_start3A_912 = tpu.memref_slice %arg8[%dma_start3A_911] : memref<4000xi32, #tpu.memory_space<vmem>> -> memref<80xi32, #tpu.memory_space<vmem>>
        %dma_start3A_913 = arith.constant 0 : i32
        %dma_start3A_914 = tpu.memref_slice %arg5[%dma_start3A_913] : memref<108544xf32, #tpu.memory_space<hbm>> -> memref<108544xf32, #tpu.memory_space<hbm>>
        tpu.enqueue_indirect_dma source(%dma_start3A_914 : memref<108544xf32, #tpu.memory_space<hbm>>) target(%dma_start3A_910 : memref<80xf32, #tpu.memory_space<vmem>>) offsets(%dma_start3A_912 : memref<80xi32, #tpu.memory_space<vmem>>) semaphore(%arg14 : memref<!tpu.dma_semaphore, #tpu.memory_space<semaphore_mem>>)
        %dma_start3A_915 = arith.constant 3120 : i32
        %dma_start3A_916 = tpu.memref_slice %arg9[%dma_start3A_915] : memref<4000xf32, #tpu.memory_space<vmem>> -> memref<80xf32, #tpu.memory_space<vmem>>
        %dma_start3A_917 = arith.constant 3120 : i32
        %dma_start3A_918 = tpu.memref_slice %arg8[%dma_start3A_917] : memref<4000xi32, #tpu.memory_space<vmem>> -> memref<80xi32, #tpu.memory_space<vmem>>
        %dma_start3A_919 = arith.constant 0 : i32
        %dma_start3A_920 = tpu.memref_slice %arg4[%dma_start3A_919] : memref<108544xf32, #tpu.memory_space<hbm>> -> memref<108544xf32, #tpu.memory_space<hbm>>
        tpu.enqueue_indirect_dma source(%dma_start3A_920 : memref<108544xf32, #tpu.memory_space<hbm>>) target(%dma_start3A_916 : memref<80xf32, #tpu.memory_space<vmem>>) offsets(%dma_start3A_918 : memref<80xi32, #tpu.memory_space<vmem>>) semaphore(%arg14 : memref<!tpu.dma_semaphore, #tpu.memory_space<semaphore_mem>>)
        %dma_start3A_921 = arith.constant 3120 : i32
        %dma_start3A_922 = tpu.memref_slice %arg10[%dma_start3A_921] : memref<4000xf32, #tpu.memory_space<vmem>> -> memref<80xf32, #tpu.memory_space<vmem>>
        %dma_start3A_923 = arith.constant 3120 : i32
        %dma_start3A_924 = tpu.memref_slice %arg8[%dma_start3A_923] : memref<4000xi32, #tpu.memory_space<vmem>> -> memref<80xi32, #tpu.memory_space<vmem>>
        %dma_start3A_925 = arith.constant 0 : i32
        %dma_start3A_926 = tpu.memref_slice %arg5[%dma_start3A_925] : memref<108544xf32, #tpu.memory_space<hbm>> -> memref<108544xf32, #tpu.memory_space<hbm>>
        tpu.enqueue_indirect_dma source(%dma_start3A_926 : memref<108544xf32, #tpu.memory_space<hbm>>) target(%dma_start3A_922 : memref<80xf32, #tpu.memory_space<vmem>>) offsets(%dma_start3A_924 : memref<80xi32, #tpu.memory_space<vmem>>) semaphore(%arg14 : memref<!tpu.dma_semaphore, #tpu.memory_space<semaphore_mem>>)
        %dma_wait3A_927 = arith.constant 2560 : i32
        %dma_wait3A_928 = tpu.memref_slice %arg9[%dma_wait3A_927] : memref<4000xf32, #tpu.memory_space<vmem>> -> memref<80xf32, #tpu.memory_space<vmem>>
        %dma_wait3A_929 = arith.constant 2560 : i32
        %dma_wait3A_930 = tpu.memref_slice %arg8[%dma_wait3A_929] : memref<4000xi32, #tpu.memory_space<vmem>> -> memref<80xi32, #tpu.memory_space<vmem>>
        %dma_wait3A_931 = arith.constant 0 : i32
        %dma_wait3A_932 = tpu.memref_slice %arg4[%dma_wait3A_931] : memref<108544xf32, #tpu.memory_space<hbm>> -> memref<108544xf32, #tpu.memory_space<hbm>>
        tpu.wait_indirect_dma semaphore(%arg14 : memref<!tpu.dma_semaphore, #tpu.memory_space<semaphore_mem>>) src(%dma_wait3A_932 : memref<108544xf32, #tpu.memory_space<hbm>>) dst(%dma_wait3A_928 : memref<80xf32, #tpu.memory_space<vmem>>)
        %dma_wait3A_933 = arith.constant 2560 : i32
        %dma_wait3A_934 = tpu.memref_slice %arg10[%dma_wait3A_933] : memref<4000xf32, #tpu.memory_space<vmem>> -> memref<80xf32, #tpu.memory_space<vmem>>
        %dma_wait3A_935 = arith.constant 2560 : i32
        %dma_wait3A_936 = tpu.memref_slice %arg8[%dma_wait3A_935] : memref<4000xi32, #tpu.memory_space<vmem>> -> memref<80xi32, #tpu.memory_space<vmem>>
        %dma_wait3A_937 = arith.constant 0 : i32
        %dma_wait3A_938 = tpu.memref_slice %arg5[%dma_wait3A_937] : memref<108544xf32, #tpu.memory_space<hbm>> -> memref<108544xf32, #tpu.memory_space<hbm>>
        tpu.wait_indirect_dma semaphore(%arg14 : memref<!tpu.dma_semaphore, #tpu.memory_space<semaphore_mem>>) src(%dma_wait3A_938 : memref<108544xf32, #tpu.memory_space<hbm>>) dst(%dma_wait3A_934 : memref<80xf32, #tpu.memory_space<vmem>>)
        %dma_wait3A_939 = arith.constant 2640 : i32
        %dma_wait3A_940 = tpu.memref_slice %arg9[%dma_wait3A_939] : memref<4000xf32, #tpu.memory_space<vmem>> -> memref<80xf32, #tpu.memory_space<vmem>>
        %dma_wait3A_941 = arith.constant 2640 : i32
        %dma_wait3A_942 = tpu.memref_slice %arg8[%dma_wait3A_941] : memref<4000xi32, #tpu.memory_space<vmem>> -> memref<80xi32, #tpu.memory_space<vmem>>
        %dma_wait3A_943 = arith.constant 0 : i32
        %dma_wait3A_944 = tpu.memref_slice %arg4[%dma_wait3A_943] : memref<108544xf32, #tpu.memory_space<hbm>> -> memref<108544xf32, #tpu.memory_space<hbm>>
        tpu.wait_indirect_dma semaphore(%arg14 : memref<!tpu.dma_semaphore, #tpu.memory_space<semaphore_mem>>) src(%dma_wait3A_944 : memref<108544xf32, #tpu.memory_space<hbm>>) dst(%dma_wait3A_940 : memref<80xf32, #tpu.memory_space<vmem>>)
        %dma_wait3A_945 = arith.constant 2640 : i32
        %dma_wait3A_946 = tpu.memref_slice %arg10[%dma_wait3A_945] : memref<4000xf32, #tpu.memory_space<vmem>> -> memref<80xf32, #tpu.memory_space<vmem>>
        %dma_wait3A_947 = arith.constant 2640 : i32
        %dma_wait3A_948 = tpu.memref_slice %arg8[%dma_wait3A_947] : memref<4000xi32, #tpu.memory_space<vmem>> -> memref<80xi32, #tpu.memory_space<vmem>>
        %dma_wait3A_949 = arith.constant 0 : i32
        %dma_wait3A_950 = tpu.memref_slice %arg5[%dma_wait3A_949] : memref<108544xf32, #tpu.memory_space<hbm>> -> memref<108544xf32, #tpu.memory_space<hbm>>
        tpu.wait_indirect_dma semaphore(%arg14 : memref<!tpu.dma_semaphore, #tpu.memory_space<semaphore_mem>>) src(%dma_wait3A_950 : memref<108544xf32, #tpu.memory_space<hbm>>) dst(%dma_wait3A_946 : memref<80xf32, #tpu.memory_space<vmem>>)
        %dma_wait3A_951 = arith.constant 2720 : i32
        %dma_wait3A_952 = tpu.memref_slice %arg9[%dma_wait3A_951] : memref<4000xf32, #tpu.memory_space<vmem>> -> memref<80xf32, #tpu.memory_space<vmem>>
        %dma_wait3A_953 = arith.constant 2720 : i32
        %dma_wait3A_954 = tpu.memref_slice %arg8[%dma_wait3A_953] : memref<4000xi32, #tpu.memory_space<vmem>> -> memref<80xi32, #tpu.memory_space<vmem>>
        %dma_wait3A_955 = arith.constant 0 : i32
        %dma_wait3A_956 = tpu.memref_slice %arg4[%dma_wait3A_955] : memref<108544xf32, #tpu.memory_space<hbm>> -> memref<108544xf32, #tpu.memory_space<hbm>>
        tpu.wait_indirect_dma semaphore(%arg14 : memref<!tpu.dma_semaphore, #tpu.memory_space<semaphore_mem>>) src(%dma_wait3A_956 : memref<108544xf32, #tpu.memory_space<hbm>>) dst(%dma_wait3A_952 : memref<80xf32, #tpu.memory_space<vmem>>)
        %dma_wait3A_957 = arith.constant 2720 : i32
        %dma_wait3A_958 = tpu.memref_slice %arg10[%dma_wait3A_957] : memref<4000xf32, #tpu.memory_space<vmem>> -> memref<80xf32, #tpu.memory_space<vmem>>
        %dma_wait3A_959 = arith.constant 2720 : i32
        %dma_wait3A_960 = tpu.memref_slice %arg8[%dma_wait3A_959] : memref<4000xi32, #tpu.memory_space<vmem>> -> memref<80xi32, #tpu.memory_space<vmem>>
        %dma_wait3A_961 = arith.constant 0 : i32
        %dma_wait3A_962 = tpu.memref_slice %arg5[%dma_wait3A_961] : memref<108544xf32, #tpu.memory_space<hbm>> -> memref<108544xf32, #tpu.memory_space<hbm>>
        tpu.wait_indirect_dma semaphore(%arg14 : memref<!tpu.dma_semaphore, #tpu.memory_space<semaphore_mem>>) src(%dma_wait3A_962 : memref<108544xf32, #tpu.memory_space<hbm>>) dst(%dma_wait3A_958 : memref<80xf32, #tpu.memory_space<vmem>>)
        %dma_wait3A_963 = arith.constant 2800 : i32
        %dma_wait3A_964 = tpu.memref_slice %arg9[%dma_wait3A_963] : memref<4000xf32, #tpu.memory_space<vmem>> -> memref<80xf32, #tpu.memory_space<vmem>>
        %dma_wait3A_965 = arith.constant 2800 : i32
        %dma_wait3A_966 = tpu.memref_slice %arg8[%dma_wait3A_965] : memref<4000xi32, #tpu.memory_space<vmem>> -> memref<80xi32, #tpu.memory_space<vmem>>
        %dma_wait3A_967 = arith.constant 0 : i32
        %dma_wait3A_968 = tpu.memref_slice %arg4[%dma_wait3A_967] : memref<108544xf32, #tpu.memory_space<hbm>> -> memref<108544xf32, #tpu.memory_space<hbm>>
        tpu.wait_indirect_dma semaphore(%arg14 : memref<!tpu.dma_semaphore, #tpu.memory_space<semaphore_mem>>) src(%dma_wait3A_968 : memref<108544xf32, #tpu.memory_space<hbm>>) dst(%dma_wait3A_964 : memref<80xf32, #tpu.memory_space<vmem>>)
        %dma_wait3A_969 = arith.constant 2800 : i32
        %dma_wait3A_970 = tpu.memref_slice %arg10[%dma_wait3A_969] : memref<4000xf32, #tpu.memory_space<vmem>> -> memref<80xf32, #tpu.memory_space<vmem>>
        %dma_wait3A_971 = arith.constant 2800 : i32
        %dma_wait3A_972 = tpu.memref_slice %arg8[%dma_wait3A_971] : memref<4000xi32, #tpu.memory_space<vmem>> -> memref<80xi32, #tpu.memory_space<vmem>>
        %dma_wait3A_973 = arith.constant 0 : i32
        %dma_wait3A_974 = tpu.memref_slice %arg5[%dma_wait3A_973] : memref<108544xf32, #tpu.memory_space<hbm>> -> memref<108544xf32, #tpu.memory_space<hbm>>
        tpu.wait_indirect_dma semaphore(%arg14 : memref<!tpu.dma_semaphore, #tpu.memory_space<semaphore_mem>>) src(%dma_wait3A_974 : memref<108544xf32, #tpu.memory_space<hbm>>) dst(%dma_wait3A_970 : memref<80xf32, #tpu.memory_space<vmem>>)
        %dma_wait3A_975 = arith.constant 2880 : i32
        %dma_wait3A_976 = tpu.memref_slice %arg9[%dma_wait3A_975] : memref<4000xf32, #tpu.memory_space<vmem>> -> memref<80xf32, #tpu.memory_space<vmem>>
        %dma_wait3A_977 = arith.constant 2880 : i32
        %dma_wait3A_978 = tpu.memref_slice %arg8[%dma_wait3A_977] : memref<4000xi32, #tpu.memory_space<vmem>> -> memref<80xi32, #tpu.memory_space<vmem>>
        %dma_wait3A_979 = arith.constant 0 : i32
        %dma_wait3A_980 = tpu.memref_slice %arg4[%dma_wait3A_979] : memref<108544xf32, #tpu.memory_space<hbm>> -> memref<108544xf32, #tpu.memory_space<hbm>>
        tpu.wait_indirect_dma semaphore(%arg14 : memref<!tpu.dma_semaphore, #tpu.memory_space<semaphore_mem>>) src(%dma_wait3A_980 : memref<108544xf32, #tpu.memory_space<hbm>>) dst(%dma_wait3A_976 : memref<80xf32, #tpu.memory_space<vmem>>)
        %dma_wait3A_981 = arith.constant 2880 : i32
        %dma_wait3A_982 = tpu.memref_slice %arg10[%dma_wait3A_981] : memref<4000xf32, #tpu.memory_space<vmem>> -> memref<80xf32, #tpu.memory_space<vmem>>
        %dma_wait3A_983 = arith.constant 2880 : i32
        %dma_wait3A_984 = tpu.memref_slice %arg8[%dma_wait3A_983] : memref<4000xi32, #tpu.memory_space<vmem>> -> memref<80xi32, #tpu.memory_space<vmem>>
        %dma_wait3A_985 = arith.constant 0 : i32
        %dma_wait3A_986 = tpu.memref_slice %arg5[%dma_wait3A_985] : memref<108544xf32, #tpu.memory_space<hbm>> -> memref<108544xf32, #tpu.memory_space<hbm>>
        tpu.wait_indirect_dma semaphore(%arg14 : memref<!tpu.dma_semaphore, #tpu.memory_space<semaphore_mem>>) src(%dma_wait3A_986 : memref<108544xf32, #tpu.memory_space<hbm>>) dst(%dma_wait3A_982 : memref<80xf32, #tpu.memory_space<vmem>>)
        %dma_wait3A_987 = arith.constant 2960 : i32
        %dma_wait3A_988 = tpu.memref_slice %arg9[%dma_wait3A_987] : memref<4000xf32, #tpu.memory_space<vmem>> -> memref<80xf32, #tpu.memory_space<vmem>>
        %dma_wait3A_989 = arith.constant 2960 : i32
        %dma_wait3A_990 = tpu.memref_slice %arg8[%dma_wait3A_989] : memref<4000xi32, #tpu.memory_space<vmem>> -> memref<80xi32, #tpu.memory_space<vmem>>
        %dma_wait3A_991 = arith.constant 0 : i32
        %dma_wait3A_992 = tpu.memref_slice %arg4[%dma_wait3A_991] : memref<108544xf32, #tpu.memory_space<hbm>> -> memref<108544xf32, #tpu.memory_space<hbm>>
        tpu.wait_indirect_dma semaphore(%arg14 : memref<!tpu.dma_semaphore, #tpu.memory_space<semaphore_mem>>) src(%dma_wait3A_992 : memref<108544xf32, #tpu.memory_space<hbm>>) dst(%dma_wait3A_988 : memref<80xf32, #tpu.memory_space<vmem>>)
        %dma_wait3A_993 = arith.constant 2960 : i32
        %dma_wait3A_994 = tpu.memref_slice %arg10[%dma_wait3A_993] : memref<4000xf32, #tpu.memory_space<vmem>> -> memref<80xf32, #tpu.memory_space<vmem>>
        %dma_wait3A_995 = arith.constant 2960 : i32
        %dma_wait3A_996 = tpu.memref_slice %arg8[%dma_wait3A_995] : memref<4000xi32, #tpu.memory_space<vmem>> -> memref<80xi32, #tpu.memory_space<vmem>>
        %dma_wait3A_997 = arith.constant 0 : i32
        %dma_wait3A_998 = tpu.memref_slice %arg5[%dma_wait3A_997] : memref<108544xf32, #tpu.memory_space<hbm>> -> memref<108544xf32, #tpu.memory_space<hbm>>
        tpu.wait_indirect_dma semaphore(%arg14 : memref<!tpu.dma_semaphore, #tpu.memory_space<semaphore_mem>>) src(%dma_wait3A_998 : memref<108544xf32, #tpu.memory_space<hbm>>) dst(%dma_wait3A_994 : memref<80xf32, #tpu.memory_space<vmem>>)
        %dma_wait3A_999 = arith.constant 3040 : i32
        %dma_wait3A_1000 = tpu.memref_slice %arg9[%dma_wait3A_999] : memref<4000xf32, #tpu.memory_space<vmem>> -> memref<80xf32, #tpu.memory_space<vmem>>
        %dma_wait3A_1001 = arith.constant 3040 : i32
        %dma_wait3A_1002 = tpu.memref_slice %arg8[%dma_wait3A_1001] : memref<4000xi32, #tpu.memory_space<vmem>> -> memref<80xi32, #tpu.memory_space<vmem>>
        %dma_wait3A_1003 = arith.constant 0 : i32
        %dma_wait3A_1004 = tpu.memref_slice %arg4[%dma_wait3A_1003] : memref<108544xf32, #tpu.memory_space<hbm>> -> memref<108544xf32, #tpu.memory_space<hbm>>
        tpu.wait_indirect_dma semaphore(%arg14 : memref<!tpu.dma_semaphore, #tpu.memory_space<semaphore_mem>>) src(%dma_wait3A_1004 : memref<108544xf32, #tpu.memory_space<hbm>>) dst(%dma_wait3A_1000 : memref<80xf32, #tpu.memory_space<vmem>>)
        %dma_wait3A_1005 = arith.constant 3040 : i32
        %dma_wait3A_1006 = tpu.memref_slice %arg10[%dma_wait3A_1005] : memref<4000xf32, #tpu.memory_space<vmem>> -> memref<80xf32, #tpu.memory_space<vmem>>
        %dma_wait3A_1007 = arith.constant 3040 : i32
        %dma_wait3A_1008 = tpu.memref_slice %arg8[%dma_wait3A_1007] : memref<4000xi32, #tpu.memory_space<vmem>> -> memref<80xi32, #tpu.memory_space<vmem>>
        %dma_wait3A_1009 = arith.constant 0 : i32
        %dma_wait3A_1010 = tpu.memref_slice %arg5[%dma_wait3A_1009] : memref<108544xf32, #tpu.memory_space<hbm>> -> memref<108544xf32, #tpu.memory_space<hbm>>
        tpu.wait_indirect_dma semaphore(%arg14 : memref<!tpu.dma_semaphore, #tpu.memory_space<semaphore_mem>>) src(%dma_wait3A_1010 : memref<108544xf32, #tpu.memory_space<hbm>>) dst(%dma_wait3A_1006 : memref<80xf32, #tpu.memory_space<vmem>>)
        %dma_wait3A_1011 = arith.constant 3120 : i32
        %dma_wait3A_1012 = tpu.memref_slice %arg9[%dma_wait3A_1011] : memref<4000xf32, #tpu.memory_space<vmem>> -> memref<80xf32, #tpu.memory_space<vmem>>
        %dma_wait3A_1013 = arith.constant 3120 : i32
        %dma_wait3A_1014 = tpu.memref_slice %arg8[%dma_wait3A_1013] : memref<4000xi32, #tpu.memory_space<vmem>> -> memref<80xi32, #tpu.memory_space<vmem>>
        %dma_wait3A_1015 = arith.constant 0 : i32
        %dma_wait3A_1016 = tpu.memref_slice %arg4[%dma_wait3A_1015] : memref<108544xf32, #tpu.memory_space<hbm>> -> memref<108544xf32, #tpu.memory_space<hbm>>
        tpu.wait_indirect_dma semaphore(%arg14 : memref<!tpu.dma_semaphore, #tpu.memory_space<semaphore_mem>>) src(%dma_wait3A_1016 : memref<108544xf32, #tpu.memory_space<hbm>>) dst(%dma_wait3A_1012 : memref<80xf32, #tpu.memory_space<vmem>>)
        %dma_wait3A_1017 = arith.constant 3120 : i32
        %dma_wait3A_1018 = tpu.memref_slice %arg10[%dma_wait3A_1017] : memref<4000xf32, #tpu.memory_space<vmem>> -> memref<80xf32, #tpu.memory_space<vmem>>
        %dma_wait3A_1019 = arith.constant 3120 : i32
        %dma_wait3A_1020 = tpu.memref_slice %arg8[%dma_wait3A_1019] : memref<4000xi32, #tpu.memory_space<vmem>> -> memref<80xi32, #tpu.memory_space<vmem>>
        %dma_wait3A_1021 = arith.constant 0 : i32
        %dma_wait3A_1022 = tpu.memref_slice %arg5[%dma_wait3A_1021] : memref<108544xf32, #tpu.memory_space<hbm>> -> memref<108544xf32, #tpu.memory_space<hbm>>
        tpu.wait_indirect_dma semaphore(%arg14 : memref<!tpu.dma_semaphore, #tpu.memory_space<semaphore_mem>>) src(%dma_wait3A_1022 : memref<108544xf32, #tpu.memory_space<hbm>>) dst(%dma_wait3A_1018 : memref<80xf32, #tpu.memory_space<vmem>>)
        %dma_start3A_1023 = arith.constant 3200 : i32
        %dma_start3A_1024 = tpu.memref_slice %arg9[%dma_start3A_1023] : memref<4000xf32, #tpu.memory_space<vmem>> -> memref<80xf32, #tpu.memory_space<vmem>>
        %dma_start3A_1025 = arith.constant 3200 : i32
        %dma_start3A_1026 = tpu.memref_slice %arg8[%dma_start3A_1025] : memref<4000xi32, #tpu.memory_space<vmem>> -> memref<80xi32, #tpu.memory_space<vmem>>
        %dma_start3A_1027 = arith.constant 0 : i32
        %dma_start3A_1028 = tpu.memref_slice %arg4[%dma_start3A_1027] : memref<108544xf32, #tpu.memory_space<hbm>> -> memref<108544xf32, #tpu.memory_space<hbm>>
        tpu.enqueue_indirect_dma source(%dma_start3A_1028 : memref<108544xf32, #tpu.memory_space<hbm>>) target(%dma_start3A_1024 : memref<80xf32, #tpu.memory_space<vmem>>) offsets(%dma_start3A_1026 : memref<80xi32, #tpu.memory_space<vmem>>) semaphore(%arg14 : memref<!tpu.dma_semaphore, #tpu.memory_space<semaphore_mem>>)
        %dma_start3A_1029 = arith.constant 3200 : i32
        %dma_start3A_1030 = tpu.memref_slice %arg10[%dma_start3A_1029] : memref<4000xf32, #tpu.memory_space<vmem>> -> memref<80xf32, #tpu.memory_space<vmem>>
        %dma_start3A_1031 = arith.constant 3200 : i32
        %dma_start3A_1032 = tpu.memref_slice %arg8[%dma_start3A_1031] : memref<4000xi32, #tpu.memory_space<vmem>> -> memref<80xi32, #tpu.memory_space<vmem>>
        %dma_start3A_1033 = arith.constant 0 : i32
        %dma_start3A_1034 = tpu.memref_slice %arg5[%dma_start3A_1033] : memref<108544xf32, #tpu.memory_space<hbm>> -> memref<108544xf32, #tpu.memory_space<hbm>>
        tpu.enqueue_indirect_dma source(%dma_start3A_1034 : memref<108544xf32, #tpu.memory_space<hbm>>) target(%dma_start3A_1030 : memref<80xf32, #tpu.memory_space<vmem>>) offsets(%dma_start3A_1032 : memref<80xi32, #tpu.memory_space<vmem>>) semaphore(%arg14 : memref<!tpu.dma_semaphore, #tpu.memory_space<semaphore_mem>>)
        %dma_start3A_1035 = arith.constant 3280 : i32
        %dma_start3A_1036 = tpu.memref_slice %arg9[%dma_start3A_1035] : memref<4000xf32, #tpu.memory_space<vmem>> -> memref<80xf32, #tpu.memory_space<vmem>>
        %dma_start3A_1037 = arith.constant 3280 : i32
        %dma_start3A_1038 = tpu.memref_slice %arg8[%dma_start3A_1037] : memref<4000xi32, #tpu.memory_space<vmem>> -> memref<80xi32, #tpu.memory_space<vmem>>
        %dma_start3A_1039 = arith.constant 0 : i32
        %dma_start3A_1040 = tpu.memref_slice %arg4[%dma_start3A_1039] : memref<108544xf32, #tpu.memory_space<hbm>> -> memref<108544xf32, #tpu.memory_space<hbm>>
        tpu.enqueue_indirect_dma source(%dma_start3A_1040 : memref<108544xf32, #tpu.memory_space<hbm>>) target(%dma_start3A_1036 : memref<80xf32, #tpu.memory_space<vmem>>) offsets(%dma_start3A_1038 : memref<80xi32, #tpu.memory_space<vmem>>) semaphore(%arg14 : memref<!tpu.dma_semaphore, #tpu.memory_space<semaphore_mem>>)
        %dma_start3A_1041 = arith.constant 3280 : i32
        %dma_start3A_1042 = tpu.memref_slice %arg10[%dma_start3A_1041] : memref<4000xf32, #tpu.memory_space<vmem>> -> memref<80xf32, #tpu.memory_space<vmem>>
        %dma_start3A_1043 = arith.constant 3280 : i32
        %dma_start3A_1044 = tpu.memref_slice %arg8[%dma_start3A_1043] : memref<4000xi32, #tpu.memory_space<vmem>> -> memref<80xi32, #tpu.memory_space<vmem>>
        %dma_start3A_1045 = arith.constant 0 : i32
        %dma_start3A_1046 = tpu.memref_slice %arg5[%dma_start3A_1045] : memref<108544xf32, #tpu.memory_space<hbm>> -> memref<108544xf32, #tpu.memory_space<hbm>>
        tpu.enqueue_indirect_dma source(%dma_start3A_1046 : memref<108544xf32, #tpu.memory_space<hbm>>) target(%dma_start3A_1042 : memref<80xf32, #tpu.memory_space<vmem>>) offsets(%dma_start3A_1044 : memref<80xi32, #tpu.memory_space<vmem>>) semaphore(%arg14 : memref<!tpu.dma_semaphore, #tpu.memory_space<semaphore_mem>>)
        %dma_start3A_1047 = arith.constant 3360 : i32
        %dma_start3A_1048 = tpu.memref_slice %arg9[%dma_start3A_1047] : memref<4000xf32, #tpu.memory_space<vmem>> -> memref<80xf32, #tpu.memory_space<vmem>>
        %dma_start3A_1049 = arith.constant 3360 : i32
        %dma_start3A_1050 = tpu.memref_slice %arg8[%dma_start3A_1049] : memref<4000xi32, #tpu.memory_space<vmem>> -> memref<80xi32, #tpu.memory_space<vmem>>
        %dma_start3A_1051 = arith.constant 0 : i32
        %dma_start3A_1052 = tpu.memref_slice %arg4[%dma_start3A_1051] : memref<108544xf32, #tpu.memory_space<hbm>> -> memref<108544xf32, #tpu.memory_space<hbm>>
        tpu.enqueue_indirect_dma source(%dma_start3A_1052 : memref<108544xf32, #tpu.memory_space<hbm>>) target(%dma_start3A_1048 : memref<80xf32, #tpu.memory_space<vmem>>) offsets(%dma_start3A_1050 : memref<80xi32, #tpu.memory_space<vmem>>) semaphore(%arg14 : memref<!tpu.dma_semaphore, #tpu.memory_space<semaphore_mem>>)
        %dma_start3A_1053 = arith.constant 3360 : i32
        %dma_start3A_1054 = tpu.memref_slice %arg10[%dma_start3A_1053] : memref<4000xf32, #tpu.memory_space<vmem>> -> memref<80xf32, #tpu.memory_space<vmem>>
        %dma_start3A_1055 = arith.constant 3360 : i32
        %dma_start3A_1056 = tpu.memref_slice %arg8[%dma_start3A_1055] : memref<4000xi32, #tpu.memory_space<vmem>> -> memref<80xi32, #tpu.memory_space<vmem>>
        %dma_start3A_1057 = arith.constant 0 : i32
        %dma_start3A_1058 = tpu.memref_slice %arg5[%dma_start3A_1057] : memref<108544xf32, #tpu.memory_space<hbm>> -> memref<108544xf32, #tpu.memory_space<hbm>>
        tpu.enqueue_indirect_dma source(%dma_start3A_1058 : memref<108544xf32, #tpu.memory_space<hbm>>) target(%dma_start3A_1054 : memref<80xf32, #tpu.memory_space<vmem>>) offsets(%dma_start3A_1056 : memref<80xi32, #tpu.memory_space<vmem>>) semaphore(%arg14 : memref<!tpu.dma_semaphore, #tpu.memory_space<semaphore_mem>>)
        %dma_start3A_1059 = arith.constant 3440 : i32
        %dma_start3A_1060 = tpu.memref_slice %arg9[%dma_start3A_1059] : memref<4000xf32, #tpu.memory_space<vmem>> -> memref<80xf32, #tpu.memory_space<vmem>>
        %dma_start3A_1061 = arith.constant 3440 : i32
        %dma_start3A_1062 = tpu.memref_slice %arg8[%dma_start3A_1061] : memref<4000xi32, #tpu.memory_space<vmem>> -> memref<80xi32, #tpu.memory_space<vmem>>
        %dma_start3A_1063 = arith.constant 0 : i32
        %dma_start3A_1064 = tpu.memref_slice %arg4[%dma_start3A_1063] : memref<108544xf32, #tpu.memory_space<hbm>> -> memref<108544xf32, #tpu.memory_space<hbm>>
        tpu.enqueue_indirect_dma source(%dma_start3A_1064 : memref<108544xf32, #tpu.memory_space<hbm>>) target(%dma_start3A_1060 : memref<80xf32, #tpu.memory_space<vmem>>) offsets(%dma_start3A_1062 : memref<80xi32, #tpu.memory_space<vmem>>) semaphore(%arg14 : memref<!tpu.dma_semaphore, #tpu.memory_space<semaphore_mem>>)
        %dma_start3A_1065 = arith.constant 3440 : i32
        %dma_start3A_1066 = tpu.memref_slice %arg10[%dma_start3A_1065] : memref<4000xf32, #tpu.memory_space<vmem>> -> memref<80xf32, #tpu.memory_space<vmem>>
        %dma_start3A_1067 = arith.constant 3440 : i32
        %dma_start3A_1068 = tpu.memref_slice %arg8[%dma_start3A_1067] : memref<4000xi32, #tpu.memory_space<vmem>> -> memref<80xi32, #tpu.memory_space<vmem>>
        %dma_start3A_1069 = arith.constant 0 : i32
        %dma_start3A_1070 = tpu.memref_slice %arg5[%dma_start3A_1069] : memref<108544xf32, #tpu.memory_space<hbm>> -> memref<108544xf32, #tpu.memory_space<hbm>>
        tpu.enqueue_indirect_dma source(%dma_start3A_1070 : memref<108544xf32, #tpu.memory_space<hbm>>) target(%dma_start3A_1066 : memref<80xf32, #tpu.memory_space<vmem>>) offsets(%dma_start3A_1068 : memref<80xi32, #tpu.memory_space<vmem>>) semaphore(%arg14 : memref<!tpu.dma_semaphore, #tpu.memory_space<semaphore_mem>>)
        %dma_start3A_1071 = arith.constant 3520 : i32
        %dma_start3A_1072 = tpu.memref_slice %arg9[%dma_start3A_1071] : memref<4000xf32, #tpu.memory_space<vmem>> -> memref<80xf32, #tpu.memory_space<vmem>>
        %dma_start3A_1073 = arith.constant 3520 : i32
        %dma_start3A_1074 = tpu.memref_slice %arg8[%dma_start3A_1073] : memref<4000xi32, #tpu.memory_space<vmem>> -> memref<80xi32, #tpu.memory_space<vmem>>
        %dma_start3A_1075 = arith.constant 0 : i32
        %dma_start3A_1076 = tpu.memref_slice %arg4[%dma_start3A_1075] : memref<108544xf32, #tpu.memory_space<hbm>> -> memref<108544xf32, #tpu.memory_space<hbm>>
        tpu.enqueue_indirect_dma source(%dma_start3A_1076 : memref<108544xf32, #tpu.memory_space<hbm>>) target(%dma_start3A_1072 : memref<80xf32, #tpu.memory_space<vmem>>) offsets(%dma_start3A_1074 : memref<80xi32, #tpu.memory_space<vmem>>) semaphore(%arg14 : memref<!tpu.dma_semaphore, #tpu.memory_space<semaphore_mem>>)
        %dma_start3A_1077 = arith.constant 3520 : i32
        %dma_start3A_1078 = tpu.memref_slice %arg10[%dma_start3A_1077] : memref<4000xf32, #tpu.memory_space<vmem>> -> memref<80xf32, #tpu.memory_space<vmem>>
        %dma_start3A_1079 = arith.constant 3520 : i32
        %dma_start3A_1080 = tpu.memref_slice %arg8[%dma_start3A_1079] : memref<4000xi32, #tpu.memory_space<vmem>> -> memref<80xi32, #tpu.memory_space<vmem>>
        %dma_start3A_1081 = arith.constant 0 : i32
        %dma_start3A_1082 = tpu.memref_slice %arg5[%dma_start3A_1081] : memref<108544xf32, #tpu.memory_space<hbm>> -> memref<108544xf32, #tpu.memory_space<hbm>>
        tpu.enqueue_indirect_dma source(%dma_start3A_1082 : memref<108544xf32, #tpu.memory_space<hbm>>) target(%dma_start3A_1078 : memref<80xf32, #tpu.memory_space<vmem>>) offsets(%dma_start3A_1080 : memref<80xi32, #tpu.memory_space<vmem>>) semaphore(%arg14 : memref<!tpu.dma_semaphore, #tpu.memory_space<semaphore_mem>>)
        %dma_start3A_1083 = arith.constant 3600 : i32
        %dma_start3A_1084 = tpu.memref_slice %arg9[%dma_start3A_1083] : memref<4000xf32, #tpu.memory_space<vmem>> -> memref<80xf32, #tpu.memory_space<vmem>>
        %dma_start3A_1085 = arith.constant 3600 : i32
        %dma_start3A_1086 = tpu.memref_slice %arg8[%dma_start3A_1085] : memref<4000xi32, #tpu.memory_space<vmem>> -> memref<80xi32, #tpu.memory_space<vmem>>
        %dma_start3A_1087 = arith.constant 0 : i32
        %dma_start3A_1088 = tpu.memref_slice %arg4[%dma_start3A_1087] : memref<108544xf32, #tpu.memory_space<hbm>> -> memref<108544xf32, #tpu.memory_space<hbm>>
        tpu.enqueue_indirect_dma source(%dma_start3A_1088 : memref<108544xf32, #tpu.memory_space<hbm>>) target(%dma_start3A_1084 : memref<80xf32, #tpu.memory_space<vmem>>) offsets(%dma_start3A_1086 : memref<80xi32, #tpu.memory_space<vmem>>) semaphore(%arg14 : memref<!tpu.dma_semaphore, #tpu.memory_space<semaphore_mem>>)
        %dma_start3A_1089 = arith.constant 3600 : i32
        %dma_start3A_1090 = tpu.memref_slice %arg10[%dma_start3A_1089] : memref<4000xf32, #tpu.memory_space<vmem>> -> memref<80xf32, #tpu.memory_space<vmem>>
        %dma_start3A_1091 = arith.constant 3600 : i32
        %dma_start3A_1092 = tpu.memref_slice %arg8[%dma_start3A_1091] : memref<4000xi32, #tpu.memory_space<vmem>> -> memref<80xi32, #tpu.memory_space<vmem>>
        %dma_start3A_1093 = arith.constant 0 : i32
        %dma_start3A_1094 = tpu.memref_slice %arg5[%dma_start3A_1093] : memref<108544xf32, #tpu.memory_space<hbm>> -> memref<108544xf32, #tpu.memory_space<hbm>>
        tpu.enqueue_indirect_dma source(%dma_start3A_1094 : memref<108544xf32, #tpu.memory_space<hbm>>) target(%dma_start3A_1090 : memref<80xf32, #tpu.memory_space<vmem>>) offsets(%dma_start3A_1092 : memref<80xi32, #tpu.memory_space<vmem>>) semaphore(%arg14 : memref<!tpu.dma_semaphore, #tpu.memory_space<semaphore_mem>>)
        %dma_start3A_1095 = arith.constant 3680 : i32
        %dma_start3A_1096 = tpu.memref_slice %arg9[%dma_start3A_1095] : memref<4000xf32, #tpu.memory_space<vmem>> -> memref<80xf32, #tpu.memory_space<vmem>>
        %dma_start3A_1097 = arith.constant 3680 : i32
        %dma_start3A_1098 = tpu.memref_slice %arg8[%dma_start3A_1097] : memref<4000xi32, #tpu.memory_space<vmem>> -> memref<80xi32, #tpu.memory_space<vmem>>
        %dma_start3A_1099 = arith.constant 0 : i32
        %dma_start3A_1100 = tpu.memref_slice %arg4[%dma_start3A_1099] : memref<108544xf32, #tpu.memory_space<hbm>> -> memref<108544xf32, #tpu.memory_space<hbm>>
        tpu.enqueue_indirect_dma source(%dma_start3A_1100 : memref<108544xf32, #tpu.memory_space<hbm>>) target(%dma_start3A_1096 : memref<80xf32, #tpu.memory_space<vmem>>) offsets(%dma_start3A_1098 : memref<80xi32, #tpu.memory_space<vmem>>) semaphore(%arg14 : memref<!tpu.dma_semaphore, #tpu.memory_space<semaphore_mem>>)
        %dma_start3A_1101 = arith.constant 3680 : i32
        %dma_start3A_1102 = tpu.memref_slice %arg10[%dma_start3A_1101] : memref<4000xf32, #tpu.memory_space<vmem>> -> memref<80xf32, #tpu.memory_space<vmem>>
        %dma_start3A_1103 = arith.constant 3680 : i32
        %dma_start3A_1104 = tpu.memref_slice %arg8[%dma_start3A_1103] : memref<4000xi32, #tpu.memory_space<vmem>> -> memref<80xi32, #tpu.memory_space<vmem>>
        %dma_start3A_1105 = arith.constant 0 : i32
        %dma_start3A_1106 = tpu.memref_slice %arg5[%dma_start3A_1105] : memref<108544xf32, #tpu.memory_space<hbm>> -> memref<108544xf32, #tpu.memory_space<hbm>>
        tpu.enqueue_indirect_dma source(%dma_start3A_1106 : memref<108544xf32, #tpu.memory_space<hbm>>) target(%dma_start3A_1102 : memref<80xf32, #tpu.memory_space<vmem>>) offsets(%dma_start3A_1104 : memref<80xi32, #tpu.memory_space<vmem>>) semaphore(%arg14 : memref<!tpu.dma_semaphore, #tpu.memory_space<semaphore_mem>>)
        %dma_start3A_1107 = arith.constant 3760 : i32
        %dma_start3A_1108 = tpu.memref_slice %arg9[%dma_start3A_1107] : memref<4000xf32, #tpu.memory_space<vmem>> -> memref<80xf32, #tpu.memory_space<vmem>>
        %dma_start3A_1109 = arith.constant 3760 : i32
        %dma_start3A_1110 = tpu.memref_slice %arg8[%dma_start3A_1109] : memref<4000xi32, #tpu.memory_space<vmem>> -> memref<80xi32, #tpu.memory_space<vmem>>
        %dma_start3A_1111 = arith.constant 0 : i32
        %dma_start3A_1112 = tpu.memref_slice %arg4[%dma_start3A_1111] : memref<108544xf32, #tpu.memory_space<hbm>> -> memref<108544xf32, #tpu.memory_space<hbm>>
        tpu.enqueue_indirect_dma source(%dma_start3A_1112 : memref<108544xf32, #tpu.memory_space<hbm>>) target(%dma_start3A_1108 : memref<80xf32, #tpu.memory_space<vmem>>) offsets(%dma_start3A_1110 : memref<80xi32, #tpu.memory_space<vmem>>) semaphore(%arg14 : memref<!tpu.dma_semaphore, #tpu.memory_space<semaphore_mem>>)
        %dma_start3A_1113 = arith.constant 3760 : i32
        %dma_start3A_1114 = tpu.memref_slice %arg10[%dma_start3A_1113] : memref<4000xf32, #tpu.memory_space<vmem>> -> memref<80xf32, #tpu.memory_space<vmem>>
        %dma_start3A_1115 = arith.constant 3760 : i32
        %dma_start3A_1116 = tpu.memref_slice %arg8[%dma_start3A_1115] : memref<4000xi32, #tpu.memory_space<vmem>> -> memref<80xi32, #tpu.memory_space<vmem>>
        %dma_start3A_1117 = arith.constant 0 : i32
        %dma_start3A_1118 = tpu.memref_slice %arg5[%dma_start3A_1117] : memref<108544xf32, #tpu.memory_space<hbm>> -> memref<108544xf32, #tpu.memory_space<hbm>>
        tpu.enqueue_indirect_dma source(%dma_start3A_1118 : memref<108544xf32, #tpu.memory_space<hbm>>) target(%dma_start3A_1114 : memref<80xf32, #tpu.memory_space<vmem>>) offsets(%dma_start3A_1116 : memref<80xi32, #tpu.memory_space<vmem>>) semaphore(%arg14 : memref<!tpu.dma_semaphore, #tpu.memory_space<semaphore_mem>>)
        %dma_wait3A_1119 = arith.constant 3200 : i32
        %dma_wait3A_1120 = tpu.memref_slice %arg9[%dma_wait3A_1119] : memref<4000xf32, #tpu.memory_space<vmem>> -> memref<80xf32, #tpu.memory_space<vmem>>
        %dma_wait3A_1121 = arith.constant 3200 : i32
        %dma_wait3A_1122 = tpu.memref_slice %arg8[%dma_wait3A_1121] : memref<4000xi32, #tpu.memory_space<vmem>> -> memref<80xi32, #tpu.memory_space<vmem>>
        %dma_wait3A_1123 = arith.constant 0 : i32
        %dma_wait3A_1124 = tpu.memref_slice %arg4[%dma_wait3A_1123] : memref<108544xf32, #tpu.memory_space<hbm>> -> memref<108544xf32, #tpu.memory_space<hbm>>
        tpu.wait_indirect_dma semaphore(%arg14 : memref<!tpu.dma_semaphore, #tpu.memory_space<semaphore_mem>>) src(%dma_wait3A_1124 : memref<108544xf32, #tpu.memory_space<hbm>>) dst(%dma_wait3A_1120 : memref<80xf32, #tpu.memory_space<vmem>>)
        %dma_wait3A_1125 = arith.constant 3200 : i32
        %dma_wait3A_1126 = tpu.memref_slice %arg10[%dma_wait3A_1125] : memref<4000xf32, #tpu.memory_space<vmem>> -> memref<80xf32, #tpu.memory_space<vmem>>
        %dma_wait3A_1127 = arith.constant 3200 : i32
        %dma_wait3A_1128 = tpu.memref_slice %arg8[%dma_wait3A_1127] : memref<4000xi32, #tpu.memory_space<vmem>> -> memref<80xi32, #tpu.memory_space<vmem>>
        %dma_wait3A_1129 = arith.constant 0 : i32
        %dma_wait3A_1130 = tpu.memref_slice %arg5[%dma_wait3A_1129] : memref<108544xf32, #tpu.memory_space<hbm>> -> memref<108544xf32, #tpu.memory_space<hbm>>
        tpu.wait_indirect_dma semaphore(%arg14 : memref<!tpu.dma_semaphore, #tpu.memory_space<semaphore_mem>>) src(%dma_wait3A_1130 : memref<108544xf32, #tpu.memory_space<hbm>>) dst(%dma_wait3A_1126 : memref<80xf32, #tpu.memory_space<vmem>>)
        %dma_wait3A_1131 = arith.constant 3280 : i32
        %dma_wait3A_1132 = tpu.memref_slice %arg9[%dma_wait3A_1131] : memref<4000xf32, #tpu.memory_space<vmem>> -> memref<80xf32, #tpu.memory_space<vmem>>
        %dma_wait3A_1133 = arith.constant 3280 : i32
        %dma_wait3A_1134 = tpu.memref_slice %arg8[%dma_wait3A_1133] : memref<4000xi32, #tpu.memory_space<vmem>> -> memref<80xi32, #tpu.memory_space<vmem>>
        %dma_wait3A_1135 = arith.constant 0 : i32
        %dma_wait3A_1136 = tpu.memref_slice %arg4[%dma_wait3A_1135] : memref<108544xf32, #tpu.memory_space<hbm>> -> memref<108544xf32, #tpu.memory_space<hbm>>
        tpu.wait_indirect_dma semaphore(%arg14 : memref<!tpu.dma_semaphore, #tpu.memory_space<semaphore_mem>>) src(%dma_wait3A_1136 : memref<108544xf32, #tpu.memory_space<hbm>>) dst(%dma_wait3A_1132 : memref<80xf32, #tpu.memory_space<vmem>>)
        %dma_wait3A_1137 = arith.constant 3280 : i32
        %dma_wait3A_1138 = tpu.memref_slice %arg10[%dma_wait3A_1137] : memref<4000xf32, #tpu.memory_space<vmem>> -> memref<80xf32, #tpu.memory_space<vmem>>
        %dma_wait3A_1139 = arith.constant 3280 : i32
        %dma_wait3A_1140 = tpu.memref_slice %arg8[%dma_wait3A_1139] : memref<4000xi32, #tpu.memory_space<vmem>> -> memref<80xi32, #tpu.memory_space<vmem>>
        %dma_wait3A_1141 = arith.constant 0 : i32
        %dma_wait3A_1142 = tpu.memref_slice %arg5[%dma_wait3A_1141] : memref<108544xf32, #tpu.memory_space<hbm>> -> memref<108544xf32, #tpu.memory_space<hbm>>
        tpu.wait_indirect_dma semaphore(%arg14 : memref<!tpu.dma_semaphore, #tpu.memory_space<semaphore_mem>>) src(%dma_wait3A_1142 : memref<108544xf32, #tpu.memory_space<hbm>>) dst(%dma_wait3A_1138 : memref<80xf32, #tpu.memory_space<vmem>>)
        %dma_wait3A_1143 = arith.constant 3360 : i32
        %dma_wait3A_1144 = tpu.memref_slice %arg9[%dma_wait3A_1143] : memref<4000xf32, #tpu.memory_space<vmem>> -> memref<80xf32, #tpu.memory_space<vmem>>
        %dma_wait3A_1145 = arith.constant 3360 : i32
        %dma_wait3A_1146 = tpu.memref_slice %arg8[%dma_wait3A_1145] : memref<4000xi32, #tpu.memory_space<vmem>> -> memref<80xi32, #tpu.memory_space<vmem>>
        %dma_wait3A_1147 = arith.constant 0 : i32
        %dma_wait3A_1148 = tpu.memref_slice %arg4[%dma_wait3A_1147] : memref<108544xf32, #tpu.memory_space<hbm>> -> memref<108544xf32, #tpu.memory_space<hbm>>
        tpu.wait_indirect_dma semaphore(%arg14 : memref<!tpu.dma_semaphore, #tpu.memory_space<semaphore_mem>>) src(%dma_wait3A_1148 : memref<108544xf32, #tpu.memory_space<hbm>>) dst(%dma_wait3A_1144 : memref<80xf32, #tpu.memory_space<vmem>>)
        %dma_wait3A_1149 = arith.constant 3360 : i32
        %dma_wait3A_1150 = tpu.memref_slice %arg10[%dma_wait3A_1149] : memref<4000xf32, #tpu.memory_space<vmem>> -> memref<80xf32, #tpu.memory_space<vmem>>
        %dma_wait3A_1151 = arith.constant 3360 : i32
        %dma_wait3A_1152 = tpu.memref_slice %arg8[%dma_wait3A_1151] : memref<4000xi32, #tpu.memory_space<vmem>> -> memref<80xi32, #tpu.memory_space<vmem>>
        %dma_wait3A_1153 = arith.constant 0 : i32
        %dma_wait3A_1154 = tpu.memref_slice %arg5[%dma_wait3A_1153] : memref<108544xf32, #tpu.memory_space<hbm>> -> memref<108544xf32, #tpu.memory_space<hbm>>
        tpu.wait_indirect_dma semaphore(%arg14 : memref<!tpu.dma_semaphore, #tpu.memory_space<semaphore_mem>>) src(%dma_wait3A_1154 : memref<108544xf32, #tpu.memory_space<hbm>>) dst(%dma_wait3A_1150 : memref<80xf32, #tpu.memory_space<vmem>>)
        %dma_wait3A_1155 = arith.constant 3440 : i32
        %dma_wait3A_1156 = tpu.memref_slice %arg9[%dma_wait3A_1155] : memref<4000xf32, #tpu.memory_space<vmem>> -> memref<80xf32, #tpu.memory_space<vmem>>
        %dma_wait3A_1157 = arith.constant 3440 : i32
        %dma_wait3A_1158 = tpu.memref_slice %arg8[%dma_wait3A_1157] : memref<4000xi32, #tpu.memory_space<vmem>> -> memref<80xi32, #tpu.memory_space<vmem>>
        %dma_wait3A_1159 = arith.constant 0 : i32
        %dma_wait3A_1160 = tpu.memref_slice %arg4[%dma_wait3A_1159] : memref<108544xf32, #tpu.memory_space<hbm>> -> memref<108544xf32, #tpu.memory_space<hbm>>
        tpu.wait_indirect_dma semaphore(%arg14 : memref<!tpu.dma_semaphore, #tpu.memory_space<semaphore_mem>>) src(%dma_wait3A_1160 : memref<108544xf32, #tpu.memory_space<hbm>>) dst(%dma_wait3A_1156 : memref<80xf32, #tpu.memory_space<vmem>>)
        %dma_wait3A_1161 = arith.constant 3440 : i32
        %dma_wait3A_1162 = tpu.memref_slice %arg10[%dma_wait3A_1161] : memref<4000xf32, #tpu.memory_space<vmem>> -> memref<80xf32, #tpu.memory_space<vmem>>
        %dma_wait3A_1163 = arith.constant 3440 : i32
        %dma_wait3A_1164 = tpu.memref_slice %arg8[%dma_wait3A_1163] : memref<4000xi32, #tpu.memory_space<vmem>> -> memref<80xi32, #tpu.memory_space<vmem>>
        %dma_wait3A_1165 = arith.constant 0 : i32
        %dma_wait3A_1166 = tpu.memref_slice %arg5[%dma_wait3A_1165] : memref<108544xf32, #tpu.memory_space<hbm>> -> memref<108544xf32, #tpu.memory_space<hbm>>
        tpu.wait_indirect_dma semaphore(%arg14 : memref<!tpu.dma_semaphore, #tpu.memory_space<semaphore_mem>>) src(%dma_wait3A_1166 : memref<108544xf32, #tpu.memory_space<hbm>>) dst(%dma_wait3A_1162 : memref<80xf32, #tpu.memory_space<vmem>>)
        %dma_wait3A_1167 = arith.constant 3520 : i32
        %dma_wait3A_1168 = tpu.memref_slice %arg9[%dma_wait3A_1167] : memref<4000xf32, #tpu.memory_space<vmem>> -> memref<80xf32, #tpu.memory_space<vmem>>
        %dma_wait3A_1169 = arith.constant 3520 : i32
        %dma_wait3A_1170 = tpu.memref_slice %arg8[%dma_wait3A_1169] : memref<4000xi32, #tpu.memory_space<vmem>> -> memref<80xi32, #tpu.memory_space<vmem>>
        %dma_wait3A_1171 = arith.constant 0 : i32
        %dma_wait3A_1172 = tpu.memref_slice %arg4[%dma_wait3A_1171] : memref<108544xf32, #tpu.memory_space<hbm>> -> memref<108544xf32, #tpu.memory_space<hbm>>
        tpu.wait_indirect_dma semaphore(%arg14 : memref<!tpu.dma_semaphore, #tpu.memory_space<semaphore_mem>>) src(%dma_wait3A_1172 : memref<108544xf32, #tpu.memory_space<hbm>>) dst(%dma_wait3A_1168 : memref<80xf32, #tpu.memory_space<vmem>>)
        %dma_wait3A_1173 = arith.constant 3520 : i32
        %dma_wait3A_1174 = tpu.memref_slice %arg10[%dma_wait3A_1173] : memref<4000xf32, #tpu.memory_space<vmem>> -> memref<80xf32, #tpu.memory_space<vmem>>
        %dma_wait3A_1175 = arith.constant 3520 : i32
        %dma_wait3A_1176 = tpu.memref_slice %arg8[%dma_wait3A_1175] : memref<4000xi32, #tpu.memory_space<vmem>> -> memref<80xi32, #tpu.memory_space<vmem>>
        %dma_wait3A_1177 = arith.constant 0 : i32
        %dma_wait3A_1178 = tpu.memref_slice %arg5[%dma_wait3A_1177] : memref<108544xf32, #tpu.memory_space<hbm>> -> memref<108544xf32, #tpu.memory_space<hbm>>
        tpu.wait_indirect_dma semaphore(%arg14 : memref<!tpu.dma_semaphore, #tpu.memory_space<semaphore_mem>>) src(%dma_wait3A_1178 : memref<108544xf32, #tpu.memory_space<hbm>>) dst(%dma_wait3A_1174 : memref<80xf32, #tpu.memory_space<vmem>>)
        %dma_wait3A_1179 = arith.constant 3600 : i32
        %dma_wait3A_1180 = tpu.memref_slice %arg9[%dma_wait3A_1179] : memref<4000xf32, #tpu.memory_space<vmem>> -> memref<80xf32, #tpu.memory_space<vmem>>
        %dma_wait3A_1181 = arith.constant 3600 : i32
        %dma_wait3A_1182 = tpu.memref_slice %arg8[%dma_wait3A_1181] : memref<4000xi32, #tpu.memory_space<vmem>> -> memref<80xi32, #tpu.memory_space<vmem>>
        %dma_wait3A_1183 = arith.constant 0 : i32
        %dma_wait3A_1184 = tpu.memref_slice %arg4[%dma_wait3A_1183] : memref<108544xf32, #tpu.memory_space<hbm>> -> memref<108544xf32, #tpu.memory_space<hbm>>
        tpu.wait_indirect_dma semaphore(%arg14 : memref<!tpu.dma_semaphore, #tpu.memory_space<semaphore_mem>>) src(%dma_wait3A_1184 : memref<108544xf32, #tpu.memory_space<hbm>>) dst(%dma_wait3A_1180 : memref<80xf32, #tpu.memory_space<vmem>>)
        %dma_wait3A_1185 = arith.constant 3600 : i32
        %dma_wait3A_1186 = tpu.memref_slice %arg10[%dma_wait3A_1185] : memref<4000xf32, #tpu.memory_space<vmem>> -> memref<80xf32, #tpu.memory_space<vmem>>
        %dma_wait3A_1187 = arith.constant 3600 : i32
        %dma_wait3A_1188 = tpu.memref_slice %arg8[%dma_wait3A_1187] : memref<4000xi32, #tpu.memory_space<vmem>> -> memref<80xi32, #tpu.memory_space<vmem>>
        %dma_wait3A_1189 = arith.constant 0 : i32
        %dma_wait3A_1190 = tpu.memref_slice %arg5[%dma_wait3A_1189] : memref<108544xf32, #tpu.memory_space<hbm>> -> memref<108544xf32, #tpu.memory_space<hbm>>
        tpu.wait_indirect_dma semaphore(%arg14 : memref<!tpu.dma_semaphore, #tpu.memory_space<semaphore_mem>>) src(%dma_wait3A_1190 : memref<108544xf32, #tpu.memory_space<hbm>>) dst(%dma_wait3A_1186 : memref<80xf32, #tpu.memory_space<vmem>>)
        %dma_wait3A_1191 = arith.constant 3680 : i32
        %dma_wait3A_1192 = tpu.memref_slice %arg9[%dma_wait3A_1191] : memref<4000xf32, #tpu.memory_space<vmem>> -> memref<80xf32, #tpu.memory_space<vmem>>
        %dma_wait3A_1193 = arith.constant 3680 : i32
        %dma_wait3A_1194 = tpu.memref_slice %arg8[%dma_wait3A_1193] : memref<4000xi32, #tpu.memory_space<vmem>> -> memref<80xi32, #tpu.memory_space<vmem>>
        %dma_wait3A_1195 = arith.constant 0 : i32
        %dma_wait3A_1196 = tpu.memref_slice %arg4[%dma_wait3A_1195] : memref<108544xf32, #tpu.memory_space<hbm>> -> memref<108544xf32, #tpu.memory_space<hbm>>
        tpu.wait_indirect_dma semaphore(%arg14 : memref<!tpu.dma_semaphore, #tpu.memory_space<semaphore_mem>>) src(%dma_wait3A_1196 : memref<108544xf32, #tpu.memory_space<hbm>>) dst(%dma_wait3A_1192 : memref<80xf32, #tpu.memory_space<vmem>>)
        %dma_wait3A_1197 = arith.constant 3680 : i32
        %dma_wait3A_1198 = tpu.memref_slice %arg10[%dma_wait3A_1197] : memref<4000xf32, #tpu.memory_space<vmem>> -> memref<80xf32, #tpu.memory_space<vmem>>
        %dma_wait3A_1199 = arith.constant 3680 : i32
        %dma_wait3A_1200 = tpu.memref_slice %arg8[%dma_wait3A_1199] : memref<4000xi32, #tpu.memory_space<vmem>> -> memref<80xi32, #tpu.memory_space<vmem>>
        %dma_wait3A_1201 = arith.constant 0 : i32
        %dma_wait3A_1202 = tpu.memref_slice %arg5[%dma_wait3A_1201] : memref<108544xf32, #tpu.memory_space<hbm>> -> memref<108544xf32, #tpu.memory_space<hbm>>
        tpu.wait_indirect_dma semaphore(%arg14 : memref<!tpu.dma_semaphore, #tpu.memory_space<semaphore_mem>>) src(%dma_wait3A_1202 : memref<108544xf32, #tpu.memory_space<hbm>>) dst(%dma_wait3A_1198 : memref<80xf32, #tpu.memory_space<vmem>>)
        %dma_wait3A_1203 = arith.constant 3760 : i32
        %dma_wait3A_1204 = tpu.memref_slice %arg9[%dma_wait3A_1203] : memref<4000xf32, #tpu.memory_space<vmem>> -> memref<80xf32, #tpu.memory_space<vmem>>
        %dma_wait3A_1205 = arith.constant 3760 : i32
        %dma_wait3A_1206 = tpu.memref_slice %arg8[%dma_wait3A_1205] : memref<4000xi32, #tpu.memory_space<vmem>> -> memref<80xi32, #tpu.memory_space<vmem>>
        %dma_wait3A_1207 = arith.constant 0 : i32
        %dma_wait3A_1208 = tpu.memref_slice %arg4[%dma_wait3A_1207] : memref<108544xf32, #tpu.memory_space<hbm>> -> memref<108544xf32, #tpu.memory_space<hbm>>
        tpu.wait_indirect_dma semaphore(%arg14 : memref<!tpu.dma_semaphore, #tpu.memory_space<semaphore_mem>>) src(%dma_wait3A_1208 : memref<108544xf32, #tpu.memory_space<hbm>>) dst(%dma_wait3A_1204 : memref<80xf32, #tpu.memory_space<vmem>>)
        %dma_wait3A_1209 = arith.constant 3760 : i32
        %dma_wait3A_1210 = tpu.memref_slice %arg10[%dma_wait3A_1209] : memref<4000xf32, #tpu.memory_space<vmem>> -> memref<80xf32, #tpu.memory_space<vmem>>
        %dma_wait3A_1211 = arith.constant 3760 : i32
        %dma_wait3A_1212 = tpu.memref_slice %arg8[%dma_wait3A_1211] : memref<4000xi32, #tpu.memory_space<vmem>> -> memref<80xi32, #tpu.memory_space<vmem>>
        %dma_wait3A_1213 = arith.constant 0 : i32
        %dma_wait3A_1214 = tpu.memref_slice %arg5[%dma_wait3A_1213] : memref<108544xf32, #tpu.memory_space<hbm>> -> memref<108544xf32, #tpu.memory_space<hbm>>
        tpu.wait_indirect_dma semaphore(%arg14 : memref<!tpu.dma_semaphore, #tpu.memory_space<semaphore_mem>>) src(%dma_wait3A_1214 : memref<108544xf32, #tpu.memory_space<hbm>>) dst(%dma_wait3A_1210 : memref<80xf32, #tpu.memory_space<vmem>>)
        %dma_start3A_1215 = arith.constant 3840 : i32
        %dma_start3A_1216 = tpu.memref_slice %arg9[%dma_start3A_1215] : memref<4000xf32, #tpu.memory_space<vmem>> -> memref<80xf32, #tpu.memory_space<vmem>>
        %dma_start3A_1217 = arith.constant 3840 : i32
        %dma_start3A_1218 = tpu.memref_slice %arg8[%dma_start3A_1217] : memref<4000xi32, #tpu.memory_space<vmem>> -> memref<80xi32, #tpu.memory_space<vmem>>
        %dma_start3A_1219 = arith.constant 0 : i32
        %dma_start3A_1220 = tpu.memref_slice %arg4[%dma_start3A_1219] : memref<108544xf32, #tpu.memory_space<hbm>> -> memref<108544xf32, #tpu.memory_space<hbm>>
        tpu.enqueue_indirect_dma source(%dma_start3A_1220 : memref<108544xf32, #tpu.memory_space<hbm>>) target(%dma_start3A_1216 : memref<80xf32, #tpu.memory_space<vmem>>) offsets(%dma_start3A_1218 : memref<80xi32, #tpu.memory_space<vmem>>) semaphore(%arg14 : memref<!tpu.dma_semaphore, #tpu.memory_space<semaphore_mem>>)
        %dma_start3A_1221 = arith.constant 3840 : i32
        %dma_start3A_1222 = tpu.memref_slice %arg10[%dma_start3A_1221] : memref<4000xf32, #tpu.memory_space<vmem>> -> memref<80xf32, #tpu.memory_space<vmem>>
        %dma_start3A_1223 = arith.constant 3840 : i32
        %dma_start3A_1224 = tpu.memref_slice %arg8[%dma_start3A_1223] : memref<4000xi32, #tpu.memory_space<vmem>> -> memref<80xi32, #tpu.memory_space<vmem>>
        %dma_start3A_1225 = arith.constant 0 : i32
        %dma_start3A_1226 = tpu.memref_slice %arg5[%dma_start3A_1225] : memref<108544xf32, #tpu.memory_space<hbm>> -> memref<108544xf32, #tpu.memory_space<hbm>>
        tpu.enqueue_indirect_dma source(%dma_start3A_1226 : memref<108544xf32, #tpu.memory_space<hbm>>) target(%dma_start3A_1222 : memref<80xf32, #tpu.memory_space<vmem>>) offsets(%dma_start3A_1224 : memref<80xi32, #tpu.memory_space<vmem>>) semaphore(%arg14 : memref<!tpu.dma_semaphore, #tpu.memory_space<semaphore_mem>>)
        %dma_start3A_1227 = arith.constant 3920 : i32
        %dma_start3A_1228 = tpu.memref_slice %arg9[%dma_start3A_1227] : memref<4000xf32, #tpu.memory_space<vmem>> -> memref<80xf32, #tpu.memory_space<vmem>>
        %dma_start3A_1229 = arith.constant 3920 : i32
        %dma_start3A_1230 = tpu.memref_slice %arg8[%dma_start3A_1229] : memref<4000xi32, #tpu.memory_space<vmem>> -> memref<80xi32, #tpu.memory_space<vmem>>
        %dma_start3A_1231 = arith.constant 0 : i32
        %dma_start3A_1232 = tpu.memref_slice %arg4[%dma_start3A_1231] : memref<108544xf32, #tpu.memory_space<hbm>> -> memref<108544xf32, #tpu.memory_space<hbm>>
        tpu.enqueue_indirect_dma source(%dma_start3A_1232 : memref<108544xf32, #tpu.memory_space<hbm>>) target(%dma_start3A_1228 : memref<80xf32, #tpu.memory_space<vmem>>) offsets(%dma_start3A_1230 : memref<80xi32, #tpu.memory_space<vmem>>) semaphore(%arg14 : memref<!tpu.dma_semaphore, #tpu.memory_space<semaphore_mem>>)
        %dma_start3A_1233 = arith.constant 3920 : i32
        %dma_start3A_1234 = tpu.memref_slice %arg10[%dma_start3A_1233] : memref<4000xf32, #tpu.memory_space<vmem>> -> memref<80xf32, #tpu.memory_space<vmem>>
        %dma_start3A_1235 = arith.constant 3920 : i32
        %dma_start3A_1236 = tpu.memref_slice %arg8[%dma_start3A_1235] : memref<4000xi32, #tpu.memory_space<vmem>> -> memref<80xi32, #tpu.memory_space<vmem>>
        %dma_start3A_1237 = arith.constant 0 : i32
        %dma_start3A_1238 = tpu.memref_slice %arg5[%dma_start3A_1237] : memref<108544xf32, #tpu.memory_space<hbm>> -> memref<108544xf32, #tpu.memory_space<hbm>>
        tpu.enqueue_indirect_dma source(%dma_start3A_1238 : memref<108544xf32, #tpu.memory_space<hbm>>) target(%dma_start3A_1234 : memref<80xf32, #tpu.memory_space<vmem>>) offsets(%dma_start3A_1236 : memref<80xi32, #tpu.memory_space<vmem>>) semaphore(%arg14 : memref<!tpu.dma_semaphore, #tpu.memory_space<semaphore_mem>>)
        %dma_wait3A_1239 = arith.constant 3840 : i32
        %dma_wait3A_1240 = tpu.memref_slice %arg9[%dma_wait3A_1239] : memref<4000xf32, #tpu.memory_space<vmem>> -> memref<80xf32, #tpu.memory_space<vmem>>
        %dma_wait3A_1241 = arith.constant 3840 : i32
        %dma_wait3A_1242 = tpu.memref_slice %arg8[%dma_wait3A_1241] : memref<4000xi32, #tpu.memory_space<vmem>> -> memref<80xi32, #tpu.memory_space<vmem>>
        %dma_wait3A_1243 = arith.constant 0 : i32
        %dma_wait3A_1244 = tpu.memref_slice %arg4[%dma_wait3A_1243] : memref<108544xf32, #tpu.memory_space<hbm>> -> memref<108544xf32, #tpu.memory_space<hbm>>
        tpu.wait_indirect_dma semaphore(%arg14 : memref<!tpu.dma_semaphore, #tpu.memory_space<semaphore_mem>>) src(%dma_wait3A_1244 : memref<108544xf32, #tpu.memory_space<hbm>>) dst(%dma_wait3A_1240 : memref<80xf32, #tpu.memory_space<vmem>>)
        %dma_wait3A_1245 = arith.constant 3840 : i32
        %dma_wait3A_1246 = tpu.memref_slice %arg10[%dma_wait3A_1245] : memref<4000xf32, #tpu.memory_space<vmem>> -> memref<80xf32, #tpu.memory_space<vmem>>
        %dma_wait3A_1247 = arith.constant 3840 : i32
        %dma_wait3A_1248 = tpu.memref_slice %arg8[%dma_wait3A_1247] : memref<4000xi32, #tpu.memory_space<vmem>> -> memref<80xi32, #tpu.memory_space<vmem>>
        %dma_wait3A_1249 = arith.constant 0 : i32
        %dma_wait3A_1250 = tpu.memref_slice %arg5[%dma_wait3A_1249] : memref<108544xf32, #tpu.memory_space<hbm>> -> memref<108544xf32, #tpu.memory_space<hbm>>
        tpu.wait_indirect_dma semaphore(%arg14 : memref<!tpu.dma_semaphore, #tpu.memory_space<semaphore_mem>>) src(%dma_wait3A_1250 : memref<108544xf32, #tpu.memory_space<hbm>>) dst(%dma_wait3A_1246 : memref<80xf32, #tpu.memory_space<vmem>>)
        %dma_wait3A_1251 = arith.constant 3920 : i32
        %dma_wait3A_1252 = tpu.memref_slice %arg9[%dma_wait3A_1251] : memref<4000xf32, #tpu.memory_space<vmem>> -> memref<80xf32, #tpu.memory_space<vmem>>
        %dma_wait3A_1253 = arith.constant 3920 : i32
        %dma_wait3A_1254 = tpu.memref_slice %arg8[%dma_wait3A_1253] : memref<4000xi32, #tpu.memory_space<vmem>> -> memref<80xi32, #tpu.memory_space<vmem>>
        %dma_wait3A_1255 = arith.constant 0 : i32
        %dma_wait3A_1256 = tpu.memref_slice %arg4[%dma_wait3A_1255] : memref<108544xf32, #tpu.memory_space<hbm>> -> memref<108544xf32, #tpu.memory_space<hbm>>
        tpu.wait_indirect_dma semaphore(%arg14 : memref<!tpu.dma_semaphore, #tpu.memory_space<semaphore_mem>>) src(%dma_wait3A_1256 : memref<108544xf32, #tpu.memory_space<hbm>>) dst(%dma_wait3A_1252 : memref<80xf32, #tpu.memory_space<vmem>>)
        %dma_wait3A_1257 = arith.constant 3920 : i32
        %dma_wait3A_1258 = tpu.memref_slice %arg10[%dma_wait3A_1257] : memref<4000xf32, #tpu.memory_space<vmem>> -> memref<80xf32, #tpu.memory_space<vmem>>
        %dma_wait3A_1259 = arith.constant 3920 : i32
        %dma_wait3A_1260 = tpu.memref_slice %arg8[%dma_wait3A_1259] : memref<4000xi32, #tpu.memory_space<vmem>> -> memref<80xi32, #tpu.memory_space<vmem>>
        %dma_wait3A_1261 = arith.constant 0 : i32
        %dma_wait3A_1262 = tpu.memref_slice %arg5[%dma_wait3A_1261] : memref<108544xf32, #tpu.memory_space<hbm>> -> memref<108544xf32, #tpu.memory_space<hbm>>
        tpu.wait_indirect_dma semaphore(%arg14 : memref<!tpu.dma_semaphore, #tpu.memory_space<semaphore_mem>>) src(%dma_wait3A_1262 : memref<108544xf32, #tpu.memory_space<hbm>>) dst(%dma_wait3A_1258 : memref<80xf32, #tpu.memory_space<vmem>>)
        %scan3A_1263 = arith.constant 0 : i32
        %scan3A_1264 = arith.constant 0 : i32
        %scan3A_1265 = arith.constant 250 : i32
        %scan3A_1266 = arith.addi %scan3A_1264, %scan3A_1265 : i32
        %scan3A_1267 = arith.constant 1 : i32
        %scan3A_1268 = scf.for %scan3A_1271 = %scan3A_1264 to %scan3A_1266 step %scan3A_1267 iter_args(%scan3A_1272 = %scan3A_1263) -> (i32)  : i32 {
          %mul3A_1273 = arith.constant 16 : i32
          %mul3A_1274 = arith.muli %scan3A_1271, %mul3A_1273 : i32
          %get3A_1275 = arith.index_cast %mul3A_1274 : i32 to index
          %get3A_1276 = tpu.vector_load %arg7[%get3A_1275] {strides = array<i32>} : memref<4000xf32, #tpu.memory_space<vmem>>, vector<16xf32>,
          %get3A_1277 = arith.index_cast %mul3A_1274 : i32 to index
          %get3A_1278 = tpu.vector_load %arg9[%get3A_1277] {strides = array<i32>} : memref<4000xf32, #tpu.memory_space<vmem>>, vector<16xf32>,
          %ge3A = arith.cmpf oge, %get3A_1276, %get3A_1278 : vector<16xf32>
          %get3A_1279 = arith.index_cast %mul3A_1274 : i32 to index
          %get3A_1280 = tpu.vector_load %arg10[%get3A_1279] {strides = array<i32>} : memref<4000xf32, #tpu.memory_space<vmem>>, vector<16xf32>,
          %mul3A_1281 = arith.mulf %get3A_1276, %get3A_1280 : vector<16xf32>
          %jit3A_1282 = arith.constant 0.000000e+00 : f32
          %broadcast_in_dim3A_1283 = vector.broadcast %jit3A_1282 : f32 to vector<16xf32>
          %select_n3A_1284 = arith.select %ge3A, %mul3A_1281, %broadcast_in_dim3A_1283 : vector<16xi1>, vector<16xf32>
          %swap3A = arith.index_cast %mul3A_1274 : i32 to index
          %swap3A_1285 = tpu.vector_load %arg13[%swap3A] {strides = array<i32>} : memref<4000xf32, #tpu.memory_space<vmem>>, vector<16xf32>,
          tpu.vector_store %arg13[%swap3A], %select_n3A_1284 {strides = array<i32>} : memref<4000xf32, #tpu.memory_space<vmem>>, vector<16xf32>,
          %scan3A_1286 = arith.constant 0 : i32
          scf.yield %scan3A_1286 : i32
        }
        %scan3A_1269 = arith.constant 250 : i32
        %cond3A_1270 = arith.constant 0 : i32
        scf.yield %cond3A_1270 : i32
      }
      "tpu.region"() ({
        %run_scoped3A = tpu.sem_alloc : memref<!tpu.dma_semaphore, #tpu.memory_space<semaphore_mem>>
        %dma_start3A_63 = tpu.memref_slice %arg6[%multiple_of3A] : memref<3200000xf32, #tpu.memory_space<hbm>> -> memref<4000xf32, #tpu.memory_space<hbm>>
        %dma_start3A_64 = tpu.memref_slice %arg6[%multiple_of3A] : memref<3200000xf32, #tpu.memory_space<hbm>> -> memref<4000xf32, #tpu.memory_space<hbm>>
        tpu.enqueue_dma source(%arg13 : memref<4000xf32, #tpu.memory_space<vmem>>) target(%dma_start3A_64 : memref<4000xf32, #tpu.memory_space<hbm>>) target_semaphore(%run_scoped3A : memref<!tpu.dma_semaphore, #tpu.memory_space<semaphore_mem>>)
        %dma_wait3A_65 = tpu.memref_slice %arg6[%multiple_of3A] : memref<3200000xf32, #tpu.memory_space<hbm>> -> memref<4000xf32, #tpu.memory_space<hbm>>
        %dma_wait3A_66 = tpu.memref_slice %arg6[%multiple_of3A] : memref<3200000xf32, #tpu.memory_space<hbm>> -> memref<4000xf32, #tpu.memory_space<hbm>>
        tpu.wait_dma2 semaphore(%run_scoped3A : memref<!tpu.dma_semaphore, #tpu.memory_space<semaphore_mem>>) src(%arg13 : memref<4000xf32, #tpu.memory_space<vmem>>) dst(%dma_wait3A_66 : memref<4000xf32, #tpu.memory_space<hbm>>)
        tpu.yield
      }) : () -> ()
      %scan3A_62 = arith.constant 0 : i32
      scf.yield %scan3A_62 : i32
    }
    %scan3A_8 = arith.constant 25 : i32
    return
  }
}

module attributes {stable_mosaic.version = 14 : i64} {
  func.func @_mlp_body(%arg0: i32, %arg1: memref<25600x16xf32, #tpu.memory_space<vmem>>, %arg2: memref<24x128xf32, #tpu.memory_space<vmem>>, %arg3: memref<200x128xf32, #tpu.memory_space<vmem>>) attributes {dimension_semantics = [#tpu.dimension_semantics<arbitrary>], iteration_bounds = array<i64: 125>, scalar_prefetch = 0 : i64, scratch_operands = 0 : i64, tpu.core_type = #tpu.core_type<tc>, window_params = [{transform_indices = @transform_0, window_bounds = array<i64: 25600, 16>}, {pipeline_mode = #tpu.pipeline_mode<synchronous>, transform_indices = @transform_1, window_bounds = array<i64: 24, 128>}, {transform_indices = @transform_2, window_bounds = array<i64: 200, 128>}]} {
    %get3A = arith.constant 0 : index
    %get3A_0 = arith.constant 0 : index
    %get3A_1 = vector.load %arg1[%get3A, %get3A_0] : memref<25600x16xf32, #tpu.memory_space<vmem>>, vector<25600x16xf32>
    %get3A_2 = arith.constant 0 : index
    %get3A_3 = arith.constant 0 : index
    %get3A_4 = vector.load %arg2[%get3A_2, %get3A_3] : memref<24x128xf32, #tpu.memory_space<vmem>>, vector<24x128xf32>
    %slice3A = vector.extract_strided_slice %get3A_4 {offsets = [0, 0], sizes = [16, 8], strides = [1, 1]} : vector<24x128xf32> to vector<16x8xf32>
    %slice3A_5 = vector.extract_strided_slice %get3A_4 {offsets = [16, 0], sizes = [1, 8], strides = [1, 1]} : vector<24x128xf32> to vector<1x8xf32>
    %squeeze3A = vector.shape_cast %slice3A_5 : vector<1x8xf32> to vector<8xf32>
    %slice3A_6 = vector.extract_strided_slice %get3A_4 {offsets = [17, 0], sizes = [1, 8], strides = [1, 1]} : vector<24x128xf32> to vector<1x8xf32>
    %squeeze3A_7 = vector.shape_cast %slice3A_6 : vector<1x8xf32> to vector<8xf32>
    %slice3A_8 = vector.extract_strided_slice %get3A_4 {offsets = [17, 8], sizes = [1, 1], strides = [1, 1]} : vector<24x128xf32> to vector<1x1xf32>
    %squeeze3A_9 = vector.extract %slice3A_8[0, 0] : f32 from vector<1x1xf32>
    %dot_general3A = arith.constant dense<0.000000e+00> : vector<25600x8xf32>
    %dot_general3A_10 = tpu.matmul %get3A_1, %slice3A, %dot_general3A {dimension_numbers = #tpu.dot_dimension_numbers<[1], [0], [0], [1], [0, 0, 1, 1], [], []>, transpose_lhs_hint = false} : vector<25600x16xf32>, vector<16x8xf32>, vector<25600x8xf32> -> vector<25600x8xf32>
    %broadcast_in_dim3A = vector.shape_cast %squeeze3A : vector<8xf32> to vector<1x8xf32>
    %add3A = vector.broadcast %broadcast_in_dim3A : vector<1x8xf32> to vector<25600x8xf32>
    %add3A_11 = arith.addf %dot_general3A_10, %add3A : vector<25600x8xf32>
    %max3A = arith.constant 0.000000e+00 : f32
    %max3A_12 = vector.broadcast %max3A : f32 to vector<25600x8xf32>
    %max3A_13 = arith.maximumf %add3A_11, %max3A_12 : vector<25600x8xf32>
    %broadcast_in_dim3A_14 = vector.shape_cast %squeeze3A_7 : vector<8xf32> to vector<8x1xf32>
    %dot_general3A_15 = arith.constant dense<0.000000e+00> : vector<25600x1xf32>
    %dot_general3A_16 = tpu.matmul %max3A_13, %broadcast_in_dim3A_14, %dot_general3A_15 {dimension_numbers = #tpu.dot_dimension_numbers<[1], [0], [0], [1], [0, 0, 1, 1], [], []>, transpose_lhs_hint = false} : vector<25600x8xf32>, vector<8x1xf32>, vector<25600x1xf32> -> vector<25600x1xf32>
    %squeeze3A_17 = vector.shape_cast %dot_general3A_16 : vector<25600x1xf32> to vector<25600xf32>
    %add3A_18 = vector.broadcast %squeeze3A_9 : f32 to vector<25600xf32>
    %add3A_19 = arith.addf %squeeze3A_17, %add3A_18 : vector<25600xf32>
    %exp3A = math.exp %add3A_19 : vector<25600xf32>
    %reshape3A = vector.shape_cast %exp3A : vector<25600xf32> to vector<200x128xf32>
    %swap3A = arith.constant 0 : index
    %swap3A_20 = arith.constant 0 : index
    %swap3A_21 = vector.load %arg3[%swap3A, %swap3A_20] : memref<200x128xf32, #tpu.memory_space<vmem>>, vector<200x128xf32>
    tpu.vector_store %arg3[%swap3A, %swap3A_20], %reshape3A {strides = array<i32>} : memref<200x128xf32, #tpu.memory_space<vmem>>, vector<200x128xf32>,
    return
  }
  func.func @transform_0(%arg0: i32) -> (i32, i32) {
    %c0_i32 = arith.constant 0 : i32
    %c0_i32_0 = arith.constant 0 : i32
    return %arg0, %c0_i32 : i32, i32
  }
  func.func @transform_1(%arg0: i32) -> (i32, i32) {
    %c0_i32 = arith.constant 0 : i32
    %c0_i32_0 = arith.constant 0 : i32
    %c0_i32_1 = arith.constant 0 : i32
    return %c0_i32, %c0_i32_0 : i32, i32
  }
  func.func @transform_2(%arg0: i32) -> (i32, i32) {
    %c0_i32 = arith.constant 0 : i32
    %c0_i32_0 = arith.constant 0 : i32
    return %arg0, %c0_i32 : i32, i32
  }
}

</mosaic_0001>

<sc_bundles>
// kernel: kernel.5.cloned.1.call-start
scs
__scs_entry_jumppad:
0x0: {  	(pc) =	sbr.rel $0x88, $3  }
0x1: {  	(tag) =	ssettag $0x0;
	lr =	simm.s32 $0x1  }
0x2: {  	[smem:$0x3F99] =	sst lr;
	_ =	strace $0xD0000000  }
0x3: {  	_ = 	snop  }
0x4: {  	_ = 	snop  }
0x5: {  	_ = 	snop  }
0x6: {  	_ = 	snop  }
0x7: {  	_ = 	snop  }
__scs_overlays_trampoline_lowered:
0x8: {  	[smem:$0x3FA8] =	sst s0  }
0x9: {  	[smem:$0x3FA9] =	sst s1  }
0xa: {  	[smem:$0x3FAA] =	sst s2  }
0xb: {  	[smem:$0x3FAB] =	sst s3  }
0xc: {  	[smem:$0x3FAC] =	sst s4  }
0xd: {  	[smem:$0x3FAD] =	sst s5  }
0xe: {  	[smem:$0x3FAE] =	sst s6  }
0xf: {  	[smem:$0x3FAF] =	sst s7  }
0x10: {  	[smem:$0x3FB0] =	sst s8  }
0x11: {  	[smem:$0x3FB1] =	sst s9;
	s0 =	simm.s32 @!p0 $0x0  }
0x12: {  	s1 =	sld [smem:$0x3F97];
	s0 =	simm.s32 @p0 $0x1  }
0x13: {  	[smem:$0x3FB2] =	sst s0;
	s0 =	simm.s32 @!p1 $0x0  }
0x14: {  	s2 =	sld [smem:$0x3F96];
	s0 =	simm.s32 @p1 $0x1  }
0x15: {  	[smem:$0x3FB3] =	sst s0;
	s0 =	simm.s32 @!p2 $0x0  }
0x16: {  	s3 =	sld [smem:$0x3FDB];
	s0 =	simm.s32 @p2 $0x1  }
0x17: {  	s4 =	simm.s32 $0x1BF5;
	[smem:$0x3FB5] =	sst s0  }
0x18: {  	s0 =	sld [smem:$0x3F98];
	_ =	swait.ge [sflag:s4], $0x0  }
0x19: {  	s7 =	sld [smem:$0x3F99]  }
0x1a: {  	s8 =	sadd.s32 $0xFFFFE003, lr  }
0x1b: {  	s9 =	sadd.s32 $0xFFFFFEF7, lr;
	s5 =	simm.s32 $0xFFFFFFFF;
	p2 =	slt.u32 s8, $0xFFFFF086  }
0x1c: {  	p1 =	slt.u32 s9, $0xF7A;
	s5 =	simm.s32 @!p2 $0x0  }
0x1d: {  	s5 =	simm.s32 @p1 $0x1;
	p0 =	seq.s32 s7, s2  }
0x1e: {  	s7 =	smul.u32 @!p0 $0xF7A, s2;
	p2 =	seq.s32 @!p0 s5, $0x0  }
0x1f: {  	s9 =	smul.u32 $0xF7A, s1;
	s8 =	simm.s32 @!p0 $0x1BF5;
	p2 =	por !p2, p0  }
0x20: {  	[sflag:s8] =	ssyncset.s32 @!p0 $0xFFFFF086;
	s6 =	sadd.s32 @!p0 s3, s7;
	s7 =	simm.s32 @!p0 $0x108  }
0x21: {  	s3 =	sadd.s32 s3, s9;
	s6 =	sadd.s32 @!p0 $0x88, s6;
	s7 =	simm.s32 @p2 $0x1082  }
0x22: {  	[simem:s7], [sflag:s8] =	dma.local @!p0 [hbm:s6], $0xF7A  }
0x23: {  	s9 =	sor.u32 $0xD0000000, s2;
	s6 =	simm.s32 $0x108;
	_ =	swait.ge @!p0 [sflag:s8], $0x0  }
0x24: {  	s3 =	sadd.s32 $0x88, s3;
	s6 =	simm.s32 @!p1 $0x1082;
	[sflag:s4] =	ssyncset.s32 $0xFFFFF086  }
0x25: {  	[simem:s6], [sflag:s4] =	dma.local [hbm:s3], $0xF7A  }
0x26: {  	[smem:$0x3F99] =	sst s1;
	(tag) =	ssettag s2;
	_ =	strace s9  }
0x27: {  	s1 =	sld [smem:$0x3FA9]  }
0x28: {  	s2 =	sld [smem:$0x3FAA]  }
0x29: {  	s4 =	sld [smem:$0x3FAC]  }
0x2a: {  	p0 =	seq.s32 s5, $0x0;
	s5 =	sld [smem:$0x3FAD]  }
0x2b: {  	s6 =	sld [smem:$0x3FAE]  }
0x2c: {  	s7 =	sld [smem:$0x3FAF]  }
0x2d: {  	s3 =	simm.s32 $0x108;
	s8 =	sld [smem:$0x3FB0]  }
0x2e: {  	s3 =	simm.s32 @!p0 $0x1082;
	s9 =	sld [smem:$0x3FB1]  }
0x2f: {  	lr =	sadd.s32 s0, s3;
	s0 =	sld [smem:$0x3FA8]  }
0x30: {  	s3 =	sld [smem:$0x3FAB]  }
0x31: {  	[smem:$0x3FB4] =	sst s10  }
0x32: {  	s10 =	sld [smem:$0x3FB2];
	_ =	sdelay $0x3  }
0x33: {  	p0 =	seq.s32 s10, $0x1;
	s10 =	sld [smem:$0x3FB4];
	_ =	sdelay $0x3  }
0x34: {  	[smem:$0x3FB4] =	sst s10  }
0x35: {  	s10 =	sld [smem:$0x3FB3];
	_ =	sdelay $0x3  }
0x36: {  	p1 =	seq.s32 s10, $0x1;
	s10 =	sld [smem:$0x3FB4];
	_ =	sdelay $0x3  }
0x37: {  	[smem:$0x3FB4] =	sst s10  }
0x38: {  	s10 =	sld [smem:$0x3FB5]  }
0x39: {  	_ = 	snop;
	(pc) =	sbr.ind lr, $3  }
0x3a: {  	_ = 	snop  }
0x3b: {  	_ = 	snop  }
0x3c: {  	p2 =	seq.s32 s10, $0x1;
	s10 =	sld [smem:$0x3FB4]  }
0x3d: {  	_ =	shalt  }
0x3e: {  	_ =	shalt  }
0x3f: {  	_ =	shalt  }
0x40: {  	_ =	shalt  }
0x41: {  	_ =	shalt  }
0x42: {  	_ =	shalt  }
0x43: {  	_ =	shalt  }
0x44: {  	_ =	shalt  }
0x45: {  	_ =	shalt  }
0x46: {  	_ =	shalt  }
0x47: {  	_ =	shalt  }
0x48: {  	_ =	shalt  }
0x49: {  	_ =	shalt  }
0x4a: {  	_ =	shalt  }
0x4b: {  	_ =	shalt  }
0x4c: {  	_ =	shalt  }
0x4d: {  	_ =	shalt  }
0x4e: {  	_ =	shalt  }
0x4f: {  	_ =	shalt  }
0x50: {  	_ =	shalt  }
0x51: {  	_ =	shalt  }
0x52: {  	_ =	shalt  }
0x53: {  	_ =	shalt  }
0x54: {  	_ =	shalt  }
0x55: {  	_ =	shalt  }
0x56: {  	_ =	shalt  }
0x57: {  	_ =	shalt  }
0x58: {  	_ =	shalt  }
0x59: {  	_ =	shalt  }
0x5a: {  	_ =	shalt  }
0x5b: {  	_ =	shalt  }
0x5c: {  	_ =	shalt  }
0x5d: {  	_ =	shalt  }
0x5e: {  	_ =	shalt  }
0x5f: {  	_ =	shalt  }
0x60: {  	_ =	shalt  }
0x61: {  	_ =	shalt  }
0x62: {  	_ =	shalt  }
0x63: {  	_ =	shalt  }
0x64: {  	_ =	shalt  }
0x65: {  	_ =	shalt  }
0x66: {  	_ =	shalt  }
0x67: {  	_ =	shalt  }
0x68: {  	_ =	shalt  }
0x69: {  	_ =	shalt  }
0x6a: {  	_ =	shalt  }
0x6b: {  	_ =	shalt  }
0x6c: {  	_ =	shalt  }
0x6d: {  	_ =	shalt  }
0x6e: {  	_ =	shalt  }
0x6f: {  	_ =	shalt  }
0x70: {  	_ =	shalt  }
0x71: {  	_ =	shalt  }
0x72: {  	_ =	shalt  }
0x73: {  	_ =	shalt  }
0x74: {  	_ =	shalt  }
0x75: {  	_ =	shalt  }
0x76: {  	_ =	shalt  }
0x77: {  	_ =	shalt  }
0x78: {  	_ =	shalt  }
0x79: {  	_ =	shalt  }
0x7a: {  	_ =	shalt  }
0x7b: {  	_ =	shalt  }
0x7c: {  	_ =	shalt  }
0x7d: {  	_ =	shalt  }
0x7e: {  	_ =	shalt  }
0x7f: {  	_ =	shalt  }
0x80: {  	_ =	shalt  }
0x81: {  	_ =	shalt  }
0x82: {  	_ =	shalt  }
0x83: {  	_ =	shalt  }
0x84: {  	_ =	shalt  }
0x85: {  	_ =	shalt  }
0x86: {  	_ =	shalt  }
0x87: {  	_ =	shalt  }
.Lfunc_end0:
.L_simem_size_0:
called_computation_lowered:
.L_overlay_start_0:
0x88: {  	s2 =	sld [smem:$0x3FD9]  }
0x89: {  	s3 =	sld [smem:$0x3FFE];
	_ =	sdelay $0x1  }
0x8a: {  	s1 =	srdreg.scid  }
0x8b: {  	s0 =	sand.u32 $0x1, s1  }
0x8c: {  	s17 =	sshll.u32 s0, $0xA;
	s2 =	sadd.s32 s3, s2  }
0x8d: {  	s2 =	sadd.s32 s2, s17  }
0x8e: {  	[smem:$0x3FC0] =	sst s2  }
0x8f: {  	_ = 	snop  }
0x90: {  	s2 =	sld [smem:$0x3FC8]  }
0x91: {  	s18 =	sld [smem:$0x3FD0];
	(tm) =	ssettm $0x1  }
0x92: {  	s4 =	sld [smem:$0x3FFB];
	_ =	sdelay $0x3  }
0x93: {  	_ =	strace s4  }
0x94: {  	s4 =	sld [smem:$0x3FFC];
	_ =	sdelay $0x3  }
0x95: {  	_ =	strace s4  }
0x96: {  	s4 =	sld [smem:$0x3FFD];
	_ =	sdelay $0x3  }
0x97: {  	_ =	strace s4  }
0x98: {  	_ =	strace $0x8FFFFFFF  }
0x99: {  	s19 =	sld [smem:$0x3FDB];
	_ =	sdelay $0x1  }
0x9a: {  	s5 =	simm.s32 $_scs_section_size  }
0x9b: {  	s6 =	simm.s32 $_size__tile_overlayer_lowered;
	s7 =	simm.s32 $_tile_overlayer_lowered  }
0x9c: {  	s22 =	simm.s32 $0x1BFF;
	s21 =	sshll.u32 s7, $0x1;
	s4 =	sadd.s32 s5, s19  }
0x9d: {  	s8 =	simm.s32 $0x0;
	s20 =	sshll.u32 s6, $0x1;
	s6 =	sadd.s32 s21, s4  }
0x9e: {  	[timem:s8], [sflag:s22] =	dma.local [hbm:s6], s20  }
0x9f: {  	_ =	swait.ge [sflag:s22], s20  }
0xa0: {  	s5 =	ssub.s32 $0x0, s20;
	[sflag:s22] =	ssyncset.done $0x0  }
0xa1: {  	[sflag:s22] =	ssyncadd.s32 s5;
	_ =	sdelay $0x1  }
0xa2: {  	s23 =	simm.s32 $0x1B8B  }
0xa3: {  	_ =	swait.ge [sflag:s23], $0x1  }
0xa4: {  	[sflag:s23] =	ssyncset.done $0x0  }
0xa5: {  	s25 =	simm.s32 $0x1B8E;
	s24 =	sld [smem:$0x3FFE];
	[sflag:s23] =	ssyncadd.s32 $0xFFFFFFFF  }
0xa6: {  	s26 =	simm.s32 $execute0_lowered;
	[smem:$0x3FD2] =	sst s25  }
0xa7: {  	s6 =	sshll.u32 s26, $0x1;
	_ =	strace $0x80000046;
	[dreg:$0x1] =	wrdreg $0xFFFFFFFF  }
0xa8: {  	s28 =	simm.s32 $_size_execute0_lowered;
	s4 =	sadd.s32 s4, s6;
	[dreg:$0x0] =	wrdreg $0x0  }
0xa9: {  	s6 =	sshll.u32 s28, $0x1;
	[dreg:$0x2] =	wrdreg s4  }
0xaa: {  	[dreg:$0x3] =	wrdreg s6  }
0xab: {  	[dreg:$0x4] =	wrdreg $0xC0  }
0xac: {  	_ =	task [dreg:s8], $0x5FFFF  }
0xad: {  	[dreg:$0x1] =	wrdreg $0xFFFFFFFF  }
0xae: {  	[dreg:$0x0] =	wrdreg $0x60  }
0xaf: {  	[dreg:$0x2] =	wrdreg s24  }
0xb0: {  	[dreg:$0x3] =	wrdreg s2  }
0xb1: {  	[dreg:$0x4] =	wrdreg s18  }
0xb2: {  	[dreg:$0x5] =	wrdreg $0x9  }
0xb3: {  	_ =	task.clear_ibuf [dreg:s8], $0x6FFFF;
	_ =	strace $0x90000046  }
0xb4: {  	s29 =	simm.s32 $0x9;
	_ =	strace $0x80000048  }
0xb5: {  	_ =	swait.ge [sflag:s29], $0x1  }
0xb6: {  	[sflag:s29] =	ssyncadd.s32 $0xFFFFFFFF  }
0xb7: {  	_ =	strace $0x90000048  }
0xb8: {  	_ =	sfence  }
0xb9: {  	s30 =	sld [smem:$0x0];
	_ =	sdelay $0x2  }
0xba: {  	s31 =	sshll.u32 s1, $0xD;
	s1 =	sshrl.u32 s1, $0x2  }
0xbb: {  	s3 =	sand.u32 $0x4000, s31;
	s1 =	sadd.s32 s1, s30  }
0xbc: {  	s0 =	sor.u32 s3, s0;
	s1 =	sshll.u32 s1, $0x11  }
0xbd: {  	s0 =	sor.u32 s1, s0  }
0xbe: {  	s0 =	sadd.s32 $0x8F2B, s0  }
0xbf: {  	[sflag:s0] =	ssyncadd.remote.s32 $0x1  }
0xc0: {  	_ =	sfence.sel $0xFFFF  }
0xc1: {  	[dreg:$0x0] =	wrdreg $0xFFFFFFFF;
	(pc) =	sbr.abs _section_cstart, $3  }
0xc2: {  	[dreg:$0x1] =	wrdreg $0xFFFFFFFF  }
0xc3: {  	_ =	task.clear_ibuf [dreg:s8], $0x2FFFF;
	_ =	strace $0x9FFFFFFF  }
0xc4: {  	(tm) =	ssettm $0x7FFFFFFF  }
0xc5: {  	_ =	shalt  }
tec
execute0_lowered:
.L_overlay_start_1:
0x0: {  	(tag) =	ssettag $0x1  }
0x1: {  	s1 =	rddreg [dreg:$0x0]  }
0x2: {  	s2 =	srdreg.scid;
	s3 =	rddreg [dreg:$0x1]  }
0x3: {  	s0 =	stileid.u32;
	s7 =	rddreg [dreg:$0x2]  }
0x4: {  	s4 =	simm.s32 $0x0;
	s10 =	simm.s32 $0x8000;
	s11 =	simm.s32 $0x4000  }
0x5: {  	s12 =	simm.s32 $0x8080;
	s6 =	sand.u32 $0x1, s2;
	s31 =	sshll.u32 s0, $0x1  }
.Ltmp0:
0x6: {  	s13 =	simm.s32 $0x0;
	s8 =	sor.u32 s6, s31;
	(pc) =	sbr.rel .LBB2_1-.Ltmp0, $4  }
0x7: {  	v0 =	vlaneseq.u32;
	s2 =	rddreg [dreg:$0x3];
	s6 =	ssub.s32 $0x2, s6;
	s5 =	smul.u32 $0xC40, s8  }
0x8: {  	[smem:$0x7FF] =	sst s4;
	v2 =	vmul.u32 $0xFFFFFFFF, v0;
	s8 =	smul.u32 $0x310, s8;
	s9 =	sshrl.u32 s6, $0x1  }
0x9: {  	v1 =	vimm.f32 $0.0e+00;
	vm0 =	vmxor vm0, vm0;
	_ =	strace $0x80000047;
	s9 =	ssub.s32 s6, s9;
	s6 =	sadd.s32 $0xC40, s5  }
0xa: {  	vm1 =	vmmov $0x3;
	vm2 =	vmmov $0x1;
	v2 =	vadd.s32 $0xF, v2;
	s7 =	sadd.s32 s7, s8;
	s8 =	smax.u32 s9, $0x1;
	s9 =	simm.s32 $0x1  }
.LBB2_15:
0xb: {  	(xrf2) =	vadd.scan.msk.f32 $0xffff, v5;
	_ =	sdelay $0x9  }
0xc: {  	v3, _, _ =	vpop (xrf2)  }
0xd: {  	v3 =	vbroadcast v3, $0xF;
	_ =	sdelay $0x1  }
0xe: {  	(erf) = vrcp.f32 v3  }
0xf: {  	(xrf0) =	vmin.scan.msk.f32 $0xffff, v6;
	_ =	sdelay $0x1  }
0x10: {  	p0 =	sge.s32 s15, s5;
	vm3 =	vmmov vm0  }
0x11: {  	s14 =	ssub.s32 s15, s5;
	vm3 =	vmneg @p0 vm3  }
0x12: {  	s14 =	sshll.u32 s14, $0x1;
	vm3 =	vmand vm3, vm1  }
0x13: {  	v3 =	vadd.s32 s14, v0  }
0x14: {  	v4, _, _ =	vpop (xrf0)  }
0x15: {  	v4 =	vbroadcast v4, $0xF  }
0x16: {  	s13 =	sadd.s32 $0x1, s13;
	v63 =	vpop (erf)  }
0x17: {  	p0 =	sne.s32 s13, s8;
	v4 =	vsel vm2, v4, v63  }
.Ltmp1:
0x18: {  	[tilespmem:v3+s12+$0x0] =	vst.idx.msk vm3, v4;
	(pc) =	sbr.rel @!p0 .LBB2_16-.Ltmp1, $4  }
0x19: {  	[hbm4b:s7+s4] =	stream.linear.scatter [tilespmem:s12], [sflag:$0x1], $0x1880, $0x38;
	[tilespmem:$0x9900] =	vst v63  }
0x1a: {  	_ =	swait.ge [sflag:s9], $0x1880  }
0x1b: {  	[sflag:s9] =	ssyncset.done $0x0  }
0x1c: {  	[sflag:s9] =	ssyncadd.s32 $0xFFFFE780  }
.LBB2_1:
0x1d: {  	s14 =	simm.s32 $0x30D3FF  }
0x1e: {  	s14 =	sand.u32 $0x1, s14  }
0x1f: {  	p0 =	por $0x0, $0x0;
	p1 =	seq.s32 s14, $0x1  }
0x20: {  	p0 =	por !p0, !p1  }
0x21: {  	s14 =	simm.s32 $0x1;
	p0 =	por !p0, !p0  }
0x22: {  	s14 =	simm.s32 @!p0 $0x0  }
0x23: {  	s14 =	ssub.s32 $0x1869FF, s14  }
0x24: {  	p0 =	sgt.s32 s14, $0x0  }
0x25: {  	p5 =	slt.s32 s14, $0x1;
	s14 =	simm.s32 @!p0 $0x0  }
0x26: {  	s15 =	smin.u32 s14, $0x30D3FF  }
0x27: {  	s14 =	sand.u32 $0xF, s15  }
0x28: {  	p6 =	sne.s32 s14, $0x0  }
0x29: {  	p0 =	por !p5, !p6  }
0x2a: {  	s14 =	simm.s32 $0xFFFFFFFF;
	p0 =	por !p0, !p0  }
0x2b: {  	s14 =	simm.s32 @!p0 $0x0  }
0x2c: {  	s14 =	sshll.u32 s14, $0x4  }
0x2d: {  	s14 =	sadd.s32 s15, s14  }
0x2e: {  	s14 =	sand.u32 $0xFFFFFFF0, s14  }
0x2f: {  	s16 =	sshrl.u32 s14, $0x3  }
0x30: {  	s16 =	sadd.s32 s3, s16  }
0x31: {  	[tilespmem:s10], [sflag:$0x1] =	stream.linear.gather [hbm4b:s16+s4], $0x10, $0x38;
	[tilespmem:$0x9900] =	vst v63  }
0x32: {  	_ =	swait.ge [sflag:s9], $0x10  }
0x33: {  	[sflag:s9] =	ssyncset.done $0x0  }
0x34: {  	[sflag:s9] =	ssyncadd.s32 $0xFFFFFFF0  }
0x35: {  	v3 =	vld [tilespmem:$0x8000];
	_ =	sdelay $0x1  }
0x36: {  	s14 =	ssub.s32 s15, s14  }
0x37: {  	v4 =	vmov s14  }
0x38: {  	vm3 =	veq.s32 v4, v0  }
0x39: {  	v3 =	vnsel vm3, $0x0, v3  }
0x3a: {  	(xrf0) =	vadd.scan.msk.s32 $0xffff, v3;
	_ =	sdelay $0x5  }
0x3b: {  	v3, _, _ =	vpop (xrf0)  }
0x3c: {  	(v2sf) =	vpush v3, $0xF;
	_ =	sdelay $0xd  }
0x3d: {  	s20 =	simm.s32 $0xFFFFFFFF;
	s18 =	simm.s32 $0x30D400;
	p1 =	por $0x1, $0x1  }
0x3e: {  	s14 =	simm.s32 $0x30D400;
	s16 =	simm.s32 $0x17;
	s17 =	spop (v2sf)  }
0x3f: {  	p0 =	slt.s32 s17, s5;
	p2 =	sge.s32 s17, s5;
	s17 =	simm.s32 $0xFFFFFFFF  }
0x40: {  	s20 =	smov.u32 @p0 s15;
	s18 =	smov.u32 @p2 s15;
	s15 =	simm.s32 $0x30D400  }
.LBB2_2:
0x41: {  	p0 =	sne.s32 s16, $0x1;
	s17 =	smov.u32 @p1 s20;
	s15 =	smov.u32 @p1 s18  }
0x42: {  	s16 =	sadd.s32 $0xFFFFFFFF, s16;
	s19 =	sadd.s32 s17, s15;
	s18 =	ssub.s32 s15, s17  }
0x43: {  	s20 =	sshrl.u32 s19, $0x1F;
	s21 =	sand.u32 $0x1, s19  }
0x44: {  	p1 =	slt.s32 s19, $0x1;
	s20 =	sadd.s32 s20, s19;
	p2 =	seq.s32 s21, $0x1  }
0x45: {  	p1 =	por !p1, !p2  }
0x46: {  	s19 =	sshra.s32 s20, $0x1;
	s20 =	simm.s32 $0x1;
	p1 =	por !p1, !p1  }
0x47: {  	s20 =	simm.s32 @!p1 $0x0  }
0x48: {  	s20 =	ssub.s32 s19, s20  }
0x49: {  	p1 =	sgt.s32 s20, $0x0;
	s19 =	smov.u32 s20  }
0x4a: {  	s19 =	simm.s32 @!p1 $0x0  }
0x4b: {  	s19 =	smin.u32 s19, $0x30D3FF  }
0x4c: {  	s21 =	sand.u32 $0xF, s19  }
0x4d: {  	p1 =	slt.s32 s20, $0x1;
	p2 =	sne.s32 s21, $0x0  }
0x4e: {  	p1 =	por !p1, !p2  }
0x4f: {  	s20 =	simm.s32 $0xFFFFFFFF;
	p1 =	por !p1, !p1  }
0x50: {  	s20 =	simm.s32 @!p1 $0x0  }
0x51: {  	s20 =	sshll.u32 s20, $0x4  }
0x52: {  	s20 =	sadd.s32 s19, s20  }
0x53: {  	s20 =	sand.u32 $0xFFFFFFF0, s20  }
0x54: {  	s21 =	sshrl.u32 s20, $0x3;
	s20 =	ssub.s32 s19, s20  }
0x55: {  	s21 =	sadd.s32 s3, s21;
	v3 =	vmov s20  }
0x56: {  	[tilespmem:s10], [sflag:$0x1] =	stream.linear.gather [hbm4b:s21+s4], $0x10, $0x38;
	[tilespmem:$0x9900] =	vst v63  }
0x57: {  	_ =	swait.ge [sflag:s9], $0x10  }
0x58: {  	[sflag:s9] =	ssyncset.done $0x0  }
0x59: {  	[sflag:s9] =	ssyncadd.s32 $0xFFFFFFF0  }
0x5a: {  	v4 =	vld [tilespmem:$0x8000];
	_ =	sdelay $0x3  }
0x5b: {  	vm3 =	veq.s32 v3, v0  }
0x5c: {  	v3 =	vnsel vm3, $0x0, v4  }
0x5d: {  	(xrf0) =	vadd.scan.msk.s32 $0xffff, v3;
	_ =	sdelay $0x5  }
0x5e: {  	v3, _, _ =	vpop (xrf0)  }
0x5f: {  	(v2sf) =	vpush v3, $0xF;
	_ =	sdelay $0xc  }
.Ltmp2:
0x60: {  	(pc) =	sbr.rel @p0 .LBB2_2-.Ltmp2, $4  }
0x61: {  	_ = 	snop  }
0x62: {  	p1 =	sgt.s32 s18, $0x1;
	s18 =	smov.u32 s15;
	s20 =	spop (v2sf)  }
0x63: {  	p2 =	slt.s32 s20, s5;
	p3 =	sge.s32 s20, s5;
	s20 =	smov.u32 s17  }
0x64: {  	s20 =	smov.u32 @p2 s19;
	s18 =	smov.u32 @p3 s19  }
0x65: {  	s16 =	simm.s32 $0x30D3FF  }
0x66: {  	s16 =	sand.u32 $0x1, s16  }
0x67: {  	p0 =	por $0x0, $0x0;
	p2 =	seq.s32 s16, $0x1  }
0x68: {  	p0 =	por !p0, !p2  }
0x69: {  	s16 =	simm.s32 $0x1;
	p0 =	por !p0, !p0  }
0x6a: {  	s16 =	simm.s32 @!p0 $0x0  }
0x6b: {  	s16 =	ssub.s32 $0x1869FF, s16  }
0x6c: {  	p0 =	sgt.s32 s16, $0x0  }
0x6d: {  	p5 =	slt.s32 s16, $0x1;
	s16 =	simm.s32 @!p0 $0x0  }
0x6e: {  	s20 =	smin.u32 s16, $0x30D3FF  }
0x6f: {  	s16 =	sand.u32 $0xF, s20  }
0x70: {  	p6 =	sne.s32 s16, $0x0  }
0x71: {  	p0 =	por !p5, !p6  }
0x72: {  	s16 =	simm.s32 $0xFFFFFFFF;
	p0 =	por !p0, !p0  }
0x73: {  	s16 =	simm.s32 @!p0 $0x0  }
0x74: {  	s16 =	sshll.u32 s16, $0x4  }
0x75: {  	s16 =	sadd.s32 s20, s16  }
0x76: {  	s17 =	sand.u32 $0xFFFFFFF0, s16  }
0x77: {  	s16 =	sshrl.u32 s17, $0x3  }
0x78: {  	s19 =	sadd.s32 s3, s16;
	s16 =	simm.s32 $0x0  }
0x79: {  	[tilespmem:s10], [sflag:$0x1] =	stream.linear.gather [hbm4b:s19+s16], $0x10, $0x38;
	[tilespmem:$0x9900] =	vst v63  }
0x7a: {  	_ =	swait.ge [sflag:s9], $0x10  }
0x7b: {  	[sflag:s9] =	ssyncset.done $0x0  }
0x7c: {  	[sflag:s9] =	ssyncadd.s32 $0xFFFFFFF0  }
0x7d: {  	v3 =	vld [tilespmem:$0x8000];
	_ =	sdelay $0x1  }
0x7e: {  	s17 =	ssub.s32 s20, s17  }
0x7f: {  	v4 =	vmov s17  }
0x80: {  	vm3 =	veq.s32 v4, v0  }
0x81: {  	v3 =	vnsel vm3, $0x0, v3  }
0x82: {  	(xrf0) =	vadd.scan.msk.s32 $0xffff, v3;
	_ =	sdelay $0x5  }
0x83: {  	v3, _, _ =	vpop (xrf0)  }
0x84: {  	(v2sf) =	vpush v3, $0xF;
	_ =	sdelay $0xd  }
0x85: {  	s15 =	smov.u32 @p1 s18;
	s18 =	simm.s32 $0x17  }
0x86: {  	s21 =	simm.s32 $0x30D400;
	p1 =	por $0x1, $0x1;
	s31 =	spop (v2sf)  }
0x87: {  	s19 =	simm.s32 $0xFFFFFFFF;
	p0 =	slt.s32 s31, s6;
	p2 =	sge.s32 s31, s6  }
0x88: {  	s17 =	simm.s32 $0xFFFFFFFF;
	s19 =	smov.u32 @p0 s20;
	s21 =	smov.u32 @p2 s20  }
.LBB2_4:
0x89: {  	p0 =	sne.s32 s18, $0x1;
	s17 =	smov.u32 @p1 s19;
	s14 =	smov.u32 @p1 s21  }
0x8a: {  	s18 =	sadd.s32 $0xFFFFFFFF, s18;
	s20 =	sadd.s32 s17, s14;
	s19 =	ssub.s32 s14, s17  }
0x8b: {  	s21 =	sshrl.u32 s20, $0x1F;
	s22 =	sand.u32 $0x1, s20  }
0x8c: {  	p1 =	slt.s32 s20, $0x1;
	s21 =	sadd.s32 s21, s20;
	p2 =	seq.s32 s22, $0x1  }
0x8d: {  	p1 =	por !p1, !p2  }
0x8e: {  	s20 =	sshra.s32 s21, $0x1;
	s21 =	simm.s32 $0x1;
	p1 =	por !p1, !p1  }
0x8f: {  	s21 =	simm.s32 @!p1 $0x0  }
0x90: {  	s21 =	ssub.s32 s20, s21  }
0x91: {  	p1 =	sgt.s32 s21, $0x0;
	s20 =	smov.u32 s21  }
0x92: {  	s20 =	simm.s32 @!p1 $0x0  }
0x93: {  	s20 =	smin.u32 s20, $0x30D3FF  }
0x94: {  	s22 =	sand.u32 $0xF, s20  }
0x95: {  	p1 =	slt.s32 s21, $0x1;
	p2 =	sne.s32 s22, $0x0  }
0x96: {  	p1 =	por !p1, !p2  }
0x97: {  	s21 =	simm.s32 $0xFFFFFFFF;
	p1 =	por !p1, !p1  }
0x98: {  	s21 =	simm.s32 @!p1 $0x0  }
0x99: {  	s21 =	sshll.u32 s21, $0x4  }
0x9a: {  	s21 =	sadd.s32 s20, s21  }
0x9b: {  	s21 =	sand.u32 $0xFFFFFFF0, s21  }
0x9c: {  	s22 =	sshrl.u32 s21, $0x3;
	s21 =	ssub.s32 s20, s21  }
0x9d: {  	s22 =	sadd.s32 s3, s22;
	v3 =	vmov s21  }
0x9e: {  	[tilespmem:s10], [sflag:$0x1] =	stream.linear.gather [hbm4b:s22+s16], $0x10, $0x38;
	[tilespmem:$0x9900] =	vst v63  }
0x9f: {  	_ =	swait.ge [sflag:s9], $0x10  }
0xa0: {  	[sflag:s9] =	ssyncset.done $0x0  }
0xa1: {  	[sflag:s9] =	ssyncadd.s32 $0xFFFFFFF0  }
0xa2: {  	v4 =	vld [tilespmem:$0x8000];
	_ =	sdelay $0x3  }
0xa3: {  	vm3 =	veq.s32 v3, v0  }
0xa4: {  	v3 =	vnsel vm3, $0x0, v4  }
0xa5: {  	(xrf0) =	vadd.scan.msk.s32 $0xffff, v3;
	_ =	sdelay $0x5  }
0xa6: {  	v3, _, _ =	vpop (xrf0)  }
0xa7: {  	(v2sf) =	vpush v3, $0xF;
	_ =	sdelay $0xc  }
.Ltmp3:
0xa8: {  	(pc) =	sbr.rel @p0 .LBB2_4-.Ltmp3, $4  }
0xa9: {  	_ = 	snop  }
0xaa: {  	p1 =	sgt.s32 s19, $0x1;
	s19 =	smov.u32 s17;
	s21 =	spop (v2sf)  }
0xab: {  	p2 =	slt.s32 s21, s6;
	p3 =	sge.s32 s21, s6;
	s21 =	smov.u32 s14  }
0xac: {  	s19 =	smov.u32 @p2 s20;
	s21 =	smov.u32 @p3 s20  }
0xad: {  	s14 =	smov.u32 @p1 s21;
	s16 =	simm.s32 $0x40;
	s17 =	simm.s32 $0x0  }
.LBB2_6:
0xae: {  	p0 =	sne.s32 s16, $0x61C0;
	[tilespmem:s17+$0x8080] =	vst v1;
	s17 =	smov.u32 s16;
	s16 =	sadd.s32 $0x40, s16  }
.Ltmp4:
0xaf: {  	(pc) =	sbr.rel @p0 .LBB2_6-.Ltmp4, $2  }
0xb0: {  	_ =	sdelay $0x2  }
0xb1: {  	s17 =	sshra.s32 s17, $0x2  }
.Ltmp5:
0xb2: {  	(pc) =	sbr.rel .LBB2_8-.Ltmp5, $3  }
0xb3: {  	_ =	sdelay $0x1  }
0xb4: {  	v3 =	vmov s15  }
0xb5: {  	[tilespmem:s17+$0x8080] =	vst v1;
	s16 =	sand.u32 $0x3FFFF0, s15;
	v4 =	vmov s14;
	s17 =	simm.s32 $0x0;
	s15 =	simm.s32 $0xFFFFFFFF;
	v6 =	vimm.f32 $0.0e+00;
	v5 =	vimm.f32 $0.0e+00  }
.LBB2_14:
0xb6: {  	s17 =	sadd.s32 $0x1, s17  }
0xb7: {  	p0 =	sne.s32 s17, $0x188  }
.Ltmp6:
0xb8: {  	_ = 	snop;
	(pc) =	sbr.rel @!p0 .LBB2_15-.Ltmp6, $1  }
0xb9: {  	_ =	sdelay $0x3  }
.LBB2_8:
0xba: {  	s18 =	sshll.u32 s17, $0xD  }
0xbb: {  	s18 =	sadd.s32 s16, s18  }
0xbc: {  	p0 =	sge.u32 s18, s14  }
.Ltmp7:
0xbd: {  	_ = 	snop;
	(pc) =	sbr.rel @p0 .LBB2_14-.Ltmp7, $1  }
0xbe: {  	_ =	sdelay $0x3  }
0xbf: {  	s20 =	smin.u32 s18, $0x30B400  }
0xc0: {  	s21 =	sshrl.u32 s20, $0x3  }
0xc1: {  	s19 =	simm.s32 $0x0;
	s22 =	sadd.s32 s1, s21  }
0xc2: {  	[tilespmem:s19], [sflag:$0x1] =	stream.linear.gather [hbm4b:s22+s19], $0x2000, $0x38;
	[tilespmem:$0x9900] =	vst v63  }
0xc3: {  	_ =	swait.ge [sflag:s9], $0x2000  }
0xc4: {  	[sflag:s9] =	ssyncset.done $0x0  }
.Ltmp8:
0xc5: {  	s21 =	sadd.s32 s3, s21;
	[sflag:s9] =	ssyncadd.s32 $0xFFFFE000;
	(pc) =	sbr.rel .LBB2_10-.Ltmp8, $4  }
0xc6: {  	[tilespmem:s11], [sflag:$0x1] =	stream.linear.gather [hbm4b:s21+s19], $0x2000, $0x38;
	[tilespmem:$0x9900] =	vst v63  }
0xc7: {  	_ =	swait.ge [sflag:s9], $0x2000  }
0xc8: {  	s20 =	ssub.s32 s18, s20;
	[sflag:s9] =	ssyncset.done $0x0  }
0xc9: {  	v7 =	vmov s20;
	[sflag:s9] =	ssyncadd.s32 $0xFFFFE000  }
.LBB2_13:
0xca: {  	s19 =	sadd.s32 $0x1, s19  }
0xcb: {  	p0 =	sne.s32 s19, $0x200  }
.Ltmp9:
0xcc: {  	_ = 	snop;
	(pc) =	sbr.rel @!p0 .LBB2_14-.Ltmp9, $1  }
0xcd: {  	_ =	sdelay $0x3  }
.LBB2_10:
0xce: {  	_ =	sdelay $0x2  }
0xcf: {  	s20 =	sshll.u32 s19, $0x4  }
0xd0: {  	v8 =	vld.idx.msk [tilespmem:v7+s20+$0x4000 ss:$0x1], $0xffff;
	_ =	sdelay $0x1  }
0xd1: {  	v9 =	vld.idx.msk [tilespmem:v7+s20+$0x0 ss:$0x1], $0xffff;
	s20 =	sadd.s32 s18, s20  }
0xd2: {  	v10 =	vor.u32 s20, v0  }
0xd3: {  	vm3 =	vge.u32 v10, v3;
	vm4 =	vlt.u32 v10, v4  }
0xd4: {  	vm3 =	vmand vm3, vm4;
	vm4 =	veq.s32 v8, s15  }
0xd5: {  	vm4 =	vmand vm3, vm4  }
0xd6: {  	v10 =	vnsel vm4, $0x0, v9  }
0xd7: {  	(xrf1) =	vsort.ascd.msk.f32 $0xffff, v10, v10;
	_ =	sdelay $0xd  }
0xd8: {  	v11, _, _ =	vpop (xrf1)  }
0xd9: {  	v11 =	vperm.xlane v11, v2;
	_ =	sdelay $0x1  }
0xda: {  	v6 =	vmax.f32 v6, v11  }
0xdb: {  	(xrf1) =	vsort.ascd.msk.f32 $0xffff, v6, v6;
	_ =	sdelay $0xc  }
0xdc: {  	v5 =	vadd.f32 v10, v5  }
0xdd: {  	v10 =	vxor.u32 $0x80000000, v8;
	v6, _, _ =	vpop (xrf1)  }
.LBB2_11:
0xde: {  	vm4 =	vgt.s32 v8, s15  }
0xdf: {  	vm4 =	vmand vm3, vm4  }
0xe0: {  	v11 =	vsel vm4, $0x3F800000, v1  }
0xe1: {  	(xrf0) =	vmax.scan.msk.f32 $0xffff, v11;
	_ =	sdelay $0x5  }
0xe2: {  	v11, _, _ =	vpop (xrf0)  }
0xe3: {  	(v2sf) =	vpush v11, $0xF;
	_ =	sdelay $0xe  }
0xe4: {  	s20 =	spop (v2sf)  }
0xe5: {  	p0 =	sgt.f32 s20, $0.0e+00  }
.Ltmp10:
0xe6: {  	_ = 	snop;
	(pc) =	sbr.rel @!p0 .LBB2_13-.Ltmp10, $1  }
0xe7: {  	_ =	sdelay $0x3  }
0xe8: {  	(xrf0) =	vmin.scan.msk.f32 $0xffff, v6;
	v6 =	vnsel vm4, $0xFFFFFFFF, v10  }
0xe9: {  	(xrf0) =	vmin.scan.msk.u32 $0xffff, v6;
	_ =	sdelay $0x4  }
0xea: {  	v6, _, _ =	vpop (xrf0)  }
0xeb: {  	v11, _, _ =	vpop (xrf0)  }
0xec: {  	(v2sf) =	vpush v11, $0xF;
	_ =	sdelay $0xe  }
0xed: {  	s31 =	spop (v2sf)  }
0xee: {  	s20 =	ssub.s32 s15, s5;
	p0 =	sge.s32 s15, s5;
	s15 =	sxor.u32 $0x80000000, s31  }
0xef: {  	vm4 =	veq.s32 v8, s15  }
0xf0: {  	vm4 =	vmand vm3, vm4  }
0xf1: {  	v11 =	vnsel vm4, $0x0, v9  }
0xf2: {  	(xrf1) =	vsort.ascd.msk.f32 $0xffff, v11, v11;
	_ =	sdelay $0x6  }
0xf3: {  	(xrf2) =	vadd.scan.msk.f32 $0xffff, v5;
	_ =	sdelay $0x6  }
0xf4: {  	v5, _, _ =	vpop (xrf1)  }
0xf5: {  	v5 =	vperm.xlane v5, v2;
	_ =	sdelay $0x1  }
0xf6: {  	v12, _, _ =	vpop (xrf2);
	v5 =	vmax.f32 v5, $0.0e+00  }
0xf7: {  	(xrf1) =	vsort.ascd.msk.f32 $0xffff, v5, v5;
	v5 =	vbroadcast v12, $0xF;
	_ =	sdelay $0x1  }
0xf8: {  	(erf) = vrcp.f32 v5;
	_ =	sdelay $0x3  }
0xf9: {  	vm4 =	vmmov vm0  }
0xfa: {  	vm4 =	vmneg @p0 vm4  }
0xfb: {  	s20 =	sshll.u32 s20, $0x1;
	vm4 =	vmand vm4, vm1  }
0xfc: {  	v5 =	vadd.s32 s20, v0  }
0xfd: {  	v6 =	vbroadcast v6, $0xF  }
.Ltmp11:
0xfe: {  	v63 =	vpop (erf);
	(pc) =	sbr.rel .LBB2_11-.Ltmp11, $3  }
0xff: {  	v6 =	vsel vm2, v6, v63;
	_ =	sdelay $0x1  }
0x100: {  	[tilespmem:v5+s12+$0x0] =	vst.idx.msk vm4, v6;
	v5 =	vadd.f32 $0.0e+00, v11  }
0x101: {  	v6, _, _ =	vpop (xrf1)  }
.LBB2_16:
0x102: {  	_ =	sfence.sel $0x180000  }
0x103: {  	[bflag:$0x0] =	sbarrier.arrive $0xFFFF  }
0x104: {  	p0 =	sne.s32 s0, $0x0;
	_ =	strace $0x90000047  }
0x105: {  	s0 =	sadd.s32 @!p0 $0x100000, s2;
	[bflag:$0x2] =	sbarrier.arrive $0xFFFF  }
0x106: {  	[sflag:s0] =	ssyncadd.tile.s32 @!p0 $0x1;
	_ =	shalt  }
.Lfunc_end2:
_tile_overlayer_lowered:
.L_overlay_start_2:
0x107: {  	(tag) =	ssettag $0x2  }
0x108: {  	s0 =	rddreg [dreg:$0x0];
	s2 =	stileid.u32  }
0x109: {  	s1 =	rddreg [dreg:$0x1];
	p0 =	sne.s32 s2, $0x0  }
0x10a: {  	s3 =	rddreg [dreg:$0x2];
	[bflag:$0x3] =	sbarrier.arrive $0xFFFF;
	s2 =	simm.s32 @!p0 $0x1C01  }
0x10b: {  	[timem:s3], [sflag:s2] =	dma.local @!p0 [hbm:s0], s1  }
0x10c: {  	s0 =	simm.s32 @!p0 $0x1  }
0x10d: {  	_ =	swait.ge @!p0 [sflag:s0], s1  }
0x10e: {  	s1 =	ssub.s32 @!p0 $0x0, s1;
	[sflag:s0] =	ssyncset.done @!p0 $0x0  }
0x10f: {  	[sflag:s0] =	ssyncadd.s32 @!p0 s1  }
0x110: {  	[bflag:$0x3] =	sbarrier.arrive $0xFFFF  }
0x111: {  	_ =	shalt  }

// kernel: kernel.8.cloned.1.call-start
scs
__scs_entry_jumppad:
0x0: {  	(pc) =	sbr.rel $0x88, $3  }
0x1: {  	(tag) =	ssettag $0x0;
	lr =	simm.s32 $0x1  }
0x2: {  	[smem:$0x3F99] =	sst lr;
	_ =	strace $0xD0000000  }
0x3: {  	_ = 	snop  }
0x4: {  	_ = 	snop  }
0x5: {  	_ = 	snop  }
0x6: {  	_ = 	snop  }
0x7: {  	_ = 	snop  }
__scs_overlays_trampoline_lowered:
0x8: {  	[smem:$0x3FA8] =	sst s0  }
0x9: {  	[smem:$0x3FA9] =	sst s1  }
0xa: {  	[smem:$0x3FAA] =	sst s2  }
0xb: {  	[smem:$0x3FAB] =	sst s3  }
0xc: {  	[smem:$0x3FAC] =	sst s4  }
0xd: {  	[smem:$0x3FAD] =	sst s5  }
0xe: {  	[smem:$0x3FAE] =	sst s6  }
0xf: {  	[smem:$0x3FAF] =	sst s7  }
0x10: {  	[smem:$0x3FB0] =	sst s8  }
0x11: {  	[smem:$0x3FB1] =	sst s9;
	s0 =	simm.s32 @!p0 $0x0  }
0x12: {  	s1 =	sld [smem:$0x3F97];
	s0 =	simm.s32 @p0 $0x1  }
0x13: {  	[smem:$0x3FB2] =	sst s0;
	s0 =	simm.s32 @!p1 $0x0  }
0x14: {  	s2 =	sld [smem:$0x3F96];
	s0 =	simm.s32 @p1 $0x1  }
0x15: {  	[smem:$0x3FB3] =	sst s0;
	s0 =	simm.s32 @!p2 $0x0  }
0x16: {  	s3 =	sld [smem:$0x3FDB];
	s0 =	simm.s32 @p2 $0x1  }
0x17: {  	s4 =	simm.s32 $0x1BF5;
	[smem:$0x3FB5] =	sst s0  }
0x18: {  	s0 =	sld [smem:$0x3F98];
	_ =	swait.ge [sflag:s4], $0x0  }
0x19: {  	s7 =	sld [smem:$0x3F99]  }
0x1a: {  	s8 =	sadd.s32 $0xFFFFE003, lr  }
0x1b: {  	s9 =	sadd.s32 $0xFFFFFEF7, lr;
	s5 =	simm.s32 $0xFFFFFFFF;
	p2 =	slt.u32 s8, $0xFFFFF086  }
0x1c: {  	p1 =	slt.u32 s9, $0xF7A;
	s5 =	simm.s32 @!p2 $0x0  }
0x1d: {  	s5 =	simm.s32 @p1 $0x1;
	p0 =	seq.s32 s7, s2  }
0x1e: {  	s7 =	smul.u32 @!p0 $0xF7A, s2;
	p2 =	seq.s32 @!p0 s5, $0x0  }
0x1f: {  	s9 =	smul.u32 $0xF7A, s1;
	s8 =	simm.s32 @!p0 $0x1BF5;
	p2 =	por !p2, p0  }
0x20: {  	[sflag:s8] =	ssyncset.s32 @!p0 $0xFFFFF086;
	s6 =	sadd.s32 @!p0 s3, s7;
	s7 =	simm.s32 @!p0 $0x108  }
0x21: {  	s3 =	sadd.s32 s3, s9;
	s6 =	sadd.s32 @!p0 $0x88, s6;
	s7 =	simm.s32 @p2 $0x1082  }
0x22: {  	[simem:s7], [sflag:s8] =	dma.local @!p0 [hbm:s6], $0xF7A  }
0x23: {  	s9 =	sor.u32 $0xD0000000, s2;
	s6 =	simm.s32 $0x108;
	_ =	swait.ge @!p0 [sflag:s8], $0x0  }
0x24: {  	s3 =	sadd.s32 $0x88, s3;
	s6 =	simm.s32 @!p1 $0x1082;
	[sflag:s4] =	ssyncset.s32 $0xFFFFF086  }
0x25: {  	[simem:s6], [sflag:s4] =	dma.local [hbm:s3], $0xF7A  }
0x26: {  	[smem:$0x3F99] =	sst s1;
	(tag) =	ssettag s2;
	_ =	strace s9  }
0x27: {  	s1 =	sld [smem:$0x3FA9]  }
0x28: {  	s2 =	sld [smem:$0x3FAA]  }
0x29: {  	s4 =	sld [smem:$0x3FAC]  }
0x2a: {  	p0 =	seq.s32 s5, $0x0;
	s5 =	sld [smem:$0x3FAD]  }
0x2b: {  	s6 =	sld [smem:$0x3FAE]  }
0x2c: {  	s7 =	sld [smem:$0x3FAF]  }
0x2d: {  	s3 =	simm.s32 $0x108;
	s8 =	sld [smem:$0x3FB0]  }
0x2e: {  	s3 =	simm.s32 @!p0 $0x1082;
	s9 =	sld [smem:$0x3FB1]  }
0x2f: {  	lr =	sadd.s32 s0, s3;
	s0 =	sld [smem:$0x3FA8]  }
0x30: {  	s3 =	sld [smem:$0x3FAB]  }
0x31: {  	[smem:$0x3FB4] =	sst s10  }
0x32: {  	s10 =	sld [smem:$0x3FB2];
	_ =	sdelay $0x3  }
0x33: {  	p0 =	seq.s32 s10, $0x1;
	s10 =	sld [smem:$0x3FB4];
	_ =	sdelay $0x3  }
0x34: {  	[smem:$0x3FB4] =	sst s10  }
0x35: {  	s10 =	sld [smem:$0x3FB3];
	_ =	sdelay $0x3  }
0x36: {  	p1 =	seq.s32 s10, $0x1;
	s10 =	sld [smem:$0x3FB4];
	_ =	sdelay $0x3  }
0x37: {  	[smem:$0x3FB4] =	sst s10  }
0x38: {  	s10 =	sld [smem:$0x3FB5]  }
0x39: {  	_ = 	snop;
	(pc) =	sbr.ind lr, $3  }
0x3a: {  	_ = 	snop  }
0x3b: {  	_ = 	snop  }
0x3c: {  	p2 =	seq.s32 s10, $0x1;
	s10 =	sld [smem:$0x3FB4]  }
0x3d: {  	_ =	shalt  }
0x3e: {  	_ =	shalt  }
0x3f: {  	_ =	shalt  }
0x40: {  	_ =	shalt  }
0x41: {  	_ =	shalt  }
0x42: {  	_ =	shalt  }
0x43: {  	_ =	shalt  }
0x44: {  	_ =	shalt  }
0x45: {  	_ =	shalt  }
0x46: {  	_ =	shalt  }
0x47: {  	_ =	shalt  }
0x48: {  	_ =	shalt  }
0x49: {  	_ =	shalt  }
0x4a: {  	_ =	shalt  }
0x4b: {  	_ =	shalt  }
0x4c: {  	_ =	shalt  }
0x4d: {  	_ =	shalt  }
0x4e: {  	_ =	shalt  }
0x4f: {  	_ =	shalt  }
0x50: {  	_ =	shalt  }
0x51: {  	_ =	shalt  }
0x52: {  	_ =	shalt  }
0x53: {  	_ =	shalt  }
0x54: {  	_ =	shalt  }
0x55: {  	_ =	shalt  }
0x56: {  	_ =	shalt  }
0x57: {  	_ =	shalt  }
0x58: {  	_ =	shalt  }
0x59: {  	_ =	shalt  }
0x5a: {  	_ =	shalt  }
0x5b: {  	_ =	shalt  }
0x5c: {  	_ =	shalt  }
0x5d: {  	_ =	shalt  }
0x5e: {  	_ =	shalt  }
0x5f: {  	_ =	shalt  }
0x60: {  	_ =	shalt  }
0x61: {  	_ =	shalt  }
0x62: {  	_ =	shalt  }
0x63: {  	_ =	shalt  }
0x64: {  	_ =	shalt  }
0x65: {  	_ =	shalt  }
0x66: {  	_ =	shalt  }
0x67: {  	_ =	shalt  }
0x68: {  	_ =	shalt  }
0x69: {  	_ =	shalt  }
0x6a: {  	_ =	shalt  }
0x6b: {  	_ =	shalt  }
0x6c: {  	_ =	shalt  }
0x6d: {  	_ =	shalt  }
0x6e: {  	_ =	shalt  }
0x6f: {  	_ =	shalt  }
0x70: {  	_ =	shalt  }
0x71: {  	_ =	shalt  }
0x72: {  	_ =	shalt  }
0x73: {  	_ =	shalt  }
0x74: {  	_ =	shalt  }
0x75: {  	_ =	shalt  }
0x76: {  	_ =	shalt  }
0x77: {  	_ =	shalt  }
0x78: {  	_ =	shalt  }
0x79: {  	_ =	shalt  }
0x7a: {  	_ =	shalt  }
0x7b: {  	_ =	shalt  }
0x7c: {  	_ =	shalt  }
0x7d: {  	_ =	shalt  }
0x7e: {  	_ =	shalt  }
0x7f: {  	_ =	shalt  }
0x80: {  	_ =	shalt  }
0x81: {  	_ =	shalt  }
0x82: {  	_ =	shalt  }
0x83: {  	_ =	shalt  }
0x84: {  	_ =	shalt  }
0x85: {  	_ =	shalt  }
0x86: {  	_ =	shalt  }
0x87: {  	_ =	shalt  }
.Lfunc_end0:
.L_simem_size_0:
called_computation.1_lowered:
.L_overlay_start_0:
0x88: {  	s2 =	sld [smem:$0x3FD9]  }
0x89: {  	s3 =	sld [smem:$0x3FFE];
	_ =	sdelay $0x1  }
0x8a: {  	s1 =	srdreg.scid  }
0x8b: {  	s0 =	sand.u32 $0x1, s1  }
0x8c: {  	s17 =	sshll.u32 s0, $0xA;
	s2 =	sadd.s32 s3, s2  }
0x8d: {  	s2 =	sadd.s32 s2, s17  }
0x8e: {  	[smem:$0x3FC0] =	sst s2  }
0x8f: {  	_ = 	snop  }
0x90: {  	s2 =	sld [smem:$0x3FC8]  }
0x91: {  	s18 =	sld [smem:$0x3FD0];
	(tm) =	ssettm $0x1  }
0x92: {  	s4 =	sld [smem:$0x3FFB];
	_ =	sdelay $0x3  }
0x93: {  	_ =	strace s4  }
0x94: {  	s4 =	sld [smem:$0x3FFC];
	_ =	sdelay $0x3  }
0x95: {  	_ =	strace s4  }
0x96: {  	s4 =	sld [smem:$0x3FFD];
	_ =	sdelay $0x3  }
0x97: {  	_ =	strace s4  }
0x98: {  	_ =	strace $0x8FFFFFFF  }
0x99: {  	s19 =	sld [smem:$0x3FDB];
	_ =	sdelay $0x1  }
0x9a: {  	s5 =	simm.s32 $_scs_section_size  }
0x9b: {  	s6 =	simm.s32 $_size__tile_overlayer_lowered;
	s7 =	simm.s32 $_tile_overlayer_lowered  }
0x9c: {  	s22 =	simm.s32 $0x1BFF;
	s21 =	sshll.u32 s7, $0x1;
	s4 =	sadd.s32 s5, s19  }
0x9d: {  	s8 =	simm.s32 $0x0;
	s20 =	sshll.u32 s6, $0x1;
	s6 =	sadd.s32 s21, s4  }
0x9e: {  	[timem:s8], [sflag:s22] =	dma.local [hbm:s6], s20  }
0x9f: {  	_ =	swait.ge [sflag:s22], s20  }
0xa0: {  	s5 =	ssub.s32 $0x0, s20;
	[sflag:s22] =	ssyncset.done $0x0  }
0xa1: {  	[sflag:s22] =	ssyncadd.s32 s5;
	_ =	sdelay $0x1  }
0xa2: {  	s23 =	simm.s32 $0x1B8B  }
0xa3: {  	_ =	swait.ge [sflag:s23], $0x1  }
0xa4: {  	[sflag:s23] =	ssyncset.done $0x0  }
0xa5: {  	s25 =	simm.s32 $0x1B8E;
	s24 =	sld [smem:$0x3FFE];
	[sflag:s23] =	ssyncadd.s32 $0xFFFFFFFF  }
0xa6: {  	s26 =	simm.s32 $execute0_lowered;
	[smem:$0x3FD2] =	sst s25  }
0xa7: {  	s6 =	sshll.u32 s26, $0x1;
	_ =	strace $0x80000049;
	[dreg:$0x1] =	wrdreg $0xFFFFFFFF  }
0xa8: {  	s28 =	simm.s32 $_size_execute0_lowered;
	s4 =	sadd.s32 s4, s6;
	[dreg:$0x0] =	wrdreg $0x0  }
0xa9: {  	s6 =	sshll.u32 s28, $0x1;
	[dreg:$0x2] =	wrdreg s4  }
0xaa: {  	[dreg:$0x3] =	wrdreg s6  }
0xab: {  	[dreg:$0x4] =	wrdreg $0xC0  }
0xac: {  	_ =	task [dreg:s8], $0x5FFFF  }
0xad: {  	[dreg:$0x1] =	wrdreg $0xFFFFFFFF  }
0xae: {  	[dreg:$0x0] =	wrdreg $0x60  }
0xaf: {  	[dreg:$0x2] =	wrdreg s24  }
0xb0: {  	[dreg:$0x3] =	wrdreg s2  }
0xb1: {  	[dreg:$0x4] =	wrdreg s18  }
0xb2: {  	[dreg:$0x5] =	wrdreg $0x9  }
0xb3: {  	_ =	task.clear_ibuf [dreg:s8], $0x6FFFF;
	_ =	strace $0x90000049  }
0xb4: {  	s29 =	simm.s32 $0x9;
	_ =	strace $0x8000004B  }
0xb5: {  	_ =	swait.ge [sflag:s29], $0x1  }
0xb6: {  	[sflag:s29] =	ssyncadd.s32 $0xFFFFFFFF  }
0xb7: {  	_ =	strace $0x9000004B  }
0xb8: {  	_ =	sfence  }
0xb9: {  	s30 =	sld [smem:$0x0];
	_ =	sdelay $0x2  }
0xba: {  	s31 =	sshll.u32 s1, $0xD;
	s1 =	sshrl.u32 s1, $0x2  }
0xbb: {  	s3 =	sand.u32 $0x4000, s31;
	s1 =	sadd.s32 s1, s30  }
0xbc: {  	s0 =	sor.u32 s3, s0;
	s1 =	sshll.u32 s1, $0x11  }
0xbd: {  	s0 =	sor.u32 s1, s0  }
0xbe: {  	s0 =	sadd.s32 $0x8F2B, s0  }
0xbf: {  	[sflag:s0] =	ssyncadd.remote.s32 $0x1  }
0xc0: {  	_ =	sfence.sel $0xFFFF  }
0xc1: {  	[dreg:$0x0] =	wrdreg $0xFFFFFFFF;
	(pc) =	sbr.abs _section_cstart, $3  }
0xc2: {  	[dreg:$0x1] =	wrdreg $0xFFFFFFFF  }
0xc3: {  	_ =	task.clear_ibuf [dreg:s8], $0x2FFFF;
	_ =	strace $0x9FFFFFFF  }
0xc4: {  	(tm) =	ssettm $0x7FFFFFFF  }
0xc5: {  	_ =	shalt  }
tec
execute0_lowered:
.L_overlay_start_1:
0x0: {  	(tag) =	ssettag $0x1  }
0x1: {  	s4 =	rddreg [dreg:$0x0]  }
0x2: {  	s5 =	simm.s32 $0x0;
	s0 =	srdreg.scid;
	s2 =	stileid.u32  }
0x3: {  	s10 =	simm.s32 $0x1000;
	s11 =	simm.s32 $0x3;
	s12 =	simm.s32 $0x1  }
0x4: {  	s13 =	simm.s32 $0x2;
	s14 =	simm.s32 $0x4000;
	s15 =	simm.s32 $0x6000  }
0x5: {  	s17 =	simm.s32 $0x50;
	s25 =	simm.s32 $0x1B40;
	s16 =	simm.s32 $0x1C80  }
0x6: {  	s20 =	simm.s32 $0x1CD0;
	s23 =	simm.s32 $0x1D20;
	s26 =	simm.s32 $0x1D70  }
0x7: {  	s30 =	simm.s32 $0x1DC0;
	s19 =	simm.s32 $0x1E60;
	s24 =	simm.s32 $0x1EB0  }
0x8: {  	s29 =	simm.s32 $0x1F00;
	s9 =	simm.s32 $0x1F50;
	s18 =	simm.s32 $0x0  }
0x9: {  	[smem:$0x7FF] =	sst s5;
	s0 =	sand.u32 $0x1, s0;
	s2 =	sshll.u32 s2, $0x1  }
.Ltmp0:
0xa: {  	s6 =	sadd.s32 $0x65200, s4;
	s1 =	ssub.s32 $0x2, s0;
	(pc) =	sbr.rel .LBB2_1-.Ltmp0, $4  }
0xb: {  	s7 =	sadd.s32 $0x61C00, s4;
	s4 =	simm.s32 $0x1E10;
	s3 =	sshrl.u32 s1, $0x1  }
0xc: {  	_ =	strace $0x8000004A;
	s0 =	sor.u32 s0, s2;
	s1 =	ssub.s32 s1, s3  }
0xd: {  	s2 =	simm.s32 $0x1B90;
	s8 =	smul.u32 $0x186A0, s0;
	s31 =	smax.u32 s1, $0x1  }
0xe: {  	vm0 =	vmmov $0x1;
	vm1 =	vmmov $0x7fff;
	s3 =	simm.s32 $0x1C30;
	s1 =	simm.s32 $0x1BE0;
	[dreg:$0x4] =	wrdreg s31  }
.LBB2_10:
0xf: {  	s18 =	rddreg [dreg:$0x5]  }
0x10: {  	s0 =	rddreg [dreg:$0x4];
	s18 =	sadd.s32 $0x1, s18  }
0x11: {  	p0 =	sne.s32 s18, s0  }
.Ltmp1:
0x12: {  	_ = 	snop;
	(pc) =	sbr.rel @!p0 .LBB2_11-.Ltmp1, $1  }
0x13: {  	_ =	sdelay $0x3  }
.LBB2_1:
.Ltmp2:
0x14: {  	(pc) =	sbr.rel .LBB2_2-.Ltmp2, $2  }
0x15: {  	_ =	sdelay $0x2  }
0x16: {  	[dreg:$0x5] =	wrdreg s18;
	s22 =	simm.s32 $0x0  }
.LBB2_8:
0x17: {  	v1 =	vmul.f32 v1, v0  }
0x18: {  	vm2 =	vge.f32 v0, v2  }
0x19: {  	v0 =	vnsel vm2, $0x0, v1  }
0x1a: {  	[tilespmem:s0+$0x8000] =	vst v0  }
.LBB2_9:
0x1b: {  	s22 =	sadd.s32 $0x1, s22  }
0x1c: {  	s0 =	rddreg [dreg:$0x2];
	p0 =	sne.s32 s22, $0x19  }
.Ltmp3:
0x1d: {  	s18 =	simm.s32 $0x8000;
	s0 =	sadd.s32 s0, s31;
	(pc) =	sbr.rel @!p0 .LBB2_10-.Ltmp3, $4  }
0x1e: {  	[hbm4b:s0+s5] =	stream.linear.scatter [tilespmem:s18], [sflag:$0x3], $0xFA0, $0x38;
	[tilespmem:$0x9000] =	vst v63  }
0x1f: {  	_ =	swait.ge [sflag:s11], $0xFA0  }
0x20: {  	[sflag:s11] =	ssyncset.done $0x0  }
0x21: {  	[sflag:s11] =	ssyncadd.s32 $0xFFFFF060  }
.LBB2_2:
0x22: {  	s0 =	smul.u32 $0xFA0, s22;
	_ =	sdelay $0x1  }
0x23: {  	s0 =	sadd.s32 s8, s0  }
0x24: {  	s21 =	rddreg [dreg:$0x0];
	s31 =	sshrl.u32 s0, $0x3  }
0x25: {  	s28 =	rddreg [dreg:$0x1];
	s0 =	sadd.s32 s21, s31  }
0x26: {  	[tilespmem:s5], [sflag:$0x2] =	stream.linear.gather [hbm4b:s0+s5], $0xFA0, $0x38;
	[tilespmem:$0x9000] =	vst v63  }
0x27: {  	s0 =	sadd.s32 s28, s31  }
0x28: {  	[tilespmem:s10], [sflag:$0x3] =	stream.linear.gather [hbm4b:s0+s5], $0xFA0, $0x38;
	[tilespmem:$0x9000] =	vst v63  }
0x29: {  	_ =	swait.ge [sflag:s11], $0xFA0  }
0x2a: {  	[sflag:s11] =	ssyncset.done $0x0  }
0x2b: {  	[sflag:s11] =	ssyncadd.s32 $0xFFFFF060  }
0x2c: {  	v0 =	vld [tilespmem:$0x1000];
	_ =	sdelay $0x4  }
0x2d: {  	v0 =	vnsel vm0, $0x0, v0  }
0x2e: {  	(xrf0) =	vadd.scan.msk.s32 $0xffff, v0  }
0x2f: {  	v63 =	vld [tilespmem:$0x1F90];
	_ =	sdelay $0x4  }
0x30: {  	v0 =	vsel vm1, $0x0, v63;
	v1, _, _ =	vpop (xrf0)  }
0x31: {  	(xrf0) =	vadd.scan.msk.s32 $0xffff, v0;
	(v2sf) =	vpush v1, $0xF;
	_ =	sdelay $0x5  }
0x32: {  	v0, _, _ =	vpop (xrf0)  }
0x33: {  	(v2sf) =	vpush v0, $0xF;
	_ =	sdelay $0x7  }
0x34: {  	s18 =	spop (v2sf)  }
0x35: {  	s21 =	sand.u32 $0x7, s18  }
0x36: {  	s28 =	sshra.s32 s18, $0x1F;
	p0 =	slt.s32 s18, $0x1;
	p1 =	sne.s32 s21, $0x0  }
0x37: {  	s28 =	sshrl.u32 s28, $0x1D;
	p0 =	por !p0, !p1  }
0x38: {  	s21 =	simm.s32 $0x1;
	s0 =	sadd.s32 s28, s18;
	p0 =	por !p0, !p0  }
0x39: {  	s0 =	sshra.s32 s0, $0x3;
	s21 =	simm.s32 @!p0 $0x0  }
0x3a: {  	s0 =	ssub.s32 s0, s21  }
0x3b: {  	s18 =	spop (v2sf);
	s21 =	sshll.u32 s0, $0x3  }
0x3c: {  	s28 =	ssub.s32 s18, s21  }
0x3d: {  	s28 =	sadd.s32 $0x1, s28  }
0x3e: {  	p0 =	sgt.s32 s28, $0x2000  }
.Ltmp4:
0x3f: {  	_ = 	snop;
	(pc) =	sbr.rel @p0 .LBB2_6-.Ltmp4, $4  }
0x40: {  	_ = 	snop  }
0x41: {  	_ =	swait.ge [sflag:s13], $0xFA0  }
0x42: {  	[sflag:s13] =	ssyncset.done $0x0  }
0x43: {  	[sflag:s13] =	ssyncadd.s32 $0xFFFFF060  }
0x44: {  	s0 =	sand.u32 $0x1FFFFFFF, s0  }
0x45: {  	s18 =	simm.s32 $0x0;
	s28 =	sadd.s32 s6, s0  }
0x46: {  	[tilespmem:s14], [sflag:$0x1] =	stream.linear.gather [hbm4b:s28+s18], $0x2000, $0x38;
	[tilespmem:$0x9000] =	vst v63  }
0x47: {  	s0 =	sadd.s32 s7, s0  }
0x48: {  	[tilespmem:s15], [sflag:$0x3] =	stream.linear.gather [hbm4b:s0+s18], $0x2000, $0x38;
	[tilespmem:$0x9000] =	vst v63  }
0x49: {  	_ =	swait.ge [sflag:s11], $0x2000  }
0x4a: {  	[sflag:s11] =	ssyncset.done $0x0  }
0x4b: {  	[sflag:s11] =	ssyncadd.s32 $0xFFFFE000  }
0x4c: {  	_ =	swait.ge [sflag:s12], $0x2000  }
0x4d: {  	[sflag:s12] =	ssyncset.done $0x0  }
0x4e: {  	s0 =	simm.s32 $0x0;
	[sflag:s12] =	ssyncadd.s32 $0xFFFFE000  }
0x4f: {  	v2 =	vld [tilespmem:s0+$0x1000];
	_ =	sdelay $0x3  }
0x50: {  	v0 =	vmov s21  }
0x51: {  	v2 =	vsub.s32 v2, v0;
	_ =	sdelay $0x2  }
0x52: {  	s21 =	simm.s32 $0x10;
	v1 =	vld [tilespmem:s0+$0x0]  }
0x53: {  	s28 =	simm.s32 $0x80;
	v3 =	vld [tilespmem:s21+$0x1000]  }
.LBB2_4:
0x54: {  	p0 =	seq.s32 s28, $0x3E40;
	v4 =	vld.idx.msk [tilespmem:v2+s15+$0x0], $0xffff  }
0x55: {  	v5 =	vld.idx.msk [tilespmem:v2+s14+$0x0], $0xffff;
	_ =	sdelay $0x3  }
.Ltmp5:
0x56: {  	v2 =	vsub.s32 v3, v0;
	(pc) =	sbr.rel @!p0 .LBB2_4-.Ltmp5, $4  }
0x57: {  	v3 =	vmul.f32 v4, v1  }
0x58: {  	vm2 =	vge.f32 v1, v5  }
0x59: {  	s18 =	sshra.s32 s28, $0x2;
	v4 =	vnsel vm2, $0x0, v3;
	v1 =	vld [tilespmem:s21+$0x0]  }
0x5a: {  	s28 =	sadd.s32 $0x40, s28;
	v3 =	vld [tilespmem:s18+$0x1000];
	[tilespmem:s0+$0x8000] =	vst v4;
	s0 =	smov.u32 s21;
	s21 =	smov.u32 s18  }
0x5b: {  	_ =	sdelay $0x3  }
0x5c: {  	v4 =	vld.idx.msk [tilespmem:v2+s15+$0x0], $0xffff  }
0x5d: {  	v61 =	vld.idx.msk [tilespmem:v2+s14+$0x0], $0xffff;
	_ =	sdelay $0x2  }
0x5e: {  	v0 =	vsub.s32 v3, v0  }
0x5f: {  	v62 =	vmul.f32 v4, v1  }
0x60: {  	vm2 =	vge.f32 v1, v61  }
0x61: {  	v2 =	vnsel vm2, $0x0, v62  }
0x62: {  	v63 =	vld [tilespmem:s21+$0x0];
	[tilespmem:s0+$0x8000] =	vst v2  }
0x63: {  	v2 =	vld.idx.msk [tilespmem:v0+s15+$0x0], $0xffff  }
0x64: {  	v0 =	vld.idx.msk [tilespmem:v0+s14+$0x0], $0xffff;
	_ =	sdelay $0x2  }
.Ltmp6:
0x65: {  	_ = 	snop;
	(pc) =	sbr.rel .LBB2_9-.Ltmp6, $4  }
0x66: {  	v2 =	vmul.f32 v2, v63  }
0x67: {  	vm2 =	vge.f32 v63, v0  }
0x68: {  	v0 =	vnsel vm2, $0x0, v2  }
0x69: {  	[tilespmem:s21+$0x8000] =	vst v0  }
.LBB2_6:
0x6a: {  	s0 =	simm.s32 $0x2000  }
0x6b: {  	[tilespmem:s0], [sflag:$0x1] =	stream.indirect.gather [hbm4b:s6+s17], $0x1, s10, s17, $0xb8;
	[tilespmem:$0x9000] =	vst v63  }
0x6c: {  	s21 =	simm.s32 $0x3000  }
0x6d: {  	[tilespmem:s21], [sflag:$0x1] =	stream.indirect.gather [hbm4b:s7+s17], $0x1, s10, s17, $0xb8;
	[tilespmem:$0x9000] =	vst v63  }
0x6e: {  	s28 =	simm.s32 $0x1050;
	s18 =	simm.s32 $0x2050  }
0x6f: {  	[tilespmem:s18], [sflag:$0x1] =	stream.indirect.gather [hbm4b:s6+s17], $0x1, s28, s17, $0xb8;
	[tilespmem:$0x9000] =	vst v63  }
0x70: {  	s21 =	simm.s32 $0x3050  }
0x71: {  	[tilespmem:s21], [sflag:$0x1] =	stream.indirect.gather [hbm4b:s7+s17], $0x1, s28, s17, $0xb8;
	[tilespmem:$0x9000] =	vst v63  }
0x72: {  	s0 =	simm.s32 $0x10A0;
	s28 =	simm.s32 $0x20A0  }
0x73: {  	[tilespmem:s28], [sflag:$0x1] =	stream.indirect.gather [hbm4b:s6+s17], $0x1, s0, s17, $0xb8;
	[tilespmem:$0x9000] =	vst v63  }
0x74: {  	s21 =	simm.s32 $0x30A0  }
0x75: {  	[tilespmem:s21], [sflag:$0x1] =	stream.indirect.gather [hbm4b:s7+s17], $0x1, s0, s17, $0xb8;
	[tilespmem:$0x9000] =	vst v63  }
0x76: {  	s28 =	simm.s32 $0x20F0;
	s0 =	simm.s32 $0x10F0  }
0x77: {  	[tilespmem:s28], [sflag:$0x1] =	stream.indirect.gather [hbm4b:s6+s17], $0x1, s0, s17, $0xb8;
	[tilespmem:$0x9000] =	vst v63  }
0x78: {  	s21 =	simm.s32 $0x30F0  }
0x79: {  	[tilespmem:s21], [sflag:$0x1] =	stream.indirect.gather [hbm4b:s7+s17], $0x1, s0, s17, $0xb8;
	[tilespmem:$0x9000] =	vst v63  }
0x7a: {  	s28 =	simm.s32 $0x2140;
	s0 =	simm.s32 $0x1140  }
0x7b: {  	[tilespmem:s28], [sflag:$0x1] =	stream.indirect.gather [hbm4b:s6+s17], $0x1, s0, s17, $0xb8;
	[tilespmem:$0x9000] =	vst v63  }
0x7c: {  	s21 =	simm.s32 $0x3140  }
0x7d: {  	[tilespmem:s21], [sflag:$0x1] =	stream.indirect.gather [hbm4b:s7+s17], $0x1, s0, s17, $0xb8;
	[tilespmem:$0x9000] =	vst v63  }
0x7e: {  	s28 =	simm.s32 $0x2190;
	s0 =	simm.s32 $0x1190  }
0x7f: {  	[tilespmem:s28], [sflag:$0x1] =	stream.indirect.gather [hbm4b:s6+s17], $0x1, s0, s17, $0xb8;
	[tilespmem:$0x9000] =	vst v63  }
0x80: {  	s21 =	simm.s32 $0x3190  }
0x81: {  	[tilespmem:s21], [sflag:$0x1] =	stream.indirect.gather [hbm4b:s7+s17], $0x1, s0, s17, $0xb8;
	[tilespmem:$0x9000] =	vst v63  }
0x82: {  	s28 =	simm.s32 $0x21E0;
	s0 =	simm.s32 $0x11E0  }
0x83: {  	[tilespmem:s28], [sflag:$0x1] =	stream.indirect.gather [hbm4b:s6+s17], $0x1, s0, s17, $0xb8;
	[tilespmem:$0x9000] =	vst v63  }
0x84: {  	s21 =	simm.s32 $0x31E0  }
0x85: {  	[tilespmem:s21], [sflag:$0x1] =	stream.indirect.gather [hbm4b:s7+s17], $0x1, s0, s17, $0xb8;
	[tilespmem:$0x9000] =	vst v63  }
0x86: {  	s28 =	simm.s32 $0x2230;
	s0 =	simm.s32 $0x1230  }
0x87: {  	[tilespmem:s28], [sflag:$0x1] =	stream.indirect.gather [hbm4b:s6+s17], $0x1, s0, s17, $0xb8;
	[tilespmem:$0x9000] =	vst v63  }
0x88: {  	s21 =	simm.s32 $0x3230  }
0x89: {  	[tilespmem:s21], [sflag:$0x1] =	stream.indirect.gather [hbm4b:s7+s17], $0x1, s0, s17, $0xb8;
	[tilespmem:$0x9000] =	vst v63  }
0x8a: {  	_ =	swait.ge [sflag:s12], $0x50  }
0x8b: {  	[sflag:s12] =	ssyncset.done $0x0  }
0x8c: {  	[sflag:s12] =	ssyncadd.s32 $0xFFFFFFB0  }
0x8d: {  	_ =	swait.ge [sflag:s12], $0x50  }
0x8e: {  	[sflag:s12] =	ssyncset.done $0x0  }
0x8f: {  	[sflag:s12] =	ssyncadd.s32 $0xFFFFFFB0  }
0x90: {  	_ =	swait.ge [sflag:s12], $0x50  }
0x91: {  	[sflag:s12] =	ssyncset.done $0x0  }
0x92: {  	[sflag:s12] =	ssyncadd.s32 $0xFFFFFFB0  }
0x93: {  	_ =	swait.ge [sflag:s12], $0x50  }
0x94: {  	[sflag:s12] =	ssyncset.done $0x0  }
0x95: {  	[sflag:s12] =	ssyncadd.s32 $0xFFFFFFB0  }
0x96: {  	_ =	swait.ge [sflag:s12], $0x50  }
0x97: {  	[sflag:s12] =	ssyncset.done $0x0  }
0x98: {  	[sflag:s12] =	ssyncadd.s32 $0xFFFFFFB0  }
0x99: {  	_ =	swait.ge [sflag:s12], $0x50  }
0x9a: {  	[sflag:s12] =	ssyncset.done $0x0  }
0x9b: {  	[sflag:s12] =	ssyncadd.s32 $0xFFFFFFB0  }
0x9c: {  	_ =	swait.ge [sflag:s12], $0x50  }
0x9d: {  	[sflag:s12] =	ssyncset.done $0x0  }
0x9e: {  	[sflag:s12] =	ssyncadd.s32 $0xFFFFFFB0  }
0x9f: {  	_ =	swait.ge [sflag:s12], $0x50  }
0xa0: {  	[sflag:s12] =	ssyncset.done $0x0  }
0xa1: {  	[sflag:s12] =	ssyncadd.s32 $0xFFFFFFB0  }
0xa2: {  	_ =	swait.ge [sflag:s12], $0x50  }
0xa3: {  	[sflag:s12] =	ssyncset.done $0x0  }
0xa4: {  	[sflag:s12] =	ssyncadd.s32 $0xFFFFFFB0  }
0xa5: {  	_ =	swait.ge [sflag:s12], $0x50  }
0xa6: {  	[sflag:s12] =	ssyncset.done $0x0  }
0xa7: {  	[sflag:s12] =	ssyncadd.s32 $0xFFFFFFB0  }
0xa8: {  	_ =	swait.ge [sflag:s12], $0x50  }
0xa9: {  	[sflag:s12] =	ssyncset.done $0x0  }
0xaa: {  	[sflag:s12] =	ssyncadd.s32 $0xFFFFFFB0  }
0xab: {  	_ =	swait.ge [sflag:s12], $0x50  }
0xac: {  	[sflag:s12] =	ssyncset.done $0x0  }
0xad: {  	[sflag:s12] =	ssyncadd.s32 $0xFFFFFFB0  }
0xae: {  	_ =	swait.ge [sflag:s12], $0x50  }
0xaf: {  	[sflag:s12] =	ssyncset.done $0x0  }
0xb0: {  	[sflag:s12] =	ssyncadd.s32 $0xFFFFFFB0  }
0xb1: {  	_ =	swait.ge [sflag:s12], $0x50  }
0xb2: {  	[sflag:s12] =	ssyncset.done $0x0  }
0xb3: {  	[sflag:s12] =	ssyncadd.s32 $0xFFFFFFB0  }
0xb4: {  	_ =	swait.ge [sflag:s12], $0x50  }
0xb5: {  	[sflag:s12] =	ssyncset.done $0x0  }
0xb6: {  	[sflag:s12] =	ssyncadd.s32 $0xFFFFFFB0  }
0xb7: {  	_ =	swait.ge [sflag:s12], $0x50  }
0xb8: {  	[sflag:s12] =	ssyncset.done $0x0  }
0xb9: {  	s28 =	simm.s32 $0x2280;
	s0 =	simm.s32 $0x1280;
	[sflag:s12] =	ssyncadd.s32 $0xFFFFFFB0  }
0xba: {  	[tilespmem:s28], [sflag:$0x1] =	stream.indirect.gather [hbm4b:s6+s17], $0x1, s0, s17, $0xb8;
	[tilespmem:$0x9000] =	vst v63  }
0xbb: {  	s21 =	simm.s32 $0x3280  }
0xbc: {  	[tilespmem:s21], [sflag:$0x1] =	stream.indirect.gather [hbm4b:s7+s17], $0x1, s0, s17, $0xb8;
	[tilespmem:$0x9000] =	vst v63  }
0xbd: {  	s28 =	simm.s32 $0x22D0;
	s0 =	simm.s32 $0x12D0  }
0xbe: {  	[tilespmem:s28], [sflag:$0x1] =	stream.indirect.gather [hbm4b:s6+s17], $0x1, s0, s17, $0xb8;
	[tilespmem:$0x9000] =	vst v63  }
0xbf: {  	s21 =	simm.s32 $0x32D0  }
0xc0: {  	[tilespmem:s21], [sflag:$0x1] =	stream.indirect.gather [hbm4b:s7+s17], $0x1, s0, s17, $0xb8;
	[tilespmem:$0x9000] =	vst v63  }
0xc1: {  	s28 =	simm.s32 $0x2320;
	s0 =	simm.s32 $0x1320  }
0xc2: {  	[tilespmem:s28], [sflag:$0x1] =	stream.indirect.gather [hbm4b:s6+s17], $0x1, s0, s17, $0xb8;
	[tilespmem:$0x9000] =	vst v63  }
0xc3: {  	s21 =	simm.s32 $0x3320  }
0xc4: {  	[tilespmem:s21], [sflag:$0x1] =	stream.indirect.gather [hbm4b:s7+s17], $0x1, s0, s17, $0xb8;
	[tilespmem:$0x9000] =	vst v63  }
0xc5: {  	s28 =	simm.s32 $0x2370;
	s0 =	simm.s32 $0x1370  }
0xc6: {  	[tilespmem:s28], [sflag:$0x1] =	stream.indirect.gather [hbm4b:s6+s17], $0x1, s0, s17, $0xb8;
	[tilespmem:$0x9000] =	vst v63  }
0xc7: {  	s21 =	simm.s32 $0x3370  }
0xc8: {  	[tilespmem:s21], [sflag:$0x1] =	stream.indirect.gather [hbm4b:s7+s17], $0x1, s0, s17, $0xb8;
	[tilespmem:$0x9000] =	vst v63  }
0xc9: {  	s28 =	simm.s32 $0x23C0;
	s0 =	simm.s32 $0x13C0  }
0xca: {  	[tilespmem:s28], [sflag:$0x1] =	stream.indirect.gather [hbm4b:s6+s17], $0x1, s0, s17, $0xb8;
	[tilespmem:$0x9000] =	vst v63  }
0xcb: {  	s21 =	simm.s32 $0x33C0  }
0xcc: {  	[tilespmem:s21], [sflag:$0x1] =	stream.indirect.gather [hbm4b:s7+s17], $0x1, s0, s17, $0xb8;
	[tilespmem:$0x9000] =	vst v63  }
0xcd: {  	s28 =	simm.s32 $0x2410;
	s0 =	simm.s32 $0x1410  }
0xce: {  	[tilespmem:s28], [sflag:$0x1] =	stream.indirect.gather [hbm4b:s6+s17], $0x1, s0, s17, $0xb8;
	[tilespmem:$0x9000] =	vst v63  }
0xcf: {  	s21 =	simm.s32 $0x3410  }
0xd0: {  	[tilespmem:s21], [sflag:$0x1] =	stream.indirect.gather [hbm4b:s7+s17], $0x1, s0, s17, $0xb8;
	[tilespmem:$0x9000] =	vst v63  }
0xd1: {  	s28 =	simm.s32 $0x2460;
	s0 =	simm.s32 $0x1460  }
0xd2: {  	[tilespmem:s28], [sflag:$0x1] =	stream.indirect.gather [hbm4b:s6+s17], $0x1, s0, s17, $0xb8;
	[tilespmem:$0x9000] =	vst v63  }
0xd3: {  	s21 =	simm.s32 $0x3460  }
0xd4: {  	[tilespmem:s21], [sflag:$0x1] =	stream.indirect.gather [hbm4b:s7+s17], $0x1, s0, s17, $0xb8;
	[tilespmem:$0x9000] =	vst v63  }
0xd5: {  	s28 =	simm.s32 $0x24B0;
	s0 =	simm.s32 $0x14B0  }
0xd6: {  	[tilespmem:s28], [sflag:$0x1] =	stream.indirect.gather [hbm4b:s6+s17], $0x1, s0, s17, $0xb8;
	[tilespmem:$0x9000] =	vst v63  }
0xd7: {  	s21 =	simm.s32 $0x34B0  }
0xd8: {  	[tilespmem:s21], [sflag:$0x1] =	stream.indirect.gather [hbm4b:s7+s17], $0x1, s0, s17, $0xb8;
	[tilespmem:$0x9000] =	vst v63  }
0xd9: {  	_ =	swait.ge [sflag:s12], $0x50  }
0xda: {  	[sflag:s12] =	ssyncset.done $0x0  }
0xdb: {  	[sflag:s12] =	ssyncadd.s32 $0xFFFFFFB0  }
0xdc: {  	_ =	swait.ge [sflag:s12], $0x50  }
0xdd: {  	[sflag:s12] =	ssyncset.done $0x0  }
0xde: {  	[sflag:s12] =	ssyncadd.s32 $0xFFFFFFB0  }
0xdf: {  	_ =	swait.ge [sflag:s12], $0x50  }
0xe0: {  	[sflag:s12] =	ssyncset.done $0x0  }
0xe1: {  	[sflag:s12] =	ssyncadd.s32 $0xFFFFFFB0  }
0xe2: {  	_ =	swait.ge [sflag:s12], $0x50  }
0xe3: {  	[sflag:s12] =	ssyncset.done $0x0  }
0xe4: {  	[sflag:s12] =	ssyncadd.s32 $0xFFFFFFB0  }
0xe5: {  	_ =	swait.ge [sflag:s12], $0x50  }
0xe6: {  	[sflag:s12] =	ssyncset.done $0x0  }
0xe7: {  	[sflag:s12] =	ssyncadd.s32 $0xFFFFFFB0  }
0xe8: {  	_ =	swait.ge [sflag:s12], $0x50  }
0xe9: {  	[sflag:s12] =	ssyncset.done $0x0  }
0xea: {  	[sflag:s12] =	ssyncadd.s32 $0xFFFFFFB0  }
0xeb: {  	_ =	swait.ge [sflag:s12], $0x50  }
0xec: {  	[sflag:s12] =	ssyncset.done $0x0  }
0xed: {  	[sflag:s12] =	ssyncadd.s32 $0xFFFFFFB0  }
0xee: {  	_ =	swait.ge [sflag:s12], $0x50  }
0xef: {  	[sflag:s12] =	ssyncset.done $0x0  }
0xf0: {  	[sflag:s12] =	ssyncadd.s32 $0xFFFFFFB0  }
0xf1: {  	_ =	swait.ge [sflag:s12], $0x50  }
0xf2: {  	[sflag:s12] =	ssyncset.done $0x0  }
0xf3: {  	[sflag:s12] =	ssyncadd.s32 $0xFFFFFFB0  }
0xf4: {  	_ =	swait.ge [sflag:s12], $0x50  }
0xf5: {  	[sflag:s12] =	ssyncset.done $0x0  }
0xf6: {  	[sflag:s12] =	ssyncadd.s32 $0xFFFFFFB0  }
0xf7: {  	_ =	swait.ge [sflag:s12], $0x50  }
0xf8: {  	[sflag:s12] =	ssyncset.done $0x0  }
0xf9: {  	[sflag:s12] =	ssyncadd.s32 $0xFFFFFFB0  }
0xfa: {  	_ =	swait.ge [sflag:s12], $0x50  }
0xfb: {  	[sflag:s12] =	ssyncset.done $0x0  }
0xfc: {  	[sflag:s12] =	ssyncadd.s32 $0xFFFFFFB0  }
0xfd: {  	_ =	swait.ge [sflag:s12], $0x50  }
0xfe: {  	[sflag:s12] =	ssyncset.done $0x0  }
0xff: {  	[sflag:s12] =	ssyncadd.s32 $0xFFFFFFB0  }
0x100: {  	_ =	swait.ge [sflag:s12], $0x50  }
0x101: {  	[sflag:s12] =	ssyncset.done $0x0  }
0x102: {  	[sflag:s12] =	ssyncadd.s32 $0xFFFFFFB0  }
0x103: {  	_ =	swait.ge [sflag:s12], $0x50  }
0x104: {  	[sflag:s12] =	ssyncset.done $0x0  }
0x105: {  	[sflag:s12] =	ssyncadd.s32 $0xFFFFFFB0  }
0x106: {  	_ =	swait.ge [sflag:s12], $0x50  }
0x107: {  	[sflag:s12] =	ssyncset.done $0x0  }
0x108: {  	s28 =	simm.s32 $0x2500;
	s0 =	simm.s32 $0x1500;
	[sflag:s12] =	ssyncadd.s32 $0xFFFFFFB0  }
0x109: {  	[tilespmem:s28], [sflag:$0x1] =	stream.indirect.gather [hbm4b:s6+s17], $0x1, s0, s17, $0xb8;
	[tilespmem:$0x9000] =	vst v63  }
0x10a: {  	s21 =	simm.s32 $0x3500  }
0x10b: {  	[tilespmem:s21], [sflag:$0x1] =	stream.indirect.gather [hbm4b:s7+s17], $0x1, s0, s17, $0xb8;
	[tilespmem:$0x9000] =	vst v63  }
0x10c: {  	s28 =	simm.s32 $0x2550;
	s0 =	simm.s32 $0x1550  }
0x10d: {  	[tilespmem:s28], [sflag:$0x1] =	stream.indirect.gather [hbm4b:s6+s17], $0x1, s0, s17, $0xb8;
	[tilespmem:$0x9000] =	vst v63  }
0x10e: {  	s21 =	simm.s32 $0x3550  }
0x10f: {  	[tilespmem:s21], [sflag:$0x1] =	stream.indirect.gather [hbm4b:s7+s17], $0x1, s0, s17, $0xb8;
	[tilespmem:$0x9000] =	vst v63  }
0x110: {  	s28 =	simm.s32 $0x25A0;
	s0 =	simm.s32 $0x15A0  }
0x111: {  	[tilespmem:s28], [sflag:$0x1] =	stream.indirect.gather [hbm4b:s6+s17], $0x1, s0, s17, $0xb8;
	[tilespmem:$0x9000] =	vst v63  }
0x112: {  	s21 =	simm.s32 $0x35A0  }
0x113: {  	[tilespmem:s21], [sflag:$0x1] =	stream.indirect.gather [hbm4b:s7+s17], $0x1, s0, s17, $0xb8;
	[tilespmem:$0x9000] =	vst v63  }
0x114: {  	s28 =	simm.s32 $0x25F0;
	s0 =	simm.s32 $0x15F0  }
0x115: {  	[tilespmem:s28], [sflag:$0x1] =	stream.indirect.gather [hbm4b:s6+s17], $0x1, s0, s17, $0xb8;
	[tilespmem:$0x9000] =	vst v63  }
0x116: {  	s21 =	simm.s32 $0x35F0  }
0x117: {  	[tilespmem:s21], [sflag:$0x1] =	stream.indirect.gather [hbm4b:s7+s17], $0x1, s0, s17, $0xb8;
	[tilespmem:$0x9000] =	vst v63  }
0x118: {  	s28 =	simm.s32 $0x2640;
	s0 =	simm.s32 $0x1640  }
0x119: {  	[tilespmem:s28], [sflag:$0x1] =	stream.indirect.gather [hbm4b:s6+s17], $0x1, s0, s17, $0xb8;
	[tilespmem:$0x9000] =	vst v63  }
0x11a: {  	s21 =	simm.s32 $0x3640  }
0x11b: {  	[tilespmem:s21], [sflag:$0x1] =	stream.indirect.gather [hbm4b:s7+s17], $0x1, s0, s17, $0xb8;
	[tilespmem:$0x9000] =	vst v63  }
0x11c: {  	s28 =	simm.s32 $0x2690;
	s0 =	simm.s32 $0x1690  }
0x11d: {  	[tilespmem:s28], [sflag:$0x1] =	stream.indirect.gather [hbm4b:s6+s17], $0x1, s0, s17, $0xb8;
	[tilespmem:$0x9000] =	vst v63  }
0x11e: {  	s21 =	simm.s32 $0x3690  }
0x11f: {  	[tilespmem:s21], [sflag:$0x1] =	stream.indirect.gather [hbm4b:s7+s17], $0x1, s0, s17, $0xb8;
	[tilespmem:$0x9000] =	vst v63  }
0x120: {  	s28 =	simm.s32 $0x26E0;
	s0 =	simm.s32 $0x16E0  }
0x121: {  	[tilespmem:s28], [sflag:$0x1] =	stream.indirect.gather [hbm4b:s6+s17], $0x1, s0, s17, $0xb8;
	[tilespmem:$0x9000] =	vst v63  }
0x122: {  	s21 =	simm.s32 $0x36E0  }
0x123: {  	[tilespmem:s21], [sflag:$0x1] =	stream.indirect.gather [hbm4b:s7+s17], $0x1, s0, s17, $0xb8;
	[tilespmem:$0x9000] =	vst v63  }
0x124: {  	s28 =	simm.s32 $0x2730;
	s0 =	simm.s32 $0x1730  }
0x125: {  	[tilespmem:s28], [sflag:$0x1] =	stream.indirect.gather [hbm4b:s6+s17], $0x1, s0, s17, $0xb8;
	[tilespmem:$0x9000] =	vst v63  }
0x126: {  	s21 =	simm.s32 $0x3730  }
0x127: {  	[tilespmem:s21], [sflag:$0x1] =	stream.indirect.gather [hbm4b:s7+s17], $0x1, s0, s17, $0xb8;
	[tilespmem:$0x9000] =	vst v63  }
0x128: {  	_ =	swait.ge [sflag:s12], $0x50  }
0x129: {  	[sflag:s12] =	ssyncset.done $0x0  }
0x12a: {  	[sflag:s12] =	ssyncadd.s32 $0xFFFFFFB0  }
0x12b: {  	_ =	swait.ge [sflag:s12], $0x50  }
0x12c: {  	[sflag:s12] =	ssyncset.done $0x0  }
0x12d: {  	[sflag:s12] =	ssyncadd.s32 $0xFFFFFFB0  }
0x12e: {  	_ =	swait.ge [sflag:s12], $0x50  }
0x12f: {  	[sflag:s12] =	ssyncset.done $0x0  }
0x130: {  	[sflag:s12] =	ssyncadd.s32 $0xFFFFFFB0  }
0x131: {  	_ =	swait.ge [sflag:s12], $0x50  }
0x132: {  	[sflag:s12] =	ssyncset.done $0x0  }
0x133: {  	[sflag:s12] =	ssyncadd.s32 $0xFFFFFFB0  }
0x134: {  	_ =	swait.ge [sflag:s12], $0x50  }
0x135: {  	[sflag:s12] =	ssyncset.done $0x0  }
0x136: {  	[sflag:s12] =	ssyncadd.s32 $0xFFFFFFB0  }
0x137: {  	_ =	swait.ge [sflag:s12], $0x50  }
0x138: {  	[sflag:s12] =	ssyncset.done $0x0  }
0x139: {  	[sflag:s12] =	ssyncadd.s32 $0xFFFFFFB0  }
0x13a: {  	_ =	swait.ge [sflag:s12], $0x50  }
0x13b: {  	[sflag:s12] =	ssyncset.done $0x0  }
0x13c: {  	[sflag:s12] =	ssyncadd.s32 $0xFFFFFFB0  }
0x13d: {  	_ =	swait.ge [sflag:s12], $0x50  }
0x13e: {  	[sflag:s12] =	ssyncset.done $0x0  }
0x13f: {  	[sflag:s12] =	ssyncadd.s32 $0xFFFFFFB0  }
0x140: {  	_ =	swait.ge [sflag:s12], $0x50  }
0x141: {  	[sflag:s12] =	ssyncset.done $0x0  }
0x142: {  	[sflag:s12] =	ssyncadd.s32 $0xFFFFFFB0  }
0x143: {  	_ =	swait.ge [sflag:s12], $0x50  }
0x144: {  	[sflag:s12] =	ssyncset.done $0x0  }
0x145: {  	[sflag:s12] =	ssyncadd.s32 $0xFFFFFFB0  }
0x146: {  	_ =	swait.ge [sflag:s12], $0x50  }
0x147: {  	[sflag:s12] =	ssyncset.done $0x0  }
0x148: {  	[sflag:s12] =	ssyncadd.s32 $0xFFFFFFB0  }
0x149: {  	_ =	swait.ge [sflag:s12], $0x50  }
0x14a: {  	[sflag:s12] =	ssyncset.done $0x0  }
0x14b: {  	[sflag:s12] =	ssyncadd.s32 $0xFFFFFFB0  }
0x14c: {  	_ =	swait.ge [sflag:s12], $0x50  }
0x14d: {  	[sflag:s12] =	ssyncset.done $0x0  }
0x14e: {  	[sflag:s12] =	ssyncadd.s32 $0xFFFFFFB0  }
0x14f: {  	_ =	swait.ge [sflag:s12], $0x50  }
0x150: {  	[sflag:s12] =	ssyncset.done $0x0  }
0x151: {  	[sflag:s12] =	ssyncadd.s32 $0xFFFFFFB0  }
0x152: {  	_ =	swait.ge [sflag:s12], $0x50  }
0x153: {  	[sflag:s12] =	ssyncset.done $0x0  }
0x154: {  	[sflag:s12] =	ssyncadd.s32 $0xFFFFFFB0  }
0x155: {  	_ =	swait.ge [sflag:s12], $0x50  }
0x156: {  	[sflag:s12] =	ssyncset.done $0x0  }
0x157: {  	s28 =	simm.s32 $0x2780;
	s0 =	simm.s32 $0x1780;
	[sflag:s12] =	ssyncadd.s32 $0xFFFFFFB0  }
0x158: {  	[tilespmem:s28], [sflag:$0x1] =	stream.indirect.gather [hbm4b:s6+s17], $0x1, s0, s17, $0xb8;
	[tilespmem:$0x9000] =	vst v63  }
0x159: {  	s21 =	simm.s32 $0x3780  }
0x15a: {  	[tilespmem:s21], [sflag:$0x1] =	stream.indirect.gather [hbm4b:s7+s17], $0x1, s0, s17, $0xb8;
	[tilespmem:$0x9000] =	vst v63  }
0x15b: {  	s28 =	simm.s32 $0x27D0;
	s0 =	simm.s32 $0x17D0  }
0x15c: {  	[tilespmem:s28], [sflag:$0x1] =	stream.indirect.gather [hbm4b:s6+s17], $0x1, s0, s17, $0xb8;
	[tilespmem:$0x9000] =	vst v63  }
0x15d: {  	s21 =	simm.s32 $0x37D0  }
0x15e: {  	[tilespmem:s21], [sflag:$0x1] =	stream.indirect.gather [hbm4b:s7+s17], $0x1, s0, s17, $0xb8;
	[tilespmem:$0x9000] =	vst v63  }
0x15f: {  	s28 =	simm.s32 $0x2820;
	s0 =	simm.s32 $0x1820  }
0x160: {  	[tilespmem:s28], [sflag:$0x1] =	stream.indirect.gather [hbm4b:s6+s17], $0x1, s0, s17, $0xb8;
	[tilespmem:$0x9000] =	vst v63  }
0x161: {  	s21 =	simm.s32 $0x3820  }
0x162: {  	[tilespmem:s21], [sflag:$0x1] =	stream.indirect.gather [hbm4b:s7+s17], $0x1, s0, s17, $0xb8;
	[tilespmem:$0x9000] =	vst v63  }
0x163: {  	s28 =	simm.s32 $0x2870;
	s0 =	simm.s32 $0x1870  }
0x164: {  	[tilespmem:s28], [sflag:$0x1] =	stream.indirect.gather [hbm4b:s6+s17], $0x1, s0, s17, $0xb8;
	[tilespmem:$0x9000] =	vst v63  }
0x165: {  	s21 =	simm.s32 $0x3870  }
0x166: {  	[tilespmem:s21], [sflag:$0x1] =	stream.indirect.gather [hbm4b:s7+s17], $0x1, s0, s17, $0xb8;
	[tilespmem:$0x9000] =	vst v63  }
0x167: {  	s28 =	simm.s32 $0x28C0;
	s0 =	simm.s32 $0x18C0  }
0x168: {  	[tilespmem:s28], [sflag:$0x1] =	stream.indirect.gather [hbm4b:s6+s17], $0x1, s0, s17, $0xb8;
	[tilespmem:$0x9000] =	vst v63  }
0x169: {  	s21 =	simm.s32 $0x38C0  }
0x16a: {  	[tilespmem:s21], [sflag:$0x1] =	stream.indirect.gather [hbm4b:s7+s17], $0x1, s0, s17, $0xb8;
	[tilespmem:$0x9000] =	vst v63  }
0x16b: {  	s28 =	simm.s32 $0x2910;
	s0 =	simm.s32 $0x1910  }
0x16c: {  	[tilespmem:s28], [sflag:$0x1] =	stream.indirect.gather [hbm4b:s6+s17], $0x1, s0, s17, $0xb8;
	[tilespmem:$0x9000] =	vst v63  }
0x16d: {  	s21 =	simm.s32 $0x3910  }
0x16e: {  	[tilespmem:s21], [sflag:$0x1] =	stream.indirect.gather [hbm4b:s7+s17], $0x1, s0, s17, $0xb8;
	[tilespmem:$0x9000] =	vst v63  }
0x16f: {  	s28 =	simm.s32 $0x2960;
	s0 =	simm.s32 $0x1960  }
0x170: {  	[tilespmem:s28], [sflag:$0x1] =	stream.indirect.gather [hbm4b:s6+s17], $0x1, s0, s17, $0xb8;
	[tilespmem:$0x9000] =	vst v63  }
0x171: {  	s21 =	simm.s32 $0x3960  }
0x172: {  	[tilespmem:s21], [sflag:$0x1] =	stream.indirect.gather [hbm4b:s7+s17], $0x1, s0, s17, $0xb8;
	[tilespmem:$0x9000] =	vst v63  }
0x173: {  	s28 =	simm.s32 $0x29B0;
	s0 =	simm.s32 $0x19B0  }
0x174: {  	[tilespmem:s28], [sflag:$0x1] =	stream.indirect.gather [hbm4b:s6+s17], $0x1, s0, s17, $0xb8;
	[tilespmem:$0x9000] =	vst v63  }
0x175: {  	s21 =	simm.s32 $0x39B0  }
0x176: {  	[tilespmem:s21], [sflag:$0x1] =	stream.indirect.gather [hbm4b:s7+s17], $0x1, s0, s17, $0xb8;
	[tilespmem:$0x9000] =	vst v63  }
0x177: {  	_ =	swait.ge [sflag:s12], $0x50  }
0x178: {  	[sflag:s12] =	ssyncset.done $0x0  }
0x179: {  	[sflag:s12] =	ssyncadd.s32 $0xFFFFFFB0  }
0x17a: {  	_ =	swait.ge [sflag:s12], $0x50  }
0x17b: {  	[sflag:s12] =	ssyncset.done $0x0  }
0x17c: {  	[sflag:s12] =	ssyncadd.s32 $0xFFFFFFB0  }
0x17d: {  	_ =	swait.ge [sflag:s12], $0x50  }
0x17e: {  	[sflag:s12] =	ssyncset.done $0x0  }
0x17f: {  	[sflag:s12] =	ssyncadd.s32 $0xFFFFFFB0  }
0x180: {  	_ =	swait.ge [sflag:s12], $0x50  }
0x181: {  	[sflag:s12] =	ssyncset.done $0x0  }
0x182: {  	[sflag:s12] =	ssyncadd.s32 $0xFFFFFFB0  }
0x183: {  	_ =	swait.ge [sflag:s12], $0x50  }
0x184: {  	[sflag:s12] =	ssyncset.done $0x0  }
0x185: {  	[sflag:s12] =	ssyncadd.s32 $0xFFFFFFB0  }
0x186: {  	_ =	swait.ge [sflag:s12], $0x50  }
0x187: {  	[sflag:s12] =	ssyncset.done $0x0  }
0x188: {  	[sflag:s12] =	ssyncadd.s32 $0xFFFFFFB0  }
0x189: {  	_ =	swait.ge [sflag:s12], $0x50  }
0x18a: {  	[sflag:s12] =	ssyncset.done $0x0  }
0x18b: {  	[sflag:s12] =	ssyncadd.s32 $0xFFFFFFB0  }
0x18c: {  	_ =	swait.ge [sflag:s12], $0x50  }
0x18d: {  	[sflag:s12] =	ssyncset.done $0x0  }
0x18e: {  	[sflag:s12] =	ssyncadd.s32 $0xFFFFFFB0  }
0x18f: {  	_ =	swait.ge [sflag:s12], $0x50  }
0x190: {  	[sflag:s12] =	ssyncset.done $0x0  }
0x191: {  	[sflag:s12] =	ssyncadd.s32 $0xFFFFFFB0  }
0x192: {  	_ =	swait.ge [sflag:s12], $0x50  }
0x193: {  	[sflag:s12] =	ssyncset.done $0x0  }
0x194: {  	[sflag:s12] =	ssyncadd.s32 $0xFFFFFFB0  }
0x195: {  	_ =	swait.ge [sflag:s12], $0x50  }
0x196: {  	[sflag:s12] =	ssyncset.done $0x0  }
0x197: {  	[sflag:s12] =	ssyncadd.s32 $0xFFFFFFB0  }
0x198: {  	_ =	swait.ge [sflag:s12], $0x50  }
0x199: {  	[sflag:s12] =	ssyncset.done $0x0  }
0x19a: {  	[sflag:s12] =	ssyncadd.s32 $0xFFFFFFB0  }
0x19b: {  	_ =	swait.ge [sflag:s12], $0x50  }
0x19c: {  	[sflag:s12] =	ssyncset.done $0x0  }
0x19d: {  	[sflag:s12] =	ssyncadd.s32 $0xFFFFFFB0  }
0x19e: {  	_ =	swait.ge [sflag:s12], $0x50  }
0x19f: {  	[sflag:s12] =	ssyncset.done $0x0  }
0x1a0: {  	[sflag:s12] =	ssyncadd.s32 $0xFFFFFFB0  }
0x1a1: {  	_ =	swait.ge [sflag:s12], $0x50  }
0x1a2: {  	[sflag:s12] =	ssyncset.done $0x0  }
0x1a3: {  	[sflag:s12] =	ssyncadd.s32 $0xFFFFFFB0  }
0x1a4: {  	_ =	swait.ge [sflag:s12], $0x50  }
0x1a5: {  	[sflag:s12] =	ssyncset.done $0x0  }
0x1a6: {  	s28 =	simm.s32 $0x2A00;
	s0 =	simm.s32 $0x1A00;
	[sflag:s12] =	ssyncadd.s32 $0xFFFFFFB0  }
0x1a7: {  	[tilespmem:s28], [sflag:$0x1] =	stream.indirect.gather [hbm4b:s6+s17], $0x1, s0, s17, $0xb8;
	[tilespmem:$0x9000] =	vst v63  }
0x1a8: {  	s21 =	simm.s32 $0x3A00  }
0x1a9: {  	[tilespmem:s21], [sflag:$0x1] =	stream.indirect.gather [hbm4b:s7+s17], $0x1, s0, s17, $0xb8;
	[tilespmem:$0x9000] =	vst v63  }
0x1aa: {  	s28 =	simm.s32 $0x2A50;
	s0 =	simm.s32 $0x1A50  }
0x1ab: {  	[tilespmem:s28], [sflag:$0x1] =	stream.indirect.gather [hbm4b:s6+s17], $0x1, s0, s17, $0xb8;
	[tilespmem:$0x9000] =	vst v63  }
0x1ac: {  	s21 =	simm.s32 $0x3A50  }
0x1ad: {  	[tilespmem:s21], [sflag:$0x1] =	stream.indirect.gather [hbm4b:s7+s17], $0x1, s0, s17, $0xb8;
	[tilespmem:$0x9000] =	vst v63  }
0x1ae: {  	s28 =	simm.s32 $0x2AA0;
	s0 =	simm.s32 $0x1AA0  }
0x1af: {  	[tilespmem:s28], [sflag:$0x1] =	stream.indirect.gather [hbm4b:s6+s17], $0x1, s0, s17, $0xb8;
	[tilespmem:$0x9000] =	vst v63  }
0x1b0: {  	s21 =	simm.s32 $0x3AA0  }
0x1b1: {  	[tilespmem:s21], [sflag:$0x1] =	stream.indirect.gather [hbm4b:s7+s17], $0x1, s0, s17, $0xb8;
	[tilespmem:$0x9000] =	vst v63  }
0x1b2: {  	s28 =	simm.s32 $0x2AF0;
	s0 =	simm.s32 $0x1AF0  }
0x1b3: {  	[tilespmem:s28], [sflag:$0x1] =	stream.indirect.gather [hbm4b:s6+s17], $0x1, s0, s17, $0xb8;
	[tilespmem:$0x9000] =	vst v63  }
0x1b4: {  	s21 =	simm.s32 $0x3AF0  }
0x1b5: {  	[tilespmem:s21], [sflag:$0x1] =	stream.indirect.gather [hbm4b:s7+s17], $0x1, s0, s17, $0xb8;
	[tilespmem:$0x9000] =	vst v63  }
0x1b6: {  	s28 =	simm.s32 $0x2B40  }
0x1b7: {  	[tilespmem:s28], [sflag:$0x1] =	stream.indirect.gather [hbm4b:s6+s17], $0x1, s25, s17, $0xb8;
	[tilespmem:$0x9000] =	vst v63  }
0x1b8: {  	s18 =	simm.s32 $0x3B40  }
0x1b9: {  	[tilespmem:s18], [sflag:$0x1] =	stream.indirect.gather [hbm4b:s7+s17], $0x1, s25, s17, $0xb8;
	[tilespmem:$0x9000] =	vst v63  }
0x1ba: {  	s21 =	simm.s32 $0x2B90  }
0x1bb: {  	[tilespmem:s21], [sflag:$0x1] =	stream.indirect.gather [hbm4b:s6+s17], $0x1, s2, s17, $0xb8;
	[tilespmem:$0x9000] =	vst v63  }
0x1bc: {  	s28 =	simm.s32 $0x3B90  }
0x1bd: {  	[tilespmem:s28], [sflag:$0x1] =	stream.indirect.gather [hbm4b:s7+s17], $0x1, s2, s17, $0xb8;
	[tilespmem:$0x9000] =	vst v63  }
0x1be: {  	s18 =	simm.s32 $0x2BE0  }
0x1bf: {  	[tilespmem:s18], [sflag:$0x1] =	stream.indirect.gather [hbm4b:s6+s17], $0x1, s1, s17, $0xb8;
	[tilespmem:$0x9000] =	vst v63  }
0x1c0: {  	s21 =	simm.s32 $0x3BE0  }
0x1c1: {  	[tilespmem:s21], [sflag:$0x1] =	stream.indirect.gather [hbm4b:s7+s17], $0x1, s1, s17, $0xb8;
	[tilespmem:$0x9000] =	vst v63  }
0x1c2: {  	s28 =	simm.s32 $0x2C30  }
0x1c3: {  	[tilespmem:s28], [sflag:$0x1] =	stream.indirect.gather [hbm4b:s6+s17], $0x1, s3, s17, $0xb8;
	[tilespmem:$0x9000] =	vst v63  }
0x1c4: {  	s18 =	simm.s32 $0x3C30  }
0x1c5: {  	[tilespmem:s18], [sflag:$0x1] =	stream.indirect.gather [hbm4b:s7+s17], $0x1, s3, s17, $0xb8;
	[tilespmem:$0x9000] =	vst v63  }
0x1c6: {  	_ =	swait.ge [sflag:s12], $0x50  }
0x1c7: {  	[sflag:s12] =	ssyncset.done $0x0  }
0x1c8: {  	[sflag:s12] =	ssyncadd.s32 $0xFFFFFFB0  }
0x1c9: {  	_ =	swait.ge [sflag:s12], $0x50  }
0x1ca: {  	[sflag:s12] =	ssyncset.done $0x0  }
0x1cb: {  	[sflag:s12] =	ssyncadd.s32 $0xFFFFFFB0  }
0x1cc: {  	_ =	swait.ge [sflag:s12], $0x50  }
0x1cd: {  	[sflag:s12] =	ssyncset.done $0x0  }
0x1ce: {  	[sflag:s12] =	ssyncadd.s32 $0xFFFFFFB0  }
0x1cf: {  	_ =	swait.ge [sflag:s12], $0x50  }
0x1d0: {  	[sflag:s12] =	ssyncset.done $0x0  }
0x1d1: {  	[sflag:s12] =	ssyncadd.s32 $0xFFFFFFB0  }
0x1d2: {  	_ =	swait.ge [sflag:s12], $0x50  }
0x1d3: {  	[sflag:s12] =	ssyncset.done $0x0  }
0x1d4: {  	[sflag:s12] =	ssyncadd.s32 $0xFFFFFFB0  }
0x1d5: {  	_ =	swait.ge [sflag:s12], $0x50  }
0x1d6: {  	[sflag:s12] =	ssyncset.done $0x0  }
0x1d7: {  	[sflag:s12] =	ssyncadd.s32 $0xFFFFFFB0  }
0x1d8: {  	_ =	swait.ge [sflag:s12], $0x50  }
0x1d9: {  	[sflag:s12] =	ssyncset.done $0x0  }
0x1da: {  	[sflag:s12] =	ssyncadd.s32 $0xFFFFFFB0  }
0x1db: {  	_ =	swait.ge [sflag:s12], $0x50  }
0x1dc: {  	[sflag:s12] =	ssyncset.done $0x0  }
0x1dd: {  	[sflag:s12] =	ssyncadd.s32 $0xFFFFFFB0  }
0x1de: {  	_ =	swait.ge [sflag:s12], $0x50  }
0x1df: {  	[sflag:s12] =	ssyncset.done $0x0  }
0x1e0: {  	[sflag:s12] =	ssyncadd.s32 $0xFFFFFFB0  }
0x1e1: {  	_ =	swait.ge [sflag:s12], $0x50  }
0x1e2: {  	[sflag:s12] =	ssyncset.done $0x0  }
0x1e3: {  	[sflag:s12] =	ssyncadd.s32 $0xFFFFFFB0  }
0x1e4: {  	_ =	swait.ge [sflag:s12], $0x50  }
0x1e5: {  	[sflag:s12] =	ssyncset.done $0x0  }
0x1e6: {  	[sflag:s12] =	ssyncadd.s32 $0xFFFFFFB0  }
0x1e7: {  	_ =	swait.ge [sflag:s12], $0x50  }
0x1e8: {  	[sflag:s12] =	ssyncset.done $0x0  }
0x1e9: {  	[sflag:s12] =	ssyncadd.s32 $0xFFFFFFB0  }
0x1ea: {  	_ =	swait.ge [sflag:s12], $0x50  }
0x1eb: {  	[sflag:s12] =	ssyncset.done $0x0  }
0x1ec: {  	[sflag:s12] =	ssyncadd.s32 $0xFFFFFFB0  }
0x1ed: {  	_ =	swait.ge [sflag:s12], $0x50  }
0x1ee: {  	[sflag:s12] =	ssyncset.done $0x0  }
0x1ef: {  	[sflag:s12] =	ssyncadd.s32 $0xFFFFFFB0  }
0x1f0: {  	_ =	swait.ge [sflag:s12], $0x50  }
0x1f1: {  	[sflag:s12] =	ssyncset.done $0x0  }
0x1f2: {  	[sflag:s12] =	ssyncadd.s32 $0xFFFFFFB0  }
0x1f3: {  	_ =	swait.ge [sflag:s12], $0x50  }
0x1f4: {  	[sflag:s12] =	ssyncset.done $0x0  }
0x1f5: {  	s21 =	simm.s32 $0x2C80;
	[sflag:s12] =	ssyncadd.s32 $0xFFFFFFB0  }
0x1f6: {  	[tilespmem:s21], [sflag:$0x1] =	stream.indirect.gather [hbm4b:s6+s17], $0x1, s16, s17, $0xb8;
	[tilespmem:$0x9000] =	vst v63  }
0x1f7: {  	s28 =	simm.s32 $0x3C80  }
0x1f8: {  	[tilespmem:s28], [sflag:$0x1] =	stream.indirect.gather [hbm4b:s7+s17], $0x1, s16, s17, $0xb8;
	[tilespmem:$0x9000] =	vst v63  }
0x1f9: {  	s18 =	simm.s32 $0x2CD0  }
0x1fa: {  	[tilespmem:s18], [sflag:$0x1] =	stream.indirect.gather [hbm4b:s6+s17], $0x1, s20, s17, $0xb8;
	[tilespmem:$0x9000] =	vst v63  }
0x1fb: {  	s21 =	simm.s32 $0x3CD0  }
0x1fc: {  	[tilespmem:s21], [sflag:$0x1] =	stream.indirect.gather [hbm4b:s7+s17], $0x1, s20, s17, $0xb8;
	[tilespmem:$0x9000] =	vst v63  }
0x1fd: {  	s28 =	simm.s32 $0x2D20  }
0x1fe: {  	[tilespmem:s28], [sflag:$0x1] =	stream.indirect.gather [hbm4b:s6+s17], $0x1, s23, s17, $0xb8;
	[tilespmem:$0x9000] =	vst v63  }
0x1ff: {  	s18 =	simm.s32 $0x3D20  }
0x200: {  	[tilespmem:s18], [sflag:$0x1] =	stream.indirect.gather [hbm4b:s7+s17], $0x1, s23, s17, $0xb8;
	[tilespmem:$0x9000] =	vst v63  }
0x201: {  	s21 =	simm.s32 $0x2D70  }
0x202: {  	[tilespmem:s21], [sflag:$0x1] =	stream.indirect.gather [hbm4b:s6+s17], $0x1, s26, s17, $0xb8;
	[tilespmem:$0x9000] =	vst v63  }
0x203: {  	s28 =	simm.s32 $0x3D70  }
0x204: {  	[tilespmem:s28], [sflag:$0x1] =	stream.indirect.gather [hbm4b:s7+s17], $0x1, s26, s17, $0xb8;
	[tilespmem:$0x9000] =	vst v63  }
0x205: {  	s18 =	simm.s32 $0x2DC0  }
0x206: {  	[tilespmem:s18], [sflag:$0x1] =	stream.indirect.gather [hbm4b:s6+s17], $0x1, s30, s17, $0xb8;
	[tilespmem:$0x9000] =	vst v63  }
0x207: {  	s21 =	simm.s32 $0x3DC0  }
0x208: {  	[tilespmem:s21], [sflag:$0x1] =	stream.indirect.gather [hbm4b:s7+s17], $0x1, s30, s17, $0xb8;
	[tilespmem:$0x9000] =	vst v63  }
0x209: {  	s28 =	simm.s32 $0x2E10  }
0x20a: {  	[tilespmem:s28], [sflag:$0x1] =	stream.indirect.gather [hbm4b:s6+s17], $0x1, s4, s17, $0xb8;
	[tilespmem:$0x9000] =	vst v63  }
0x20b: {  	s18 =	simm.s32 $0x3E10  }
0x20c: {  	[tilespmem:s18], [sflag:$0x1] =	stream.indirect.gather [hbm4b:s7+s17], $0x1, s4, s17, $0xb8;
	[tilespmem:$0x9000] =	vst v63  }
0x20d: {  	s21 =	simm.s32 $0x2E60  }
0x20e: {  	[tilespmem:s21], [sflag:$0x1] =	stream.indirect.gather [hbm4b:s6+s17], $0x1, s19, s17, $0xb8;
	[tilespmem:$0x9000] =	vst v63  }
0x20f: {  	s28 =	simm.s32 $0x3E60  }
0x210: {  	[tilespmem:s28], [sflag:$0x1] =	stream.indirect.gather [hbm4b:s7+s17], $0x1, s19, s17, $0xb8;
	[tilespmem:$0x9000] =	vst v63  }
0x211: {  	s18 =	simm.s32 $0x2EB0  }
0x212: {  	[tilespmem:s18], [sflag:$0x1] =	stream.indirect.gather [hbm4b:s6+s17], $0x1, s24, s17, $0xb8;
	[tilespmem:$0x9000] =	vst v63  }
0x213: {  	s21 =	simm.s32 $0x3EB0  }
0x214: {  	[tilespmem:s21], [sflag:$0x1] =	stream.indirect.gather [hbm4b:s7+s17], $0x1, s24, s17, $0xb8;
	[tilespmem:$0x9000] =	vst v63  }
0x215: {  	_ =	swait.ge [sflag:s12], $0x50  }
0x216: {  	[sflag:s12] =	ssyncset.done $0x0  }
0x217: {  	[sflag:s12] =	ssyncadd.s32 $0xFFFFFFB0  }
0x218: {  	_ =	swait.ge [sflag:s12], $0x50  }
0x219: {  	[sflag:s12] =	ssyncset.done $0x0  }
0x21a: {  	[sflag:s12] =	ssyncadd.s32 $0xFFFFFFB0  }
0x21b: {  	_ =	swait.ge [sflag:s12], $0x50  }
0x21c: {  	[sflag:s12] =	ssyncset.done $0x0  }
0x21d: {  	[sflag:s12] =	ssyncadd.s32 $0xFFFFFFB0  }
0x21e: {  	_ =	swait.ge [sflag:s12], $0x50  }
0x21f: {  	[sflag:s12] =	ssyncset.done $0x0  }
0x220: {  	[sflag:s12] =	ssyncadd.s32 $0xFFFFFFB0  }
0x221: {  	_ =	swait.ge [sflag:s12], $0x50  }
0x222: {  	[sflag:s12] =	ssyncset.done $0x0  }
0x223: {  	[sflag:s12] =	ssyncadd.s32 $0xFFFFFFB0  }
0x224: {  	_ =	swait.ge [sflag:s12], $0x50  }
0x225: {  	[sflag:s12] =	ssyncset.done $0x0  }
0x226: {  	[sflag:s12] =	ssyncadd.s32 $0xFFFFFFB0  }
0x227: {  	_ =	swait.ge [sflag:s12], $0x50  }
0x228: {  	[sflag:s12] =	ssyncset.done $0x0  }
0x229: {  	[sflag:s12] =	ssyncadd.s32 $0xFFFFFFB0  }
0x22a: {  	_ =	swait.ge [sflag:s12], $0x50  }
0x22b: {  	[sflag:s12] =	ssyncset.done $0x0  }
0x22c: {  	[sflag:s12] =	ssyncadd.s32 $0xFFFFFFB0  }
0x22d: {  	_ =	swait.ge [sflag:s12], $0x50  }
0x22e: {  	[sflag:s12] =	ssyncset.done $0x0  }
0x22f: {  	[sflag:s12] =	ssyncadd.s32 $0xFFFFFFB0  }
0x230: {  	_ =	swait.ge [sflag:s12], $0x50  }
0x231: {  	[sflag:s12] =	ssyncset.done $0x0  }
0x232: {  	[sflag:s12] =	ssyncadd.s32 $0xFFFFFFB0  }
0x233: {  	_ =	swait.ge [sflag:s12], $0x50  }
0x234: {  	[sflag:s12] =	ssyncset.done $0x0  }
0x235: {  	[sflag:s12] =	ssyncadd.s32 $0xFFFFFFB0  }
0x236: {  	_ =	swait.ge [sflag:s12], $0x50  }
0x237: {  	[sflag:s12] =	ssyncset.done $0x0  }
0x238: {  	[sflag:s12] =	ssyncadd.s32 $0xFFFFFFB0  }
0x239: {  	_ =	swait.ge [sflag:s12], $0x50  }
0x23a: {  	[sflag:s12] =	ssyncset.done $0x0  }
0x23b: {  	[sflag:s12] =	ssyncadd.s32 $0xFFFFFFB0  }
0x23c: {  	_ =	swait.ge [sflag:s12], $0x50  }
0x23d: {  	[sflag:s12] =	ssyncset.done $0x0  }
0x23e: {  	[sflag:s12] =	ssyncadd.s32 $0xFFFFFFB0  }
0x23f: {  	_ =	swait.ge [sflag:s12], $0x50  }
0x240: {  	[sflag:s12] =	ssyncset.done $0x0  }
0x241: {  	[sflag:s12] =	ssyncadd.s32 $0xFFFFFFB0  }
0x242: {  	_ =	swait.ge [sflag:s12], $0x50  }
0x243: {  	[sflag:s12] =	ssyncset.done $0x0  }
0x244: {  	s28 =	simm.s32 $0x2F00;
	[sflag:s12] =	ssyncadd.s32 $0xFFFFFFB0  }
0x245: {  	[tilespmem:s28], [sflag:$0x1] =	stream.indirect.gather [hbm4b:s6+s17], $0x1, s29, s17, $0xb8;
	[tilespmem:$0x9000] =	vst v63  }
0x246: {  	s18 =	simm.s32 $0x3F00  }
0x247: {  	[tilespmem:s18], [sflag:$0x1] =	stream.indirect.gather [hbm4b:s7+s17], $0x1, s29, s17, $0xb8;
	[tilespmem:$0x9000] =	vst v63  }
0x248: {  	s21 =	simm.s32 $0x2F50  }
0x249: {  	[tilespmem:s21], [sflag:$0x1] =	stream.indirect.gather [hbm4b:s6+s17], $0x1, s9, s17, $0xb8;
	[tilespmem:$0x9000] =	vst v63  }
0x24a: {  	s28 =	simm.s32 $0x3F50  }
0x24b: {  	[tilespmem:s28], [sflag:$0x1] =	stream.indirect.gather [hbm4b:s7+s17], $0x1, s9, s17, $0xb8;
	[tilespmem:$0x9000] =	vst v63  }
0x24c: {  	_ =	swait.ge [sflag:s12], $0x50  }
0x24d: {  	[sflag:s12] =	ssyncset.done $0x0  }
0x24e: {  	[sflag:s12] =	ssyncadd.s32 $0xFFFFFFB0  }
0x24f: {  	_ =	swait.ge [sflag:s12], $0x50  }
0x250: {  	[sflag:s12] =	ssyncset.done $0x0  }
0x251: {  	[sflag:s12] =	ssyncadd.s32 $0xFFFFFFB0  }
0x252: {  	_ =	swait.ge [sflag:s12], $0x50  }
0x253: {  	[sflag:s12] =	ssyncset.done $0x0  }
0x254: {  	[sflag:s12] =	ssyncadd.s32 $0xFFFFFFB0  }
0x255: {  	_ =	swait.ge [sflag:s12], $0x50  }
0x256: {  	[sflag:s12] =	ssyncset.done $0x0  }
0x257: {  	s0 =	simm.s32 $0x0;
	[sflag:s12] =	ssyncadd.s32 $0xFFFFFFB0  }
0x258: {  	v0 =	vld [tilespmem:s0+$0x0]  }
0x259: {  	v1 =	vld [tilespmem:s0+$0x3000]  }
0x25a: {  	v2 =	vld [tilespmem:s0+$0x2000]  }
0x25b: {  	s21 =	simm.s32 $0x40  }
.LBB2_7:
0x25c: {  	p0 =	sne.s32 s21, $0x3E40  }
.Ltmp7:
0x25d: {  	s18 =	sshra.s32 s21, $0x2;
	v3 =	vmov v0;
	(pc) =	sbr.rel @p0 .LBB2_7-.Ltmp7, $4  }
0x25e: {  	s21 =	sadd.s32 $0x40, s21;
	v0 =	vld [tilespmem:s18+$0x0];
	v4 =	vmul.f32 v1, v3  }
0x25f: {  	vm2 =	vge.f32 v3, v2;
	v1 =	vld [tilespmem:s18+$0x3000]  }
0x260: {  	v2 =	vld [tilespmem:s18+$0x2000];
	v3 =	vnsel vm2, $0x0, v4  }
0x261: {  	[tilespmem:s0+$0x8000] =	vst v3;
	s0 =	smov.u32 s18  }
.Ltmp8:
0x262: {  	_ = 	snop;
	(pc) =	sbr.rel .LBB2_8-.Ltmp8, $1  }
0x263: {  	_ =	sdelay $0x3  }
.LBB2_11:
0x264: {  	_ =	sfence.sel $0x180000  }
0x265: {  	[bflag:$0x0] =	sbarrier.arrive $0xFFFF  }
0x266: {  	_ =	strace $0x9000004A  }
0x267: {  	s0 =	stileid.u32;
	[bflag:$0x2] =	sbarrier.arrive $0xFFFF  }
0x268: {  	p0 =	sne.s32 s0, $0x0;
	s0 =	rddreg [dreg:$0x3]  }
0x269: {  	s0 =	sadd.s32 @!p0 $0x100000, s0  }
0x26a: {  	[sflag:s0] =	ssyncadd.tile.s32 @!p0 $0x1;
	_ =	shalt  }
.Lfunc_end2:
_tile_overlayer_lowered:
.L_overlay_start_2:
0x26b: {  	(tag) =	ssettag $0x2  }
0x26c: {  	s0 =	rddreg [dreg:$0x0];
	s2 =	stileid.u32  }
0x26d: {  	s1 =	rddreg [dreg:$0x1];
	p0 =	sne.s32 s2, $0x0  }
0x26e: {  	s3 =	rddreg [dreg:$0x2];
	[bflag:$0x3] =	sbarrier.arrive $0xFFFF;
	s2 =	simm.s32 @!p0 $0x1C03  }
0x26f: {  	[timem:s3], [sflag:s2] =	dma.local @!p0 [hbm:s0], s1  }
0x270: {  	s0 =	simm.s32 @!p0 $0x3  }
0x271: {  	_ =	swait.ge @!p0 [sflag:s0], s1  }
0x272: {  	s1 =	ssub.s32 @!p0 $0x0, s1;
	[sflag:s0] =	ssyncset.done @!p0 $0x0  }
0x273: {  	[sflag:s0] =	ssyncadd.s32 @!p0 s1  }
0x274: {  	[bflag:$0x3] =	sbarrier.arrive $0xFFFF  }
0x275: {  	_ =	shalt  }

</sc_bundles>
